<compile_context>
chip_gen: v7x
topology: tpu7x:2x2x1
jax: 0.10.2.dev20260603
libtpu: 0.0.44.dev20260713+nightly
codegen_flags: <defaults>
</compile_context>

<pallas_src>
import functools

import jax
import jax.numpy as jnp
from jax import lax
from jax.experimental import pallas as pl
from jax.experimental.pallas import tpu as pltpu
from jax.experimental.pallas import tpu_sc as plsc

N = 10000
E = 320000
D = 128
G = 16

NC = 2
NS = 16
NW = NC * NS
EW = E // NW
CH = 64
NCHUNK = EW // CH
TAILE = EW - NCHUNK * CH
STRIPE = 624
TAIL = N - NS * STRIPE


def _prep_body(x_ref, ga_ref, wmsg_ref, wnode_ref, bmsg_ref, bnode_ref,
               xs_ref, xd_ref, xn_ref, gb_ref):
    x = x_ref[...]
    xs_ref[...] = jnp.dot(x, wmsg_ref[0:D, :], preferred_element_type=jnp.float32)
    xd_ref[...] = jnp.dot(x, wmsg_ref[D:2 * D, :],
                          preferred_element_type=jnp.float32) + bmsg_ref[...]
    xn_ref[...] = jnp.dot(x, wnode_ref[0:D, :],
                          preferred_element_type=jnp.float32) + bnode_ref[...]
    gb_ref[...] = jnp.dot(ga_ref[...], wnode_ref[2 * D:3 * D, :],
                          preferred_element_type=jnp.float32)


def _prep(x, graph_attr, W_msg, W_node, b_msg, b_node):
    return pl.pallas_call(
        _prep_body,
        out_shape=[
            jax.ShapeDtypeStruct((N, D), jnp.float32),
            jax.ShapeDtypeStruct((N, D), jnp.float32),
            jax.ShapeDtypeStruct((N, D), jnp.float32),
            jax.ShapeDtypeStruct((G, D), jnp.float32),
        ],
    )(x, graph_attr, W_msg, W_node, b_msg.reshape(1, D), b_node.reshape(1, D))


_BE = 8000


def _edge_mm_body(ea_ref, w_ref, a_ref):
    a_ref[...] = jnp.dot(ea_ref[...], w_ref[...],
                         preferred_element_type=jnp.float32)


def _edge_mm(edge_attr, W3):
    grid = E // _BE
    return pl.pallas_call(
        _edge_mm_body,
        grid=(grid,),
        in_specs=[
            pl.BlockSpec((_BE, D), lambda i: (i, 0)),
            pl.BlockSpec((D, D), lambda i: (0, 0)),
        ],
        out_specs=pl.BlockSpec((_BE, D), lambda i: (i, 0)),
        out_shape=jax.ShapeDtypeStruct((E, D), jnp.float32),
        compiler_params=pltpu.CompilerParams(
            dimension_semantics=("arbitrary",)),
    )(edge_attr, W3)


def _sc_edge_body(a_hbm, xs_hbm, xd_hbm, src_hbm, dst_hbm,
                  ee_hbm, aggp_hbm,
                  src_v0, dst_v0, a_v0, g1_v0, g2_v0,
                  src_v1, dst_v1, a_v1, g1_v1, g2_v1,
                  tsrc_v, tdst_v, agg_sh,
                  sa0, sg10, sg20, sa1, sg11, sg21,
                  we0, ws0, we1, ws1, si0, si1):
    c = lax.axis_index("c")
    s = lax.axis_index("s")
    wid = c * NS + s
    edge_base = wid * EW

    src_v = (src_v0, src_v1)
    dst_v = (dst_v0, dst_v1)
    a_v = (a_v0, a_v1)
    g1_v = (g1_v0, g1_v1)
    g2_v = (g2_v0, g2_v1)
    sa = (sa0, sa1)
    sg1 = (sg10, sg11)
    sg2 = (sg20, sg21)
    we = (we0, we1)
    ws = (ws0, ws1)
    si = (si0, si1)

    zv = jnp.zeros((16,), jnp.float32)

    def _zero_row(r, carry):
        for cc in range(D // 16):
            g1_v0[r, pl.ds(cc * 16, 16)] = zv
        return carry

    lax.fori_loop(0, CH, _zero_row, 0)
    for j in range(STRIPE // CH):
        pltpu.sync_copy(g1_v0, agg_sh.at[pl.ds(s * STRIPE + j * CH, CH)])
    rem = STRIPE - (STRIPE // CH) * CH
    if rem:
        pltpu.sync_copy(g1_v0.at[pl.ds(0, rem)],
                        agg_sh.at[pl.ds(s * STRIPE + STRIPE - rem, rem)])

    @pl.when(s == NS - 1)
    def _zero_tail():
        pltpu.sync_copy(g1_v0.at[pl.ds(0, TAIL)],
                        agg_sh.at[pl.ds(NS * STRIPE, TAIL)])

    plsc.subcore_barrier()

    def _idx_start(i, b):
        base = edge_base + i * CH
        pltpu.async_copy(src_hbm.at[pl.ds(base, CH)], src_v[b], si[b])
        pltpu.async_copy(dst_hbm.at[pl.ds(base, CH)], dst_v[b], si[b])

    def _idx_wait(b):
        pltpu.make_async_copy(src_hbm.at[pl.ds(0, CH)], src_v[b], si[b]).wait()
        pltpu.make_async_copy(dst_hbm.at[pl.ds(0, CH)], dst_v[b], si[b]).wait()

    def _gather_start(i, b):
        base = edge_base + i * CH
        pltpu.async_copy(a_hbm.at[pl.ds(base, CH)], a_v[b], sa[b])
        pltpu.async_copy(xs_hbm.at[src_v[b]], g1_v[b], sg1[b])
        pltpu.async_copy(xd_hbm.at[dst_v[b]], g2_v[b], sg2[b])

    def _gather_wait(b):
        pltpu.make_async_copy(a_hbm.at[pl.ds(0, CH)], a_v[b], sa[b]).wait()
        pltpu.make_async_copy(xs_hbm.at[src_v[b]], g1_v[b], sg1[b]).wait()
        pltpu.make_async_copy(xd_hbm.at[dst_v[b]], g2_v[b], sg2[b]).wait()

    def _wb_start(i, b):
        base = edge_base + i * CH
        pltpu.async_copy(a_v[b], ee_hbm.at[pl.ds(base, CH)], we[b])
        pltpu.async_copy(a_v[b], agg_sh.at[dst_v[b]], ws[b], add=True)

    def _wb_wait(b):
        pltpu.make_async_copy(a_v[b], ee_hbm.at[pl.ds(0, CH)], we[b]).wait()
        pltpu.make_async_copy(a_v[b], agg_sh.at[dst_v[b]], ws[b]).wait()

    def _compute(b, nrows):
        ab, g1b, g2b = a_v[b], g1_v[b], g2_v[b]

        def _row4(r4, carry2):
            r = r4 * 4
            for dr in range(4):
                for cc in range(D // 16):
                    sl = pl.ds(cc * 16, 16)
                    ab[r + dr, sl] = jnp.maximum(
                        ab[r + dr, sl] + g1b[r + dr, sl] + g2b[r + dr, sl],
                        0.0)
            return carry2

        lax.fori_loop(0, nrows // 4, _row4, 0)
        for r in range(nrows - nrows % 4, nrows):
            for cc in range(D // 16):
                sl = pl.ds(cc * 16, 16)
                ab[r, sl] = jnp.maximum(
                    ab[r, sl] + g1b[r, sl] + g2b[r, sl], 0.0)

    _idx_start(0, 0)
    _idx_wait(0)
    _gather_start(0, 0)

    @pl.loop(0, NCHUNK, step=2)
    def _pair(i0):
        for b in (0, 1):
            i = i0 + b
            nxt = 1 - b

            @pl.when(i > 0)
            def _():
                _wb_wait(nxt)

            @pl.when(i + 1 < NCHUNK)
            def _():
                _idx_start(i + 1, nxt)

            _gather_wait(b)

            @pl.when(i + 1 < NCHUNK)
            def _():
                _idx_wait(nxt)
                _gather_start(i + 1, nxt)

            _compute(b, CH)
            _wb_start(i, b)

    _wb_wait((NCHUNK - 1) % 2)

    if TAILE:
        base = edge_base + NCHUNK * CH
        pltpu.sync_copy(src_hbm.at[pl.ds(base, TAILE)], tsrc_v)
        pltpu.sync_copy(dst_hbm.at[pl.ds(base, TAILE)], tdst_v)
        pltpu.sync_copy(a_hbm.at[pl.ds(base, TAILE)],
                        a_v0.at[pl.ds(0, TAILE)])
        pltpu.async_copy(xs_hbm.at[tsrc_v], g1_v0.at[pl.ds(0, TAILE)],
                         sg10).wait()
        pltpu.async_copy(xd_hbm.at[tdst_v], g2_v0.at[pl.ds(0, TAILE)],
                         sg20).wait()
        _compute(0, TAILE)
        pltpu.sync_copy(a_v0.at[pl.ds(0, TAILE)],
                        ee_hbm.at[pl.ds(base, TAILE)])
        pltpu.sync_copy(a_v0.at[pl.ds(0, TAILE)], agg_sh.at[tdst_v],
                        add=True)

    plsc.subcore_barrier()
    pltpu.sync_copy(agg_sh.at[pl.ds(s * STRIPE, STRIPE)],
                    aggp_hbm.at[c, pl.ds(s * STRIPE, STRIPE)])

    @pl.when(s == NS - 1)
    def _dump_tail():
        pltpu.sync_copy(agg_sh.at[pl.ds(NS * STRIPE, TAIL)],
                        aggp_hbm.at[c, pl.ds(NS * STRIPE, TAIL)])


def _sc_edge(a, xs, xd, src, dst):
    k = pl.kernel(
        _sc_edge_body,
        mesh=plsc.VectorSubcoreMesh(core_axis_name="c", subcore_axis_name="s"),
        out_type=[
            jax.ShapeDtypeStruct((E, D), jnp.float32),
            jax.ShapeDtypeStruct((NC, N, D), jnp.float32),
        ],
        scratch_types=(
            [pltpu.VMEM((CH,), jnp.int32),
             pltpu.VMEM((CH,), jnp.int32),
             pltpu.VMEM((CH, D), jnp.float32),
             pltpu.VMEM((CH, D), jnp.float32),
             pltpu.VMEM((CH, D), jnp.float32)] * 2
            + [pltpu.VMEM((TAILE, ), jnp.int32),
               pltpu.VMEM((TAILE, ), jnp.int32),
               pltpu.VMEM_SHARED((N, D), jnp.float32)]
            + [pltpu.SemaphoreType.DMA] * 12
        ),
    )
    return k(a, xs, xd, src, dst)


_BN = 1000


def _node_body(xn_ref, a0_ref, a1_ref, wn2_ref, gb_ref, b_ref,
               ne_ref, ge_ref):
    i = pl.program_id(0)
    agg = a0_ref[...] + a1_ref[...]
    bvec = b_ref[0, 0, :]
    seg = jax.lax.broadcasted_iota(jnp.int32, (_BN, G), 1)
    mask = seg == bvec[:, None]
    gbb = jnp.dot(mask.astype(jnp.float32), gb_ref[...],
                  preferred_element_type=jnp.float32)
    ne = xn_ref[...] + jnp.dot(agg, wn2_ref[...],
                               preferred_element_type=jnp.float32) + gbb
    ne = jnp.maximum(ne, 0.0)
    ne_ref[...] = ne

    @pl.when(i == 0)
    def _():
        ge_ref[...] = jnp.full((G, D), -jnp.inf, jnp.float32)

    rows = [
        jnp.max(jnp.where(mask[:, g:g + 1], ne, -jnp.inf), axis=0,
                keepdims=True)
        for g in range(G)
    ]
    ge_ref[...] = jnp.maximum(ge_ref[...], jnp.concatenate(rows, axis=0))


def _node(xn, agg0, agg1, Wn2, gb, batch3):
    grid = N // _BN
    return pl.pallas_call(
        _node_body,
        grid=(grid,),
        in_specs=[
            pl.BlockSpec((_BN, D), lambda i: (i, 0)),
            pl.BlockSpec((_BN, D), lambda i: (i, 0)),
            pl.BlockSpec((_BN, D), lambda i: (i, 0)),
            pl.BlockSpec((D, D), lambda i: (0, 0)),
            pl.BlockSpec((G, D), lambda i: (0, 0)),
            pl.BlockSpec((1, 1, _BN), lambda i: (i, 0, 0)),
        ],
        out_specs=[
            pl.BlockSpec((_BN, D), lambda i: (i, 0)),
            pl.BlockSpec((G, D), lambda i: (0, 0)),
        ],
        out_shape=[
            jax.ShapeDtypeStruct((N, D), jnp.float32),
            jax.ShapeDtypeStruct((G, D), jnp.float32),
        ],
        compiler_params=pltpu.CompilerParams(
            dimension_semantics=("arbitrary",)),
    )(xn, agg0, agg1, Wn2, gb, batch3)


def kernel(x, edge_index, edge_attr, graph_attr, batch,
           W_msg, b_msg, W_node, b_node):
    src = edge_index[0]
    dst = edge_index[1]
    xs, xd, xn, gb = _prep(x, graph_attr, W_msg, W_node, b_msg, b_node)
    a = _edge_mm(edge_attr, W_msg[2 * D:3 * D, :])
    ee, aggp = _sc_edge(a, xs, xd, src, dst)
    ne, ge = _node(xn, aggp[0], aggp[1], W_node[D:2 * D, :], gb,
                   batch.reshape(N // _BN, 1, _BN))
    return ne, ee, ge

# --- scband reference (transcript-rebuilt; emitter-appended) ---
"""Pipeline reference for scband-ma-graph-feature-encoder-processor-64055142253078 (READ-ONLY COPY).

The authoritative reference and input builder live on the scoring server;
editing this copy changes nothing except your own understanding.
"""

import jax, jax.numpy as jnp
import numpy as np

N = 10000
E = 320000
D = 128
G = 16


def setup_inputs(seed: int = 0) -> dict:
    key = jax.random.key(seed)
    ks = jax.random.split(key, 10)
    x = jax.random.normal(ks[0], (N, D), dtype=jnp.float32)
    edge_index = jax.random.randint(ks[1], (2, E), 0, N, dtype=jnp.int32)
    edge_attr = jax.random.normal(ks[2], (E, D), dtype=jnp.float32)
    graph_attr = jax.random.normal(ks[3], (G, D), dtype=jnp.float32)
    batch = jnp.sort(jax.random.randint(ks[4], (N,), 0, G, dtype=jnp.int32))
    # learned parameters of the message-passing processor (in=out=edge_dim=embed_dim=D)
    W_msg = jax.random.normal(ks[5], (3 * D, D), dtype=jnp.float32) * 0.05
    b_msg = jnp.zeros((D,), dtype=jnp.float32)
    W_node = jax.random.normal(ks[6], (3 * D, D), dtype=jnp.float32) * 0.05
    b_node = jnp.zeros((D,), dtype=jnp.float32)
    return {"x": x, "edge_index": edge_index, "edge_attr": edge_attr,
            "graph_attr": graph_attr, "batch": batch,
            "W_msg": W_msg, "b_msg": b_msg, "W_node": W_node, "b_node": b_node}


def reference(x, edge_index, edge_attr, graph_attr, batch,
              W_msg, b_msg, W_node, b_node):
    src = edge_index[0]
    dst = edge_index[1]
    # --- processor: MPNN layer producing (node_embedding, edge_embedding) ---
    # edge/message update: depends on src node, dst node and edge attr (gathers)
    msg_in = jnp.concatenate([jnp.take(x, src, axis=0),
                              jnp.take(x, dst, axis=0),
                              edge_attr], axis=-1)
    edge_embedding = jax.nn.relu(msg_in @ W_msg + b_msg)
    # aggregate messages at destination nodes (scatter-add)
    agg = jax.ops.segment_sum(edge_embedding, dst, num_segments=N)
    # node update: own features, aggregated messages, broadcast graph features
    node_in = jnp.concatenate([x, agg, jnp.take(graph_attr, batch, axis=0)], axis=-1)
    node_embedding = jax.nn.relu(node_in @ W_node + b_node)
    # --- pooling_type == 'max': global_max_pool over the batch vector ---
    graph_embedding = jax.ops.segment_max(node_embedding, batch, num_segments=G)
    # processed_batch carries (node_embedding, edge_embedding, graph_embedding)
    return node_embedding, edge_embedding, graph_embedding

if __name__ == "__main__":
    import jax
    _d = setup_inputs()
    print(jax.jit(kernel)(*tuple(_d.values())))

</pallas_src>

<mosaic_0001>
#map = affine_map<(d0, d1) -> (0, 0)>
#map1 = affine_map<(d0, d1) -> (0)>
#map2 = affine_map<(d0, d1) -> (0, 0, 0)>
module attributes {stable_mosaic.version = 14 : i64} {
  func.func @_sc_edge_body(%arg0: i32, %arg1: i32, %arg2: memref<320000x128xf32, #tpu.memory_space<hbm>>, %arg3: memref<10000x128xf32, #tpu.memory_space<hbm>>, %arg4: memref<10000x128xf32, #tpu.memory_space<hbm>>, %arg5: memref<320000xi32, #tpu.memory_space<hbm>>, %arg6: memref<320000xi32, #tpu.memory_space<hbm>>, %arg7: memref<320000x128xf32, #tpu.memory_space<hbm>>, %arg8: memref<2x10000x128xf32, #tpu.memory_space<hbm>>, %arg9: memref<64xi32, #tpu.memory_space<vmem>>, %arg10: memref<64xi32, #tpu.memory_space<vmem>>, %arg11: memref<64x128xf32, #tpu.memory_space<vmem>>, %arg12: memref<64x128xf32, #tpu.memory_space<vmem>>, %arg13: memref<64x128xf32, #tpu.memory_space<vmem>>, %arg14: memref<64xi32, #tpu.memory_space<vmem>>, %arg15: memref<64xi32, #tpu.memory_space<vmem>>, %arg16: memref<64x128xf32, #tpu.memory_space<vmem>>, %arg17: memref<64x128xf32, #tpu.memory_space<vmem>>, %arg18: memref<64x128xf32, #tpu.memory_space<vmem>>, %arg19: memref<16xi32, #tpu.memory_space<vmem>>, %arg20: memref<16xi32, #tpu.memory_space<vmem>>, %arg21: memref<10000x128xf32, #tpu.memory_space<vmem_shared>>, %arg22: memref<!tpu.dma_semaphore, #tpu.memory_space<semaphore_mem>>, %arg23: memref<!tpu.dma_semaphore, #tpu.memory_space<semaphore_mem>>, %arg24: memref<!tpu.dma_semaphore, #tpu.memory_space<semaphore_mem>>, %arg25: memref<!tpu.dma_semaphore, #tpu.memory_space<semaphore_mem>>, %arg26: memref<!tpu.dma_semaphore, #tpu.memory_space<semaphore_mem>>, %arg27: memref<!tpu.dma_semaphore, #tpu.memory_space<semaphore_mem>>, %arg28: memref<!tpu.dma_semaphore, #tpu.memory_space<semaphore_mem>>, %arg29: memref<!tpu.dma_semaphore, #tpu.memory_space<semaphore_mem>>, %arg30: memref<!tpu.dma_semaphore, #tpu.memory_space<semaphore_mem>>, %arg31: memref<!tpu.dma_semaphore, #tpu.memory_space<semaphore_mem>>, %arg32: memref<!tpu.dma_semaphore, #tpu.memory_space<semaphore_mem>>, %arg33: memref<!tpu.dma_semaphore, #tpu.memory_space<semaphore_mem>>) attributes {dimension_semantics = [#tpu.dimension_semantics<core_parallel>, #tpu.dimension_semantics<subcore_parallel>], iteration_bounds = array<i64: 2, 16>, scalar_prefetch = 0 : i64, scratch_operands = 25 : i64, tpu.core_type = #tpu.core_type<sc_vector_subcore>, window_params = [{transform_indices = #map}, {transform_indices = #map}, {transform_indices = #map}, {transform_indices = #map1}, {transform_indices = #map1}, {transform_indices = #map}, {transform_indices = #map2}]} {
    %mul3A = arith.constant 16 : i32
    %mul3A_0 = arith.muli %arg0, %mul3A : i32
    %add3A = arith.addi %mul3A_0, %arg1 : i32
    %mul3A_1 = arith.constant 10000 : i32
    %mul3A_2 = arith.muli %add3A, %mul3A_1 : i32
    %broadcast_in_dim3A = arith.constant 0.000000e+00 : f32
    %broadcast_in_dim3A_3 = vector.broadcast %broadcast_in_dim3A : f32 to vector<16xf32>
    %scan3A = arith.constant 0 : i32
    %scan3A_4 = arith.constant 0 : i32
    %scan3A_5 = arith.constant 64 : i32
    %scan3A_6 = arith.addi %scan3A_4, %scan3A_5 : i32
    %scan3A_7 = arith.constant 1 : i32
    scf.for %scan3A_132 = %scan3A_4 to %scan3A_6 step %scan3A_7  : i32 {
      %swap3A = arith.index_cast %scan3A_132 : i32 to index
      %swap3A_133 = arith.constant 0 : index
      %swap3A_134 = tpu.vector_load %arg12[%swap3A, %swap3A_133] {strides = array<i32>} : memref<64x128xf32, #tpu.memory_space<vmem>>, vector<1x16xf32>,
      %swap3A_135 = vector.shape_cast %swap3A_134 : vector<1x16xf32> to vector<16xf32>
      %swap3A_136 = vector.shape_cast %broadcast_in_dim3A_3 : vector<16xf32> to vector<1x16xf32>
      tpu.vector_store %arg12[%swap3A, %swap3A_133], %swap3A_136 {strides = array<i32>} : memref<64x128xf32, #tpu.memory_space<vmem>>, vector<1x16xf32>,
      %swap3A_137 = arith.index_cast %scan3A_132 : i32 to index
      %swap3A_138 = arith.constant 16 : index
      %swap3A_139 = tpu.vector_load %arg12[%swap3A_137, %swap3A_138] {strides = array<i32>} : memref<64x128xf32, #tpu.memory_space<vmem>>, vector<1x16xf32>,
      %swap3A_140 = vector.shape_cast %swap3A_139 : vector<1x16xf32> to vector<16xf32>
      %swap3A_141 = vector.shape_cast %broadcast_in_dim3A_3 : vector<16xf32> to vector<1x16xf32>
      tpu.vector_store %arg12[%swap3A_137, %swap3A_138], %swap3A_141 {strides = array<i32>} : memref<64x128xf32, #tpu.memory_space<vmem>>, vector<1x16xf32>,
      %swap3A_142 = arith.index_cast %scan3A_132 : i32 to index
      %swap3A_143 = arith.constant 32 : index
      %swap3A_144 = tpu.vector_load %arg12[%swap3A_142, %swap3A_143] {strides = array<i32>} : memref<64x128xf32, #tpu.memory_space<vmem>>, vector<1x16xf32>,
      %swap3A_145 = vector.shape_cast %swap3A_144 : vector<1x16xf32> to vector<16xf32>
      %swap3A_146 = vector.shape_cast %broadcast_in_dim3A_3 : vector<16xf32> to vector<1x16xf32>
      tpu.vector_store %arg12[%swap3A_142, %swap3A_143], %swap3A_146 {strides = array<i32>} : memref<64x128xf32, #tpu.memory_space<vmem>>, vector<1x16xf32>,
      %swap3A_147 = arith.index_cast %scan3A_132 : i32 to index
      %swap3A_148 = arith.constant 48 : index
      %swap3A_149 = tpu.vector_load %arg12[%swap3A_147, %swap3A_148] {strides = array<i32>} : memref<64x128xf32, #tpu.memory_space<vmem>>, vector<1x16xf32>,
      %swap3A_150 = vector.shape_cast %swap3A_149 : vector<1x16xf32> to vector<16xf32>
      %swap3A_151 = vector.shape_cast %broadcast_in_dim3A_3 : vector<16xf32> to vector<1x16xf32>
      tpu.vector_store %arg12[%swap3A_147, %swap3A_148], %swap3A_151 {strides = array<i32>} : memref<64x128xf32, #tpu.memory_space<vmem>>, vector<1x16xf32>,
      %swap3A_152 = arith.index_cast %scan3A_132 : i32 to index
      %swap3A_153 = arith.constant 64 : index
      %swap3A_154 = tpu.vector_load %arg12[%swap3A_152, %swap3A_153] {strides = array<i32>} : memref<64x128xf32, #tpu.memory_space<vmem>>, vector<1x16xf32>,
      %swap3A_155 = vector.shape_cast %swap3A_154 : vector<1x16xf32> to vector<16xf32>
      %swap3A_156 = vector.shape_cast %broadcast_in_dim3A_3 : vector<16xf32> to vector<1x16xf32>
      tpu.vector_store %arg12[%swap3A_152, %swap3A_153], %swap3A_156 {strides = array<i32>} : memref<64x128xf32, #tpu.memory_space<vmem>>, vector<1x16xf32>,
      %swap3A_157 = arith.index_cast %scan3A_132 : i32 to index
      %swap3A_158 = arith.constant 80 : index
      %swap3A_159 = tpu.vector_load %arg12[%swap3A_157, %swap3A_158] {strides = array<i32>} : memref<64x128xf32, #tpu.memory_space<vmem>>, vector<1x16xf32>,
      %swap3A_160 = vector.shape_cast %swap3A_159 : vector<1x16xf32> to vector<16xf32>
      %swap3A_161 = vector.shape_cast %broadcast_in_dim3A_3 : vector<16xf32> to vector<1x16xf32>
      tpu.vector_store %arg12[%swap3A_157, %swap3A_158], %swap3A_161 {strides = array<i32>} : memref<64x128xf32, #tpu.memory_space<vmem>>, vector<1x16xf32>,
      %swap3A_162 = arith.index_cast %scan3A_132 : i32 to index
      %swap3A_163 = arith.constant 96 : index
      %swap3A_164 = tpu.vector_load %arg12[%swap3A_162, %swap3A_163] {strides = array<i32>} : memref<64x128xf32, #tpu.memory_space<vmem>>, vector<1x16xf32>,
      %swap3A_165 = vector.shape_cast %swap3A_164 : vector<1x16xf32> to vector<16xf32>
      %swap3A_166 = vector.shape_cast %broadcast_in_dim3A_3 : vector<16xf32> to vector<1x16xf32>
      tpu.vector_store %arg12[%swap3A_162, %swap3A_163], %swap3A_166 {strides = array<i32>} : memref<64x128xf32, #tpu.memory_space<vmem>>, vector<1x16xf32>,
      %swap3A_167 = arith.index_cast %scan3A_132 : i32 to index
      %swap3A_168 = arith.constant 112 : index
      %swap3A_169 = tpu.vector_load %arg12[%swap3A_167, %swap3A_168] {strides = array<i32>} : memref<64x128xf32, #tpu.memory_space<vmem>>, vector<1x16xf32>,
      %swap3A_170 = vector.shape_cast %swap3A_169 : vector<1x16xf32> to vector<16xf32>
      %swap3A_171 = vector.shape_cast %broadcast_in_dim3A_3 : vector<16xf32> to vector<1x16xf32>
      tpu.vector_store %arg12[%swap3A_167, %swap3A_168], %swap3A_171 {strides = array<i32>} : memref<64x128xf32, #tpu.memory_space<vmem>>, vector<1x16xf32>,
    }
    %scan3A_8 = arith.constant 64 : i32
    %mul3A_9 = arith.constant 624 : i32
    %mul3A_10 = arith.muli %arg1, %mul3A_9 : i32
    %add3A_11 = arith.constant 0 : i32
    %add3A_12 = arith.addi %mul3A_10, %add3A_11 : i32
    "tpu.region"() ({
      %run_scoped3A = tpu.sem_alloc : memref<!tpu.dma_semaphore, #tpu.memory_space<semaphore_mem>>
      %dma_start3A_132 = arith.constant 0 : i32
      %dma_start3A_133 = tpu.memref_slice %arg21[%add3A_12, %dma_start3A_132] : memref<10000x128xf32, #tpu.memory_space<vmem_shared>> -> memref<64x128xf32, #tpu.memory_space<vmem_shared>>
      %dma_start3A_134 = arith.constant 0 : i32
      %dma_start3A_135 = tpu.memref_slice %arg21[%add3A_12, %dma_start3A_134] : memref<10000x128xf32, #tpu.memory_space<vmem_shared>> -> memref<64x128xf32, #tpu.memory_space<vmem_shared>>
      tpu.enqueue_dma source(%arg12 : memref<64x128xf32, #tpu.memory_space<vmem>>) target(%dma_start3A_135 : memref<64x128xf32, #tpu.memory_space<vmem_shared>>) target_semaphore(%run_scoped3A : memref<!tpu.dma_semaphore, #tpu.memory_space<semaphore_mem>>)
      %dma_wait3A_136 = arith.constant 0 : i32
      %dma_wait3A_137 = tpu.memref_slice %arg21[%add3A_12, %dma_wait3A_136] : memref<10000x128xf32, #tpu.memory_space<vmem_shared>> -> memref<64x128xf32, #tpu.memory_space<vmem_shared>>
      %dma_wait3A_138 = arith.constant 0 : i32
      %dma_wait3A_139 = tpu.memref_slice %arg21[%add3A_12, %dma_wait3A_138] : memref<10000x128xf32, #tpu.memory_space<vmem_shared>> -> memref<64x128xf32, #tpu.memory_space<vmem_shared>>
      tpu.wait_dma2 semaphore(%run_scoped3A : memref<!tpu.dma_semaphore, #tpu.memory_space<semaphore_mem>>) src(%arg12 : memref<64x128xf32, #tpu.memory_space<vmem>>) dst(%dma_wait3A_139 : memref<64x128xf32, #tpu.memory_space<vmem_shared>>)
      tpu.yield
    }) : () -> ()
    %mul3A_13 = arith.constant 624 : i32
    %mul3A_14 = arith.muli %arg1, %mul3A_13 : i32
    %add3A_15 = arith.constant 64 : i32
    %add3A_16 = arith.addi %mul3A_14, %add3A_15 : i32
    "tpu.region"() ({
      %run_scoped3A = tpu.sem_alloc : memref<!tpu.dma_semaphore, #tpu.memory_space<semaphore_mem>>
      %dma_start3A_132 = arith.constant 0 : i32
      %dma_start3A_133 = tpu.memref_slice %arg21[%add3A_16, %dma_start3A_132] : memref<10000x128xf32, #tpu.memory_space<vmem_shared>> -> memref<64x128xf32, #tpu.memory_space<vmem_shared>>
      %dma_start3A_134 = arith.constant 0 : i32
      %dma_start3A_135 = tpu.memref_slice %arg21[%add3A_16, %dma_start3A_134] : memref<10000x128xf32, #tpu.memory_space<vmem_shared>> -> memref<64x128xf32, #tpu.memory_space<vmem_shared>>
      tpu.enqueue_dma source(%arg12 : memref<64x128xf32, #tpu.memory_space<vmem>>) target(%dma_start3A_135 : memref<64x128xf32, #tpu.memory_space<vmem_shared>>) target_semaphore(%run_scoped3A : memref<!tpu.dma_semaphore, #tpu.memory_space<semaphore_mem>>)
      %dma_wait3A_136 = arith.constant 0 : i32
      %dma_wait3A_137 = tpu.memref_slice %arg21[%add3A_16, %dma_wait3A_136] : memref<10000x128xf32, #tpu.memory_space<vmem_shared>> -> memref<64x128xf32, #tpu.memory_space<vmem_shared>>
      %dma_wait3A_138 = arith.constant 0 : i32
      %dma_wait3A_139 = tpu.memref_slice %arg21[%add3A_16, %dma_wait3A_138] : memref<10000x128xf32, #tpu.memory_space<vmem_shared>> -> memref<64x128xf32, #tpu.memory_space<vmem_shared>>
      tpu.wait_dma2 semaphore(%run_scoped3A : memref<!tpu.dma_semaphore, #tpu.memory_space<semaphore_mem>>) src(%arg12 : memref<64x128xf32, #tpu.memory_space<vmem>>) dst(%dma_wait3A_139 : memref<64x128xf32, #tpu.memory_space<vmem_shared>>)
      tpu.yield
    }) : () -> ()
    %mul3A_17 = arith.constant 624 : i32
    %mul3A_18 = arith.muli %arg1, %mul3A_17 : i32
    %add3A_19 = arith.constant 128 : i32
    %add3A_20 = arith.addi %mul3A_18, %add3A_19 : i32
    "tpu.region"() ({
      %run_scoped3A = tpu.sem_alloc : memref<!tpu.dma_semaphore, #tpu.memory_space<semaphore_mem>>
      %dma_start3A_132 = arith.constant 0 : i32
      %dma_start3A_133 = tpu.memref_slice %arg21[%add3A_20, %dma_start3A_132] : memref<10000x128xf32, #tpu.memory_space<vmem_shared>> -> memref<64x128xf32, #tpu.memory_space<vmem_shared>>
      %dma_start3A_134 = arith.constant 0 : i32
      %dma_start3A_135 = tpu.memref_slice %arg21[%add3A_20, %dma_start3A_134] : memref<10000x128xf32, #tpu.memory_space<vmem_shared>> -> memref<64x128xf32, #tpu.memory_space<vmem_shared>>
      tpu.enqueue_dma source(%arg12 : memref<64x128xf32, #tpu.memory_space<vmem>>) target(%dma_start3A_135 : memref<64x128xf32, #tpu.memory_space<vmem_shared>>) target_semaphore(%run_scoped3A : memref<!tpu.dma_semaphore, #tpu.memory_space<semaphore_mem>>)
      %dma_wait3A_136 = arith.constant 0 : i32
      %dma_wait3A_137 = tpu.memref_slice %arg21[%add3A_20, %dma_wait3A_136] : memref<10000x128xf32, #tpu.memory_space<vmem_shared>> -> memref<64x128xf32, #tpu.memory_space<vmem_shared>>
      %dma_wait3A_138 = arith.constant 0 : i32
      %dma_wait3A_139 = tpu.memref_slice %arg21[%add3A_20, %dma_wait3A_138] : memref<10000x128xf32, #tpu.memory_space<vmem_shared>> -> memref<64x128xf32, #tpu.memory_space<vmem_shared>>
      tpu.wait_dma2 semaphore(%run_scoped3A : memref<!tpu.dma_semaphore, #tpu.memory_space<semaphore_mem>>) src(%arg12 : memref<64x128xf32, #tpu.memory_space<vmem>>) dst(%dma_wait3A_139 : memref<64x128xf32, #tpu.memory_space<vmem_shared>>)
      tpu.yield
    }) : () -> ()
    %mul3A_21 = arith.constant 624 : i32
    %mul3A_22 = arith.muli %arg1, %mul3A_21 : i32
    %add3A_23 = arith.constant 192 : i32
    %add3A_24 = arith.addi %mul3A_22, %add3A_23 : i32
    "tpu.region"() ({
      %run_scoped3A = tpu.sem_alloc : memref<!tpu.dma_semaphore, #tpu.memory_space<semaphore_mem>>
      %dma_start3A_132 = arith.constant 0 : i32
      %dma_start3A_133 = tpu.memref_slice %arg21[%add3A_24, %dma_start3A_132] : memref<10000x128xf32, #tpu.memory_space<vmem_shared>> -> memref<64x128xf32, #tpu.memory_space<vmem_shared>>
      %dma_start3A_134 = arith.constant 0 : i32
      %dma_start3A_135 = tpu.memref_slice %arg21[%add3A_24, %dma_start3A_134] : memref<10000x128xf32, #tpu.memory_space<vmem_shared>> -> memref<64x128xf32, #tpu.memory_space<vmem_shared>>
      tpu.enqueue_dma source(%arg12 : memref<64x128xf32, #tpu.memory_space<vmem>>) target(%dma_start3A_135 : memref<64x128xf32, #tpu.memory_space<vmem_shared>>) target_semaphore(%run_scoped3A : memref<!tpu.dma_semaphore, #tpu.memory_space<semaphore_mem>>)
      %dma_wait3A_136 = arith.constant 0 : i32
      %dma_wait3A_137 = tpu.memref_slice %arg21[%add3A_24, %dma_wait3A_136] : memref<10000x128xf32, #tpu.memory_space<vmem_shared>> -> memref<64x128xf32, #tpu.memory_space<vmem_shared>>
      %dma_wait3A_138 = arith.constant 0 : i32
      %dma_wait3A_139 = tpu.memref_slice %arg21[%add3A_24, %dma_wait3A_138] : memref<10000x128xf32, #tpu.memory_space<vmem_shared>> -> memref<64x128xf32, #tpu.memory_space<vmem_shared>>
      tpu.wait_dma2 semaphore(%run_scoped3A : memref<!tpu.dma_semaphore, #tpu.memory_space<semaphore_mem>>) src(%arg12 : memref<64x128xf32, #tpu.memory_space<vmem>>) dst(%dma_wait3A_139 : memref<64x128xf32, #tpu.memory_space<vmem_shared>>)
      tpu.yield
    }) : () -> ()
    %mul3A_25 = arith.constant 624 : i32
    %mul3A_26 = arith.muli %arg1, %mul3A_25 : i32
    %add3A_27 = arith.constant 256 : i32
    %add3A_28 = arith.addi %mul3A_26, %add3A_27 : i32
    "tpu.region"() ({
      %run_scoped3A = tpu.sem_alloc : memref<!tpu.dma_semaphore, #tpu.memory_space<semaphore_mem>>
      %dma_start3A_132 = arith.constant 0 : i32
      %dma_start3A_133 = tpu.memref_slice %arg21[%add3A_28, %dma_start3A_132] : memref<10000x128xf32, #tpu.memory_space<vmem_shared>> -> memref<64x128xf32, #tpu.memory_space<vmem_shared>>
      %dma_start3A_134 = arith.constant 0 : i32
      %dma_start3A_135 = tpu.memref_slice %arg21[%add3A_28, %dma_start3A_134] : memref<10000x128xf32, #tpu.memory_space<vmem_shared>> -> memref<64x128xf32, #tpu.memory_space<vmem_shared>>
      tpu.enqueue_dma source(%arg12 : memref<64x128xf32, #tpu.memory_space<vmem>>) target(%dma_start3A_135 : memref<64x128xf32, #tpu.memory_space<vmem_shared>>) target_semaphore(%run_scoped3A : memref<!tpu.dma_semaphore, #tpu.memory_space<semaphore_mem>>)
      %dma_wait3A_136 = arith.constant 0 : i32
      %dma_wait3A_137 = tpu.memref_slice %arg21[%add3A_28, %dma_wait3A_136] : memref<10000x128xf32, #tpu.memory_space<vmem_shared>> -> memref<64x128xf32, #tpu.memory_space<vmem_shared>>
      %dma_wait3A_138 = arith.constant 0 : i32
      %dma_wait3A_139 = tpu.memref_slice %arg21[%add3A_28, %dma_wait3A_138] : memref<10000x128xf32, #tpu.memory_space<vmem_shared>> -> memref<64x128xf32, #tpu.memory_space<vmem_shared>>
      tpu.wait_dma2 semaphore(%run_scoped3A : memref<!tpu.dma_semaphore, #tpu.memory_space<semaphore_mem>>) src(%arg12 : memref<64x128xf32, #tpu.memory_space<vmem>>) dst(%dma_wait3A_139 : memref<64x128xf32, #tpu.memory_space<vmem_shared>>)
      tpu.yield
    }) : () -> ()
    %mul3A_29 = arith.constant 624 : i32
    %mul3A_30 = arith.muli %arg1, %mul3A_29 : i32
    %add3A_31 = arith.constant 320 : i32
    %add3A_32 = arith.addi %mul3A_30, %add3A_31 : i32
    "tpu.region"() ({
      %run_scoped3A = tpu.sem_alloc : memref<!tpu.dma_semaphore, #tpu.memory_space<semaphore_mem>>
      %dma_start3A_132 = arith.constant 0 : i32
      %dma_start3A_133 = tpu.memref_slice %arg21[%add3A_32, %dma_start3A_132] : memref<10000x128xf32, #tpu.memory_space<vmem_shared>> -> memref<64x128xf32, #tpu.memory_space<vmem_shared>>
      %dma_start3A_134 = arith.constant 0 : i32
      %dma_start3A_135 = tpu.memref_slice %arg21[%add3A_32, %dma_start3A_134] : memref<10000x128xf32, #tpu.memory_space<vmem_shared>> -> memref<64x128xf32, #tpu.memory_space<vmem_shared>>
      tpu.enqueue_dma source(%arg12 : memref<64x128xf32, #tpu.memory_space<vmem>>) target(%dma_start3A_135 : memref<64x128xf32, #tpu.memory_space<vmem_shared>>) target_semaphore(%run_scoped3A : memref<!tpu.dma_semaphore, #tpu.memory_space<semaphore_mem>>)
      %dma_wait3A_136 = arith.constant 0 : i32
      %dma_wait3A_137 = tpu.memref_slice %arg21[%add3A_32, %dma_wait3A_136] : memref<10000x128xf32, #tpu.memory_space<vmem_shared>> -> memref<64x128xf32, #tpu.memory_space<vmem_shared>>
      %dma_wait3A_138 = arith.constant 0 : i32
      %dma_wait3A_139 = tpu.memref_slice %arg21[%add3A_32, %dma_wait3A_138] : memref<10000x128xf32, #tpu.memory_space<vmem_shared>> -> memref<64x128xf32, #tpu.memory_space<vmem_shared>>
      tpu.wait_dma2 semaphore(%run_scoped3A : memref<!tpu.dma_semaphore, #tpu.memory_space<semaphore_mem>>) src(%arg12 : memref<64x128xf32, #tpu.memory_space<vmem>>) dst(%dma_wait3A_139 : memref<64x128xf32, #tpu.memory_space<vmem_shared>>)
      tpu.yield
    }) : () -> ()
    %mul3A_33 = arith.constant 624 : i32
    %mul3A_34 = arith.muli %arg1, %mul3A_33 : i32
    %add3A_35 = arith.constant 384 : i32
    %add3A_36 = arith.addi %mul3A_34, %add3A_35 : i32
    "tpu.region"() ({
      %run_scoped3A = tpu.sem_alloc : memref<!tpu.dma_semaphore, #tpu.memory_space<semaphore_mem>>
      %dma_start3A_132 = arith.constant 0 : i32
      %dma_start3A_133 = tpu.memref_slice %arg21[%add3A_36, %dma_start3A_132] : memref<10000x128xf32, #tpu.memory_space<vmem_shared>> -> memref<64x128xf32, #tpu.memory_space<vmem_shared>>
      %dma_start3A_134 = arith.constant 0 : i32
      %dma_start3A_135 = tpu.memref_slice %arg21[%add3A_36, %dma_start3A_134] : memref<10000x128xf32, #tpu.memory_space<vmem_shared>> -> memref<64x128xf32, #tpu.memory_space<vmem_shared>>
      tpu.enqueue_dma source(%arg12 : memref<64x128xf32, #tpu.memory_space<vmem>>) target(%dma_start3A_135 : memref<64x128xf32, #tpu.memory_space<vmem_shared>>) target_semaphore(%run_scoped3A : memref<!tpu.dma_semaphore, #tpu.memory_space<semaphore_mem>>)
      %dma_wait3A_136 = arith.constant 0 : i32
      %dma_wait3A_137 = tpu.memref_slice %arg21[%add3A_36, %dma_wait3A_136] : memref<10000x128xf32, #tpu.memory_space<vmem_shared>> -> memref<64x128xf32, #tpu.memory_space<vmem_shared>>
      %dma_wait3A_138 = arith.constant 0 : i32
      %dma_wait3A_139 = tpu.memref_slice %arg21[%add3A_36, %dma_wait3A_138] : memref<10000x128xf32, #tpu.memory_space<vmem_shared>> -> memref<64x128xf32, #tpu.memory_space<vmem_shared>>
      tpu.wait_dma2 semaphore(%run_scoped3A : memref<!tpu.dma_semaphore, #tpu.memory_space<semaphore_mem>>) src(%arg12 : memref<64x128xf32, #tpu.memory_space<vmem>>) dst(%dma_wait3A_139 : memref<64x128xf32, #tpu.memory_space<vmem_shared>>)
      tpu.yield
    }) : () -> ()
    %mul3A_37 = arith.constant 624 : i32
    %mul3A_38 = arith.muli %arg1, %mul3A_37 : i32
    %add3A_39 = arith.constant 448 : i32
    %add3A_40 = arith.addi %mul3A_38, %add3A_39 : i32
    "tpu.region"() ({
      %run_scoped3A = tpu.sem_alloc : memref<!tpu.dma_semaphore, #tpu.memory_space<semaphore_mem>>
      %dma_start3A_132 = arith.constant 0 : i32
      %dma_start3A_133 = tpu.memref_slice %arg21[%add3A_40, %dma_start3A_132] : memref<10000x128xf32, #tpu.memory_space<vmem_shared>> -> memref<64x128xf32, #tpu.memory_space<vmem_shared>>
      %dma_start3A_134 = arith.constant 0 : i32
      %dma_start3A_135 = tpu.memref_slice %arg21[%add3A_40, %dma_start3A_134] : memref<10000x128xf32, #tpu.memory_space<vmem_shared>> -> memref<64x128xf32, #tpu.memory_space<vmem_shared>>
      tpu.enqueue_dma source(%arg12 : memref<64x128xf32, #tpu.memory_space<vmem>>) target(%dma_start3A_135 : memref<64x128xf32, #tpu.memory_space<vmem_shared>>) target_semaphore(%run_scoped3A : memref<!tpu.dma_semaphore, #tpu.memory_space<semaphore_mem>>)
      %dma_wait3A_136 = arith.constant 0 : i32
      %dma_wait3A_137 = tpu.memref_slice %arg21[%add3A_40, %dma_wait3A_136] : memref<10000x128xf32, #tpu.memory_space<vmem_shared>> -> memref<64x128xf32, #tpu.memory_space<vmem_shared>>
      %dma_wait3A_138 = arith.constant 0 : i32
      %dma_wait3A_139 = tpu.memref_slice %arg21[%add3A_40, %dma_wait3A_138] : memref<10000x128xf32, #tpu.memory_space<vmem_shared>> -> memref<64x128xf32, #tpu.memory_space<vmem_shared>>
      tpu.wait_dma2 semaphore(%run_scoped3A : memref<!tpu.dma_semaphore, #tpu.memory_space<semaphore_mem>>) src(%arg12 : memref<64x128xf32, #tpu.memory_space<vmem>>) dst(%dma_wait3A_139 : memref<64x128xf32, #tpu.memory_space<vmem_shared>>)
      tpu.yield
    }) : () -> ()
    %mul3A_41 = arith.constant 624 : i32
    %mul3A_42 = arith.muli %arg1, %mul3A_41 : i32
    %add3A_43 = arith.constant 512 : i32
    %add3A_44 = arith.addi %mul3A_42, %add3A_43 : i32
    "tpu.region"() ({
      %run_scoped3A = tpu.sem_alloc : memref<!tpu.dma_semaphore, #tpu.memory_space<semaphore_mem>>
      %dma_start3A_132 = arith.constant 0 : i32
      %dma_start3A_133 = tpu.memref_slice %arg21[%add3A_44, %dma_start3A_132] : memref<10000x128xf32, #tpu.memory_space<vmem_shared>> -> memref<64x128xf32, #tpu.memory_space<vmem_shared>>
      %dma_start3A_134 = arith.constant 0 : i32
      %dma_start3A_135 = tpu.memref_slice %arg21[%add3A_44, %dma_start3A_134] : memref<10000x128xf32, #tpu.memory_space<vmem_shared>> -> memref<64x128xf32, #tpu.memory_space<vmem_shared>>
      tpu.enqueue_dma source(%arg12 : memref<64x128xf32, #tpu.memory_space<vmem>>) target(%dma_start3A_135 : memref<64x128xf32, #tpu.memory_space<vmem_shared>>) target_semaphore(%run_scoped3A : memref<!tpu.dma_semaphore, #tpu.memory_space<semaphore_mem>>)
      %dma_wait3A_136 = arith.constant 0 : i32
      %dma_wait3A_137 = tpu.memref_slice %arg21[%add3A_44, %dma_wait3A_136] : memref<10000x128xf32, #tpu.memory_space<vmem_shared>> -> memref<64x128xf32, #tpu.memory_space<vmem_shared>>
      %dma_wait3A_138 = arith.constant 0 : i32
      %dma_wait3A_139 = tpu.memref_slice %arg21[%add3A_44, %dma_wait3A_138] : memref<10000x128xf32, #tpu.memory_space<vmem_shared>> -> memref<64x128xf32, #tpu.memory_space<vmem_shared>>
      tpu.wait_dma2 semaphore(%run_scoped3A : memref<!tpu.dma_semaphore, #tpu.memory_space<semaphore_mem>>) src(%arg12 : memref<64x128xf32, #tpu.memory_space<vmem>>) dst(%dma_wait3A_139 : memref<64x128xf32, #tpu.memory_space<vmem_shared>>)
      tpu.yield
    }) : () -> ()
    %mul3A_45 = arith.constant 624 : i32
    %mul3A_46 = arith.muli %arg1, %mul3A_45 : i32
    %add3A_47 = arith.constant 624 : i32
    %add3A_48 = arith.addi %mul3A_46, %add3A_47 : i32
    %sub3A = arith.constant 48 : i32
    %sub3A_49 = arith.subi %add3A_48, %sub3A : i32
    "tpu.region"() ({
      %run_scoped3A = tpu.sem_alloc : memref<!tpu.dma_semaphore, #tpu.memory_space<semaphore_mem>>
      %dma_start3A_132 = arith.constant 0 : i32
      %dma_start3A_133 = arith.constant 0 : i32
      %dma_start3A_134 = tpu.memref_slice %arg12[%dma_start3A_132, %dma_start3A_133] : memref<64x128xf32, #tpu.memory_space<vmem>> -> memref<48x128xf32, #tpu.memory_space<vmem>>
      %dma_start3A_135 = arith.constant 0 : i32
      %dma_start3A_136 = tpu.memref_slice %arg21[%sub3A_49, %dma_start3A_135] : memref<10000x128xf32, #tpu.memory_space<vmem_shared>> -> memref<48x128xf32, #tpu.memory_space<vmem_shared>>
      %dma_start3A_137 = arith.constant 0 : i32
      %dma_start3A_138 = tpu.memref_slice %arg21[%sub3A_49, %dma_start3A_137] : memref<10000x128xf32, #tpu.memory_space<vmem_shared>> -> memref<48x128xf32, #tpu.memory_space<vmem_shared>>
      %dma_start3A_139 = arith.constant 0 : i32
      %dma_start3A_140 = arith.constant 0 : i32
      %dma_start3A_141 = tpu.memref_slice %arg12[%dma_start3A_139, %dma_start3A_140] : memref<64x128xf32, #tpu.memory_space<vmem>> -> memref<48x128xf32, #tpu.memory_space<vmem>>
      tpu.enqueue_dma source(%dma_start3A_141 : memref<48x128xf32, #tpu.memory_space<vmem>>) target(%dma_start3A_138 : memref<48x128xf32, #tpu.memory_space<vmem_shared>>) target_semaphore(%run_scoped3A : memref<!tpu.dma_semaphore, #tpu.memory_space<semaphore_mem>>)
      %dma_wait3A_142 = arith.constant 0 : i32
      %dma_wait3A_143 = arith.constant 0 : i32
      %dma_wait3A_144 = tpu.memref_slice %arg12[%dma_wait3A_142, %dma_wait3A_143] : memref<64x128xf32, #tpu.memory_space<vmem>> -> memref<48x128xf32, #tpu.memory_space<vmem>>
      %dma_wait3A_145 = arith.constant 0 : i32
      %dma_wait3A_146 = tpu.memref_slice %arg21[%sub3A_49, %dma_wait3A_145] : memref<10000x128xf32, #tpu.memory_space<vmem_shared>> -> memref<48x128xf32, #tpu.memory_space<vmem_shared>>
      %dma_wait3A_147 = arith.constant 0 : i32
      %dma_wait3A_148 = tpu.memref_slice %arg21[%sub3A_49, %dma_wait3A_147] : memref<10000x128xf32, #tpu.memory_space<vmem_shared>> -> memref<48x128xf32, #tpu.memory_space<vmem_shared>>
      %dma_wait3A_149 = arith.constant 0 : i32
      %dma_wait3A_150 = arith.constant 0 : i32
      %dma_wait3A_151 = tpu.memref_slice %arg12[%dma_wait3A_149, %dma_wait3A_150] : memref<64x128xf32, #tpu.memory_space<vmem>> -> memref<48x128xf32, #tpu.memory_space<vmem>>
      tpu.wait_dma2 semaphore(%run_scoped3A : memref<!tpu.dma_semaphore, #tpu.memory_space<semaphore_mem>>) src(%dma_wait3A_151 : memref<48x128xf32, #tpu.memory_space<vmem>>) dst(%dma_wait3A_148 : memref<48x128xf32, #tpu.memory_space<vmem_shared>>)
      tpu.yield
    }) : () -> ()
    %eq3A = arith.constant 15 : i32
    %eq3A_50 = arith.cmpi eq, %arg1, %eq3A : i32
    %convert_element_type3A = arith.extui %eq3A_50 : i1 to i32
    %cond3A = arith.constant 0 : i32
    %cond3A_51 = arith.cmpi ne, %convert_element_type3A, %cond3A : i32
    scf.if %cond3A_51 {
      "tpu.region"() ({
        %run_scoped3A = tpu.sem_alloc : memref<!tpu.dma_semaphore, #tpu.memory_space<semaphore_mem>>
        %dma_start3A_132 = arith.constant 0 : i32
        %dma_start3A_133 = arith.constant 0 : i32
        %dma_start3A_134 = tpu.memref_slice %arg12[%dma_start3A_132, %dma_start3A_133] : memref<64x128xf32, #tpu.memory_space<vmem>> -> memref<16x128xf32, #tpu.memory_space<vmem>>
        %dma_start3A_135 = arith.constant 9984 : i32
        %dma_start3A_136 = arith.constant 0 : i32
        %dma_start3A_137 = tpu.memref_slice %arg21[%dma_start3A_135, %dma_start3A_136] : memref<10000x128xf32, #tpu.memory_space<vmem_shared>> -> memref<16x128xf32, #tpu.memory_space<vmem_shared>>
        %dma_start3A_138 = arith.constant 9984 : i32
        %dma_start3A_139 = arith.constant 0 : i32
        %dma_start3A_140 = tpu.memref_slice %arg21[%dma_start3A_138, %dma_start3A_139] : memref<10000x128xf32, #tpu.memory_space<vmem_shared>> -> memref<16x128xf32, #tpu.memory_space<vmem_shared>>
        %dma_start3A_141 = arith.constant 0 : i32
        %dma_start3A_142 = arith.constant 0 : i32
        %dma_start3A_143 = tpu.memref_slice %arg12[%dma_start3A_141, %dma_start3A_142] : memref<64x128xf32, #tpu.memory_space<vmem>> -> memref<16x128xf32, #tpu.memory_space<vmem>>
        tpu.enqueue_dma source(%dma_start3A_143 : memref<16x128xf32, #tpu.memory_space<vmem>>) target(%dma_start3A_140 : memref<16x128xf32, #tpu.memory_space<vmem_shared>>) target_semaphore(%run_scoped3A : memref<!tpu.dma_semaphore, #tpu.memory_space<semaphore_mem>>)
        %dma_wait3A_144 = arith.constant 0 : i32
        %dma_wait3A_145 = arith.constant 0 : i32
        %dma_wait3A_146 = tpu.memref_slice %arg12[%dma_wait3A_144, %dma_wait3A_145] : memref<64x128xf32, #tpu.memory_space<vmem>> -> memref<16x128xf32, #tpu.memory_space<vmem>>
        %dma_wait3A_147 = arith.constant 9984 : i32
        %dma_wait3A_148 = arith.constant 0 : i32
        %dma_wait3A_149 = tpu.memref_slice %arg21[%dma_wait3A_147, %dma_wait3A_148] : memref<10000x128xf32, #tpu.memory_space<vmem_shared>> -> memref<16x128xf32, #tpu.memory_space<vmem_shared>>
        %dma_wait3A_150 = arith.constant 9984 : i32
        %dma_wait3A_151 = arith.constant 0 : i32
        %dma_wait3A_152 = tpu.memref_slice %arg21[%dma_wait3A_150, %dma_wait3A_151] : memref<10000x128xf32, #tpu.memory_space<vmem_shared>> -> memref<16x128xf32, #tpu.memory_space<vmem_shared>>
        %dma_wait3A_153 = arith.constant 0 : i32
        %dma_wait3A_154 = arith.constant 0 : i32
        %dma_wait3A_155 = tpu.memref_slice %arg12[%dma_wait3A_153, %dma_wait3A_154] : memref<64x128xf32, #tpu.memory_space<vmem>> -> memref<16x128xf32, #tpu.memory_space<vmem>>
        tpu.wait_dma2 semaphore(%run_scoped3A : memref<!tpu.dma_semaphore, #tpu.memory_space<semaphore_mem>>) src(%dma_wait3A_155 : memref<16x128xf32, #tpu.memory_space<vmem>>) dst(%dma_wait3A_152 : memref<16x128xf32, #tpu.memory_space<vmem_shared>>)
        tpu.yield
      }) : () -> ()
    } else {
    }
    %barrier3A = arith.constant 0 : index
    tpu.barrier barrier_id(%barrier3A)
    %add3A_52 = arith.constant 0 : i32
    %add3A_53 = arith.addi %mul3A_2, %add3A_52 : i32
    %dma_start3A = tpu.memref_slice %arg5[%add3A_53] : memref<320000xi32, #tpu.memory_space<hbm>> -> memref<64xi32, #tpu.memory_space<hbm>>
    %dma_start3A_54 = tpu.memref_slice %arg5[%add3A_53] : memref<320000xi32, #tpu.memory_space<hbm>> -> memref<64xi32, #tpu.memory_space<hbm>>
    tpu.enqueue_dma source(%dma_start3A_54 : memref<64xi32, #tpu.memory_space<hbm>>) target(%arg9 : memref<64xi32, #tpu.memory_space<vmem>>) target_semaphore(%arg32 : memref<!tpu.dma_semaphore, #tpu.memory_space<semaphore_mem>>)
    %dma_start3A_55 = tpu.memref_slice %arg6[%add3A_53] : memref<320000xi32, #tpu.memory_space<hbm>> -> memref<64xi32, #tpu.memory_space<hbm>>
    %dma_start3A_56 = tpu.memref_slice %arg6[%add3A_53] : memref<320000xi32, #tpu.memory_space<hbm>> -> memref<64xi32, #tpu.memory_space<hbm>>
    tpu.enqueue_dma source(%dma_start3A_56 : memref<64xi32, #tpu.memory_space<hbm>>) target(%arg10 : memref<64xi32, #tpu.memory_space<vmem>>) target_semaphore(%arg32 : memref<!tpu.dma_semaphore, #tpu.memory_space<semaphore_mem>>)
    %dma_wait3A = arith.constant 0 : i32
    %dma_wait3A_57 = tpu.memref_slice %arg5[%dma_wait3A] : memref<320000xi32, #tpu.memory_space<hbm>> -> memref<64xi32, #tpu.memory_space<hbm>>
    %dma_wait3A_58 = arith.constant 0 : i32
    %dma_wait3A_59 = tpu.memref_slice %arg5[%dma_wait3A_58] : memref<320000xi32, #tpu.memory_space<hbm>> -> memref<64xi32, #tpu.memory_space<hbm>>
    tpu.wait_dma2 semaphore(%arg32 : memref<!tpu.dma_semaphore, #tpu.memory_space<semaphore_mem>>) src(%dma_wait3A_59 : memref<64xi32, #tpu.memory_space<hbm>>) dst(%arg9 : memref<64xi32, #tpu.memory_space<vmem>>)
    %dma_wait3A_60 = arith.constant 0 : i32
    %dma_wait3A_61 = tpu.memref_slice %arg6[%dma_wait3A_60] : memref<320000xi32, #tpu.memory_space<hbm>> -> memref<64xi32, #tpu.memory_space<hbm>>
    %dma_wait3A_62 = arith.constant 0 : i32
    %dma_wait3A_63 = tpu.memref_slice %arg6[%dma_wait3A_62] : memref<320000xi32, #tpu.memory_space<hbm>> -> memref<64xi32, #tpu.memory_space<hbm>>
    tpu.wait_dma2 semaphore(%arg32 : memref<!tpu.dma_semaphore, #tpu.memory_space<semaphore_mem>>) src(%dma_wait3A_63 : memref<64xi32, #tpu.memory_space<hbm>>) dst(%arg10 : memref<64xi32, #tpu.memory_space<vmem>>)
    %add3A_64 = arith.constant 0 : i32
    %add3A_65 = arith.addi %mul3A_2, %add3A_64 : i32
    %dma_start3A_66 = arith.constant 0 : i32
    %dma_start3A_67 = tpu.memref_slice %arg2[%add3A_65, %dma_start3A_66] : memref<320000x128xf32, #tpu.memory_space<hbm>> -> memref<64x128xf32, #tpu.memory_space<hbm>>
    %dma_start3A_68 = arith.constant 0 : i32
    %dma_start3A_69 = tpu.memref_slice %arg2[%add3A_65, %dma_start3A_68] : memref<320000x128xf32, #tpu.memory_space<hbm>> -> memref<64x128xf32, #tpu.memory_space<hbm>>
    tpu.enqueue_dma source(%dma_start3A_69 : memref<64x128xf32, #tpu.memory_space<hbm>>) target(%arg11 : memref<64x128xf32, #tpu.memory_space<vmem>>) target_semaphore(%arg22 : memref<!tpu.dma_semaphore, #tpu.memory_space<semaphore_mem>>)
    %dma_start3A_70 = arith.constant 0 : i32
    %dma_start3A_71 = arith.constant 0 : i32
    %dma_start3A_72 = tpu.memref_slice %arg3[%dma_start3A_70, %dma_start3A_71] : memref<10000x128xf32, #tpu.memory_space<hbm>> -> memref<10000x128xf32, #tpu.memory_space<hbm>>
    tpu.enqueue_indirect_dma source(%dma_start3A_72 : memref<10000x128xf32, #tpu.memory_space<hbm>>) target(%arg12 : memref<64x128xf32, #tpu.memory_space<vmem>>) offsets(%arg9 : memref<64xi32, #tpu.memory_space<vmem>>) semaphore(%arg23 : memref<!tpu.dma_semaphore, #tpu.memory_space<semaphore_mem>>)
    %dma_start3A_73 = arith.constant 0 : i32
    %dma_start3A_74 = arith.constant 0 : i32
    %dma_start3A_75 = tpu.memref_slice %arg4[%dma_start3A_73, %dma_start3A_74] : memref<10000x128xf32, #tpu.memory_space<hbm>> -> memref<10000x128xf32, #tpu.memory_space<hbm>>
    tpu.enqueue_indirect_dma source(%dma_start3A_75 : memref<10000x128xf32, #tpu.memory_space<hbm>>) target(%arg13 : memref<64x128xf32, #tpu.memory_space<vmem>>) offsets(%arg10 : memref<64xi32, #tpu.memory_space<vmem>>) semaphore(%arg24 : memref<!tpu.dma_semaphore, #tpu.memory_space<semaphore_mem>>)
    %scan3A_76 = arith.constant 0 : i32
    %scan3A_77 = arith.constant 78 : i32
    %scan3A_78 = arith.addi %scan3A_76, %scan3A_77 : i32
    %scan3A_79 = arith.constant 1 : i32
    scf.for %scan3A_132 = %scan3A_76 to %scan3A_78 step %scan3A_79  : i32 {
      %mul3A_133 = arith.constant 2 : i32
      %mul3A_134 = arith.muli %scan3A_132, %mul3A_133 : i32
      %add3A_135 = arith.constant 0 : i32
      %add3A_136 = arith.addi %add3A_135, %mul3A_134 : i32
      %add3A_137 = arith.constant 0 : i32
      %add3A_138 = arith.addi %add3A_136, %add3A_137 : i32
      %gt3A = arith.constant 0 : i32
      %gt3A_139 = arith.cmpi sgt, %add3A_138, %gt3A : i32
      %convert_element_type3A_140 = arith.extui %gt3A_139 : i1 to i32
      %cond3A_141 = arith.constant 0 : i32
      %cond3A_142 = arith.cmpi ne, %convert_element_type3A_140, %cond3A_141 : i32
      scf.if %cond3A_142 {
        %dma_wait3A_233 = arith.constant 0 : i32
        %dma_wait3A_234 = arith.constant 0 : i32
        %dma_wait3A_235 = tpu.memref_slice %arg7[%dma_wait3A_233, %dma_wait3A_234] : memref<320000x128xf32, #tpu.memory_space<hbm>> -> memref<64x128xf32, #tpu.memory_space<hbm>>
        %dma_wait3A_236 = arith.constant 0 : i32
        %dma_wait3A_237 = arith.constant 0 : i32
        %dma_wait3A_238 = tpu.memref_slice %arg7[%dma_wait3A_236, %dma_wait3A_237] : memref<320000x128xf32, #tpu.memory_space<hbm>> -> memref<64x128xf32, #tpu.memory_space<hbm>>
        tpu.wait_dma2 semaphore(%arg30 : memref<!tpu.dma_semaphore, #tpu.memory_space<semaphore_mem>>) src(%arg16 : memref<64x128xf32, #tpu.memory_space<vmem>>) dst(%dma_wait3A_238 : memref<64x128xf32, #tpu.memory_space<hbm>>)
        %dma_wait3A_239 = arith.constant 0 : i32
        %dma_wait3A_240 = arith.constant 0 : i32
        %dma_wait3A_241 = tpu.memref_slice %arg21[%dma_wait3A_239, %dma_wait3A_240] : memref<10000x128xf32, #tpu.memory_space<vmem_shared>> -> memref<10000x128xf32, #tpu.memory_space<vmem_shared>>
        tpu.wait_indirect_dma semaphore(%arg31 : memref<!tpu.dma_semaphore, #tpu.memory_space<semaphore_mem>>) src(%arg16 : memref<64x128xf32, #tpu.memory_space<vmem>>) dst(%dma_wait3A_241 : memref<10000x128xf32, #tpu.memory_space<vmem_shared>>)
      } else {
      }
      %add3A_143 = arith.constant 1 : i32
      %add3A_144 = arith.addi %add3A_138, %add3A_143 : i32
      %lt3A = arith.constant 156 : i32
      %lt3A_145 = arith.cmpi slt, %add3A_144, %lt3A : i32
      %convert_element_type3A_146 = arith.extui %lt3A_145 : i1 to i32
      %cond3A_147 = arith.constant 0 : i32
      %cond3A_148 = arith.cmpi ne, %convert_element_type3A_146, %cond3A_147 : i32
      scf.if %cond3A_148 {
        %add3A_233 = arith.constant 1 : i32
        %add3A_234 = arith.addi %add3A_138, %add3A_233 : i32
        %mul3A_235 = arith.constant 64 : i32
        %mul3A_236 = arith.muli %add3A_234, %mul3A_235 : i32
        %add3A_237 = arith.addi %mul3A_2, %mul3A_236 : i32
        %dma_start3A_238 = tpu.memref_slice %arg5[%add3A_237] : memref<320000xi32, #tpu.memory_space<hbm>> -> memref<64xi32, #tpu.memory_space<hbm>>
        %dma_start3A_239 = tpu.memref_slice %arg5[%add3A_237] : memref<320000xi32, #tpu.memory_space<hbm>> -> memref<64xi32, #tpu.memory_space<hbm>>
        tpu.enqueue_dma source(%dma_start3A_239 : memref<64xi32, #tpu.memory_space<hbm>>) target(%arg14 : memref<64xi32, #tpu.memory_space<vmem>>) target_semaphore(%arg33 : memref<!tpu.dma_semaphore, #tpu.memory_space<semaphore_mem>>)
        %dma_start3A_240 = tpu.memref_slice %arg6[%add3A_237] : memref<320000xi32, #tpu.memory_space<hbm>> -> memref<64xi32, #tpu.memory_space<hbm>>
        %dma_start3A_241 = tpu.memref_slice %arg6[%add3A_237] : memref<320000xi32, #tpu.memory_space<hbm>> -> memref<64xi32, #tpu.memory_space<hbm>>
        tpu.enqueue_dma source(%dma_start3A_241 : memref<64xi32, #tpu.memory_space<hbm>>) target(%arg15 : memref<64xi32, #tpu.memory_space<vmem>>) target_semaphore(%arg33 : memref<!tpu.dma_semaphore, #tpu.memory_space<semaphore_mem>>)
      } else {
      }
      %dma_wait3A_149 = arith.constant 0 : i32
      %dma_wait3A_150 = arith.constant 0 : i32
      %dma_wait3A_151 = tpu.memref_slice %arg2[%dma_wait3A_149, %dma_wait3A_150] : memref<320000x128xf32, #tpu.memory_space<hbm>> -> memref<64x128xf32, #tpu.memory_space<hbm>>
      %dma_wait3A_152 = arith.constant 0 : i32
      %dma_wait3A_153 = arith.constant 0 : i32
      %dma_wait3A_154 = tpu.memref_slice %arg2[%dma_wait3A_152, %dma_wait3A_153] : memref<320000x128xf32, #tpu.memory_space<hbm>> -> memref<64x128xf32, #tpu.memory_space<hbm>>
      tpu.wait_dma2 semaphore(%arg22 : memref<!tpu.dma_semaphore, #tpu.memory_space<semaphore_mem>>) src(%dma_wait3A_154 : memref<64x128xf32, #tpu.memory_space<hbm>>) dst(%arg11 : memref<64x128xf32, #tpu.memory_space<vmem>>)
      %dma_wait3A_155 = arith.constant 0 : i32
      %dma_wait3A_156 = arith.constant 0 : i32
      %dma_wait3A_157 = tpu.memref_slice %arg3[%dma_wait3A_155, %dma_wait3A_156] : memref<10000x128xf32, #tpu.memory_space<hbm>> -> memref<10000x128xf32, #tpu.memory_space<hbm>>
      tpu.wait_indirect_dma semaphore(%arg23 : memref<!tpu.dma_semaphore, #tpu.memory_space<semaphore_mem>>) src(%dma_wait3A_157 : memref<10000x128xf32, #tpu.memory_space<hbm>>) dst(%arg12 : memref<64x128xf32, #tpu.memory_space<vmem>>)
      %dma_wait3A_158 = arith.constant 0 : i32
      %dma_wait3A_159 = arith.constant 0 : i32
      %dma_wait3A_160 = tpu.memref_slice %arg4[%dma_wait3A_158, %dma_wait3A_159] : memref<10000x128xf32, #tpu.memory_space<hbm>> -> memref<10000x128xf32, #tpu.memory_space<hbm>>
      tpu.wait_indirect_dma semaphore(%arg24 : memref<!tpu.dma_semaphore, #tpu.memory_space<semaphore_mem>>) src(%dma_wait3A_160 : memref<10000x128xf32, #tpu.memory_space<hbm>>) dst(%arg13 : memref<64x128xf32, #tpu.memory_space<vmem>>)
      %add3A_161 = arith.constant 1 : i32
      %add3A_162 = arith.addi %add3A_138, %add3A_161 : i32
      %lt3A_163 = arith.constant 156 : i32
      %lt3A_164 = arith.cmpi slt, %add3A_162, %lt3A_163 : i32
      %convert_element_type3A_165 = arith.extui %lt3A_164 : i1 to i32
      %cond3A_166 = arith.constant 0 : i32
      %cond3A_167 = arith.cmpi ne, %convert_element_type3A_165, %cond3A_166 : i32
      scf.if %cond3A_167 {
        %dma_wait3A_233 = arith.constant 0 : i32
        %dma_wait3A_234 = tpu.memref_slice %arg5[%dma_wait3A_233] : memref<320000xi32, #tpu.memory_space<hbm>> -> memref<64xi32, #tpu.memory_space<hbm>>
        %dma_wait3A_235 = arith.constant 0 : i32
        %dma_wait3A_236 = tpu.memref_slice %arg5[%dma_wait3A_235] : memref<320000xi32, #tpu.memory_space<hbm>> -> memref<64xi32, #tpu.memory_space<hbm>>
        tpu.wait_dma2 semaphore(%arg33 : memref<!tpu.dma_semaphore, #tpu.memory_space<semaphore_mem>>) src(%dma_wait3A_236 : memref<64xi32, #tpu.memory_space<hbm>>) dst(%arg14 : memref<64xi32, #tpu.memory_space<vmem>>)
        %dma_wait3A_237 = arith.constant 0 : i32
        %dma_wait3A_238 = tpu.memref_slice %arg6[%dma_wait3A_237] : memref<320000xi32, #tpu.memory_space<hbm>> -> memref<64xi32, #tpu.memory_space<hbm>>
        %dma_wait3A_239 = arith.constant 0 : i32
        %dma_wait3A_240 = tpu.memref_slice %arg6[%dma_wait3A_239] : memref<320000xi32, #tpu.memory_space<hbm>> -> memref<64xi32, #tpu.memory_space<hbm>>
        tpu.wait_dma2 semaphore(%arg33 : memref<!tpu.dma_semaphore, #tpu.memory_space<semaphore_mem>>) src(%dma_wait3A_240 : memref<64xi32, #tpu.memory_space<hbm>>) dst(%arg15 : memref<64xi32, #tpu.memory_space<vmem>>)
        %add3A_241 = arith.constant 1 : i32
        %add3A_242 = arith.addi %add3A_138, %add3A_241 : i32
        %mul3A_243 = arith.constant 64 : i32
        %mul3A_244 = arith.muli %add3A_242, %mul3A_243 : i32
        %add3A_245 = arith.addi %mul3A_2, %mul3A_244 : i32
        %dma_start3A_246 = arith.constant 0 : i32
        %dma_start3A_247 = tpu.memref_slice %arg2[%add3A_245, %dma_start3A_246] : memref<320000x128xf32, #tpu.memory_space<hbm>> -> memref<64x128xf32, #tpu.memory_space<hbm>>
        %dma_start3A_248 = arith.constant 0 : i32
        %dma_start3A_249 = tpu.memref_slice %arg2[%add3A_245, %dma_start3A_248] : memref<320000x128xf32, #tpu.memory_space<hbm>> -> memref<64x128xf32, #tpu.memory_space<hbm>>
        tpu.enqueue_dma source(%dma_start3A_249 : memref<64x128xf32, #tpu.memory_space<hbm>>) target(%arg16 : memref<64x128xf32, #tpu.memory_space<vmem>>) target_semaphore(%arg25 : memref<!tpu.dma_semaphore, #tpu.memory_space<semaphore_mem>>)
        %dma_start3A_250 = arith.constant 0 : i32
        %dma_start3A_251 = arith.constant 0 : i32
        %dma_start3A_252 = tpu.memref_slice %arg3[%dma_start3A_250, %dma_start3A_251] : memref<10000x128xf32, #tpu.memory_space<hbm>> -> memref<10000x128xf32, #tpu.memory_space<hbm>>
        tpu.enqueue_indirect_dma source(%dma_start3A_252 : memref<10000x128xf32, #tpu.memory_space<hbm>>) target(%arg17 : memref<64x128xf32, #tpu.memory_space<vmem>>) offsets(%arg14 : memref<64xi32, #tpu.memory_space<vmem>>) semaphore(%arg26 : memref<!tpu.dma_semaphore, #tpu.memory_space<semaphore_mem>>)
        %dma_start3A_253 = arith.constant 0 : i32
        %dma_start3A_254 = arith.constant 0 : i32
        %dma_start3A_255 = tpu.memref_slice %arg4[%dma_start3A_253, %dma_start3A_254] : memref<10000x128xf32, #tpu.memory_space<hbm>> -> memref<10000x128xf32, #tpu.memory_space<hbm>>
        tpu.enqueue_indirect_dma source(%dma_start3A_255 : memref<10000x128xf32, #tpu.memory_space<hbm>>) target(%arg18 : memref<64x128xf32, #tpu.memory_space<vmem>>) offsets(%arg15 : memref<64xi32, #tpu.memory_space<vmem>>) semaphore(%arg27 : memref<!tpu.dma_semaphore, #tpu.memory_space<semaphore_mem>>)
      } else {
      }
      %scan3A_168 = arith.constant 0 : i32
      %scan3A_169 = arith.constant 0 : i32
      %scan3A_170 = arith.constant 16 : i32
      %scan3A_171 = arith.addi %scan3A_169, %scan3A_170 : i32
      %scan3A_172 = arith.constant 1 : i32
      scf.for %scan3A_233 = %scan3A_169 to %scan3A_171 step %scan3A_172  : i32 {
        %mul3A_234 = arith.constant 4 : i32
        %mul3A_235 = arith.muli %scan3A_233, %mul3A_234 : i32
        %add3A_236 = arith.constant 0 : i32
        %add3A_237 = arith.addi %mul3A_235, %add3A_236 : i32
        %get3A = arith.index_cast %add3A_237 : i32 to index
        %get3A_238 = arith.constant 0 : index
        %get3A_239 = tpu.vector_load %arg11[%get3A, %get3A_238] {strides = array<i32>} : memref<64x128xf32, #tpu.memory_space<vmem>>, vector<1x16xf32>,
        %get3A_240 = vector.shape_cast %get3A_239 : vector<1x16xf32> to vector<16xf32>
        %add3A_241 = arith.constant 0 : i32
        %add3A_242 = arith.addi %mul3A_235, %add3A_241 : i32
        %get3A_243 = arith.index_cast %add3A_242 : i32 to index
        %get3A_244 = arith.constant 0 : index
        %get3A_245 = tpu.vector_load %arg12[%get3A_243, %get3A_244] {strides = array<i32>} : memref<64x128xf32, #tpu.memory_space<vmem>>, vector<1x16xf32>,
        %get3A_246 = vector.shape_cast %get3A_245 : vector<1x16xf32> to vector<16xf32>
        %add3A_247 = arith.addf %get3A_240, %get3A_246 : vector<16xf32>
        %add3A_248 = arith.constant 0 : i32
        %add3A_249 = arith.addi %mul3A_235, %add3A_248 : i32
        %get3A_250 = arith.index_cast %add3A_249 : i32 to index
        %get3A_251 = arith.constant 0 : index
        %get3A_252 = tpu.vector_load %arg13[%get3A_250, %get3A_251] {strides = array<i32>} : memref<64x128xf32, #tpu.memory_space<vmem>>, vector<1x16xf32>,
        %get3A_253 = vector.shape_cast %get3A_252 : vector<1x16xf32> to vector<16xf32>
        %add3A_254 = arith.addf %add3A_247, %get3A_253 : vector<16xf32>
        %max3A = arith.constant 0.000000e+00 : f32
        %max3A_255 = vector.broadcast %max3A : f32 to vector<16xf32>
        %max3A_256 = arith.maximumf %add3A_254, %max3A_255 : vector<16xf32>
        %add3A_257 = arith.constant 0 : i32
        %add3A_258 = arith.addi %mul3A_235, %add3A_257 : i32
        %swap3A = arith.index_cast %add3A_258 : i32 to index
        %swap3A_259 = arith.constant 0 : index
        %swap3A_260 = tpu.vector_load %arg11[%swap3A, %swap3A_259] {strides = array<i32>} : memref<64x128xf32, #tpu.memory_space<vmem>>, vector<1x16xf32>,
        %swap3A_261 = vector.shape_cast %swap3A_260 : vector<1x16xf32> to vector<16xf32>
        %swap3A_262 = vector.shape_cast %max3A_256 : vector<16xf32> to vector<1x16xf32>
        tpu.vector_store %arg11[%swap3A, %swap3A_259], %swap3A_262 {strides = array<i32>} : memref<64x128xf32, #tpu.memory_space<vmem>>, vector<1x16xf32>,
        %add3A_263 = arith.constant 0 : i32
        %add3A_264 = arith.addi %mul3A_235, %add3A_263 : i32
        %get3A_265 = arith.index_cast %add3A_264 : i32 to index
        %get3A_266 = arith.constant 16 : index
        %get3A_267 = tpu.vector_load %arg11[%get3A_265, %get3A_266] {strides = array<i32>} : memref<64x128xf32, #tpu.memory_space<vmem>>, vector<1x16xf32>,
        %get3A_268 = vector.shape_cast %get3A_267 : vector<1x16xf32> to vector<16xf32>
        %add3A_269 = arith.constant 0 : i32
        %add3A_270 = arith.addi %mul3A_235, %add3A_269 : i32
        %get3A_271 = arith.index_cast %add3A_270 : i32 to index
        %get3A_272 = arith.constant 16 : index
        %get3A_273 = tpu.vector_load %arg12[%get3A_271, %get3A_272] {strides = array<i32>} : memref<64x128xf32, #tpu.memory_space<vmem>>, vector<1x16xf32>,
        %get3A_274 = vector.shape_cast %get3A_273 : vector<1x16xf32> to vector<16xf32>
        %add3A_275 = arith.addf %get3A_268, %get3A_274 : vector<16xf32>
        %add3A_276 = arith.constant 0 : i32
        %add3A_277 = arith.addi %mul3A_235, %add3A_276 : i32
        %get3A_278 = arith.index_cast %add3A_277 : i32 to index
        %get3A_279 = arith.constant 16 : index
        %get3A_280 = tpu.vector_load %arg13[%get3A_278, %get3A_279] {strides = array<i32>} : memref<64x128xf32, #tpu.memory_space<vmem>>, vector<1x16xf32>,
        %get3A_281 = vector.shape_cast %get3A_280 : vector<1x16xf32> to vector<16xf32>
        %add3A_282 = arith.addf %add3A_275, %get3A_281 : vector<16xf32>
        %max3A_283 = arith.constant 0.000000e+00 : f32
        %max3A_284 = vector.broadcast %max3A_283 : f32 to vector<16xf32>
        %max3A_285 = arith.maximumf %add3A_282, %max3A_284 : vector<16xf32>
        %add3A_286 = arith.constant 0 : i32
        %add3A_287 = arith.addi %mul3A_235, %add3A_286 : i32
        %swap3A_288 = arith.index_cast %add3A_287 : i32 to index
        %swap3A_289 = arith.constant 16 : index
        %swap3A_290 = tpu.vector_load %arg11[%swap3A_288, %swap3A_289] {strides = array<i32>} : memref<64x128xf32, #tpu.memory_space<vmem>>, vector<1x16xf32>,
        %swap3A_291 = vector.shape_cast %swap3A_290 : vector<1x16xf32> to vector<16xf32>
        %swap3A_292 = vector.shape_cast %max3A_285 : vector<16xf32> to vector<1x16xf32>
        tpu.vector_store %arg11[%swap3A_288, %swap3A_289], %swap3A_292 {strides = array<i32>} : memref<64x128xf32, #tpu.memory_space<vmem>>, vector<1x16xf32>,
        %add3A_293 = arith.constant 0 : i32
        %add3A_294 = arith.addi %mul3A_235, %add3A_293 : i32
        %get3A_295 = arith.index_cast %add3A_294 : i32 to index
        %get3A_296 = arith.constant 32 : index
        %get3A_297 = tpu.vector_load %arg11[%get3A_295, %get3A_296] {strides = array<i32>} : memref<64x128xf32, #tpu.memory_space<vmem>>, vector<1x16xf32>,
        %get3A_298 = vector.shape_cast %get3A_297 : vector<1x16xf32> to vector<16xf32>
        %add3A_299 = arith.constant 0 : i32
        %add3A_300 = arith.addi %mul3A_235, %add3A_299 : i32
        %get3A_301 = arith.index_cast %add3A_300 : i32 to index
        %get3A_302 = arith.constant 32 : index
        %get3A_303 = tpu.vector_load %arg12[%get3A_301, %get3A_302] {strides = array<i32>} : memref<64x128xf32, #tpu.memory_space<vmem>>, vector<1x16xf32>,
        %get3A_304 = vector.shape_cast %get3A_303 : vector<1x16xf32> to vector<16xf32>
        %add3A_305 = arith.addf %get3A_298, %get3A_304 : vector<16xf32>
        %add3A_306 = arith.constant 0 : i32
        %add3A_307 = arith.addi %mul3A_235, %add3A_306 : i32
        %get3A_308 = arith.index_cast %add3A_307 : i32 to index
        %get3A_309 = arith.constant 32 : index
        %get3A_310 = tpu.vector_load %arg13[%get3A_308, %get3A_309] {strides = array<i32>} : memref<64x128xf32, #tpu.memory_space<vmem>>, vector<1x16xf32>,
        %get3A_311 = vector.shape_cast %get3A_310 : vector<1x16xf32> to vector<16xf32>
        %add3A_312 = arith.addf %add3A_305, %get3A_311 : vector<16xf32>
        %max3A_313 = arith.constant 0.000000e+00 : f32
        %max3A_314 = vector.broadcast %max3A_313 : f32 to vector<16xf32>
        %max3A_315 = arith.maximumf %add3A_312, %max3A_314 : vector<16xf32>
        %add3A_316 = arith.constant 0 : i32
        %add3A_317 = arith.addi %mul3A_235, %add3A_316 : i32
        %swap3A_318 = arith.index_cast %add3A_317 : i32 to index
        %swap3A_319 = arith.constant 32 : index
        %swap3A_320 = tpu.vector_load %arg11[%swap3A_318, %swap3A_319] {strides = array<i32>} : memref<64x128xf32, #tpu.memory_space<vmem>>, vector<1x16xf32>,
        %swap3A_321 = vector.shape_cast %swap3A_320 : vector<1x16xf32> to vector<16xf32>
        %swap3A_322 = vector.shape_cast %max3A_315 : vector<16xf32> to vector<1x16xf32>
        tpu.vector_store %arg11[%swap3A_318, %swap3A_319], %swap3A_322 {strides = array<i32>} : memref<64x128xf32, #tpu.memory_space<vmem>>, vector<1x16xf32>,
        %add3A_323 = arith.constant 0 : i32
        %add3A_324 = arith.addi %mul3A_235, %add3A_323 : i32
        %get3A_325 = arith.index_cast %add3A_324 : i32 to index
        %get3A_326 = arith.constant 48 : index
        %get3A_327 = tpu.vector_load %arg11[%get3A_325, %get3A_326] {strides = array<i32>} : memref<64x128xf32, #tpu.memory_space<vmem>>, vector<1x16xf32>,
        %get3A_328 = vector.shape_cast %get3A_327 : vector<1x16xf32> to vector<16xf32>
        %add3A_329 = arith.constant 0 : i32
        %add3A_330 = arith.addi %mul3A_235, %add3A_329 : i32
        %get3A_331 = arith.index_cast %add3A_330 : i32 to index
        %get3A_332 = arith.constant 48 : index
        %get3A_333 = tpu.vector_load %arg12[%get3A_331, %get3A_332] {strides = array<i32>} : memref<64x128xf32, #tpu.memory_space<vmem>>, vector<1x16xf32>,
        %get3A_334 = vector.shape_cast %get3A_333 : vector<1x16xf32> to vector<16xf32>
        %add3A_335 = arith.addf %get3A_328, %get3A_334 : vector<16xf32>
        %add3A_336 = arith.constant 0 : i32
        %add3A_337 = arith.addi %mul3A_235, %add3A_336 : i32
        %get3A_338 = arith.index_cast %add3A_337 : i32 to index
        %get3A_339 = arith.constant 48 : index
        %get3A_340 = tpu.vector_load %arg13[%get3A_338, %get3A_339] {strides = array<i32>} : memref<64x128xf32, #tpu.memory_space<vmem>>, vector<1x16xf32>,
        %get3A_341 = vector.shape_cast %get3A_340 : vector<1x16xf32> to vector<16xf32>
        %add3A_342 = arith.addf %add3A_335, %get3A_341 : vector<16xf32>
        %max3A_343 = arith.constant 0.000000e+00 : f32
        %max3A_344 = vector.broadcast %max3A_343 : f32 to vector<16xf32>
        %max3A_345 = arith.maximumf %add3A_342, %max3A_344 : vector<16xf32>
        %add3A_346 = arith.constant 0 : i32
        %add3A_347 = arith.addi %mul3A_235, %add3A_346 : i32
        %swap3A_348 = arith.index_cast %add3A_347 : i32 to index
        %swap3A_349 = arith.constant 48 : index
        %swap3A_350 = tpu.vector_load %arg11[%swap3A_348, %swap3A_349] {strides = array<i32>} : memref<64x128xf32, #tpu.memory_space<vmem>>, vector<1x16xf32>,
        %swap3A_351 = vector.shape_cast %swap3A_350 : vector<1x16xf32> to vector<16xf32>
        %swap3A_352 = vector.shape_cast %max3A_345 : vector<16xf32> to vector<1x16xf32>
        tpu.vector_store %arg11[%swap3A_348, %swap3A_349], %swap3A_352 {strides = array<i32>} : memref<64x128xf32, #tpu.memory_space<vmem>>, vector<1x16xf32>,
        %add3A_353 = arith.constant 0 : i32
        %add3A_354 = arith.addi %mul3A_235, %add3A_353 : i32
        %get3A_355 = arith.index_cast %add3A_354 : i32 to index
        %get3A_356 = arith.constant 64 : index
        %get3A_357 = tpu.vector_load %arg11[%get3A_355, %get3A_356] {strides = array<i32>} : memref<64x128xf32, #tpu.memory_space<vmem>>, vector<1x16xf32>,
        %get3A_358 = vector.shape_cast %get3A_357 : vector<1x16xf32> to vector<16xf32>
        %add3A_359 = arith.constant 0 : i32
        %add3A_360 = arith.addi %mul3A_235, %add3A_359 : i32
        %get3A_361 = arith.index_cast %add3A_360 : i32 to index
        %get3A_362 = arith.constant 64 : index
        %get3A_363 = tpu.vector_load %arg12[%get3A_361, %get3A_362] {strides = array<i32>} : memref<64x128xf32, #tpu.memory_space<vmem>>, vector<1x16xf32>,
        %get3A_364 = vector.shape_cast %get3A_363 : vector<1x16xf32> to vector<16xf32>
        %add3A_365 = arith.addf %get3A_358, %get3A_364 : vector<16xf32>
        %add3A_366 = arith.constant 0 : i32
        %add3A_367 = arith.addi %mul3A_235, %add3A_366 : i32
        %get3A_368 = arith.index_cast %add3A_367 : i32 to index
        %get3A_369 = arith.constant 64 : index
        %get3A_370 = tpu.vector_load %arg13[%get3A_368, %get3A_369] {strides = array<i32>} : memref<64x128xf32, #tpu.memory_space<vmem>>, vector<1x16xf32>,
        %get3A_371 = vector.shape_cast %get3A_370 : vector<1x16xf32> to vector<16xf32>
        %add3A_372 = arith.addf %add3A_365, %get3A_371 : vector<16xf32>
        %max3A_373 = arith.constant 0.000000e+00 : f32
        %max3A_374 = vector.broadcast %max3A_373 : f32 to vector<16xf32>
        %max3A_375 = arith.maximumf %add3A_372, %max3A_374 : vector<16xf32>
        %add3A_376 = arith.constant 0 : i32
        %add3A_377 = arith.addi %mul3A_235, %add3A_376 : i32
        %swap3A_378 = arith.index_cast %add3A_377 : i32 to index
        %swap3A_379 = arith.constant 64 : index
        %swap3A_380 = tpu.vector_load %arg11[%swap3A_378, %swap3A_379] {strides = array<i32>} : memref<64x128xf32, #tpu.memory_space<vmem>>, vector<1x16xf32>,
        %swap3A_381 = vector.shape_cast %swap3A_380 : vector<1x16xf32> to vector<16xf32>
        %swap3A_382 = vector.shape_cast %max3A_375 : vector<16xf32> to vector<1x16xf32>
        tpu.vector_store %arg11[%swap3A_378, %swap3A_379], %swap3A_382 {strides = array<i32>} : memref<64x128xf32, #tpu.memory_space<vmem>>, vector<1x16xf32>,
        %add3A_383 = arith.constant 0 : i32
        %add3A_384 = arith.addi %mul3A_235, %add3A_383 : i32
        %get3A_385 = arith.index_cast %add3A_384 : i32 to index
        %get3A_386 = arith.constant 80 : index
        %get3A_387 = tpu.vector_load %arg11[%get3A_385, %get3A_386] {strides = array<i32>} : memref<64x128xf32, #tpu.memory_space<vmem>>, vector<1x16xf32>,
        %get3A_388 = vector.shape_cast %get3A_387 : vector<1x16xf32> to vector<16xf32>
        %add3A_389 = arith.constant 0 : i32
        %add3A_390 = arith.addi %mul3A_235, %add3A_389 : i32
        %get3A_391 = arith.index_cast %add3A_390 : i32 to index
        %get3A_392 = arith.constant 80 : index
        %get3A_393 = tpu.vector_load %arg12[%get3A_391, %get3A_392] {strides = array<i32>} : memref<64x128xf32, #tpu.memory_space<vmem>>, vector<1x16xf32>,
        %get3A_394 = vector.shape_cast %get3A_393 : vector<1x16xf32> to vector<16xf32>
        %add3A_395 = arith.addf %get3A_388, %get3A_394 : vector<16xf32>
        %add3A_396 = arith.constant 0 : i32
        %add3A_397 = arith.addi %mul3A_235, %add3A_396 : i32
        %get3A_398 = arith.index_cast %add3A_397 : i32 to index
        %get3A_399 = arith.constant 80 : index
        %get3A_400 = tpu.vector_load %arg13[%get3A_398, %get3A_399] {strides = array<i32>} : memref<64x128xf32, #tpu.memory_space<vmem>>, vector<1x16xf32>,
        %get3A_401 = vector.shape_cast %get3A_400 : vector<1x16xf32> to vector<16xf32>
        %add3A_402 = arith.addf %add3A_395, %get3A_401 : vector<16xf32>
        %max3A_403 = arith.constant 0.000000e+00 : f32
        %max3A_404 = vector.broadcast %max3A_403 : f32 to vector<16xf32>
        %max3A_405 = arith.maximumf %add3A_402, %max3A_404 : vector<16xf32>
        %add3A_406 = arith.constant 0 : i32
        %add3A_407 = arith.addi %mul3A_235, %add3A_406 : i32
        %swap3A_408 = arith.index_cast %add3A_407 : i32 to index
        %swap3A_409 = arith.constant 80 : index
        %swap3A_410 = tpu.vector_load %arg11[%swap3A_408, %swap3A_409] {strides = array<i32>} : memref<64x128xf32, #tpu.memory_space<vmem>>, vector<1x16xf32>,
        %swap3A_411 = vector.shape_cast %swap3A_410 : vector<1x16xf32> to vector<16xf32>
        %swap3A_412 = vector.shape_cast %max3A_405 : vector<16xf32> to vector<1x16xf32>
        tpu.vector_store %arg11[%swap3A_408, %swap3A_409], %swap3A_412 {strides = array<i32>} : memref<64x128xf32, #tpu.memory_space<vmem>>, vector<1x16xf32>,
        %add3A_413 = arith.constant 0 : i32
        %add3A_414 = arith.addi %mul3A_235, %add3A_413 : i32
        %get3A_415 = arith.index_cast %add3A_414 : i32 to index
        %get3A_416 = arith.constant 96 : index
        %get3A_417 = tpu.vector_load %arg11[%get3A_415, %get3A_416] {strides = array<i32>} : memref<64x128xf32, #tpu.memory_space<vmem>>, vector<1x16xf32>,
        %get3A_418 = vector.shape_cast %get3A_417 : vector<1x16xf32> to vector<16xf32>
        %add3A_419 = arith.constant 0 : i32
        %add3A_420 = arith.addi %mul3A_235, %add3A_419 : i32
        %get3A_421 = arith.index_cast %add3A_420 : i32 to index
        %get3A_422 = arith.constant 96 : index
        %get3A_423 = tpu.vector_load %arg12[%get3A_421, %get3A_422] {strides = array<i32>} : memref<64x128xf32, #tpu.memory_space<vmem>>, vector<1x16xf32>,
        %get3A_424 = vector.shape_cast %get3A_423 : vector<1x16xf32> to vector<16xf32>
        %add3A_425 = arith.addf %get3A_418, %get3A_424 : vector<16xf32>
        %add3A_426 = arith.constant 0 : i32
        %add3A_427 = arith.addi %mul3A_235, %add3A_426 : i32
        %get3A_428 = arith.index_cast %add3A_427 : i32 to index
        %get3A_429 = arith.constant 96 : index
        %get3A_430 = tpu.vector_load %arg13[%get3A_428, %get3A_429] {strides = array<i32>} : memref<64x128xf32, #tpu.memory_space<vmem>>, vector<1x16xf32>,
        %get3A_431 = vector.shape_cast %get3A_430 : vector<1x16xf32> to vector<16xf32>
        %add3A_432 = arith.addf %add3A_425, %get3A_431 : vector<16xf32>
        %max3A_433 = arith.constant 0.000000e+00 : f32
        %max3A_434 = vector.broadcast %max3A_433 : f32 to vector<16xf32>
        %max3A_435 = arith.maximumf %add3A_432, %max3A_434 : vector<16xf32>
        %add3A_436 = arith.constant 0 : i32
        %add3A_437 = arith.addi %mul3A_235, %add3A_436 : i32
        %swap3A_438 = arith.index_cast %add3A_437 : i32 to index
        %swap3A_439 = arith.constant 96 : index
        %swap3A_440 = tpu.vector_load %arg11[%swap3A_438, %swap3A_439] {strides = array<i32>} : memref<64x128xf32, #tpu.memory_space<vmem>>, vector<1x16xf32>,
        %swap3A_441 = vector.shape_cast %swap3A_440 : vector<1x16xf32> to vector<16xf32>
        %swap3A_442 = vector.shape_cast %max3A_435 : vector<16xf32> to vector<1x16xf32>
        tpu.vector_store %arg11[%swap3A_438, %swap3A_439], %swap3A_442 {strides = array<i32>} : memref<64x128xf32, #tpu.memory_space<vmem>>, vector<1x16xf32>,
        %add3A_443 = arith.constant 0 : i32
        %add3A_444 = arith.addi %mul3A_235, %add3A_443 : i32
        %get3A_445 = arith.index_cast %add3A_444 : i32 to index
        %get3A_446 = arith.constant 112 : index
        %get3A_447 = tpu.vector_load %arg11[%get3A_445, %get3A_446] {strides = array<i32>} : memref<64x128xf32, #tpu.memory_space<vmem>>, vector<1x16xf32>,
        %get3A_448 = vector.shape_cast %get3A_447 : vector<1x16xf32> to vector<16xf32>
        %add3A_449 = arith.constant 0 : i32
        %add3A_450 = arith.addi %mul3A_235, %add3A_449 : i32
        %get3A_451 = arith.index_cast %add3A_450 : i32 to index
        %get3A_452 = arith.constant 112 : index
        %get3A_453 = tpu.vector_load %arg12[%get3A_451, %get3A_452] {strides = array<i32>} : memref<64x128xf32, #tpu.memory_space<vmem>>, vector<1x16xf32>,
        %get3A_454 = vector.shape_cast %get3A_453 : vector<1x16xf32> to vector<16xf32>
        %add3A_455 = arith.addf %get3A_448, %get3A_454 : vector<16xf32>
        %add3A_456 = arith.constant 0 : i32
        %add3A_457 = arith.addi %mul3A_235, %add3A_456 : i32
        %get3A_458 = arith.index_cast %add3A_457 : i32 to index
        %get3A_459 = arith.constant 112 : index
        %get3A_460 = tpu.vector_load %arg13[%get3A_458, %get3A_459] {strides = array<i32>} : memref<64x128xf32, #tpu.memory_space<vmem>>, vector<1x16xf32>,
        %get3A_461 = vector.shape_cast %get3A_460 : vector<1x16xf32> to vector<16xf32>
        %add3A_462 = arith.addf %add3A_455, %get3A_461 : vector<16xf32>
        %max3A_463 = arith.constant 0.000000e+00 : f32
        %max3A_464 = vector.broadcast %max3A_463 : f32 to vector<16xf32>
        %max3A_465 = arith.maximumf %add3A_462, %max3A_464 : vector<16xf32>
        %add3A_466 = arith.constant 0 : i32
        %add3A_467 = arith.addi %mul3A_235, %add3A_466 : i32
        %swap3A_468 = arith.index_cast %add3A_467 : i32 to index
        %swap3A_469 = arith.constant 112 : index
        %swap3A_470 = tpu.vector_load %arg11[%swap3A_468, %swap3A_469] {strides = array<i32>} : memref<64x128xf32, #tpu.memory_space<vmem>>, vector<1x16xf32>,
        %swap3A_471 = vector.shape_cast %swap3A_470 : vector<1x16xf32> to vector<16xf32>
        %swap3A_472 = vector.shape_cast %max3A_465 : vector<16xf32> to vector<1x16xf32>
        tpu.vector_store %arg11[%swap3A_468, %swap3A_469], %swap3A_472 {strides = array<i32>} : memref<64x128xf32, #tpu.memory_space<vmem>>, vector<1x16xf32>,
        %add3A_473 = arith.constant 1 : i32
        %add3A_474 = arith.addi %mul3A_235, %add3A_473 : i32
        %get3A_475 = arith.index_cast %add3A_474 : i32 to index
        %get3A_476 = arith.constant 0 : index
        %get3A_477 = tpu.vector_load %arg11[%get3A_475, %get3A_476] {strides = array<i32>} : memref<64x128xf32, #tpu.memory_space<vmem>>, vector<1x16xf32>,
        %get3A_478 = vector.shape_cast %get3A_477 : vector<1x16xf32> to vector<16xf32>
        %add3A_479 = arith.constant 1 : i32
        %add3A_480 = arith.addi %mul3A_235, %add3A_479 : i32
        %get3A_481 = arith.index_cast %add3A_480 : i32 to index
        %get3A_482 = arith.constant 0 : index
        %get3A_483 = tpu.vector_load %arg12[%get3A_481, %get3A_482] {strides = array<i32>} : memref<64x128xf32, #tpu.memory_space<vmem>>, vector<1x16xf32>,
        %get3A_484 = vector.shape_cast %get3A_483 : vector<1x16xf32> to vector<16xf32>
        %add3A_485 = arith.addf %get3A_478, %get3A_484 : vector<16xf32>
        %add3A_486 = arith.constant 1 : i32
        %add3A_487 = arith.addi %mul3A_235, %add3A_486 : i32
        %get3A_488 = arith.index_cast %add3A_487 : i32 to index
        %get3A_489 = arith.constant 0 : index
        %get3A_490 = tpu.vector_load %arg13[%get3A_488, %get3A_489] {strides = array<i32>} : memref<64x128xf32, #tpu.memory_space<vmem>>, vector<1x16xf32>,
        %get3A_491 = vector.shape_cast %get3A_490 : vector<1x16xf32> to vector<16xf32>
        %add3A_492 = arith.addf %add3A_485, %get3A_491 : vector<16xf32>
        %max3A_493 = arith.constant 0.000000e+00 : f32
        %max3A_494 = vector.broadcast %max3A_493 : f32 to vector<16xf32>
        %max3A_495 = arith.maximumf %add3A_492, %max3A_494 : vector<16xf32>
        %add3A_496 = arith.constant 1 : i32
        %add3A_497 = arith.addi %mul3A_235, %add3A_496 : i32
        %swap3A_498 = arith.index_cast %add3A_497 : i32 to index
        %swap3A_499 = arith.constant 0 : index
        %swap3A_500 = tpu.vector_load %arg11[%swap3A_498, %swap3A_499] {strides = array<i32>} : memref<64x128xf32, #tpu.memory_space<vmem>>, vector<1x16xf32>,
        %swap3A_501 = vector.shape_cast %swap3A_500 : vector<1x16xf32> to vector<16xf32>
        %swap3A_502 = vector.shape_cast %max3A_495 : vector<16xf32> to vector<1x16xf32>
        tpu.vector_store %arg11[%swap3A_498, %swap3A_499], %swap3A_502 {strides = array<i32>} : memref<64x128xf32, #tpu.memory_space<vmem>>, vector<1x16xf32>,
        %add3A_503 = arith.constant 1 : i32
        %add3A_504 = arith.addi %mul3A_235, %add3A_503 : i32
        %get3A_505 = arith.index_cast %add3A_504 : i32 to index
        %get3A_506 = arith.constant 16 : index
        %get3A_507 = tpu.vector_load %arg11[%get3A_505, %get3A_506] {strides = array<i32>} : memref<64x128xf32, #tpu.memory_space<vmem>>, vector<1x16xf32>,
        %get3A_508 = vector.shape_cast %get3A_507 : vector<1x16xf32> to vector<16xf32>
        %add3A_509 = arith.constant 1 : i32
        %add3A_510 = arith.addi %mul3A_235, %add3A_509 : i32
        %get3A_511 = arith.index_cast %add3A_510 : i32 to index
        %get3A_512 = arith.constant 16 : index
        %get3A_513 = tpu.vector_load %arg12[%get3A_511, %get3A_512] {strides = array<i32>} : memref<64x128xf32, #tpu.memory_space<vmem>>, vector<1x16xf32>,
        %get3A_514 = vector.shape_cast %get3A_513 : vector<1x16xf32> to vector<16xf32>
        %add3A_515 = arith.addf %get3A_508, %get3A_514 : vector<16xf32>
        %add3A_516 = arith.constant 1 : i32
        %add3A_517 = arith.addi %mul3A_235, %add3A_516 : i32
        %get3A_518 = arith.index_cast %add3A_517 : i32 to index
        %get3A_519 = arith.constant 16 : index
        %get3A_520 = tpu.vector_load %arg13[%get3A_518, %get3A_519] {strides = array<i32>} : memref<64x128xf32, #tpu.memory_space<vmem>>, vector<1x16xf32>,
        %get3A_521 = vector.shape_cast %get3A_520 : vector<1x16xf32> to vector<16xf32>
        %add3A_522 = arith.addf %add3A_515, %get3A_521 : vector<16xf32>
        %max3A_523 = arith.constant 0.000000e+00 : f32
        %max3A_524 = vector.broadcast %max3A_523 : f32 to vector<16xf32>
        %max3A_525 = arith.maximumf %add3A_522, %max3A_524 : vector<16xf32>
        %add3A_526 = arith.constant 1 : i32
        %add3A_527 = arith.addi %mul3A_235, %add3A_526 : i32
        %swap3A_528 = arith.index_cast %add3A_527 : i32 to index
        %swap3A_529 = arith.constant 16 : index
        %swap3A_530 = tpu.vector_load %arg11[%swap3A_528, %swap3A_529] {strides = array<i32>} : memref<64x128xf32, #tpu.memory_space<vmem>>, vector<1x16xf32>,
        %swap3A_531 = vector.shape_cast %swap3A_530 : vector<1x16xf32> to vector<16xf32>
        %swap3A_532 = vector.shape_cast %max3A_525 : vector<16xf32> to vector<1x16xf32>
        tpu.vector_store %arg11[%swap3A_528, %swap3A_529], %swap3A_532 {strides = array<i32>} : memref<64x128xf32, #tpu.memory_space<vmem>>, vector<1x16xf32>,
        %add3A_533 = arith.constant 1 : i32
        %add3A_534 = arith.addi %mul3A_235, %add3A_533 : i32
        %get3A_535 = arith.index_cast %add3A_534 : i32 to index
        %get3A_536 = arith.constant 32 : index
        %get3A_537 = tpu.vector_load %arg11[%get3A_535, %get3A_536] {strides = array<i32>} : memref<64x128xf32, #tpu.memory_space<vmem>>, vector<1x16xf32>,
        %get3A_538 = vector.shape_cast %get3A_537 : vector<1x16xf32> to vector<16xf32>
        %add3A_539 = arith.constant 1 : i32
        %add3A_540 = arith.addi %mul3A_235, %add3A_539 : i32
        %get3A_541 = arith.index_cast %add3A_540 : i32 to index
        %get3A_542 = arith.constant 32 : index
        %get3A_543 = tpu.vector_load %arg12[%get3A_541, %get3A_542] {strides = array<i32>} : memref<64x128xf32, #tpu.memory_space<vmem>>, vector<1x16xf32>,
        %get3A_544 = vector.shape_cast %get3A_543 : vector<1x16xf32> to vector<16xf32>
        %add3A_545 = arith.addf %get3A_538, %get3A_544 : vector<16xf32>
        %add3A_546 = arith.constant 1 : i32
        %add3A_547 = arith.addi %mul3A_235, %add3A_546 : i32
        %get3A_548 = arith.index_cast %add3A_547 : i32 to index
        %get3A_549 = arith.constant 32 : index
        %get3A_550 = tpu.vector_load %arg13[%get3A_548, %get3A_549] {strides = array<i32>} : memref<64x128xf32, #tpu.memory_space<vmem>>, vector<1x16xf32>,
        %get3A_551 = vector.shape_cast %get3A_550 : vector<1x16xf32> to vector<16xf32>
        %add3A_552 = arith.addf %add3A_545, %get3A_551 : vector<16xf32>
        %max3A_553 = arith.constant 0.000000e+00 : f32
        %max3A_554 = vector.broadcast %max3A_553 : f32 to vector<16xf32>
        %max3A_555 = arith.maximumf %add3A_552, %max3A_554 : vector<16xf32>
        %add3A_556 = arith.constant 1 : i32
        %add3A_557 = arith.addi %mul3A_235, %add3A_556 : i32
        %swap3A_558 = arith.index_cast %add3A_557 : i32 to index
        %swap3A_559 = arith.constant 32 : index
        %swap3A_560 = tpu.vector_load %arg11[%swap3A_558, %swap3A_559] {strides = array<i32>} : memref<64x128xf32, #tpu.memory_space<vmem>>, vector<1x16xf32>,
        %swap3A_561 = vector.shape_cast %swap3A_560 : vector<1x16xf32> to vector<16xf32>
        %swap3A_562 = vector.shape_cast %max3A_555 : vector<16xf32> to vector<1x16xf32>
        tpu.vector_store %arg11[%swap3A_558, %swap3A_559], %swap3A_562 {strides = array<i32>} : memref<64x128xf32, #tpu.memory_space<vmem>>, vector<1x16xf32>,
        %add3A_563 = arith.constant 1 : i32
        %add3A_564 = arith.addi %mul3A_235, %add3A_563 : i32
        %get3A_565 = arith.index_cast %add3A_564 : i32 to index
        %get3A_566 = arith.constant 48 : index
        %get3A_567 = tpu.vector_load %arg11[%get3A_565, %get3A_566] {strides = array<i32>} : memref<64x128xf32, #tpu.memory_space<vmem>>, vector<1x16xf32>,
        %get3A_568 = vector.shape_cast %get3A_567 : vector<1x16xf32> to vector<16xf32>
        %add3A_569 = arith.constant 1 : i32
        %add3A_570 = arith.addi %mul3A_235, %add3A_569 : i32
        %get3A_571 = arith.index_cast %add3A_570 : i32 to index
        %get3A_572 = arith.constant 48 : index
        %get3A_573 = tpu.vector_load %arg12[%get3A_571, %get3A_572] {strides = array<i32>} : memref<64x128xf32, #tpu.memory_space<vmem>>, vector<1x16xf32>,
        %get3A_574 = vector.shape_cast %get3A_573 : vector<1x16xf32> to vector<16xf32>
        %add3A_575 = arith.addf %get3A_568, %get3A_574 : vector<16xf32>
        %add3A_576 = arith.constant 1 : i32
        %add3A_577 = arith.addi %mul3A_235, %add3A_576 : i32
        %get3A_578 = arith.index_cast %add3A_577 : i32 to index
        %get3A_579 = arith.constant 48 : index
        %get3A_580 = tpu.vector_load %arg13[%get3A_578, %get3A_579] {strides = array<i32>} : memref<64x128xf32, #tpu.memory_space<vmem>>, vector<1x16xf32>,
        %get3A_581 = vector.shape_cast %get3A_580 : vector<1x16xf32> to vector<16xf32>
        %add3A_582 = arith.addf %add3A_575, %get3A_581 : vector<16xf32>
        %max3A_583 = arith.constant 0.000000e+00 : f32
        %max3A_584 = vector.broadcast %max3A_583 : f32 to vector<16xf32>
        %max3A_585 = arith.maximumf %add3A_582, %max3A_584 : vector<16xf32>
        %add3A_586 = arith.constant 1 : i32
        %add3A_587 = arith.addi %mul3A_235, %add3A_586 : i32
        %swap3A_588 = arith.index_cast %add3A_587 : i32 to index
        %swap3A_589 = arith.constant 48 : index
        %swap3A_590 = tpu.vector_load %arg11[%swap3A_588, %swap3A_589] {strides = array<i32>} : memref<64x128xf32, #tpu.memory_space<vmem>>, vector<1x16xf32>,
        %swap3A_591 = vector.shape_cast %swap3A_590 : vector<1x16xf32> to vector<16xf32>
        %swap3A_592 = vector.shape_cast %max3A_585 : vector<16xf32> to vector<1x16xf32>
        tpu.vector_store %arg11[%swap3A_588, %swap3A_589], %swap3A_592 {strides = array<i32>} : memref<64x128xf32, #tpu.memory_space<vmem>>, vector<1x16xf32>,
        %add3A_593 = arith.constant 1 : i32
        %add3A_594 = arith.addi %mul3A_235, %add3A_593 : i32
        %get3A_595 = arith.index_cast %add3A_594 : i32 to index
        %get3A_596 = arith.constant 64 : index
        %get3A_597 = tpu.vector_load %arg11[%get3A_595, %get3A_596] {strides = array<i32>} : memref<64x128xf32, #tpu.memory_space<vmem>>, vector<1x16xf32>,
        %get3A_598 = vector.shape_cast %get3A_597 : vector<1x16xf32> to vector<16xf32>
        %add3A_599 = arith.constant 1 : i32
        %add3A_600 = arith.addi %mul3A_235, %add3A_599 : i32
        %get3A_601 = arith.index_cast %add3A_600 : i32 to index
        %get3A_602 = arith.constant 64 : index
        %get3A_603 = tpu.vector_load %arg12[%get3A_601, %get3A_602] {strides = array<i32>} : memref<64x128xf32, #tpu.memory_space<vmem>>, vector<1x16xf32>,
        %get3A_604 = vector.shape_cast %get3A_603 : vector<1x16xf32> to vector<16xf32>
        %add3A_605 = arith.addf %get3A_598, %get3A_604 : vector<16xf32>
        %add3A_606 = arith.constant 1 : i32
        %add3A_607 = arith.addi %mul3A_235, %add3A_606 : i32
        %get3A_608 = arith.index_cast %add3A_607 : i32 to index
        %get3A_609 = arith.constant 64 : index
        %get3A_610 = tpu.vector_load %arg13[%get3A_608, %get3A_609] {strides = array<i32>} : memref<64x128xf32, #tpu.memory_space<vmem>>, vector<1x16xf32>,
        %get3A_611 = vector.shape_cast %get3A_610 : vector<1x16xf32> to vector<16xf32>
        %add3A_612 = arith.addf %add3A_605, %get3A_611 : vector<16xf32>
        %max3A_613 = arith.constant 0.000000e+00 : f32
        %max3A_614 = vector.broadcast %max3A_613 : f32 to vector<16xf32>
        %max3A_615 = arith.maximumf %add3A_612, %max3A_614 : vector<16xf32>
        %add3A_616 = arith.constant 1 : i32
        %add3A_617 = arith.addi %mul3A_235, %add3A_616 : i32
        %swap3A_618 = arith.index_cast %add3A_617 : i32 to index
        %swap3A_619 = arith.constant 64 : index
        %swap3A_620 = tpu.vector_load %arg11[%swap3A_618, %swap3A_619] {strides = array<i32>} : memref<64x128xf32, #tpu.memory_space<vmem>>, vector<1x16xf32>,
        %swap3A_621 = vector.shape_cast %swap3A_620 : vector<1x16xf32> to vector<16xf32>
        %swap3A_622 = vector.shape_cast %max3A_615 : vector<16xf32> to vector<1x16xf32>
        tpu.vector_store %arg11[%swap3A_618, %swap3A_619], %swap3A_622 {strides = array<i32>} : memref<64x128xf32, #tpu.memory_space<vmem>>, vector<1x16xf32>,
        %add3A_623 = arith.constant 1 : i32
        %add3A_624 = arith.addi %mul3A_235, %add3A_623 : i32
        %get3A_625 = arith.index_cast %add3A_624 : i32 to index
        %get3A_626 = arith.constant 80 : index
        %get3A_627 = tpu.vector_load %arg11[%get3A_625, %get3A_626] {strides = array<i32>} : memref<64x128xf32, #tpu.memory_space<vmem>>, vector<1x16xf32>,
        %get3A_628 = vector.shape_cast %get3A_627 : vector<1x16xf32> to vector<16xf32>
        %add3A_629 = arith.constant 1 : i32
        %add3A_630 = arith.addi %mul3A_235, %add3A_629 : i32
        %get3A_631 = arith.index_cast %add3A_630 : i32 to index
        %get3A_632 = arith.constant 80 : index
        %get3A_633 = tpu.vector_load %arg12[%get3A_631, %get3A_632] {strides = array<i32>} : memref<64x128xf32, #tpu.memory_space<vmem>>, vector<1x16xf32>,
        %get3A_634 = vector.shape_cast %get3A_633 : vector<1x16xf32> to vector<16xf32>
        %add3A_635 = arith.addf %get3A_628, %get3A_634 : vector<16xf32>
        %add3A_636 = arith.constant 1 : i32
        %add3A_637 = arith.addi %mul3A_235, %add3A_636 : i32
        %get3A_638 = arith.index_cast %add3A_637 : i32 to index
        %get3A_639 = arith.constant 80 : index
        %get3A_640 = tpu.vector_load %arg13[%get3A_638, %get3A_639] {strides = array<i32>} : memref<64x128xf32, #tpu.memory_space<vmem>>, vector<1x16xf32>,
        %get3A_641 = vector.shape_cast %get3A_640 : vector<1x16xf32> to vector<16xf32>
        %add3A_642 = arith.addf %add3A_635, %get3A_641 : vector<16xf32>
        %max3A_643 = arith.constant 0.000000e+00 : f32
        %max3A_644 = vector.broadcast %max3A_643 : f32 to vector<16xf32>
        %max3A_645 = arith.maximumf %add3A_642, %max3A_644 : vector<16xf32>
        %add3A_646 = arith.constant 1 : i32
        %add3A_647 = arith.addi %mul3A_235, %add3A_646 : i32
        %swap3A_648 = arith.index_cast %add3A_647 : i32 to index
        %swap3A_649 = arith.constant 80 : index
        %swap3A_650 = tpu.vector_load %arg11[%swap3A_648, %swap3A_649] {strides = array<i32>} : memref<64x128xf32, #tpu.memory_space<vmem>>, vector<1x16xf32>,
        %swap3A_651 = vector.shape_cast %swap3A_650 : vector<1x16xf32> to vector<16xf32>
        %swap3A_652 = vector.shape_cast %max3A_645 : vector<16xf32> to vector<1x16xf32>
        tpu.vector_store %arg11[%swap3A_648, %swap3A_649], %swap3A_652 {strides = array<i32>} : memref<64x128xf32, #tpu.memory_space<vmem>>, vector<1x16xf32>,
        %add3A_653 = arith.constant 1 : i32
        %add3A_654 = arith.addi %mul3A_235, %add3A_653 : i32
        %get3A_655 = arith.index_cast %add3A_654 : i32 to index
        %get3A_656 = arith.constant 96 : index
        %get3A_657 = tpu.vector_load %arg11[%get3A_655, %get3A_656] {strides = array<i32>} : memref<64x128xf32, #tpu.memory_space<vmem>>, vector<1x16xf32>,
        %get3A_658 = vector.shape_cast %get3A_657 : vector<1x16xf32> to vector<16xf32>
        %add3A_659 = arith.constant 1 : i32
        %add3A_660 = arith.addi %mul3A_235, %add3A_659 : i32
        %get3A_661 = arith.index_cast %add3A_660 : i32 to index
        %get3A_662 = arith.constant 96 : index
        %get3A_663 = tpu.vector_load %arg12[%get3A_661, %get3A_662] {strides = array<i32>} : memref<64x128xf32, #tpu.memory_space<vmem>>, vector<1x16xf32>,
        %get3A_664 = vector.shape_cast %get3A_663 : vector<1x16xf32> to vector<16xf32>
        %add3A_665 = arith.addf %get3A_658, %get3A_664 : vector<16xf32>
        %add3A_666 = arith.constant 1 : i32
        %add3A_667 = arith.addi %mul3A_235, %add3A_666 : i32
        %get3A_668 = arith.index_cast %add3A_667 : i32 to index
        %get3A_669 = arith.constant 96 : index
        %get3A_670 = tpu.vector_load %arg13[%get3A_668, %get3A_669] {strides = array<i32>} : memref<64x128xf32, #tpu.memory_space<vmem>>, vector<1x16xf32>,
        %get3A_671 = vector.shape_cast %get3A_670 : vector<1x16xf32> to vector<16xf32>
        %add3A_672 = arith.addf %add3A_665, %get3A_671 : vector<16xf32>
        %max3A_673 = arith.constant 0.000000e+00 : f32
        %max3A_674 = vector.broadcast %max3A_673 : f32 to vector<16xf32>
        %max3A_675 = arith.maximumf %add3A_672, %max3A_674 : vector<16xf32>
        %add3A_676 = arith.constant 1 : i32
        %add3A_677 = arith.addi %mul3A_235, %add3A_676 : i32
        %swap3A_678 = arith.index_cast %add3A_677 : i32 to index
        %swap3A_679 = arith.constant 96 : index
        %swap3A_680 = tpu.vector_load %arg11[%swap3A_678, %swap3A_679] {strides = array<i32>} : memref<64x128xf32, #tpu.memory_space<vmem>>, vector<1x16xf32>,
        %swap3A_681 = vector.shape_cast %swap3A_680 : vector<1x16xf32> to vector<16xf32>
        %swap3A_682 = vector.shape_cast %max3A_675 : vector<16xf32> to vector<1x16xf32>
        tpu.vector_store %arg11[%swap3A_678, %swap3A_679], %swap3A_682 {strides = array<i32>} : memref<64x128xf32, #tpu.memory_space<vmem>>, vector<1x16xf32>,
        %add3A_683 = arith.constant 1 : i32
        %add3A_684 = arith.addi %mul3A_235, %add3A_683 : i32
        %get3A_685 = arith.index_cast %add3A_684 : i32 to index
        %get3A_686 = arith.constant 112 : index
        %get3A_687 = tpu.vector_load %arg11[%get3A_685, %get3A_686] {strides = array<i32>} : memref<64x128xf32, #tpu.memory_space<vmem>>, vector<1x16xf32>,
        %get3A_688 = vector.shape_cast %get3A_687 : vector<1x16xf32> to vector<16xf32>
        %add3A_689 = arith.constant 1 : i32
        %add3A_690 = arith.addi %mul3A_235, %add3A_689 : i32
        %get3A_691 = arith.index_cast %add3A_690 : i32 to index
        %get3A_692 = arith.constant 112 : index
        %get3A_693 = tpu.vector_load %arg12[%get3A_691, %get3A_692] {strides = array<i32>} : memref<64x128xf32, #tpu.memory_space<vmem>>, vector<1x16xf32>,
        %get3A_694 = vector.shape_cast %get3A_693 : vector<1x16xf32> to vector<16xf32>
        %add3A_695 = arith.addf %get3A_688, %get3A_694 : vector<16xf32>
        %add3A_696 = arith.constant 1 : i32
        %add3A_697 = arith.addi %mul3A_235, %add3A_696 : i32
        %get3A_698 = arith.index_cast %add3A_697 : i32 to index
        %get3A_699 = arith.constant 112 : index
        %get3A_700 = tpu.vector_load %arg13[%get3A_698, %get3A_699] {strides = array<i32>} : memref<64x128xf32, #tpu.memory_space<vmem>>, vector<1x16xf32>,
        %get3A_701 = vector.shape_cast %get3A_700 : vector<1x16xf32> to vector<16xf32>
        %add3A_702 = arith.addf %add3A_695, %get3A_701 : vector<16xf32>
        %max3A_703 = arith.constant 0.000000e+00 : f32
        %max3A_704 = vector.broadcast %max3A_703 : f32 to vector<16xf32>
        %max3A_705 = arith.maximumf %add3A_702, %max3A_704 : vector<16xf32>
        %add3A_706 = arith.constant 1 : i32
        %add3A_707 = arith.addi %mul3A_235, %add3A_706 : i32
        %swap3A_708 = arith.index_cast %add3A_707 : i32 to index
        %swap3A_709 = arith.constant 112 : index
        %swap3A_710 = tpu.vector_load %arg11[%swap3A_708, %swap3A_709] {strides = array<i32>} : memref<64x128xf32, #tpu.memory_space<vmem>>, vector<1x16xf32>,
        %swap3A_711 = vector.shape_cast %swap3A_710 : vector<1x16xf32> to vector<16xf32>
        %swap3A_712 = vector.shape_cast %max3A_705 : vector<16xf32> to vector<1x16xf32>
        tpu.vector_store %arg11[%swap3A_708, %swap3A_709], %swap3A_712 {strides = array<i32>} : memref<64x128xf32, #tpu.memory_space<vmem>>, vector<1x16xf32>,
        %add3A_713 = arith.constant 2 : i32
        %add3A_714 = arith.addi %mul3A_235, %add3A_713 : i32
        %get3A_715 = arith.index_cast %add3A_714 : i32 to index
        %get3A_716 = arith.constant 0 : index
        %get3A_717 = tpu.vector_load %arg11[%get3A_715, %get3A_716] {strides = array<i32>} : memref<64x128xf32, #tpu.memory_space<vmem>>, vector<1x16xf32>,
        %get3A_718 = vector.shape_cast %get3A_717 : vector<1x16xf32> to vector<16xf32>
        %add3A_719 = arith.constant 2 : i32
        %add3A_720 = arith.addi %mul3A_235, %add3A_719 : i32
        %get3A_721 = arith.index_cast %add3A_720 : i32 to index
        %get3A_722 = arith.constant 0 : index
        %get3A_723 = tpu.vector_load %arg12[%get3A_721, %get3A_722] {strides = array<i32>} : memref<64x128xf32, #tpu.memory_space<vmem>>, vector<1x16xf32>,
        %get3A_724 = vector.shape_cast %get3A_723 : vector<1x16xf32> to vector<16xf32>
        %add3A_725 = arith.addf %get3A_718, %get3A_724 : vector<16xf32>
        %add3A_726 = arith.constant 2 : i32
        %add3A_727 = arith.addi %mul3A_235, %add3A_726 : i32
        %get3A_728 = arith.index_cast %add3A_727 : i32 to index
        %get3A_729 = arith.constant 0 : index
        %get3A_730 = tpu.vector_load %arg13[%get3A_728, %get3A_729] {strides = array<i32>} : memref<64x128xf32, #tpu.memory_space<vmem>>, vector<1x16xf32>,
        %get3A_731 = vector.shape_cast %get3A_730 : vector<1x16xf32> to vector<16xf32>
        %add3A_732 = arith.addf %add3A_725, %get3A_731 : vector<16xf32>
        %max3A_733 = arith.constant 0.000000e+00 : f32
        %max3A_734 = vector.broadcast %max3A_733 : f32 to vector<16xf32>
        %max3A_735 = arith.maximumf %add3A_732, %max3A_734 : vector<16xf32>
        %add3A_736 = arith.constant 2 : i32
        %add3A_737 = arith.addi %mul3A_235, %add3A_736 : i32
        %swap3A_738 = arith.index_cast %add3A_737 : i32 to index
        %swap3A_739 = arith.constant 0 : index
        %swap3A_740 = tpu.vector_load %arg11[%swap3A_738, %swap3A_739] {strides = array<i32>} : memref<64x128xf32, #tpu.memory_space<vmem>>, vector<1x16xf32>,
        %swap3A_741 = vector.shape_cast %swap3A_740 : vector<1x16xf32> to vector<16xf32>
        %swap3A_742 = vector.shape_cast %max3A_735 : vector<16xf32> to vector<1x16xf32>
        tpu.vector_store %arg11[%swap3A_738, %swap3A_739], %swap3A_742 {strides = array<i32>} : memref<64x128xf32, #tpu.memory_space<vmem>>, vector<1x16xf32>,
        %add3A_743 = arith.constant 2 : i32
        %add3A_744 = arith.addi %mul3A_235, %add3A_743 : i32
        %get3A_745 = arith.index_cast %add3A_744 : i32 to index
        %get3A_746 = arith.constant 16 : index
        %get3A_747 = tpu.vector_load %arg11[%get3A_745, %get3A_746] {strides = array<i32>} : memref<64x128xf32, #tpu.memory_space<vmem>>, vector<1x16xf32>,
        %get3A_748 = vector.shape_cast %get3A_747 : vector<1x16xf32> to vector<16xf32>
        %add3A_749 = arith.constant 2 : i32
        %add3A_750 = arith.addi %mul3A_235, %add3A_749 : i32
        %get3A_751 = arith.index_cast %add3A_750 : i32 to index
        %get3A_752 = arith.constant 16 : index
        %get3A_753 = tpu.vector_load %arg12[%get3A_751, %get3A_752] {strides = array<i32>} : memref<64x128xf32, #tpu.memory_space<vmem>>, vector<1x16xf32>,
        %get3A_754 = vector.shape_cast %get3A_753 : vector<1x16xf32> to vector<16xf32>
        %add3A_755 = arith.addf %get3A_748, %get3A_754 : vector<16xf32>
        %add3A_756 = arith.constant 2 : i32
        %add3A_757 = arith.addi %mul3A_235, %add3A_756 : i32
        %get3A_758 = arith.index_cast %add3A_757 : i32 to index
        %get3A_759 = arith.constant 16 : index
        %get3A_760 = tpu.vector_load %arg13[%get3A_758, %get3A_759] {strides = array<i32>} : memref<64x128xf32, #tpu.memory_space<vmem>>, vector<1x16xf32>,
        %get3A_761 = vector.shape_cast %get3A_760 : vector<1x16xf32> to vector<16xf32>
        %add3A_762 = arith.addf %add3A_755, %get3A_761 : vector<16xf32>
        %max3A_763 = arith.constant 0.000000e+00 : f32
        %max3A_764 = vector.broadcast %max3A_763 : f32 to vector<16xf32>
        %max3A_765 = arith.maximumf %add3A_762, %max3A_764 : vector<16xf32>
        %add3A_766 = arith.constant 2 : i32
        %add3A_767 = arith.addi %mul3A_235, %add3A_766 : i32
        %swap3A_768 = arith.index_cast %add3A_767 : i32 to index
        %swap3A_769 = arith.constant 16 : index
        %swap3A_770 = tpu.vector_load %arg11[%swap3A_768, %swap3A_769] {strides = array<i32>} : memref<64x128xf32, #tpu.memory_space<vmem>>, vector<1x16xf32>,
        %swap3A_771 = vector.shape_cast %swap3A_770 : vector<1x16xf32> to vector<16xf32>
        %swap3A_772 = vector.shape_cast %max3A_765 : vector<16xf32> to vector<1x16xf32>
        tpu.vector_store %arg11[%swap3A_768, %swap3A_769], %swap3A_772 {strides = array<i32>} : memref<64x128xf32, #tpu.memory_space<vmem>>, vector<1x16xf32>,
        %add3A_773 = arith.constant 2 : i32
        %add3A_774 = arith.addi %mul3A_235, %add3A_773 : i32
        %get3A_775 = arith.index_cast %add3A_774 : i32 to index
        %get3A_776 = arith.constant 32 : index
        %get3A_777 = tpu.vector_load %arg11[%get3A_775, %get3A_776] {strides = array<i32>} : memref<64x128xf32, #tpu.memory_space<vmem>>, vector<1x16xf32>,
        %get3A_778 = vector.shape_cast %get3A_777 : vector<1x16xf32> to vector<16xf32>
        %add3A_779 = arith.constant 2 : i32
        %add3A_780 = arith.addi %mul3A_235, %add3A_779 : i32
        %get3A_781 = arith.index_cast %add3A_780 : i32 to index
        %get3A_782 = arith.constant 32 : index
        %get3A_783 = tpu.vector_load %arg12[%get3A_781, %get3A_782] {strides = array<i32>} : memref<64x128xf32, #tpu.memory_space<vmem>>, vector<1x16xf32>,
        %get3A_784 = vector.shape_cast %get3A_783 : vector<1x16xf32> to vector<16xf32>
        %add3A_785 = arith.addf %get3A_778, %get3A_784 : vector<16xf32>
        %add3A_786 = arith.constant 2 : i32
        %add3A_787 = arith.addi %mul3A_235, %add3A_786 : i32
        %get3A_788 = arith.index_cast %add3A_787 : i32 to index
        %get3A_789 = arith.constant 32 : index
        %get3A_790 = tpu.vector_load %arg13[%get3A_788, %get3A_789] {strides = array<i32>} : memref<64x128xf32, #tpu.memory_space<vmem>>, vector<1x16xf32>,
        %get3A_791 = vector.shape_cast %get3A_790 : vector<1x16xf32> to vector<16xf32>
        %add3A_792 = arith.addf %add3A_785, %get3A_791 : vector<16xf32>
        %max3A_793 = arith.constant 0.000000e+00 : f32
        %max3A_794 = vector.broadcast %max3A_793 : f32 to vector<16xf32>
        %max3A_795 = arith.maximumf %add3A_792, %max3A_794 : vector<16xf32>
        %add3A_796 = arith.constant 2 : i32
        %add3A_797 = arith.addi %mul3A_235, %add3A_796 : i32
        %swap3A_798 = arith.index_cast %add3A_797 : i32 to index
        %swap3A_799 = arith.constant 32 : index
        %swap3A_800 = tpu.vector_load %arg11[%swap3A_798, %swap3A_799] {strides = array<i32>} : memref<64x128xf32, #tpu.memory_space<vmem>>, vector<1x16xf32>,
        %swap3A_801 = vector.shape_cast %swap3A_800 : vector<1x16xf32> to vector<16xf32>
        %swap3A_802 = vector.shape_cast %max3A_795 : vector<16xf32> to vector<1x16xf32>
        tpu.vector_store %arg11[%swap3A_798, %swap3A_799], %swap3A_802 {strides = array<i32>} : memref<64x128xf32, #tpu.memory_space<vmem>>, vector<1x16xf32>,
        %add3A_803 = arith.constant 2 : i32
        %add3A_804 = arith.addi %mul3A_235, %add3A_803 : i32
        %get3A_805 = arith.index_cast %add3A_804 : i32 to index
        %get3A_806 = arith.constant 48 : index
        %get3A_807 = tpu.vector_load %arg11[%get3A_805, %get3A_806] {strides = array<i32>} : memref<64x128xf32, #tpu.memory_space<vmem>>, vector<1x16xf32>,
        %get3A_808 = vector.shape_cast %get3A_807 : vector<1x16xf32> to vector<16xf32>
        %add3A_809 = arith.constant 2 : i32
        %add3A_810 = arith.addi %mul3A_235, %add3A_809 : i32
        %get3A_811 = arith.index_cast %add3A_810 : i32 to index
        %get3A_812 = arith.constant 48 : index
        %get3A_813 = tpu.vector_load %arg12[%get3A_811, %get3A_812] {strides = array<i32>} : memref<64x128xf32, #tpu.memory_space<vmem>>, vector<1x16xf32>,
        %get3A_814 = vector.shape_cast %get3A_813 : vector<1x16xf32> to vector<16xf32>
        %add3A_815 = arith.addf %get3A_808, %get3A_814 : vector<16xf32>
        %add3A_816 = arith.constant 2 : i32
        %add3A_817 = arith.addi %mul3A_235, %add3A_816 : i32
        %get3A_818 = arith.index_cast %add3A_817 : i32 to index
        %get3A_819 = arith.constant 48 : index
        %get3A_820 = tpu.vector_load %arg13[%get3A_818, %get3A_819] {strides = array<i32>} : memref<64x128xf32, #tpu.memory_space<vmem>>, vector<1x16xf32>,
        %get3A_821 = vector.shape_cast %get3A_820 : vector<1x16xf32> to vector<16xf32>
        %add3A_822 = arith.addf %add3A_815, %get3A_821 : vector<16xf32>
        %max3A_823 = arith.constant 0.000000e+00 : f32
        %max3A_824 = vector.broadcast %max3A_823 : f32 to vector<16xf32>
        %max3A_825 = arith.maximumf %add3A_822, %max3A_824 : vector<16xf32>
        %add3A_826 = arith.constant 2 : i32
        %add3A_827 = arith.addi %mul3A_235, %add3A_826 : i32
        %swap3A_828 = arith.index_cast %add3A_827 : i32 to index
        %swap3A_829 = arith.constant 48 : index
        %swap3A_830 = tpu.vector_load %arg11[%swap3A_828, %swap3A_829] {strides = array<i32>} : memref<64x128xf32, #tpu.memory_space<vmem>>, vector<1x16xf32>,
        %swap3A_831 = vector.shape_cast %swap3A_830 : vector<1x16xf32> to vector<16xf32>
        %swap3A_832 = vector.shape_cast %max3A_825 : vector<16xf32> to vector<1x16xf32>
        tpu.vector_store %arg11[%swap3A_828, %swap3A_829], %swap3A_832 {strides = array<i32>} : memref<64x128xf32, #tpu.memory_space<vmem>>, vector<1x16xf32>,
        %add3A_833 = arith.constant 2 : i32
        %add3A_834 = arith.addi %mul3A_235, %add3A_833 : i32
        %get3A_835 = arith.index_cast %add3A_834 : i32 to index
        %get3A_836 = arith.constant 64 : index
        %get3A_837 = tpu.vector_load %arg11[%get3A_835, %get3A_836] {strides = array<i32>} : memref<64x128xf32, #tpu.memory_space<vmem>>, vector<1x16xf32>,
        %get3A_838 = vector.shape_cast %get3A_837 : vector<1x16xf32> to vector<16xf32>
        %add3A_839 = arith.constant 2 : i32
        %add3A_840 = arith.addi %mul3A_235, %add3A_839 : i32
        %get3A_841 = arith.index_cast %add3A_840 : i32 to index
        %get3A_842 = arith.constant 64 : index
        %get3A_843 = tpu.vector_load %arg12[%get3A_841, %get3A_842] {strides = array<i32>} : memref<64x128xf32, #tpu.memory_space<vmem>>, vector<1x16xf32>,
        %get3A_844 = vector.shape_cast %get3A_843 : vector<1x16xf32> to vector<16xf32>
        %add3A_845 = arith.addf %get3A_838, %get3A_844 : vector<16xf32>
        %add3A_846 = arith.constant 2 : i32
        %add3A_847 = arith.addi %mul3A_235, %add3A_846 : i32
        %get3A_848 = arith.index_cast %add3A_847 : i32 to index
        %get3A_849 = arith.constant 64 : index
        %get3A_850 = tpu.vector_load %arg13[%get3A_848, %get3A_849] {strides = array<i32>} : memref<64x128xf32, #tpu.memory_space<vmem>>, vector<1x16xf32>,
        %get3A_851 = vector.shape_cast %get3A_850 : vector<1x16xf32> to vector<16xf32>
        %add3A_852 = arith.addf %add3A_845, %get3A_851 : vector<16xf32>
        %max3A_853 = arith.constant 0.000000e+00 : f32
        %max3A_854 = vector.broadcast %max3A_853 : f32 to vector<16xf32>
        %max3A_855 = arith.maximumf %add3A_852, %max3A_854 : vector<16xf32>
        %add3A_856 = arith.constant 2 : i32
        %add3A_857 = arith.addi %mul3A_235, %add3A_856 : i32
        %swap3A_858 = arith.index_cast %add3A_857 : i32 to index
        %swap3A_859 = arith.constant 64 : index
        %swap3A_860 = tpu.vector_load %arg11[%swap3A_858, %swap3A_859] {strides = array<i32>} : memref<64x128xf32, #tpu.memory_space<vmem>>, vector<1x16xf32>,
        %swap3A_861 = vector.shape_cast %swap3A_860 : vector<1x16xf32> to vector<16xf32>
        %swap3A_862 = vector.shape_cast %max3A_855 : vector<16xf32> to vector<1x16xf32>
        tpu.vector_store %arg11[%swap3A_858, %swap3A_859], %swap3A_862 {strides = array<i32>} : memref<64x128xf32, #tpu.memory_space<vmem>>, vector<1x16xf32>,
        %add3A_863 = arith.constant 2 : i32
        %add3A_864 = arith.addi %mul3A_235, %add3A_863 : i32
        %get3A_865 = arith.index_cast %add3A_864 : i32 to index
        %get3A_866 = arith.constant 80 : index
        %get3A_867 = tpu.vector_load %arg11[%get3A_865, %get3A_866] {strides = array<i32>} : memref<64x128xf32, #tpu.memory_space<vmem>>, vector<1x16xf32>,
        %get3A_868 = vector.shape_cast %get3A_867 : vector<1x16xf32> to vector<16xf32>
        %add3A_869 = arith.constant 2 : i32
        %add3A_870 = arith.addi %mul3A_235, %add3A_869 : i32
        %get3A_871 = arith.index_cast %add3A_870 : i32 to index
        %get3A_872 = arith.constant 80 : index
        %get3A_873 = tpu.vector_load %arg12[%get3A_871, %get3A_872] {strides = array<i32>} : memref<64x128xf32, #tpu.memory_space<vmem>>, vector<1x16xf32>,
        %get3A_874 = vector.shape_cast %get3A_873 : vector<1x16xf32> to vector<16xf32>
        %add3A_875 = arith.addf %get3A_868, %get3A_874 : vector<16xf32>
        %add3A_876 = arith.constant 2 : i32
        %add3A_877 = arith.addi %mul3A_235, %add3A_876 : i32
        %get3A_878 = arith.index_cast %add3A_877 : i32 to index
        %get3A_879 = arith.constant 80 : index
        %get3A_880 = tpu.vector_load %arg13[%get3A_878, %get3A_879] {strides = array<i32>} : memref<64x128xf32, #tpu.memory_space<vmem>>, vector<1x16xf32>,
        %get3A_881 = vector.shape_cast %get3A_880 : vector<1x16xf32> to vector<16xf32>
        %add3A_882 = arith.addf %add3A_875, %get3A_881 : vector<16xf32>
        %max3A_883 = arith.constant 0.000000e+00 : f32
        %max3A_884 = vector.broadcast %max3A_883 : f32 to vector<16xf32>
        %max3A_885 = arith.maximumf %add3A_882, %max3A_884 : vector<16xf32>
        %add3A_886 = arith.constant 2 : i32
        %add3A_887 = arith.addi %mul3A_235, %add3A_886 : i32
        %swap3A_888 = arith.index_cast %add3A_887 : i32 to index
        %swap3A_889 = arith.constant 80 : index
        %swap3A_890 = tpu.vector_load %arg11[%swap3A_888, %swap3A_889] {strides = array<i32>} : memref<64x128xf32, #tpu.memory_space<vmem>>, vector<1x16xf32>,
        %swap3A_891 = vector.shape_cast %swap3A_890 : vector<1x16xf32> to vector<16xf32>
        %swap3A_892 = vector.shape_cast %max3A_885 : vector<16xf32> to vector<1x16xf32>
        tpu.vector_store %arg11[%swap3A_888, %swap3A_889], %swap3A_892 {strides = array<i32>} : memref<64x128xf32, #tpu.memory_space<vmem>>, vector<1x16xf32>,
        %add3A_893 = arith.constant 2 : i32
        %add3A_894 = arith.addi %mul3A_235, %add3A_893 : i32
        %get3A_895 = arith.index_cast %add3A_894 : i32 to index
        %get3A_896 = arith.constant 96 : index
        %get3A_897 = tpu.vector_load %arg11[%get3A_895, %get3A_896] {strides = array<i32>} : memref<64x128xf32, #tpu.memory_space<vmem>>, vector<1x16xf32>,
        %get3A_898 = vector.shape_cast %get3A_897 : vector<1x16xf32> to vector<16xf32>
        %add3A_899 = arith.constant 2 : i32
        %add3A_900 = arith.addi %mul3A_235, %add3A_899 : i32
        %get3A_901 = arith.index_cast %add3A_900 : i32 to index
        %get3A_902 = arith.constant 96 : index
        %get3A_903 = tpu.vector_load %arg12[%get3A_901, %get3A_902] {strides = array<i32>} : memref<64x128xf32, #tpu.memory_space<vmem>>, vector<1x16xf32>,
        %get3A_904 = vector.shape_cast %get3A_903 : vector<1x16xf32> to vector<16xf32>
        %add3A_905 = arith.addf %get3A_898, %get3A_904 : vector<16xf32>
        %add3A_906 = arith.constant 2 : i32
        %add3A_907 = arith.addi %mul3A_235, %add3A_906 : i32
        %get3A_908 = arith.index_cast %add3A_907 : i32 to index
        %get3A_909 = arith.constant 96 : index
        %get3A_910 = tpu.vector_load %arg13[%get3A_908, %get3A_909] {strides = array<i32>} : memref<64x128xf32, #tpu.memory_space<vmem>>, vector<1x16xf32>,
        %get3A_911 = vector.shape_cast %get3A_910 : vector<1x16xf32> to vector<16xf32>
        %add3A_912 = arith.addf %add3A_905, %get3A_911 : vector<16xf32>
        %max3A_913 = arith.constant 0.000000e+00 : f32
        %max3A_914 = vector.broadcast %max3A_913 : f32 to vector<16xf32>
        %max3A_915 = arith.maximumf %add3A_912, %max3A_914 : vector<16xf32>
        %add3A_916 = arith.constant 2 : i32
        %add3A_917 = arith.addi %mul3A_235, %add3A_916 : i32
        %swap3A_918 = arith.index_cast %add3A_917 : i32 to index
        %swap3A_919 = arith.constant 96 : index
        %swap3A_920 = tpu.vector_load %arg11[%swap3A_918, %swap3A_919] {strides = array<i32>} : memref<64x128xf32, #tpu.memory_space<vmem>>, vector<1x16xf32>,
        %swap3A_921 = vector.shape_cast %swap3A_920 : vector<1x16xf32> to vector<16xf32>
        %swap3A_922 = vector.shape_cast %max3A_915 : vector<16xf32> to vector<1x16xf32>
        tpu.vector_store %arg11[%swap3A_918, %swap3A_919], %swap3A_922 {strides = array<i32>} : memref<64x128xf32, #tpu.memory_space<vmem>>, vector<1x16xf32>,
        %add3A_923 = arith.constant 2 : i32
        %add3A_924 = arith.addi %mul3A_235, %add3A_923 : i32
        %get3A_925 = arith.index_cast %add3A_924 : i32 to index
        %get3A_926 = arith.constant 112 : index
        %get3A_927 = tpu.vector_load %arg11[%get3A_925, %get3A_926] {strides = array<i32>} : memref<64x128xf32, #tpu.memory_space<vmem>>, vector<1x16xf32>,
        %get3A_928 = vector.shape_cast %get3A_927 : vector<1x16xf32> to vector<16xf32>
        %add3A_929 = arith.constant 2 : i32
        %add3A_930 = arith.addi %mul3A_235, %add3A_929 : i32
        %get3A_931 = arith.index_cast %add3A_930 : i32 to index
        %get3A_932 = arith.constant 112 : index
        %get3A_933 = tpu.vector_load %arg12[%get3A_931, %get3A_932] {strides = array<i32>} : memref<64x128xf32, #tpu.memory_space<vmem>>, vector<1x16xf32>,
        %get3A_934 = vector.shape_cast %get3A_933 : vector<1x16xf32> to vector<16xf32>
        %add3A_935 = arith.addf %get3A_928, %get3A_934 : vector<16xf32>
        %add3A_936 = arith.constant 2 : i32
        %add3A_937 = arith.addi %mul3A_235, %add3A_936 : i32
        %get3A_938 = arith.index_cast %add3A_937 : i32 to index
        %get3A_939 = arith.constant 112 : index
        %get3A_940 = tpu.vector_load %arg13[%get3A_938, %get3A_939] {strides = array<i32>} : memref<64x128xf32, #tpu.memory_space<vmem>>, vector<1x16xf32>,
        %get3A_941 = vector.shape_cast %get3A_940 : vector<1x16xf32> to vector<16xf32>
        %add3A_942 = arith.addf %add3A_935, %get3A_941 : vector<16xf32>
        %max3A_943 = arith.constant 0.000000e+00 : f32
        %max3A_944 = vector.broadcast %max3A_943 : f32 to vector<16xf32>
        %max3A_945 = arith.maximumf %add3A_942, %max3A_944 : vector<16xf32>
        %add3A_946 = arith.constant 2 : i32
        %add3A_947 = arith.addi %mul3A_235, %add3A_946 : i32
        %swap3A_948 = arith.index_cast %add3A_947 : i32 to index
        %swap3A_949 = arith.constant 112 : index
        %swap3A_950 = tpu.vector_load %arg11[%swap3A_948, %swap3A_949] {strides = array<i32>} : memref<64x128xf32, #tpu.memory_space<vmem>>, vector<1x16xf32>,
        %swap3A_951 = vector.shape_cast %swap3A_950 : vector<1x16xf32> to vector<16xf32>
        %swap3A_952 = vector.shape_cast %max3A_945 : vector<16xf32> to vector<1x16xf32>
        tpu.vector_store %arg11[%swap3A_948, %swap3A_949], %swap3A_952 {strides = array<i32>} : memref<64x128xf32, #tpu.memory_space<vmem>>, vector<1x16xf32>,
        %add3A_953 = arith.constant 3 : i32
        %add3A_954 = arith.addi %mul3A_235, %add3A_953 : i32
        %get3A_955 = arith.index_cast %add3A_954 : i32 to index
        %get3A_956 = arith.constant 0 : index
        %get3A_957 = tpu.vector_load %arg11[%get3A_955, %get3A_956] {strides = array<i32>} : memref<64x128xf32, #tpu.memory_space<vmem>>, vector<1x16xf32>,
        %get3A_958 = vector.shape_cast %get3A_957 : vector<1x16xf32> to vector<16xf32>
        %add3A_959 = arith.constant 3 : i32
        %add3A_960 = arith.addi %mul3A_235, %add3A_959 : i32
        %get3A_961 = arith.index_cast %add3A_960 : i32 to index
        %get3A_962 = arith.constant 0 : index
        %get3A_963 = tpu.vector_load %arg12[%get3A_961, %get3A_962] {strides = array<i32>} : memref<64x128xf32, #tpu.memory_space<vmem>>, vector<1x16xf32>,
        %get3A_964 = vector.shape_cast %get3A_963 : vector<1x16xf32> to vector<16xf32>
        %add3A_965 = arith.addf %get3A_958, %get3A_964 : vector<16xf32>
        %add3A_966 = arith.constant 3 : i32
        %add3A_967 = arith.addi %mul3A_235, %add3A_966 : i32
        %get3A_968 = arith.index_cast %add3A_967 : i32 to index
        %get3A_969 = arith.constant 0 : index
        %get3A_970 = tpu.vector_load %arg13[%get3A_968, %get3A_969] {strides = array<i32>} : memref<64x128xf32, #tpu.memory_space<vmem>>, vector<1x16xf32>,
        %get3A_971 = vector.shape_cast %get3A_970 : vector<1x16xf32> to vector<16xf32>
        %add3A_972 = arith.addf %add3A_965, %get3A_971 : vector<16xf32>
        %max3A_973 = arith.constant 0.000000e+00 : f32
        %max3A_974 = vector.broadcast %max3A_973 : f32 to vector<16xf32>
        %max3A_975 = arith.maximumf %add3A_972, %max3A_974 : vector<16xf32>
        %add3A_976 = arith.constant 3 : i32
        %add3A_977 = arith.addi %mul3A_235, %add3A_976 : i32
        %swap3A_978 = arith.index_cast %add3A_977 : i32 to index
        %swap3A_979 = arith.constant 0 : index
        %swap3A_980 = tpu.vector_load %arg11[%swap3A_978, %swap3A_979] {strides = array<i32>} : memref<64x128xf32, #tpu.memory_space<vmem>>, vector<1x16xf32>,
        %swap3A_981 = vector.shape_cast %swap3A_980 : vector<1x16xf32> to vector<16xf32>
        %swap3A_982 = vector.shape_cast %max3A_975 : vector<16xf32> to vector<1x16xf32>
        tpu.vector_store %arg11[%swap3A_978, %swap3A_979], %swap3A_982 {strides = array<i32>} : memref<64x128xf32, #tpu.memory_space<vmem>>, vector<1x16xf32>,
        %add3A_983 = arith.constant 3 : i32
        %add3A_984 = arith.addi %mul3A_235, %add3A_983 : i32
        %get3A_985 = arith.index_cast %add3A_984 : i32 to index
        %get3A_986 = arith.constant 16 : index
        %get3A_987 = tpu.vector_load %arg11[%get3A_985, %get3A_986] {strides = array<i32>} : memref<64x128xf32, #tpu.memory_space<vmem>>, vector<1x16xf32>,
        %get3A_988 = vector.shape_cast %get3A_987 : vector<1x16xf32> to vector<16xf32>
        %add3A_989 = arith.constant 3 : i32
        %add3A_990 = arith.addi %mul3A_235, %add3A_989 : i32
        %get3A_991 = arith.index_cast %add3A_990 : i32 to index
        %get3A_992 = arith.constant 16 : index
        %get3A_993 = tpu.vector_load %arg12[%get3A_991, %get3A_992] {strides = array<i32>} : memref<64x128xf32, #tpu.memory_space<vmem>>, vector<1x16xf32>,
        %get3A_994 = vector.shape_cast %get3A_993 : vector<1x16xf32> to vector<16xf32>
        %add3A_995 = arith.addf %get3A_988, %get3A_994 : vector<16xf32>
        %add3A_996 = arith.constant 3 : i32
        %add3A_997 = arith.addi %mul3A_235, %add3A_996 : i32
        %get3A_998 = arith.index_cast %add3A_997 : i32 to index
        %get3A_999 = arith.constant 16 : index
        %get3A_1000 = tpu.vector_load %arg13[%get3A_998, %get3A_999] {strides = array<i32>} : memref<64x128xf32, #tpu.memory_space<vmem>>, vector<1x16xf32>,
        %get3A_1001 = vector.shape_cast %get3A_1000 : vector<1x16xf32> to vector<16xf32>
        %add3A_1002 = arith.addf %add3A_995, %get3A_1001 : vector<16xf32>
        %max3A_1003 = arith.constant 0.000000e+00 : f32
        %max3A_1004 = vector.broadcast %max3A_1003 : f32 to vector<16xf32>
        %max3A_1005 = arith.maximumf %add3A_1002, %max3A_1004 : vector<16xf32>
        %add3A_1006 = arith.constant 3 : i32
        %add3A_1007 = arith.addi %mul3A_235, %add3A_1006 : i32
        %swap3A_1008 = arith.index_cast %add3A_1007 : i32 to index
        %swap3A_1009 = arith.constant 16 : index
        %swap3A_1010 = tpu.vector_load %arg11[%swap3A_1008, %swap3A_1009] {strides = array<i32>} : memref<64x128xf32, #tpu.memory_space<vmem>>, vector<1x16xf32>,
        %swap3A_1011 = vector.shape_cast %swap3A_1010 : vector<1x16xf32> to vector<16xf32>
        %swap3A_1012 = vector.shape_cast %max3A_1005 : vector<16xf32> to vector<1x16xf32>
        tpu.vector_store %arg11[%swap3A_1008, %swap3A_1009], %swap3A_1012 {strides = array<i32>} : memref<64x128xf32, #tpu.memory_space<vmem>>, vector<1x16xf32>,
        %add3A_1013 = arith.constant 3 : i32
        %add3A_1014 = arith.addi %mul3A_235, %add3A_1013 : i32
        %get3A_1015 = arith.index_cast %add3A_1014 : i32 to index
        %get3A_1016 = arith.constant 32 : index
        %get3A_1017 = tpu.vector_load %arg11[%get3A_1015, %get3A_1016] {strides = array<i32>} : memref<64x128xf32, #tpu.memory_space<vmem>>, vector<1x16xf32>,
        %get3A_1018 = vector.shape_cast %get3A_1017 : vector<1x16xf32> to vector<16xf32>
        %add3A_1019 = arith.constant 3 : i32
        %add3A_1020 = arith.addi %mul3A_235, %add3A_1019 : i32
        %get3A_1021 = arith.index_cast %add3A_1020 : i32 to index
        %get3A_1022 = arith.constant 32 : index
        %get3A_1023 = tpu.vector_load %arg12[%get3A_1021, %get3A_1022] {strides = array<i32>} : memref<64x128xf32, #tpu.memory_space<vmem>>, vector<1x16xf32>,
        %get3A_1024 = vector.shape_cast %get3A_1023 : vector<1x16xf32> to vector<16xf32>
        %add3A_1025 = arith.addf %get3A_1018, %get3A_1024 : vector<16xf32>
        %add3A_1026 = arith.constant 3 : i32
        %add3A_1027 = arith.addi %mul3A_235, %add3A_1026 : i32
        %get3A_1028 = arith.index_cast %add3A_1027 : i32 to index
        %get3A_1029 = arith.constant 32 : index
        %get3A_1030 = tpu.vector_load %arg13[%get3A_1028, %get3A_1029] {strides = array<i32>} : memref<64x128xf32, #tpu.memory_space<vmem>>, vector<1x16xf32>,
        %get3A_1031 = vector.shape_cast %get3A_1030 : vector<1x16xf32> to vector<16xf32>
        %add3A_1032 = arith.addf %add3A_1025, %get3A_1031 : vector<16xf32>
        %max3A_1033 = arith.constant 0.000000e+00 : f32
        %max3A_1034 = vector.broadcast %max3A_1033 : f32 to vector<16xf32>
        %max3A_1035 = arith.maximumf %add3A_1032, %max3A_1034 : vector<16xf32>
        %add3A_1036 = arith.constant 3 : i32
        %add3A_1037 = arith.addi %mul3A_235, %add3A_1036 : i32
        %swap3A_1038 = arith.index_cast %add3A_1037 : i32 to index
        %swap3A_1039 = arith.constant 32 : index
        %swap3A_1040 = tpu.vector_load %arg11[%swap3A_1038, %swap3A_1039] {strides = array<i32>} : memref<64x128xf32, #tpu.memory_space<vmem>>, vector<1x16xf32>,
        %swap3A_1041 = vector.shape_cast %swap3A_1040 : vector<1x16xf32> to vector<16xf32>
        %swap3A_1042 = vector.shape_cast %max3A_1035 : vector<16xf32> to vector<1x16xf32>
        tpu.vector_store %arg11[%swap3A_1038, %swap3A_1039], %swap3A_1042 {strides = array<i32>} : memref<64x128xf32, #tpu.memory_space<vmem>>, vector<1x16xf32>,
        %add3A_1043 = arith.constant 3 : i32
        %add3A_1044 = arith.addi %mul3A_235, %add3A_1043 : i32
        %get3A_1045 = arith.index_cast %add3A_1044 : i32 to index
        %get3A_1046 = arith.constant 48 : index
        %get3A_1047 = tpu.vector_load %arg11[%get3A_1045, %get3A_1046] {strides = array<i32>} : memref<64x128xf32, #tpu.memory_space<vmem>>, vector<1x16xf32>,
        %get3A_1048 = vector.shape_cast %get3A_1047 : vector<1x16xf32> to vector<16xf32>
        %add3A_1049 = arith.constant 3 : i32
        %add3A_1050 = arith.addi %mul3A_235, %add3A_1049 : i32
        %get3A_1051 = arith.index_cast %add3A_1050 : i32 to index
        %get3A_1052 = arith.constant 48 : index
        %get3A_1053 = tpu.vector_load %arg12[%get3A_1051, %get3A_1052] {strides = array<i32>} : memref<64x128xf32, #tpu.memory_space<vmem>>, vector<1x16xf32>,
        %get3A_1054 = vector.shape_cast %get3A_1053 : vector<1x16xf32> to vector<16xf32>
        %add3A_1055 = arith.addf %get3A_1048, %get3A_1054 : vector<16xf32>
        %add3A_1056 = arith.constant 3 : i32
        %add3A_1057 = arith.addi %mul3A_235, %add3A_1056 : i32
        %get3A_1058 = arith.index_cast %add3A_1057 : i32 to index
        %get3A_1059 = arith.constant 48 : index
        %get3A_1060 = tpu.vector_load %arg13[%get3A_1058, %get3A_1059] {strides = array<i32>} : memref<64x128xf32, #tpu.memory_space<vmem>>, vector<1x16xf32>,
        %get3A_1061 = vector.shape_cast %get3A_1060 : vector<1x16xf32> to vector<16xf32>
        %add3A_1062 = arith.addf %add3A_1055, %get3A_1061 : vector<16xf32>
        %max3A_1063 = arith.constant 0.000000e+00 : f32
        %max3A_1064 = vector.broadcast %max3A_1063 : f32 to vector<16xf32>
        %max3A_1065 = arith.maximumf %add3A_1062, %max3A_1064 : vector<16xf32>
        %add3A_1066 = arith.constant 3 : i32
        %add3A_1067 = arith.addi %mul3A_235, %add3A_1066 : i32
        %swap3A_1068 = arith.index_cast %add3A_1067 : i32 to index
        %swap3A_1069 = arith.constant 48 : index
        %swap3A_1070 = tpu.vector_load %arg11[%swap3A_1068, %swap3A_1069] {strides = array<i32>} : memref<64x128xf32, #tpu.memory_space<vmem>>, vector<1x16xf32>,
        %swap3A_1071 = vector.shape_cast %swap3A_1070 : vector<1x16xf32> to vector<16xf32>
        %swap3A_1072 = vector.shape_cast %max3A_1065 : vector<16xf32> to vector<1x16xf32>
        tpu.vector_store %arg11[%swap3A_1068, %swap3A_1069], %swap3A_1072 {strides = array<i32>} : memref<64x128xf32, #tpu.memory_space<vmem>>, vector<1x16xf32>,
        %add3A_1073 = arith.constant 3 : i32
        %add3A_1074 = arith.addi %mul3A_235, %add3A_1073 : i32
        %get3A_1075 = arith.index_cast %add3A_1074 : i32 to index
        %get3A_1076 = arith.constant 64 : index
        %get3A_1077 = tpu.vector_load %arg11[%get3A_1075, %get3A_1076] {strides = array<i32>} : memref<64x128xf32, #tpu.memory_space<vmem>>, vector<1x16xf32>,
        %get3A_1078 = vector.shape_cast %get3A_1077 : vector<1x16xf32> to vector<16xf32>
        %add3A_1079 = arith.constant 3 : i32
        %add3A_1080 = arith.addi %mul3A_235, %add3A_1079 : i32
        %get3A_1081 = arith.index_cast %add3A_1080 : i32 to index
        %get3A_1082 = arith.constant 64 : index
        %get3A_1083 = tpu.vector_load %arg12[%get3A_1081, %get3A_1082] {strides = array<i32>} : memref<64x128xf32, #tpu.memory_space<vmem>>, vector<1x16xf32>,
        %get3A_1084 = vector.shape_cast %get3A_1083 : vector<1x16xf32> to vector<16xf32>
        %add3A_1085 = arith.addf %get3A_1078, %get3A_1084 : vector<16xf32>
        %add3A_1086 = arith.constant 3 : i32
        %add3A_1087 = arith.addi %mul3A_235, %add3A_1086 : i32
        %get3A_1088 = arith.index_cast %add3A_1087 : i32 to index
        %get3A_1089 = arith.constant 64 : index
        %get3A_1090 = tpu.vector_load %arg13[%get3A_1088, %get3A_1089] {strides = array<i32>} : memref<64x128xf32, #tpu.memory_space<vmem>>, vector<1x16xf32>,
        %get3A_1091 = vector.shape_cast %get3A_1090 : vector<1x16xf32> to vector<16xf32>
        %add3A_1092 = arith.addf %add3A_1085, %get3A_1091 : vector<16xf32>
        %max3A_1093 = arith.constant 0.000000e+00 : f32
        %max3A_1094 = vector.broadcast %max3A_1093 : f32 to vector<16xf32>
        %max3A_1095 = arith.maximumf %add3A_1092, %max3A_1094 : vector<16xf32>
        %add3A_1096 = arith.constant 3 : i32
        %add3A_1097 = arith.addi %mul3A_235, %add3A_1096 : i32
        %swap3A_1098 = arith.index_cast %add3A_1097 : i32 to index
        %swap3A_1099 = arith.constant 64 : index
        %swap3A_1100 = tpu.vector_load %arg11[%swap3A_1098, %swap3A_1099] {strides = array<i32>} : memref<64x128xf32, #tpu.memory_space<vmem>>, vector<1x16xf32>,
        %swap3A_1101 = vector.shape_cast %swap3A_1100 : vector<1x16xf32> to vector<16xf32>
        %swap3A_1102 = vector.shape_cast %max3A_1095 : vector<16xf32> to vector<1x16xf32>
        tpu.vector_store %arg11[%swap3A_1098, %swap3A_1099], %swap3A_1102 {strides = array<i32>} : memref<64x128xf32, #tpu.memory_space<vmem>>, vector<1x16xf32>,
        %add3A_1103 = arith.constant 3 : i32
        %add3A_1104 = arith.addi %mul3A_235, %add3A_1103 : i32
        %get3A_1105 = arith.index_cast %add3A_1104 : i32 to index
        %get3A_1106 = arith.constant 80 : index
        %get3A_1107 = tpu.vector_load %arg11[%get3A_1105, %get3A_1106] {strides = array<i32>} : memref<64x128xf32, #tpu.memory_space<vmem>>, vector<1x16xf32>,
        %get3A_1108 = vector.shape_cast %get3A_1107 : vector<1x16xf32> to vector<16xf32>
        %add3A_1109 = arith.constant 3 : i32
        %add3A_1110 = arith.addi %mul3A_235, %add3A_1109 : i32
        %get3A_1111 = arith.index_cast %add3A_1110 : i32 to index
        %get3A_1112 = arith.constant 80 : index
        %get3A_1113 = tpu.vector_load %arg12[%get3A_1111, %get3A_1112] {strides = array<i32>} : memref<64x128xf32, #tpu.memory_space<vmem>>, vector<1x16xf32>,
        %get3A_1114 = vector.shape_cast %get3A_1113 : vector<1x16xf32> to vector<16xf32>
        %add3A_1115 = arith.addf %get3A_1108, %get3A_1114 : vector<16xf32>
        %add3A_1116 = arith.constant 3 : i32
        %add3A_1117 = arith.addi %mul3A_235, %add3A_1116 : i32
        %get3A_1118 = arith.index_cast %add3A_1117 : i32 to index
        %get3A_1119 = arith.constant 80 : index
        %get3A_1120 = tpu.vector_load %arg13[%get3A_1118, %get3A_1119] {strides = array<i32>} : memref<64x128xf32, #tpu.memory_space<vmem>>, vector<1x16xf32>,
        %get3A_1121 = vector.shape_cast %get3A_1120 : vector<1x16xf32> to vector<16xf32>
        %add3A_1122 = arith.addf %add3A_1115, %get3A_1121 : vector<16xf32>
        %max3A_1123 = arith.constant 0.000000e+00 : f32
        %max3A_1124 = vector.broadcast %max3A_1123 : f32 to vector<16xf32>
        %max3A_1125 = arith.maximumf %add3A_1122, %max3A_1124 : vector<16xf32>
        %add3A_1126 = arith.constant 3 : i32
        %add3A_1127 = arith.addi %mul3A_235, %add3A_1126 : i32
        %swap3A_1128 = arith.index_cast %add3A_1127 : i32 to index
        %swap3A_1129 = arith.constant 80 : index
        %swap3A_1130 = tpu.vector_load %arg11[%swap3A_1128, %swap3A_1129] {strides = array<i32>} : memref<64x128xf32, #tpu.memory_space<vmem>>, vector<1x16xf32>,
        %swap3A_1131 = vector.shape_cast %swap3A_1130 : vector<1x16xf32> to vector<16xf32>
        %swap3A_1132 = vector.shape_cast %max3A_1125 : vector<16xf32> to vector<1x16xf32>
        tpu.vector_store %arg11[%swap3A_1128, %swap3A_1129], %swap3A_1132 {strides = array<i32>} : memref<64x128xf32, #tpu.memory_space<vmem>>, vector<1x16xf32>,
        %add3A_1133 = arith.constant 3 : i32
        %add3A_1134 = arith.addi %mul3A_235, %add3A_1133 : i32
        %get3A_1135 = arith.index_cast %add3A_1134 : i32 to index
        %get3A_1136 = arith.constant 96 : index
        %get3A_1137 = tpu.vector_load %arg11[%get3A_1135, %get3A_1136] {strides = array<i32>} : memref<64x128xf32, #tpu.memory_space<vmem>>, vector<1x16xf32>,
        %get3A_1138 = vector.shape_cast %get3A_1137 : vector<1x16xf32> to vector<16xf32>
        %add3A_1139 = arith.constant 3 : i32
        %add3A_1140 = arith.addi %mul3A_235, %add3A_1139 : i32
        %get3A_1141 = arith.index_cast %add3A_1140 : i32 to index
        %get3A_1142 = arith.constant 96 : index
        %get3A_1143 = tpu.vector_load %arg12[%get3A_1141, %get3A_1142] {strides = array<i32>} : memref<64x128xf32, #tpu.memory_space<vmem>>, vector<1x16xf32>,
        %get3A_1144 = vector.shape_cast %get3A_1143 : vector<1x16xf32> to vector<16xf32>
        %add3A_1145 = arith.addf %get3A_1138, %get3A_1144 : vector<16xf32>
        %add3A_1146 = arith.constant 3 : i32
        %add3A_1147 = arith.addi %mul3A_235, %add3A_1146 : i32
        %get3A_1148 = arith.index_cast %add3A_1147 : i32 to index
        %get3A_1149 = arith.constant 96 : index
        %get3A_1150 = tpu.vector_load %arg13[%get3A_1148, %get3A_1149] {strides = array<i32>} : memref<64x128xf32, #tpu.memory_space<vmem>>, vector<1x16xf32>,
        %get3A_1151 = vector.shape_cast %get3A_1150 : vector<1x16xf32> to vector<16xf32>
        %add3A_1152 = arith.addf %add3A_1145, %get3A_1151 : vector<16xf32>
        %max3A_1153 = arith.constant 0.000000e+00 : f32
        %max3A_1154 = vector.broadcast %max3A_1153 : f32 to vector<16xf32>
        %max3A_1155 = arith.maximumf %add3A_1152, %max3A_1154 : vector<16xf32>
        %add3A_1156 = arith.constant 3 : i32
        %add3A_1157 = arith.addi %mul3A_235, %add3A_1156 : i32
        %swap3A_1158 = arith.index_cast %add3A_1157 : i32 to index
        %swap3A_1159 = arith.constant 96 : index
        %swap3A_1160 = tpu.vector_load %arg11[%swap3A_1158, %swap3A_1159] {strides = array<i32>} : memref<64x128xf32, #tpu.memory_space<vmem>>, vector<1x16xf32>,
        %swap3A_1161 = vector.shape_cast %swap3A_1160 : vector<1x16xf32> to vector<16xf32>
        %swap3A_1162 = vector.shape_cast %max3A_1155 : vector<16xf32> to vector<1x16xf32>
        tpu.vector_store %arg11[%swap3A_1158, %swap3A_1159], %swap3A_1162 {strides = array<i32>} : memref<64x128xf32, #tpu.memory_space<vmem>>, vector<1x16xf32>,
        %add3A_1163 = arith.constant 3 : i32
        %add3A_1164 = arith.addi %mul3A_235, %add3A_1163 : i32
        %get3A_1165 = arith.index_cast %add3A_1164 : i32 to index
        %get3A_1166 = arith.constant 112 : index
        %get3A_1167 = tpu.vector_load %arg11[%get3A_1165, %get3A_1166] {strides = array<i32>} : memref<64x128xf32, #tpu.memory_space<vmem>>, vector<1x16xf32>,
        %get3A_1168 = vector.shape_cast %get3A_1167 : vector<1x16xf32> to vector<16xf32>
        %add3A_1169 = arith.constant 3 : i32
        %add3A_1170 = arith.addi %mul3A_235, %add3A_1169 : i32
        %get3A_1171 = arith.index_cast %add3A_1170 : i32 to index
        %get3A_1172 = arith.constant 112 : index
        %get3A_1173 = tpu.vector_load %arg12[%get3A_1171, %get3A_1172] {strides = array<i32>} : memref<64x128xf32, #tpu.memory_space<vmem>>, vector<1x16xf32>,
        %get3A_1174 = vector.shape_cast %get3A_1173 : vector<1x16xf32> to vector<16xf32>
        %add3A_1175 = arith.addf %get3A_1168, %get3A_1174 : vector<16xf32>
        %add3A_1176 = arith.constant 3 : i32
        %add3A_1177 = arith.addi %mul3A_235, %add3A_1176 : i32
        %get3A_1178 = arith.index_cast %add3A_1177 : i32 to index
        %get3A_1179 = arith.constant 112 : index
        %get3A_1180 = tpu.vector_load %arg13[%get3A_1178, %get3A_1179] {strides = array<i32>} : memref<64x128xf32, #tpu.memory_space<vmem>>, vector<1x16xf32>,
        %get3A_1181 = vector.shape_cast %get3A_1180 : vector<1x16xf32> to vector<16xf32>
        %add3A_1182 = arith.addf %add3A_1175, %get3A_1181 : vector<16xf32>
        %max3A_1183 = arith.constant 0.000000e+00 : f32
        %max3A_1184 = vector.broadcast %max3A_1183 : f32 to vector<16xf32>
        %max3A_1185 = arith.maximumf %add3A_1182, %max3A_1184 : vector<16xf32>
        %add3A_1186 = arith.constant 3 : i32
        %add3A_1187 = arith.addi %mul3A_235, %add3A_1186 : i32
        %swap3A_1188 = arith.index_cast %add3A_1187 : i32 to index
        %swap3A_1189 = arith.constant 112 : index
        %swap3A_1190 = tpu.vector_load %arg11[%swap3A_1188, %swap3A_1189] {strides = array<i32>} : memref<64x128xf32, #tpu.memory_space<vmem>>, vector<1x16xf32>,
        %swap3A_1191 = vector.shape_cast %swap3A_1190 : vector<1x16xf32> to vector<16xf32>
        %swap3A_1192 = vector.shape_cast %max3A_1185 : vector<16xf32> to vector<1x16xf32>
        tpu.vector_store %arg11[%swap3A_1188, %swap3A_1189], %swap3A_1192 {strides = array<i32>} : memref<64x128xf32, #tpu.memory_space<vmem>>, vector<1x16xf32>,
      }
      %scan3A_173 = arith.constant 16 : i32
      %mul3A_174 = arith.constant 64 : i32
      %mul3A_175 = arith.muli %add3A_138, %mul3A_174 : i32
      %add3A_176 = arith.addi %mul3A_2, %mul3A_175 : i32
      %dma_start3A_177 = arith.constant 0 : i32
      %dma_start3A_178 = tpu.memref_slice %arg7[%add3A_176, %dma_start3A_177] : memref<320000x128xf32, #tpu.memory_space<hbm>> -> memref<64x128xf32, #tpu.memory_space<hbm>>
      %dma_start3A_179 = arith.constant 0 : i32
      %dma_start3A_180 = tpu.memref_slice %arg7[%add3A_176, %dma_start3A_179] : memref<320000x128xf32, #tpu.memory_space<hbm>> -> memref<64x128xf32, #tpu.memory_space<hbm>>
      tpu.enqueue_dma source(%arg11 : memref<64x128xf32, #tpu.memory_space<vmem>>) target(%dma_start3A_180 : memref<64x128xf32, #tpu.memory_space<hbm>>) target_semaphore(%arg28 : memref<!tpu.dma_semaphore, #tpu.memory_space<semaphore_mem>>)
      %dma_start3A_181 = arith.constant 0 : i32
      %dma_start3A_182 = arith.constant 0 : i32
      %dma_start3A_183 = tpu.memref_slice %arg21[%dma_start3A_181, %dma_start3A_182] : memref<10000x128xf32, #tpu.memory_space<vmem_shared>> -> memref<10000x128xf32, #tpu.memory_space<vmem_shared>>
      tpu.enqueue_indirect_dma source(%arg11 : memref<64x128xf32, #tpu.memory_space<vmem>>) target(%dma_start3A_183 : memref<10000x128xf32, #tpu.memory_space<vmem_shared>>) offsets(%arg10 : memref<64xi32, #tpu.memory_space<vmem>>) semaphore(%arg29 : memref<!tpu.dma_semaphore, #tpu.memory_space<semaphore_mem>>) {add = true}
      %add3A_184 = arith.constant 1 : i32
      %add3A_185 = arith.addi %add3A_136, %add3A_184 : i32
      %gt3A_186 = arith.constant 0 : i32
      %gt3A_187 = arith.cmpi sgt, %add3A_185, %gt3A_186 : i32
      %convert_element_type3A_188 = arith.extui %gt3A_187 : i1 to i32
      %cond3A_189 = arith.constant 0 : i32
      %cond3A_190 = arith.cmpi ne, %convert_element_type3A_188, %cond3A_189 : i32
      scf.if %cond3A_190 {
        %dma_wait3A_233 = arith.constant 0 : i32
        %dma_wait3A_234 = arith.constant 0 : i32
        %dma_wait3A_235 = tpu.memref_slice %arg7[%dma_wait3A_233, %dma_wait3A_234] : memref<320000x128xf32, #tpu.memory_space<hbm>> -> memref<64x128xf32, #tpu.memory_space<hbm>>
        %dma_wait3A_236 = arith.constant 0 : i32
        %dma_wait3A_237 = arith.constant 0 : i32
        %dma_wait3A_238 = tpu.memref_slice %arg7[%dma_wait3A_236, %dma_wait3A_237] : memref<320000x128xf32, #tpu.memory_space<hbm>> -> memref<64x128xf32, #tpu.memory_space<hbm>>
        tpu.wait_dma2 semaphore(%arg28 : memref<!tpu.dma_semaphore, #tpu.memory_space<semaphore_mem>>) src(%arg11 : memref<64x128xf32, #tpu.memory_space<vmem>>) dst(%dma_wait3A_238 : memref<64x128xf32, #tpu.memory_space<hbm>>)
        %dma_wait3A_239 = arith.constant 0 : i32
        %dma_wait3A_240 = arith.constant 0 : i32
        %dma_wait3A_241 = tpu.memref_slice %arg21[%dma_wait3A_239, %dma_wait3A_240] : memref<10000x128xf32, #tpu.memory_space<vmem_shared>> -> memref<10000x128xf32, #tpu.memory_space<vmem_shared>>
        tpu.wait_indirect_dma semaphore(%arg29 : memref<!tpu.dma_semaphore, #tpu.memory_space<semaphore_mem>>) src(%arg11 : memref<64x128xf32, #tpu.memory_space<vmem>>) dst(%dma_wait3A_241 : memref<10000x128xf32, #tpu.memory_space<vmem_shared>>)
      } else {
      }
      %add3A_191 = arith.constant 1 : i32
      %add3A_192 = arith.addi %add3A_185, %add3A_191 : i32
      %lt3A_193 = arith.constant 156 : i32
      %lt3A_194 = arith.cmpi slt, %add3A_192, %lt3A_193 : i32
      %convert_element_type3A_195 = arith.extui %lt3A_194 : i1 to i32
      %cond3A_196 = arith.constant 0 : i32
      %cond3A_197 = arith.cmpi ne, %convert_element_type3A_195, %cond3A_196 : i32
      scf.if %cond3A_197 {
        %add3A_233 = arith.constant 1 : i32
        %add3A_234 = arith.addi %add3A_185, %add3A_233 : i32
        %mul3A_235 = arith.constant 64 : i32
        %mul3A_236 = arith.muli %add3A_234, %mul3A_235 : i32
        %add3A_237 = arith.addi %mul3A_2, %mul3A_236 : i32
        %dma_start3A_238 = tpu.memref_slice %arg5[%add3A_237] : memref<320000xi32, #tpu.memory_space<hbm>> -> memref<64xi32, #tpu.memory_space<hbm>>
        %dma_start3A_239 = tpu.memref_slice %arg5[%add3A_237] : memref<320000xi32, #tpu.memory_space<hbm>> -> memref<64xi32, #tpu.memory_space<hbm>>
        tpu.enqueue_dma source(%dma_start3A_239 : memref<64xi32, #tpu.memory_space<hbm>>) target(%arg9 : memref<64xi32, #tpu.memory_space<vmem>>) target_semaphore(%arg32 : memref<!tpu.dma_semaphore, #tpu.memory_space<semaphore_mem>>)
        %dma_start3A_240 = tpu.memref_slice %arg6[%add3A_237] : memref<320000xi32, #tpu.memory_space<hbm>> -> memref<64xi32, #tpu.memory_space<hbm>>
        %dma_start3A_241 = tpu.memref_slice %arg6[%add3A_237] : memref<320000xi32, #tpu.memory_space<hbm>> -> memref<64xi32, #tpu.memory_space<hbm>>
        tpu.enqueue_dma source(%dma_start3A_241 : memref<64xi32, #tpu.memory_space<hbm>>) target(%arg10 : memref<64xi32, #tpu.memory_space<vmem>>) target_semaphore(%arg32 : memref<!tpu.dma_semaphore, #tpu.memory_space<semaphore_mem>>)
      } else {
      }
      %dma_wait3A_198 = arith.constant 0 : i32
      %dma_wait3A_199 = arith.constant 0 : i32
      %dma_wait3A_200 = tpu.memref_slice %arg2[%dma_wait3A_198, %dma_wait3A_199] : memref<320000x128xf32, #tpu.memory_space<hbm>> -> memref<64x128xf32, #tpu.memory_space<hbm>>
      %dma_wait3A_201 = arith.constant 0 : i32
      %dma_wait3A_202 = arith.constant 0 : i32
      %dma_wait3A_203 = tpu.memref_slice %arg2[%dma_wait3A_201, %dma_wait3A_202] : memref<320000x128xf32, #tpu.memory_space<hbm>> -> memref<64x128xf32, #tpu.memory_space<hbm>>
      tpu.wait_dma2 semaphore(%arg25 : memref<!tpu.dma_semaphore, #tpu.memory_space<semaphore_mem>>) src(%dma_wait3A_203 : memref<64x128xf32, #tpu.memory_space<hbm>>) dst(%arg16 : memref<64x128xf32, #tpu.memory_space<vmem>>)
      %dma_wait3A_204 = arith.constant 0 : i32
      %dma_wait3A_205 = arith.constant 0 : i32
      %dma_wait3A_206 = tpu.memref_slice %arg3[%dma_wait3A_204, %dma_wait3A_205] : memref<10000x128xf32, #tpu.memory_space<hbm>> -> memref<10000x128xf32, #tpu.memory_space<hbm>>
      tpu.wait_indirect_dma semaphore(%arg26 : memref<!tpu.dma_semaphore, #tpu.memory_space<semaphore_mem>>) src(%dma_wait3A_206 : memref<10000x128xf32, #tpu.memory_space<hbm>>) dst(%arg17 : memref<64x128xf32, #tpu.memory_space<vmem>>)
      %dma_wait3A_207 = arith.constant 0 : i32
      %dma_wait3A_208 = arith.constant 0 : i32
      %dma_wait3A_209 = tpu.memref_slice %arg4[%dma_wait3A_207, %dma_wait3A_208] : memref<10000x128xf32, #tpu.memory_space<hbm>> -> memref<10000x128xf32, #tpu.memory_space<hbm>>
      tpu.wait_indirect_dma semaphore(%arg27 : memref<!tpu.dma_semaphore, #tpu.memory_space<semaphore_mem>>) src(%dma_wait3A_209 : memref<10000x128xf32, #tpu.memory_space<hbm>>) dst(%arg18 : memref<64x128xf32, #tpu.memory_space<vmem>>)
      %add3A_210 = arith.constant 1 : i32
      %add3A_211 = arith.addi %add3A_185, %add3A_210 : i32
      %lt3A_212 = arith.constant 156 : i32
      %lt3A_213 = arith.cmpi slt, %add3A_211, %lt3A_212 : i32
      %convert_element_type3A_214 = arith.extui %lt3A_213 : i1 to i32
      %cond3A_215 = arith.constant 0 : i32
      %cond3A_216 = arith.cmpi ne, %convert_element_type3A_214, %cond3A_215 : i32
      scf.if %cond3A_216 {
        %dma_wait3A_233 = arith.constant 0 : i32
        %dma_wait3A_234 = tpu.memref_slice %arg5[%dma_wait3A_233] : memref<320000xi32, #tpu.memory_space<hbm>> -> memref<64xi32, #tpu.memory_space<hbm>>
        %dma_wait3A_235 = arith.constant 0 : i32
        %dma_wait3A_236 = tpu.memref_slice %arg5[%dma_wait3A_235] : memref<320000xi32, #tpu.memory_space<hbm>> -> memref<64xi32, #tpu.memory_space<hbm>>
        tpu.wait_dma2 semaphore(%arg32 : memref<!tpu.dma_semaphore, #tpu.memory_space<semaphore_mem>>) src(%dma_wait3A_236 : memref<64xi32, #tpu.memory_space<hbm>>) dst(%arg9 : memref<64xi32, #tpu.memory_space<vmem>>)
        %dma_wait3A_237 = arith.constant 0 : i32
        %dma_wait3A_238 = tpu.memref_slice %arg6[%dma_wait3A_237] : memref<320000xi32, #tpu.memory_space<hbm>> -> memref<64xi32, #tpu.memory_space<hbm>>
        %dma_wait3A_239 = arith.constant 0 : i32
        %dma_wait3A_240 = tpu.memref_slice %arg6[%dma_wait3A_239] : memref<320000xi32, #tpu.memory_space<hbm>> -> memref<64xi32, #tpu.memory_space<hbm>>
        tpu.wait_dma2 semaphore(%arg32 : memref<!tpu.dma_semaphore, #tpu.memory_space<semaphore_mem>>) src(%dma_wait3A_240 : memref<64xi32, #tpu.memory_space<hbm>>) dst(%arg10 : memref<64xi32, #tpu.memory_space<vmem>>)
        %add3A_241 = arith.constant 1 : i32
        %add3A_242 = arith.addi %add3A_185, %add3A_241 : i32
        %mul3A_243 = arith.constant 64 : i32
        %mul3A_244 = arith.muli %add3A_242, %mul3A_243 : i32
        %add3A_245 = arith.addi %mul3A_2, %mul3A_244 : i32
        %dma_start3A_246 = arith.constant 0 : i32
        %dma_start3A_247 = tpu.memref_slice %arg2[%add3A_245, %dma_start3A_246] : memref<320000x128xf32, #tpu.memory_space<hbm>> -> memref<64x128xf32, #tpu.memory_space<hbm>>
        %dma_start3A_248 = arith.constant 0 : i32
        %dma_start3A_249 = tpu.memref_slice %arg2[%add3A_245, %dma_start3A_248] : memref<320000x128xf32, #tpu.memory_space<hbm>> -> memref<64x128xf32, #tpu.memory_space<hbm>>
        tpu.enqueue_dma source(%dma_start3A_249 : memref<64x128xf32, #tpu.memory_space<hbm>>) target(%arg11 : memref<64x128xf32, #tpu.memory_space<vmem>>) target_semaphore(%arg22 : memref<!tpu.dma_semaphore, #tpu.memory_space<semaphore_mem>>)
        %dma_start3A_250 = arith.constant 0 : i32
        %dma_start3A_251 = arith.constant 0 : i32
        %dma_start3A_252 = tpu.memref_slice %arg3[%dma_start3A_250, %dma_start3A_251] : memref<10000x128xf32, #tpu.memory_space<hbm>> -> memref<10000x128xf32, #tpu.memory_space<hbm>>
        tpu.enqueue_indirect_dma source(%dma_start3A_252 : memref<10000x128xf32, #tpu.memory_space<hbm>>) target(%arg12 : memref<64x128xf32, #tpu.memory_space<vmem>>) offsets(%arg9 : memref<64xi32, #tpu.memory_space<vmem>>) semaphore(%arg23 : memref<!tpu.dma_semaphore, #tpu.memory_space<semaphore_mem>>)
        %dma_start3A_253 = arith.constant 0 : i32
        %dma_start3A_254 = arith.constant 0 : i32
        %dma_start3A_255 = tpu.memref_slice %arg4[%dma_start3A_253, %dma_start3A_254] : memref<10000x128xf32, #tpu.memory_space<hbm>> -> memref<10000x128xf32, #tpu.memory_space<hbm>>
        tpu.enqueue_indirect_dma source(%dma_start3A_255 : memref<10000x128xf32, #tpu.memory_space<hbm>>) target(%arg13 : memref<64x128xf32, #tpu.memory_space<vmem>>) offsets(%arg10 : memref<64xi32, #tpu.memory_space<vmem>>) semaphore(%arg24 : memref<!tpu.dma_semaphore, #tpu.memory_space<semaphore_mem>>)
      } else {
      }
      %scan3A_217 = arith.constant 0 : i32
      %scan3A_218 = arith.constant 0 : i32
      %scan3A_219 = arith.constant 16 : i32
      %scan3A_220 = arith.addi %scan3A_218, %scan3A_219 : i32
      %scan3A_221 = arith.constant 1 : i32
      scf.for %scan3A_233 = %scan3A_218 to %scan3A_220 step %scan3A_221  : i32 {
        %mul3A_234 = arith.constant 4 : i32
        %mul3A_235 = arith.muli %scan3A_233, %mul3A_234 : i32
        %add3A_236 = arith.constant 0 : i32
        %add3A_237 = arith.addi %mul3A_235, %add3A_236 : i32
        %get3A = arith.index_cast %add3A_237 : i32 to index
        %get3A_238 = arith.constant 0 : index
        %get3A_239 = tpu.vector_load %arg16[%get3A, %get3A_238] {strides = array<i32>} : memref<64x128xf32, #tpu.memory_space<vmem>>, vector<1x16xf32>,
        %get3A_240 = vector.shape_cast %get3A_239 : vector<1x16xf32> to vector<16xf32>
        %add3A_241 = arith.constant 0 : i32
        %add3A_242 = arith.addi %mul3A_235, %add3A_241 : i32
        %get3A_243 = arith.index_cast %add3A_242 : i32 to index
        %get3A_244 = arith.constant 0 : index
        %get3A_245 = tpu.vector_load %arg17[%get3A_243, %get3A_244] {strides = array<i32>} : memref<64x128xf32, #tpu.memory_space<vmem>>, vector<1x16xf32>,
        %get3A_246 = vector.shape_cast %get3A_245 : vector<1x16xf32> to vector<16xf32>
        %add3A_247 = arith.addf %get3A_240, %get3A_246 : vector<16xf32>
        %add3A_248 = arith.constant 0 : i32
        %add3A_249 = arith.addi %mul3A_235, %add3A_248 : i32
        %get3A_250 = arith.index_cast %add3A_249 : i32 to index
        %get3A_251 = arith.constant 0 : index
        %get3A_252 = tpu.vector_load %arg18[%get3A_250, %get3A_251] {strides = array<i32>} : memref<64x128xf32, #tpu.memory_space<vmem>>, vector<1x16xf32>,
        %get3A_253 = vector.shape_cast %get3A_252 : vector<1x16xf32> to vector<16xf32>
        %add3A_254 = arith.addf %add3A_247, %get3A_253 : vector<16xf32>
        %max3A = arith.constant 0.000000e+00 : f32
        %max3A_255 = vector.broadcast %max3A : f32 to vector<16xf32>
        %max3A_256 = arith.maximumf %add3A_254, %max3A_255 : vector<16xf32>
        %add3A_257 = arith.constant 0 : i32
        %add3A_258 = arith.addi %mul3A_235, %add3A_257 : i32
        %swap3A = arith.index_cast %add3A_258 : i32 to index
        %swap3A_259 = arith.constant 0 : index
        %swap3A_260 = tpu.vector_load %arg16[%swap3A, %swap3A_259] {strides = array<i32>} : memref<64x128xf32, #tpu.memory_space<vmem>>, vector<1x16xf32>,
        %swap3A_261 = vector.shape_cast %swap3A_260 : vector<1x16xf32> to vector<16xf32>
        %swap3A_262 = vector.shape_cast %max3A_256 : vector<16xf32> to vector<1x16xf32>
        tpu.vector_store %arg16[%swap3A, %swap3A_259], %swap3A_262 {strides = array<i32>} : memref<64x128xf32, #tpu.memory_space<vmem>>, vector<1x16xf32>,
        %add3A_263 = arith.constant 0 : i32
        %add3A_264 = arith.addi %mul3A_235, %add3A_263 : i32
        %get3A_265 = arith.index_cast %add3A_264 : i32 to index
        %get3A_266 = arith.constant 16 : index
        %get3A_267 = tpu.vector_load %arg16[%get3A_265, %get3A_266] {strides = array<i32>} : memref<64x128xf32, #tpu.memory_space<vmem>>, vector<1x16xf32>,
        %get3A_268 = vector.shape_cast %get3A_267 : vector<1x16xf32> to vector<16xf32>
        %add3A_269 = arith.constant 0 : i32
        %add3A_270 = arith.addi %mul3A_235, %add3A_269 : i32
        %get3A_271 = arith.index_cast %add3A_270 : i32 to index
        %get3A_272 = arith.constant 16 : index
        %get3A_273 = tpu.vector_load %arg17[%get3A_271, %get3A_272] {strides = array<i32>} : memref<64x128xf32, #tpu.memory_space<vmem>>, vector<1x16xf32>,
        %get3A_274 = vector.shape_cast %get3A_273 : vector<1x16xf32> to vector<16xf32>
        %add3A_275 = arith.addf %get3A_268, %get3A_274 : vector<16xf32>
        %add3A_276 = arith.constant 0 : i32
        %add3A_277 = arith.addi %mul3A_235, %add3A_276 : i32
        %get3A_278 = arith.index_cast %add3A_277 : i32 to index
        %get3A_279 = arith.constant 16 : index
        %get3A_280 = tpu.vector_load %arg18[%get3A_278, %get3A_279] {strides = array<i32>} : memref<64x128xf32, #tpu.memory_space<vmem>>, vector<1x16xf32>,
        %get3A_281 = vector.shape_cast %get3A_280 : vector<1x16xf32> to vector<16xf32>
        %add3A_282 = arith.addf %add3A_275, %get3A_281 : vector<16xf32>
        %max3A_283 = arith.constant 0.000000e+00 : f32
        %max3A_284 = vector.broadcast %max3A_283 : f32 to vector<16xf32>
        %max3A_285 = arith.maximumf %add3A_282, %max3A_284 : vector<16xf32>
        %add3A_286 = arith.constant 0 : i32
        %add3A_287 = arith.addi %mul3A_235, %add3A_286 : i32
        %swap3A_288 = arith.index_cast %add3A_287 : i32 to index
        %swap3A_289 = arith.constant 16 : index
        %swap3A_290 = tpu.vector_load %arg16[%swap3A_288, %swap3A_289] {strides = array<i32>} : memref<64x128xf32, #tpu.memory_space<vmem>>, vector<1x16xf32>,
        %swap3A_291 = vector.shape_cast %swap3A_290 : vector<1x16xf32> to vector<16xf32>
        %swap3A_292 = vector.shape_cast %max3A_285 : vector<16xf32> to vector<1x16xf32>
        tpu.vector_store %arg16[%swap3A_288, %swap3A_289], %swap3A_292 {strides = array<i32>} : memref<64x128xf32, #tpu.memory_space<vmem>>, vector<1x16xf32>,
        %add3A_293 = arith.constant 0 : i32
        %add3A_294 = arith.addi %mul3A_235, %add3A_293 : i32
        %get3A_295 = arith.index_cast %add3A_294 : i32 to index
        %get3A_296 = arith.constant 32 : index
        %get3A_297 = tpu.vector_load %arg16[%get3A_295, %get3A_296] {strides = array<i32>} : memref<64x128xf32, #tpu.memory_space<vmem>>, vector<1x16xf32>,
        %get3A_298 = vector.shape_cast %get3A_297 : vector<1x16xf32> to vector<16xf32>
        %add3A_299 = arith.constant 0 : i32
        %add3A_300 = arith.addi %mul3A_235, %add3A_299 : i32
        %get3A_301 = arith.index_cast %add3A_300 : i32 to index
        %get3A_302 = arith.constant 32 : index
        %get3A_303 = tpu.vector_load %arg17[%get3A_301, %get3A_302] {strides = array<i32>} : memref<64x128xf32, #tpu.memory_space<vmem>>, vector<1x16xf32>,
        %get3A_304 = vector.shape_cast %get3A_303 : vector<1x16xf32> to vector<16xf32>
        %add3A_305 = arith.addf %get3A_298, %get3A_304 : vector<16xf32>
        %add3A_306 = arith.constant 0 : i32
        %add3A_307 = arith.addi %mul3A_235, %add3A_306 : i32
        %get3A_308 = arith.index_cast %add3A_307 : i32 to index
        %get3A_309 = arith.constant 32 : index
        %get3A_310 = tpu.vector_load %arg18[%get3A_308, %get3A_309] {strides = array<i32>} : memref<64x128xf32, #tpu.memory_space<vmem>>, vector<1x16xf32>,
        %get3A_311 = vector.shape_cast %get3A_310 : vector<1x16xf32> to vector<16xf32>
        %add3A_312 = arith.addf %add3A_305, %get3A_311 : vector<16xf32>
        %max3A_313 = arith.constant 0.000000e+00 : f32
        %max3A_314 = vector.broadcast %max3A_313 : f32 to vector<16xf32>
        %max3A_315 = arith.maximumf %add3A_312, %max3A_314 : vector<16xf32>
        %add3A_316 = arith.constant 0 : i32
        %add3A_317 = arith.addi %mul3A_235, %add3A_316 : i32
        %swap3A_318 = arith.index_cast %add3A_317 : i32 to index
        %swap3A_319 = arith.constant 32 : index
        %swap3A_320 = tpu.vector_load %arg16[%swap3A_318, %swap3A_319] {strides = array<i32>} : memref<64x128xf32, #tpu.memory_space<vmem>>, vector<1x16xf32>,
        %swap3A_321 = vector.shape_cast %swap3A_320 : vector<1x16xf32> to vector<16xf32>
        %swap3A_322 = vector.shape_cast %max3A_315 : vector<16xf32> to vector<1x16xf32>
        tpu.vector_store %arg16[%swap3A_318, %swap3A_319], %swap3A_322 {strides = array<i32>} : memref<64x128xf32, #tpu.memory_space<vmem>>, vector<1x16xf32>,
        %add3A_323 = arith.constant 0 : i32
        %add3A_324 = arith.addi %mul3A_235, %add3A_323 : i32
        %get3A_325 = arith.index_cast %add3A_324 : i32 to index
        %get3A_326 = arith.constant 48 : index
        %get3A_327 = tpu.vector_load %arg16[%get3A_325, %get3A_326] {strides = array<i32>} : memref<64x128xf32, #tpu.memory_space<vmem>>, vector<1x16xf32>,
        %get3A_328 = vector.shape_cast %get3A_327 : vector<1x16xf32> to vector<16xf32>
        %add3A_329 = arith.constant 0 : i32
        %add3A_330 = arith.addi %mul3A_235, %add3A_329 : i32
        %get3A_331 = arith.index_cast %add3A_330 : i32 to index
        %get3A_332 = arith.constant 48 : index
        %get3A_333 = tpu.vector_load %arg17[%get3A_331, %get3A_332] {strides = array<i32>} : memref<64x128xf32, #tpu.memory_space<vmem>>, vector<1x16xf32>,
        %get3A_334 = vector.shape_cast %get3A_333 : vector<1x16xf32> to vector<16xf32>
        %add3A_335 = arith.addf %get3A_328, %get3A_334 : vector<16xf32>
        %add3A_336 = arith.constant 0 : i32
        %add3A_337 = arith.addi %mul3A_235, %add3A_336 : i32
        %get3A_338 = arith.index_cast %add3A_337 : i32 to index
        %get3A_339 = arith.constant 48 : index
        %get3A_340 = tpu.vector_load %arg18[%get3A_338, %get3A_339] {strides = array<i32>} : memref<64x128xf32, #tpu.memory_space<vmem>>, vector<1x16xf32>,
        %get3A_341 = vector.shape_cast %get3A_340 : vector<1x16xf32> to vector<16xf32>
        %add3A_342 = arith.addf %add3A_335, %get3A_341 : vector<16xf32>
        %max3A_343 = arith.constant 0.000000e+00 : f32
        %max3A_344 = vector.broadcast %max3A_343 : f32 to vector<16xf32>
        %max3A_345 = arith.maximumf %add3A_342, %max3A_344 : vector<16xf32>
        %add3A_346 = arith.constant 0 : i32
        %add3A_347 = arith.addi %mul3A_235, %add3A_346 : i32
        %swap3A_348 = arith.index_cast %add3A_347 : i32 to index
        %swap3A_349 = arith.constant 48 : index
        %swap3A_350 = tpu.vector_load %arg16[%swap3A_348, %swap3A_349] {strides = array<i32>} : memref<64x128xf32, #tpu.memory_space<vmem>>, vector<1x16xf32>,
        %swap3A_351 = vector.shape_cast %swap3A_350 : vector<1x16xf32> to vector<16xf32>
        %swap3A_352 = vector.shape_cast %max3A_345 : vector<16xf32> to vector<1x16xf32>
        tpu.vector_store %arg16[%swap3A_348, %swap3A_349], %swap3A_352 {strides = array<i32>} : memref<64x128xf32, #tpu.memory_space<vmem>>, vector<1x16xf32>,
        %add3A_353 = arith.constant 0 : i32
        %add3A_354 = arith.addi %mul3A_235, %add3A_353 : i32
        %get3A_355 = arith.index_cast %add3A_354 : i32 to index
        %get3A_356 = arith.constant 64 : index
        %get3A_357 = tpu.vector_load %arg16[%get3A_355, %get3A_356] {strides = array<i32>} : memref<64x128xf32, #tpu.memory_space<vmem>>, vector<1x16xf32>,
        %get3A_358 = vector.shape_cast %get3A_357 : vector<1x16xf32> to vector<16xf32>
        %add3A_359 = arith.constant 0 : i32
        %add3A_360 = arith.addi %mul3A_235, %add3A_359 : i32
        %get3A_361 = arith.index_cast %add3A_360 : i32 to index
        %get3A_362 = arith.constant 64 : index
        %get3A_363 = tpu.vector_load %arg17[%get3A_361, %get3A_362] {strides = array<i32>} : memref<64x128xf32, #tpu.memory_space<vmem>>, vector<1x16xf32>,
        %get3A_364 = vector.shape_cast %get3A_363 : vector<1x16xf32> to vector<16xf32>
        %add3A_365 = arith.addf %get3A_358, %get3A_364 : vector<16xf32>
        %add3A_366 = arith.constant 0 : i32
        %add3A_367 = arith.addi %mul3A_235, %add3A_366 : i32
        %get3A_368 = arith.index_cast %add3A_367 : i32 to index
        %get3A_369 = arith.constant 64 : index
        %get3A_370 = tpu.vector_load %arg18[%get3A_368, %get3A_369] {strides = array<i32>} : memref<64x128xf32, #tpu.memory_space<vmem>>, vector<1x16xf32>,
        %get3A_371 = vector.shape_cast %get3A_370 : vector<1x16xf32> to vector<16xf32>
        %add3A_372 = arith.addf %add3A_365, %get3A_371 : vector<16xf32>
        %max3A_373 = arith.constant 0.000000e+00 : f32
        %max3A_374 = vector.broadcast %max3A_373 : f32 to vector<16xf32>
        %max3A_375 = arith.maximumf %add3A_372, %max3A_374 : vector<16xf32>
        %add3A_376 = arith.constant 0 : i32
        %add3A_377 = arith.addi %mul3A_235, %add3A_376 : i32
        %swap3A_378 = arith.index_cast %add3A_377 : i32 to index
        %swap3A_379 = arith.constant 64 : index
        %swap3A_380 = tpu.vector_load %arg16[%swap3A_378, %swap3A_379] {strides = array<i32>} : memref<64x128xf32, #tpu.memory_space<vmem>>, vector<1x16xf32>,
        %swap3A_381 = vector.shape_cast %swap3A_380 : vector<1x16xf32> to vector<16xf32>
        %swap3A_382 = vector.shape_cast %max3A_375 : vector<16xf32> to vector<1x16xf32>
        tpu.vector_store %arg16[%swap3A_378, %swap3A_379], %swap3A_382 {strides = array<i32>} : memref<64x128xf32, #tpu.memory_space<vmem>>, vector<1x16xf32>,
        %add3A_383 = arith.constant 0 : i32
        %add3A_384 = arith.addi %mul3A_235, %add3A_383 : i32
        %get3A_385 = arith.index_cast %add3A_384 : i32 to index
        %get3A_386 = arith.constant 80 : index
        %get3A_387 = tpu.vector_load %arg16[%get3A_385, %get3A_386] {strides = array<i32>} : memref<64x128xf32, #tpu.memory_space<vmem>>, vector<1x16xf32>,
        %get3A_388 = vector.shape_cast %get3A_387 : vector<1x16xf32> to vector<16xf32>
        %add3A_389 = arith.constant 0 : i32
        %add3A_390 = arith.addi %mul3A_235, %add3A_389 : i32
        %get3A_391 = arith.index_cast %add3A_390 : i32 to index
        %get3A_392 = arith.constant 80 : index
        %get3A_393 = tpu.vector_load %arg17[%get3A_391, %get3A_392] {strides = array<i32>} : memref<64x128xf32, #tpu.memory_space<vmem>>, vector<1x16xf32>,
        %get3A_394 = vector.shape_cast %get3A_393 : vector<1x16xf32> to vector<16xf32>
        %add3A_395 = arith.addf %get3A_388, %get3A_394 : vector<16xf32>
        %add3A_396 = arith.constant 0 : i32
        %add3A_397 = arith.addi %mul3A_235, %add3A_396 : i32
        %get3A_398 = arith.index_cast %add3A_397 : i32 to index
        %get3A_399 = arith.constant 80 : index
        %get3A_400 = tpu.vector_load %arg18[%get3A_398, %get3A_399] {strides = array<i32>} : memref<64x128xf32, #tpu.memory_space<vmem>>, vector<1x16xf32>,
        %get3A_401 = vector.shape_cast %get3A_400 : vector<1x16xf32> to vector<16xf32>
        %add3A_402 = arith.addf %add3A_395, %get3A_401 : vector<16xf32>
        %max3A_403 = arith.constant 0.000000e+00 : f32
        %max3A_404 = vector.broadcast %max3A_403 : f32 to vector<16xf32>
        %max3A_405 = arith.maximumf %add3A_402, %max3A_404 : vector<16xf32>
        %add3A_406 = arith.constant 0 : i32
        %add3A_407 = arith.addi %mul3A_235, %add3A_406 : i32
        %swap3A_408 = arith.index_cast %add3A_407 : i32 to index
        %swap3A_409 = arith.constant 80 : index
        %swap3A_410 = tpu.vector_load %arg16[%swap3A_408, %swap3A_409] {strides = array<i32>} : memref<64x128xf32, #tpu.memory_space<vmem>>, vector<1x16xf32>,
        %swap3A_411 = vector.shape_cast %swap3A_410 : vector<1x16xf32> to vector<16xf32>
        %swap3A_412 = vector.shape_cast %max3A_405 : vector<16xf32> to vector<1x16xf32>
        tpu.vector_store %arg16[%swap3A_408, %swap3A_409], %swap3A_412 {strides = array<i32>} : memref<64x128xf32, #tpu.memory_space<vmem>>, vector<1x16xf32>,
        %add3A_413 = arith.constant 0 : i32
        %add3A_414 = arith.addi %mul3A_235, %add3A_413 : i32
        %get3A_415 = arith.index_cast %add3A_414 : i32 to index
        %get3A_416 = arith.constant 96 : index
        %get3A_417 = tpu.vector_load %arg16[%get3A_415, %get3A_416] {strides = array<i32>} : memref<64x128xf32, #tpu.memory_space<vmem>>, vector<1x16xf32>,
        %get3A_418 = vector.shape_cast %get3A_417 : vector<1x16xf32> to vector<16xf32>
        %add3A_419 = arith.constant 0 : i32
        %add3A_420 = arith.addi %mul3A_235, %add3A_419 : i32
        %get3A_421 = arith.index_cast %add3A_420 : i32 to index
        %get3A_422 = arith.constant 96 : index
        %get3A_423 = tpu.vector_load %arg17[%get3A_421, %get3A_422] {strides = array<i32>} : memref<64x128xf32, #tpu.memory_space<vmem>>, vector<1x16xf32>,
        %get3A_424 = vector.shape_cast %get3A_423 : vector<1x16xf32> to vector<16xf32>
        %add3A_425 = arith.addf %get3A_418, %get3A_424 : vector<16xf32>
        %add3A_426 = arith.constant 0 : i32
        %add3A_427 = arith.addi %mul3A_235, %add3A_426 : i32
        %get3A_428 = arith.index_cast %add3A_427 : i32 to index
        %get3A_429 = arith.constant 96 : index
        %get3A_430 = tpu.vector_load %arg18[%get3A_428, %get3A_429] {strides = array<i32>} : memref<64x128xf32, #tpu.memory_space<vmem>>, vector<1x16xf32>,
        %get3A_431 = vector.shape_cast %get3A_430 : vector<1x16xf32> to vector<16xf32>
        %add3A_432 = arith.addf %add3A_425, %get3A_431 : vector<16xf32>
        %max3A_433 = arith.constant 0.000000e+00 : f32
        %max3A_434 = vector.broadcast %max3A_433 : f32 to vector<16xf32>
        %max3A_435 = arith.maximumf %add3A_432, %max3A_434 : vector<16xf32>
        %add3A_436 = arith.constant 0 : i32
        %add3A_437 = arith.addi %mul3A_235, %add3A_436 : i32
        %swap3A_438 = arith.index_cast %add3A_437 : i32 to index
        %swap3A_439 = arith.constant 96 : index
        %swap3A_440 = tpu.vector_load %arg16[%swap3A_438, %swap3A_439] {strides = array<i32>} : memref<64x128xf32, #tpu.memory_space<vmem>>, vector<1x16xf32>,
        %swap3A_441 = vector.shape_cast %swap3A_440 : vector<1x16xf32> to vector<16xf32>
        %swap3A_442 = vector.shape_cast %max3A_435 : vector<16xf32> to vector<1x16xf32>
        tpu.vector_store %arg16[%swap3A_438, %swap3A_439], %swap3A_442 {strides = array<i32>} : memref<64x128xf32, #tpu.memory_space<vmem>>, vector<1x16xf32>,
        %add3A_443 = arith.constant 0 : i32
        %add3A_444 = arith.addi %mul3A_235, %add3A_443 : i32
        %get3A_445 = arith.index_cast %add3A_444 : i32 to index
        %get3A_446 = arith.constant 112 : index
        %get3A_447 = tpu.vector_load %arg16[%get3A_445, %get3A_446] {strides = array<i32>} : memref<64x128xf32, #tpu.memory_space<vmem>>, vector<1x16xf32>,
        %get3A_448 = vector.shape_cast %get3A_447 : vector<1x16xf32> to vector<16xf32>
        %add3A_449 = arith.constant 0 : i32
        %add3A_450 = arith.addi %mul3A_235, %add3A_449 : i32
        %get3A_451 = arith.index_cast %add3A_450 : i32 to index
        %get3A_452 = arith.constant 112 : index
        %get3A_453 = tpu.vector_load %arg17[%get3A_451, %get3A_452] {strides = array<i32>} : memref<64x128xf32, #tpu.memory_space<vmem>>, vector<1x16xf32>,
        %get3A_454 = vector.shape_cast %get3A_453 : vector<1x16xf32> to vector<16xf32>
        %add3A_455 = arith.addf %get3A_448, %get3A_454 : vector<16xf32>
        %add3A_456 = arith.constant 0 : i32
        %add3A_457 = arith.addi %mul3A_235, %add3A_456 : i32
        %get3A_458 = arith.index_cast %add3A_457 : i32 to index
        %get3A_459 = arith.constant 112 : index
        %get3A_460 = tpu.vector_load %arg18[%get3A_458, %get3A_459] {strides = array<i32>} : memref<64x128xf32, #tpu.memory_space<vmem>>, vector<1x16xf32>,
        %get3A_461 = vector.shape_cast %get3A_460 : vector<1x16xf32> to vector<16xf32>
        %add3A_462 = arith.addf %add3A_455, %get3A_461 : vector<16xf32>
        %max3A_463 = arith.constant 0.000000e+00 : f32
        %max3A_464 = vector.broadcast %max3A_463 : f32 to vector<16xf32>
        %max3A_465 = arith.maximumf %add3A_462, %max3A_464 : vector<16xf32>
        %add3A_466 = arith.constant 0 : i32
        %add3A_467 = arith.addi %mul3A_235, %add3A_466 : i32
        %swap3A_468 = arith.index_cast %add3A_467 : i32 to index
        %swap3A_469 = arith.constant 112 : index
        %swap3A_470 = tpu.vector_load %arg16[%swap3A_468, %swap3A_469] {strides = array<i32>} : memref<64x128xf32, #tpu.memory_space<vmem>>, vector<1x16xf32>,
        %swap3A_471 = vector.shape_cast %swap3A_470 : vector<1x16xf32> to vector<16xf32>
        %swap3A_472 = vector.shape_cast %max3A_465 : vector<16xf32> to vector<1x16xf32>
        tpu.vector_store %arg16[%swap3A_468, %swap3A_469], %swap3A_472 {strides = array<i32>} : memref<64x128xf32, #tpu.memory_space<vmem>>, vector<1x16xf32>,
        %add3A_473 = arith.constant 1 : i32
        %add3A_474 = arith.addi %mul3A_235, %add3A_473 : i32
        %get3A_475 = arith.index_cast %add3A_474 : i32 to index
        %get3A_476 = arith.constant 0 : index
        %get3A_477 = tpu.vector_load %arg16[%get3A_475, %get3A_476] {strides = array<i32>} : memref<64x128xf32, #tpu.memory_space<vmem>>, vector<1x16xf32>,
        %get3A_478 = vector.shape_cast %get3A_477 : vector<1x16xf32> to vector<16xf32>
        %add3A_479 = arith.constant 1 : i32
        %add3A_480 = arith.addi %mul3A_235, %add3A_479 : i32
        %get3A_481 = arith.index_cast %add3A_480 : i32 to index
        %get3A_482 = arith.constant 0 : index
        %get3A_483 = tpu.vector_load %arg17[%get3A_481, %get3A_482] {strides = array<i32>} : memref<64x128xf32, #tpu.memory_space<vmem>>, vector<1x16xf32>,
        %get3A_484 = vector.shape_cast %get3A_483 : vector<1x16xf32> to vector<16xf32>
        %add3A_485 = arith.addf %get3A_478, %get3A_484 : vector<16xf32>
        %add3A_486 = arith.constant 1 : i32
        %add3A_487 = arith.addi %mul3A_235, %add3A_486 : i32
        %get3A_488 = arith.index_cast %add3A_487 : i32 to index
        %get3A_489 = arith.constant 0 : index
        %get3A_490 = tpu.vector_load %arg18[%get3A_488, %get3A_489] {strides = array<i32>} : memref<64x128xf32, #tpu.memory_space<vmem>>, vector<1x16xf32>,
        %get3A_491 = vector.shape_cast %get3A_490 : vector<1x16xf32> to vector<16xf32>
        %add3A_492 = arith.addf %add3A_485, %get3A_491 : vector<16xf32>
        %max3A_493 = arith.constant 0.000000e+00 : f32
        %max3A_494 = vector.broadcast %max3A_493 : f32 to vector<16xf32>
        %max3A_495 = arith.maximumf %add3A_492, %max3A_494 : vector<16xf32>
        %add3A_496 = arith.constant 1 : i32
        %add3A_497 = arith.addi %mul3A_235, %add3A_496 : i32
        %swap3A_498 = arith.index_cast %add3A_497 : i32 to index
        %swap3A_499 = arith.constant 0 : index
        %swap3A_500 = tpu.vector_load %arg16[%swap3A_498, %swap3A_499] {strides = array<i32>} : memref<64x128xf32, #tpu.memory_space<vmem>>, vector<1x16xf32>,
        %swap3A_501 = vector.shape_cast %swap3A_500 : vector<1x16xf32> to vector<16xf32>
        %swap3A_502 = vector.shape_cast %max3A_495 : vector<16xf32> to vector<1x16xf32>
        tpu.vector_store %arg16[%swap3A_498, %swap3A_499], %swap3A_502 {strides = array<i32>} : memref<64x128xf32, #tpu.memory_space<vmem>>, vector<1x16xf32>,
        %add3A_503 = arith.constant 1 : i32
        %add3A_504 = arith.addi %mul3A_235, %add3A_503 : i32
        %get3A_505 = arith.index_cast %add3A_504 : i32 to index
        %get3A_506 = arith.constant 16 : index
        %get3A_507 = tpu.vector_load %arg16[%get3A_505, %get3A_506] {strides = array<i32>} : memref<64x128xf32, #tpu.memory_space<vmem>>, vector<1x16xf32>,
        %get3A_508 = vector.shape_cast %get3A_507 : vector<1x16xf32> to vector<16xf32>
        %add3A_509 = arith.constant 1 : i32
        %add3A_510 = arith.addi %mul3A_235, %add3A_509 : i32
        %get3A_511 = arith.index_cast %add3A_510 : i32 to index
        %get3A_512 = arith.constant 16 : index
        %get3A_513 = tpu.vector_load %arg17[%get3A_511, %get3A_512] {strides = array<i32>} : memref<64x128xf32, #tpu.memory_space<vmem>>, vector<1x16xf32>,
        %get3A_514 = vector.shape_cast %get3A_513 : vector<1x16xf32> to vector<16xf32>
        %add3A_515 = arith.addf %get3A_508, %get3A_514 : vector<16xf32>
        %add3A_516 = arith.constant 1 : i32
        %add3A_517 = arith.addi %mul3A_235, %add3A_516 : i32
        %get3A_518 = arith.index_cast %add3A_517 : i32 to index
        %get3A_519 = arith.constant 16 : index
        %get3A_520 = tpu.vector_load %arg18[%get3A_518, %get3A_519] {strides = array<i32>} : memref<64x128xf32, #tpu.memory_space<vmem>>, vector<1x16xf32>,
        %get3A_521 = vector.shape_cast %get3A_520 : vector<1x16xf32> to vector<16xf32>
        %add3A_522 = arith.addf %add3A_515, %get3A_521 : vector<16xf32>
        %max3A_523 = arith.constant 0.000000e+00 : f32
        %max3A_524 = vector.broadcast %max3A_523 : f32 to vector<16xf32>
        %max3A_525 = arith.maximumf %add3A_522, %max3A_524 : vector<16xf32>
        %add3A_526 = arith.constant 1 : i32
        %add3A_527 = arith.addi %mul3A_235, %add3A_526 : i32
        %swap3A_528 = arith.index_cast %add3A_527 : i32 to index
        %swap3A_529 = arith.constant 16 : index
        %swap3A_530 = tpu.vector_load %arg16[%swap3A_528, %swap3A_529] {strides = array<i32>} : memref<64x128xf32, #tpu.memory_space<vmem>>, vector<1x16xf32>,
        %swap3A_531 = vector.shape_cast %swap3A_530 : vector<1x16xf32> to vector<16xf32>
        %swap3A_532 = vector.shape_cast %max3A_525 : vector<16xf32> to vector<1x16xf32>
        tpu.vector_store %arg16[%swap3A_528, %swap3A_529], %swap3A_532 {strides = array<i32>} : memref<64x128xf32, #tpu.memory_space<vmem>>, vector<1x16xf32>,
        %add3A_533 = arith.constant 1 : i32
        %add3A_534 = arith.addi %mul3A_235, %add3A_533 : i32
        %get3A_535 = arith.index_cast %add3A_534 : i32 to index
        %get3A_536 = arith.constant 32 : index
        %get3A_537 = tpu.vector_load %arg16[%get3A_535, %get3A_536] {strides = array<i32>} : memref<64x128xf32, #tpu.memory_space<vmem>>, vector<1x16xf32>,
        %get3A_538 = vector.shape_cast %get3A_537 : vector<1x16xf32> to vector<16xf32>
        %add3A_539 = arith.constant 1 : i32
        %add3A_540 = arith.addi %mul3A_235, %add3A_539 : i32
        %get3A_541 = arith.index_cast %add3A_540 : i32 to index
        %get3A_542 = arith.constant 32 : index
        %get3A_543 = tpu.vector_load %arg17[%get3A_541, %get3A_542] {strides = array<i32>} : memref<64x128xf32, #tpu.memory_space<vmem>>, vector<1x16xf32>,
        %get3A_544 = vector.shape_cast %get3A_543 : vector<1x16xf32> to vector<16xf32>
        %add3A_545 = arith.addf %get3A_538, %get3A_544 : vector<16xf32>
        %add3A_546 = arith.constant 1 : i32
        %add3A_547 = arith.addi %mul3A_235, %add3A_546 : i32
        %get3A_548 = arith.index_cast %add3A_547 : i32 to index
        %get3A_549 = arith.constant 32 : index
        %get3A_550 = tpu.vector_load %arg18[%get3A_548, %get3A_549] {strides = array<i32>} : memref<64x128xf32, #tpu.memory_space<vmem>>, vector<1x16xf32>,
        %get3A_551 = vector.shape_cast %get3A_550 : vector<1x16xf32> to vector<16xf32>
        %add3A_552 = arith.addf %add3A_545, %get3A_551 : vector<16xf32>
        %max3A_553 = arith.constant 0.000000e+00 : f32
        %max3A_554 = vector.broadcast %max3A_553 : f32 to vector<16xf32>
        %max3A_555 = arith.maximumf %add3A_552, %max3A_554 : vector<16xf32>
        %add3A_556 = arith.constant 1 : i32
        %add3A_557 = arith.addi %mul3A_235, %add3A_556 : i32
        %swap3A_558 = arith.index_cast %add3A_557 : i32 to index
        %swap3A_559 = arith.constant 32 : index
        %swap3A_560 = tpu.vector_load %arg16[%swap3A_558, %swap3A_559] {strides = array<i32>} : memref<64x128xf32, #tpu.memory_space<vmem>>, vector<1x16xf32>,
        %swap3A_561 = vector.shape_cast %swap3A_560 : vector<1x16xf32> to vector<16xf32>
        %swap3A_562 = vector.shape_cast %max3A_555 : vector<16xf32> to vector<1x16xf32>
        tpu.vector_store %arg16[%swap3A_558, %swap3A_559], %swap3A_562 {strides = array<i32>} : memref<64x128xf32, #tpu.memory_space<vmem>>, vector<1x16xf32>,
        %add3A_563 = arith.constant 1 : i32
        %add3A_564 = arith.addi %mul3A_235, %add3A_563 : i32
        %get3A_565 = arith.index_cast %add3A_564 : i32 to index
        %get3A_566 = arith.constant 48 : index
        %get3A_567 = tpu.vector_load %arg16[%get3A_565, %get3A_566] {strides = array<i32>} : memref<64x128xf32, #tpu.memory_space<vmem>>, vector<1x16xf32>,
        %get3A_568 = vector.shape_cast %get3A_567 : vector<1x16xf32> to vector<16xf32>
        %add3A_569 = arith.constant 1 : i32
        %add3A_570 = arith.addi %mul3A_235, %add3A_569 : i32
        %get3A_571 = arith.index_cast %add3A_570 : i32 to index
        %get3A_572 = arith.constant 48 : index
        %get3A_573 = tpu.vector_load %arg17[%get3A_571, %get3A_572] {strides = array<i32>} : memref<64x128xf32, #tpu.memory_space<vmem>>, vector<1x16xf32>,
        %get3A_574 = vector.shape_cast %get3A_573 : vector<1x16xf32> to vector<16xf32>
        %add3A_575 = arith.addf %get3A_568, %get3A_574 : vector<16xf32>
        %add3A_576 = arith.constant 1 : i32
        %add3A_577 = arith.addi %mul3A_235, %add3A_576 : i32
        %get3A_578 = arith.index_cast %add3A_577 : i32 to index
        %get3A_579 = arith.constant 48 : index
        %get3A_580 = tpu.vector_load %arg18[%get3A_578, %get3A_579] {strides = array<i32>} : memref<64x128xf32, #tpu.memory_space<vmem>>, vector<1x16xf32>,
        %get3A_581 = vector.shape_cast %get3A_580 : vector<1x16xf32> to vector<16xf32>
        %add3A_582 = arith.addf %add3A_575, %get3A_581 : vector<16xf32>
        %max3A_583 = arith.constant 0.000000e+00 : f32
        %max3A_584 = vector.broadcast %max3A_583 : f32 to vector<16xf32>
        %max3A_585 = arith.maximumf %add3A_582, %max3A_584 : vector<16xf32>
        %add3A_586 = arith.constant 1 : i32
        %add3A_587 = arith.addi %mul3A_235, %add3A_586 : i32
        %swap3A_588 = arith.index_cast %add3A_587 : i32 to index
        %swap3A_589 = arith.constant 48 : index
        %swap3A_590 = tpu.vector_load %arg16[%swap3A_588, %swap3A_589] {strides = array<i32>} : memref<64x128xf32, #tpu.memory_space<vmem>>, vector<1x16xf32>,
        %swap3A_591 = vector.shape_cast %swap3A_590 : vector<1x16xf32> to vector<16xf32>
        %swap3A_592 = vector.shape_cast %max3A_585 : vector<16xf32> to vector<1x16xf32>
        tpu.vector_store %arg16[%swap3A_588, %swap3A_589], %swap3A_592 {strides = array<i32>} : memref<64x128xf32, #tpu.memory_space<vmem>>, vector<1x16xf32>,
        %add3A_593 = arith.constant 1 : i32
        %add3A_594 = arith.addi %mul3A_235, %add3A_593 : i32
        %get3A_595 = arith.index_cast %add3A_594 : i32 to index
        %get3A_596 = arith.constant 64 : index
        %get3A_597 = tpu.vector_load %arg16[%get3A_595, %get3A_596] {strides = array<i32>} : memref<64x128xf32, #tpu.memory_space<vmem>>, vector<1x16xf32>,
        %get3A_598 = vector.shape_cast %get3A_597 : vector<1x16xf32> to vector<16xf32>
        %add3A_599 = arith.constant 1 : i32
        %add3A_600 = arith.addi %mul3A_235, %add3A_599 : i32
        %get3A_601 = arith.index_cast %add3A_600 : i32 to index
        %get3A_602 = arith.constant 64 : index
        %get3A_603 = tpu.vector_load %arg17[%get3A_601, %get3A_602] {strides = array<i32>} : memref<64x128xf32, #tpu.memory_space<vmem>>, vector<1x16xf32>,
        %get3A_604 = vector.shape_cast %get3A_603 : vector<1x16xf32> to vector<16xf32>
        %add3A_605 = arith.addf %get3A_598, %get3A_604 : vector<16xf32>
        %add3A_606 = arith.constant 1 : i32
        %add3A_607 = arith.addi %mul3A_235, %add3A_606 : i32
        %get3A_608 = arith.index_cast %add3A_607 : i32 to index
        %get3A_609 = arith.constant 64 : index
        %get3A_610 = tpu.vector_load %arg18[%get3A_608, %get3A_609] {strides = array<i32>} : memref<64x128xf32, #tpu.memory_space<vmem>>, vector<1x16xf32>,
        %get3A_611 = vector.shape_cast %get3A_610 : vector<1x16xf32> to vector<16xf32>
        %add3A_612 = arith.addf %add3A_605, %get3A_611 : vector<16xf32>
        %max3A_613 = arith.constant 0.000000e+00 : f32
        %max3A_614 = vector.broadcast %max3A_613 : f32 to vector<16xf32>
        %max3A_615 = arith.maximumf %add3A_612, %max3A_614 : vector<16xf32>
        %add3A_616 = arith.constant 1 : i32
        %add3A_617 = arith.addi %mul3A_235, %add3A_616 : i32
        %swap3A_618 = arith.index_cast %add3A_617 : i32 to index
        %swap3A_619 = arith.constant 64 : index
        %swap3A_620 = tpu.vector_load %arg16[%swap3A_618, %swap3A_619] {strides = array<i32>} : memref<64x128xf32, #tpu.memory_space<vmem>>, vector<1x16xf32>,
        %swap3A_621 = vector.shape_cast %swap3A_620 : vector<1x16xf32> to vector<16xf32>
        %swap3A_622 = vector.shape_cast %max3A_615 : vector<16xf32> to vector<1x16xf32>
        tpu.vector_store %arg16[%swap3A_618, %swap3A_619], %swap3A_622 {strides = array<i32>} : memref<64x128xf32, #tpu.memory_space<vmem>>, vector<1x16xf32>,
        %add3A_623 = arith.constant 1 : i32
        %add3A_624 = arith.addi %mul3A_235, %add3A_623 : i32
        %get3A_625 = arith.index_cast %add3A_624 : i32 to index
        %get3A_626 = arith.constant 80 : index
        %get3A_627 = tpu.vector_load %arg16[%get3A_625, %get3A_626] {strides = array<i32>} : memref<64x128xf32, #tpu.memory_space<vmem>>, vector<1x16xf32>,
        %get3A_628 = vector.shape_cast %get3A_627 : vector<1x16xf32> to vector<16xf32>
        %add3A_629 = arith.constant 1 : i32
        %add3A_630 = arith.addi %mul3A_235, %add3A_629 : i32
        %get3A_631 = arith.index_cast %add3A_630 : i32 to index
        %get3A_632 = arith.constant 80 : index
        %get3A_633 = tpu.vector_load %arg17[%get3A_631, %get3A_632] {strides = array<i32>} : memref<64x128xf32, #tpu.memory_space<vmem>>, vector<1x16xf32>,
        %get3A_634 = vector.shape_cast %get3A_633 : vector<1x16xf32> to vector<16xf32>
        %add3A_635 = arith.addf %get3A_628, %get3A_634 : vector<16xf32>
        %add3A_636 = arith.constant 1 : i32
        %add3A_637 = arith.addi %mul3A_235, %add3A_636 : i32
        %get3A_638 = arith.index_cast %add3A_637 : i32 to index
        %get3A_639 = arith.constant 80 : index
        %get3A_640 = tpu.vector_load %arg18[%get3A_638, %get3A_639] {strides = array<i32>} : memref<64x128xf32, #tpu.memory_space<vmem>>, vector<1x16xf32>,
        %get3A_641 = vector.shape_cast %get3A_640 : vector<1x16xf32> to vector<16xf32>
        %add3A_642 = arith.addf %add3A_635, %get3A_641 : vector<16xf32>
        %max3A_643 = arith.constant 0.000000e+00 : f32
        %max3A_644 = vector.broadcast %max3A_643 : f32 to vector<16xf32>
        %max3A_645 = arith.maximumf %add3A_642, %max3A_644 : vector<16xf32>
        %add3A_646 = arith.constant 1 : i32
        %add3A_647 = arith.addi %mul3A_235, %add3A_646 : i32
        %swap3A_648 = arith.index_cast %add3A_647 : i32 to index
        %swap3A_649 = arith.constant 80 : index
        %swap3A_650 = tpu.vector_load %arg16[%swap3A_648, %swap3A_649] {strides = array<i32>} : memref<64x128xf32, #tpu.memory_space<vmem>>, vector<1x16xf32>,
        %swap3A_651 = vector.shape_cast %swap3A_650 : vector<1x16xf32> to vector<16xf32>
        %swap3A_652 = vector.shape_cast %max3A_645 : vector<16xf32> to vector<1x16xf32>
        tpu.vector_store %arg16[%swap3A_648, %swap3A_649], %swap3A_652 {strides = array<i32>} : memref<64x128xf32, #tpu.memory_space<vmem>>, vector<1x16xf32>,
        %add3A_653 = arith.constant 1 : i32
        %add3A_654 = arith.addi %mul3A_235, %add3A_653 : i32
        %get3A_655 = arith.index_cast %add3A_654 : i32 to index
        %get3A_656 = arith.constant 96 : index
        %get3A_657 = tpu.vector_load %arg16[%get3A_655, %get3A_656] {strides = array<i32>} : memref<64x128xf32, #tpu.memory_space<vmem>>, vector<1x16xf32>,
        %get3A_658 = vector.shape_cast %get3A_657 : vector<1x16xf32> to vector<16xf32>
        %add3A_659 = arith.constant 1 : i32
        %add3A_660 = arith.addi %mul3A_235, %add3A_659 : i32
        %get3A_661 = arith.index_cast %add3A_660 : i32 to index
        %get3A_662 = arith.constant 96 : index
        %get3A_663 = tpu.vector_load %arg17[%get3A_661, %get3A_662] {strides = array<i32>} : memref<64x128xf32, #tpu.memory_space<vmem>>, vector<1x16xf32>,
        %get3A_664 = vector.shape_cast %get3A_663 : vector<1x16xf32> to vector<16xf32>
        %add3A_665 = arith.addf %get3A_658, %get3A_664 : vector<16xf32>
        %add3A_666 = arith.constant 1 : i32
        %add3A_667 = arith.addi %mul3A_235, %add3A_666 : i32
        %get3A_668 = arith.index_cast %add3A_667 : i32 to index
        %get3A_669 = arith.constant 96 : index
        %get3A_670 = tpu.vector_load %arg18[%get3A_668, %get3A_669] {strides = array<i32>} : memref<64x128xf32, #tpu.memory_space<vmem>>, vector<1x16xf32>,
        %get3A_671 = vector.shape_cast %get3A_670 : vector<1x16xf32> to vector<16xf32>
        %add3A_672 = arith.addf %add3A_665, %get3A_671 : vector<16xf32>
        %max3A_673 = arith.constant 0.000000e+00 : f32
        %max3A_674 = vector.broadcast %max3A_673 : f32 to vector<16xf32>
        %max3A_675 = arith.maximumf %add3A_672, %max3A_674 : vector<16xf32>
        %add3A_676 = arith.constant 1 : i32
        %add3A_677 = arith.addi %mul3A_235, %add3A_676 : i32
        %swap3A_678 = arith.index_cast %add3A_677 : i32 to index
        %swap3A_679 = arith.constant 96 : index
        %swap3A_680 = tpu.vector_load %arg16[%swap3A_678, %swap3A_679] {strides = array<i32>} : memref<64x128xf32, #tpu.memory_space<vmem>>, vector<1x16xf32>,
        %swap3A_681 = vector.shape_cast %swap3A_680 : vector<1x16xf32> to vector<16xf32>
        %swap3A_682 = vector.shape_cast %max3A_675 : vector<16xf32> to vector<1x16xf32>
        tpu.vector_store %arg16[%swap3A_678, %swap3A_679], %swap3A_682 {strides = array<i32>} : memref<64x128xf32, #tpu.memory_space<vmem>>, vector<1x16xf32>,
        %add3A_683 = arith.constant 1 : i32
        %add3A_684 = arith.addi %mul3A_235, %add3A_683 : i32
        %get3A_685 = arith.index_cast %add3A_684 : i32 to index
        %get3A_686 = arith.constant 112 : index
        %get3A_687 = tpu.vector_load %arg16[%get3A_685, %get3A_686] {strides = array<i32>} : memref<64x128xf32, #tpu.memory_space<vmem>>, vector<1x16xf32>,
        %get3A_688 = vector.shape_cast %get3A_687 : vector<1x16xf32> to vector<16xf32>
        %add3A_689 = arith.constant 1 : i32
        %add3A_690 = arith.addi %mul3A_235, %add3A_689 : i32
        %get3A_691 = arith.index_cast %add3A_690 : i32 to index
        %get3A_692 = arith.constant 112 : index
        %get3A_693 = tpu.vector_load %arg17[%get3A_691, %get3A_692] {strides = array<i32>} : memref<64x128xf32, #tpu.memory_space<vmem>>, vector<1x16xf32>,
        %get3A_694 = vector.shape_cast %get3A_693 : vector<1x16xf32> to vector<16xf32>
        %add3A_695 = arith.addf %get3A_688, %get3A_694 : vector<16xf32>
        %add3A_696 = arith.constant 1 : i32
        %add3A_697 = arith.addi %mul3A_235, %add3A_696 : i32
        %get3A_698 = arith.index_cast %add3A_697 : i32 to index
        %get3A_699 = arith.constant 112 : index
        %get3A_700 = tpu.vector_load %arg18[%get3A_698, %get3A_699] {strides = array<i32>} : memref<64x128xf32, #tpu.memory_space<vmem>>, vector<1x16xf32>,
        %get3A_701 = vector.shape_cast %get3A_700 : vector<1x16xf32> to vector<16xf32>
        %add3A_702 = arith.addf %add3A_695, %get3A_701 : vector<16xf32>
        %max3A_703 = arith.constant 0.000000e+00 : f32
        %max3A_704 = vector.broadcast %max3A_703 : f32 to vector<16xf32>
        %max3A_705 = arith.maximumf %add3A_702, %max3A_704 : vector<16xf32>
        %add3A_706 = arith.constant 1 : i32
        %add3A_707 = arith.addi %mul3A_235, %add3A_706 : i32
        %swap3A_708 = arith.index_cast %add3A_707 : i32 to index
        %swap3A_709 = arith.constant 112 : index
        %swap3A_710 = tpu.vector_load %arg16[%swap3A_708, %swap3A_709] {strides = array<i32>} : memref<64x128xf32, #tpu.memory_space<vmem>>, vector<1x16xf32>,
        %swap3A_711 = vector.shape_cast %swap3A_710 : vector<1x16xf32> to vector<16xf32>
        %swap3A_712 = vector.shape_cast %max3A_705 : vector<16xf32> to vector<1x16xf32>
        tpu.vector_store %arg16[%swap3A_708, %swap3A_709], %swap3A_712 {strides = array<i32>} : memref<64x128xf32, #tpu.memory_space<vmem>>, vector<1x16xf32>,
        %add3A_713 = arith.constant 2 : i32
        %add3A_714 = arith.addi %mul3A_235, %add3A_713 : i32
        %get3A_715 = arith.index_cast %add3A_714 : i32 to index
        %get3A_716 = arith.constant 0 : index
        %get3A_717 = tpu.vector_load %arg16[%get3A_715, %get3A_716] {strides = array<i32>} : memref<64x128xf32, #tpu.memory_space<vmem>>, vector<1x16xf32>,
        %get3A_718 = vector.shape_cast %get3A_717 : vector<1x16xf32> to vector<16xf32>
        %add3A_719 = arith.constant 2 : i32
        %add3A_720 = arith.addi %mul3A_235, %add3A_719 : i32
        %get3A_721 = arith.index_cast %add3A_720 : i32 to index
        %get3A_722 = arith.constant 0 : index
        %get3A_723 = tpu.vector_load %arg17[%get3A_721, %get3A_722] {strides = array<i32>} : memref<64x128xf32, #tpu.memory_space<vmem>>, vector<1x16xf32>,
        %get3A_724 = vector.shape_cast %get3A_723 : vector<1x16xf32> to vector<16xf32>
        %add3A_725 = arith.addf %get3A_718, %get3A_724 : vector<16xf32>
        %add3A_726 = arith.constant 2 : i32
        %add3A_727 = arith.addi %mul3A_235, %add3A_726 : i32
        %get3A_728 = arith.index_cast %add3A_727 : i32 to index
        %get3A_729 = arith.constant 0 : index
        %get3A_730 = tpu.vector_load %arg18[%get3A_728, %get3A_729] {strides = array<i32>} : memref<64x128xf32, #tpu.memory_space<vmem>>, vector<1x16xf32>,
        %get3A_731 = vector.shape_cast %get3A_730 : vector<1x16xf32> to vector<16xf32>
        %add3A_732 = arith.addf %add3A_725, %get3A_731 : vector<16xf32>
        %max3A_733 = arith.constant 0.000000e+00 : f32
        %max3A_734 = vector.broadcast %max3A_733 : f32 to vector<16xf32>
        %max3A_735 = arith.maximumf %add3A_732, %max3A_734 : vector<16xf32>
        %add3A_736 = arith.constant 2 : i32
        %add3A_737 = arith.addi %mul3A_235, %add3A_736 : i32
        %swap3A_738 = arith.index_cast %add3A_737 : i32 to index
        %swap3A_739 = arith.constant 0 : index
        %swap3A_740 = tpu.vector_load %arg16[%swap3A_738, %swap3A_739] {strides = array<i32>} : memref<64x128xf32, #tpu.memory_space<vmem>>, vector<1x16xf32>,
        %swap3A_741 = vector.shape_cast %swap3A_740 : vector<1x16xf32> to vector<16xf32>
        %swap3A_742 = vector.shape_cast %max3A_735 : vector<16xf32> to vector<1x16xf32>
        tpu.vector_store %arg16[%swap3A_738, %swap3A_739], %swap3A_742 {strides = array<i32>} : memref<64x128xf32, #tpu.memory_space<vmem>>, vector<1x16xf32>,
        %add3A_743 = arith.constant 2 : i32
        %add3A_744 = arith.addi %mul3A_235, %add3A_743 : i32
        %get3A_745 = arith.index_cast %add3A_744 : i32 to index
        %get3A_746 = arith.constant 16 : index
        %get3A_747 = tpu.vector_load %arg16[%get3A_745, %get3A_746] {strides = array<i32>} : memref<64x128xf32, #tpu.memory_space<vmem>>, vector<1x16xf32>,
        %get3A_748 = vector.shape_cast %get3A_747 : vector<1x16xf32> to vector<16xf32>
        %add3A_749 = arith.constant 2 : i32
        %add3A_750 = arith.addi %mul3A_235, %add3A_749 : i32
        %get3A_751 = arith.index_cast %add3A_750 : i32 to index
        %get3A_752 = arith.constant 16 : index
        %get3A_753 = tpu.vector_load %arg17[%get3A_751, %get3A_752] {strides = array<i32>} : memref<64x128xf32, #tpu.memory_space<vmem>>, vector<1x16xf32>,
        %get3A_754 = vector.shape_cast %get3A_753 : vector<1x16xf32> to vector<16xf32>
        %add3A_755 = arith.addf %get3A_748, %get3A_754 : vector<16xf32>
        %add3A_756 = arith.constant 2 : i32
        %add3A_757 = arith.addi %mul3A_235, %add3A_756 : i32
        %get3A_758 = arith.index_cast %add3A_757 : i32 to index
        %get3A_759 = arith.constant 16 : index
        %get3A_760 = tpu.vector_load %arg18[%get3A_758, %get3A_759] {strides = array<i32>} : memref<64x128xf32, #tpu.memory_space<vmem>>, vector<1x16xf32>,
        %get3A_761 = vector.shape_cast %get3A_760 : vector<1x16xf32> to vector<16xf32>
        %add3A_762 = arith.addf %add3A_755, %get3A_761 : vector<16xf32>
        %max3A_763 = arith.constant 0.000000e+00 : f32
        %max3A_764 = vector.broadcast %max3A_763 : f32 to vector<16xf32>
        %max3A_765 = arith.maximumf %add3A_762, %max3A_764 : vector<16xf32>
        %add3A_766 = arith.constant 2 : i32
        %add3A_767 = arith.addi %mul3A_235, %add3A_766 : i32
        %swap3A_768 = arith.index_cast %add3A_767 : i32 to index
        %swap3A_769 = arith.constant 16 : index
        %swap3A_770 = tpu.vector_load %arg16[%swap3A_768, %swap3A_769] {strides = array<i32>} : memref<64x128xf32, #tpu.memory_space<vmem>>, vector<1x16xf32>,
        %swap3A_771 = vector.shape_cast %swap3A_770 : vector<1x16xf32> to vector<16xf32>
        %swap3A_772 = vector.shape_cast %max3A_765 : vector<16xf32> to vector<1x16xf32>
        tpu.vector_store %arg16[%swap3A_768, %swap3A_769], %swap3A_772 {strides = array<i32>} : memref<64x128xf32, #tpu.memory_space<vmem>>, vector<1x16xf32>,
        %add3A_773 = arith.constant 2 : i32
        %add3A_774 = arith.addi %mul3A_235, %add3A_773 : i32
        %get3A_775 = arith.index_cast %add3A_774 : i32 to index
        %get3A_776 = arith.constant 32 : index
        %get3A_777 = tpu.vector_load %arg16[%get3A_775, %get3A_776] {strides = array<i32>} : memref<64x128xf32, #tpu.memory_space<vmem>>, vector<1x16xf32>,
        %get3A_778 = vector.shape_cast %get3A_777 : vector<1x16xf32> to vector<16xf32>
        %add3A_779 = arith.constant 2 : i32
        %add3A_780 = arith.addi %mul3A_235, %add3A_779 : i32
        %get3A_781 = arith.index_cast %add3A_780 : i32 to index
        %get3A_782 = arith.constant 32 : index
        %get3A_783 = tpu.vector_load %arg17[%get3A_781, %get3A_782] {strides = array<i32>} : memref<64x128xf32, #tpu.memory_space<vmem>>, vector<1x16xf32>,
        %get3A_784 = vector.shape_cast %get3A_783 : vector<1x16xf32> to vector<16xf32>
        %add3A_785 = arith.addf %get3A_778, %get3A_784 : vector<16xf32>
        %add3A_786 = arith.constant 2 : i32
        %add3A_787 = arith.addi %mul3A_235, %add3A_786 : i32
        %get3A_788 = arith.index_cast %add3A_787 : i32 to index
        %get3A_789 = arith.constant 32 : index
        %get3A_790 = tpu.vector_load %arg18[%get3A_788, %get3A_789] {strides = array<i32>} : memref<64x128xf32, #tpu.memory_space<vmem>>, vector<1x16xf32>,
        %get3A_791 = vector.shape_cast %get3A_790 : vector<1x16xf32> to vector<16xf32>
        %add3A_792 = arith.addf %add3A_785, %get3A_791 : vector<16xf32>
        %max3A_793 = arith.constant 0.000000e+00 : f32
        %max3A_794 = vector.broadcast %max3A_793 : f32 to vector<16xf32>
        %max3A_795 = arith.maximumf %add3A_792, %max3A_794 : vector<16xf32>
        %add3A_796 = arith.constant 2 : i32
        %add3A_797 = arith.addi %mul3A_235, %add3A_796 : i32
        %swap3A_798 = arith.index_cast %add3A_797 : i32 to index
        %swap3A_799 = arith.constant 32 : index
        %swap3A_800 = tpu.vector_load %arg16[%swap3A_798, %swap3A_799] {strides = array<i32>} : memref<64x128xf32, #tpu.memory_space<vmem>>, vector<1x16xf32>,
        %swap3A_801 = vector.shape_cast %swap3A_800 : vector<1x16xf32> to vector<16xf32>
        %swap3A_802 = vector.shape_cast %max3A_795 : vector<16xf32> to vector<1x16xf32>
        tpu.vector_store %arg16[%swap3A_798, %swap3A_799], %swap3A_802 {strides = array<i32>} : memref<64x128xf32, #tpu.memory_space<vmem>>, vector<1x16xf32>,
        %add3A_803 = arith.constant 2 : i32
        %add3A_804 = arith.addi %mul3A_235, %add3A_803 : i32
        %get3A_805 = arith.index_cast %add3A_804 : i32 to index
        %get3A_806 = arith.constant 48 : index
        %get3A_807 = tpu.vector_load %arg16[%get3A_805, %get3A_806] {strides = array<i32>} : memref<64x128xf32, #tpu.memory_space<vmem>>, vector<1x16xf32>,
        %get3A_808 = vector.shape_cast %get3A_807 : vector<1x16xf32> to vector<16xf32>
        %add3A_809 = arith.constant 2 : i32
        %add3A_810 = arith.addi %mul3A_235, %add3A_809 : i32
        %get3A_811 = arith.index_cast %add3A_810 : i32 to index
        %get3A_812 = arith.constant 48 : index
        %get3A_813 = tpu.vector_load %arg17[%get3A_811, %get3A_812] {strides = array<i32>} : memref<64x128xf32, #tpu.memory_space<vmem>>, vector<1x16xf32>,
        %get3A_814 = vector.shape_cast %get3A_813 : vector<1x16xf32> to vector<16xf32>
        %add3A_815 = arith.addf %get3A_808, %get3A_814 : vector<16xf32>
        %add3A_816 = arith.constant 2 : i32
        %add3A_817 = arith.addi %mul3A_235, %add3A_816 : i32
        %get3A_818 = arith.index_cast %add3A_817 : i32 to index
        %get3A_819 = arith.constant 48 : index
        %get3A_820 = tpu.vector_load %arg18[%get3A_818, %get3A_819] {strides = array<i32>} : memref<64x128xf32, #tpu.memory_space<vmem>>, vector<1x16xf32>,
        %get3A_821 = vector.shape_cast %get3A_820 : vector<1x16xf32> to vector<16xf32>
        %add3A_822 = arith.addf %add3A_815, %get3A_821 : vector<16xf32>
        %max3A_823 = arith.constant 0.000000e+00 : f32
        %max3A_824 = vector.broadcast %max3A_823 : f32 to vector<16xf32>
        %max3A_825 = arith.maximumf %add3A_822, %max3A_824 : vector<16xf32>
        %add3A_826 = arith.constant 2 : i32
        %add3A_827 = arith.addi %mul3A_235, %add3A_826 : i32
        %swap3A_828 = arith.index_cast %add3A_827 : i32 to index
        %swap3A_829 = arith.constant 48 : index
        %swap3A_830 = tpu.vector_load %arg16[%swap3A_828, %swap3A_829] {strides = array<i32>} : memref<64x128xf32, #tpu.memory_space<vmem>>, vector<1x16xf32>,
        %swap3A_831 = vector.shape_cast %swap3A_830 : vector<1x16xf32> to vector<16xf32>
        %swap3A_832 = vector.shape_cast %max3A_825 : vector<16xf32> to vector<1x16xf32>
        tpu.vector_store %arg16[%swap3A_828, %swap3A_829], %swap3A_832 {strides = array<i32>} : memref<64x128xf32, #tpu.memory_space<vmem>>, vector<1x16xf32>,
        %add3A_833 = arith.constant 2 : i32
        %add3A_834 = arith.addi %mul3A_235, %add3A_833 : i32
        %get3A_835 = arith.index_cast %add3A_834 : i32 to index
        %get3A_836 = arith.constant 64 : index
        %get3A_837 = tpu.vector_load %arg16[%get3A_835, %get3A_836] {strides = array<i32>} : memref<64x128xf32, #tpu.memory_space<vmem>>, vector<1x16xf32>,
        %get3A_838 = vector.shape_cast %get3A_837 : vector<1x16xf32> to vector<16xf32>
        %add3A_839 = arith.constant 2 : i32
        %add3A_840 = arith.addi %mul3A_235, %add3A_839 : i32
        %get3A_841 = arith.index_cast %add3A_840 : i32 to index
        %get3A_842 = arith.constant 64 : index
        %get3A_843 = tpu.vector_load %arg17[%get3A_841, %get3A_842] {strides = array<i32>} : memref<64x128xf32, #tpu.memory_space<vmem>>, vector<1x16xf32>,
        %get3A_844 = vector.shape_cast %get3A_843 : vector<1x16xf32> to vector<16xf32>
        %add3A_845 = arith.addf %get3A_838, %get3A_844 : vector<16xf32>
        %add3A_846 = arith.constant 2 : i32
        %add3A_847 = arith.addi %mul3A_235, %add3A_846 : i32
        %get3A_848 = arith.index_cast %add3A_847 : i32 to index
        %get3A_849 = arith.constant 64 : index
        %get3A_850 = tpu.vector_load %arg18[%get3A_848, %get3A_849] {strides = array<i32>} : memref<64x128xf32, #tpu.memory_space<vmem>>, vector<1x16xf32>,
        %get3A_851 = vector.shape_cast %get3A_850 : vector<1x16xf32> to vector<16xf32>
        %add3A_852 = arith.addf %add3A_845, %get3A_851 : vector<16xf32>
        %max3A_853 = arith.constant 0.000000e+00 : f32
        %max3A_854 = vector.broadcast %max3A_853 : f32 to vector<16xf32>
        %max3A_855 = arith.maximumf %add3A_852, %max3A_854 : vector<16xf32>
        %add3A_856 = arith.constant 2 : i32
        %add3A_857 = arith.addi %mul3A_235, %add3A_856 : i32
        %swap3A_858 = arith.index_cast %add3A_857 : i32 to index
        %swap3A_859 = arith.constant 64 : index
        %swap3A_860 = tpu.vector_load %arg16[%swap3A_858, %swap3A_859] {strides = array<i32>} : memref<64x128xf32, #tpu.memory_space<vmem>>, vector<1x16xf32>,
        %swap3A_861 = vector.shape_cast %swap3A_860 : vector<1x16xf32> to vector<16xf32>
        %swap3A_862 = vector.shape_cast %max3A_855 : vector<16xf32> to vector<1x16xf32>
        tpu.vector_store %arg16[%swap3A_858, %swap3A_859], %swap3A_862 {strides = array<i32>} : memref<64x128xf32, #tpu.memory_space<vmem>>, vector<1x16xf32>,
        %add3A_863 = arith.constant 2 : i32
        %add3A_864 = arith.addi %mul3A_235, %add3A_863 : i32
        %get3A_865 = arith.index_cast %add3A_864 : i32 to index
        %get3A_866 = arith.constant 80 : index
        %get3A_867 = tpu.vector_load %arg16[%get3A_865, %get3A_866] {strides = array<i32>} : memref<64x128xf32, #tpu.memory_space<vmem>>, vector<1x16xf32>,
        %get3A_868 = vector.shape_cast %get3A_867 : vector<1x16xf32> to vector<16xf32>
        %add3A_869 = arith.constant 2 : i32
        %add3A_870 = arith.addi %mul3A_235, %add3A_869 : i32
        %get3A_871 = arith.index_cast %add3A_870 : i32 to index
        %get3A_872 = arith.constant 80 : index
        %get3A_873 = tpu.vector_load %arg17[%get3A_871, %get3A_872] {strides = array<i32>} : memref<64x128xf32, #tpu.memory_space<vmem>>, vector<1x16xf32>,
        %get3A_874 = vector.shape_cast %get3A_873 : vector<1x16xf32> to vector<16xf32>
        %add3A_875 = arith.addf %get3A_868, %get3A_874 : vector<16xf32>
        %add3A_876 = arith.constant 2 : i32
        %add3A_877 = arith.addi %mul3A_235, %add3A_876 : i32
        %get3A_878 = arith.index_cast %add3A_877 : i32 to index
        %get3A_879 = arith.constant 80 : index
        %get3A_880 = tpu.vector_load %arg18[%get3A_878, %get3A_879] {strides = array<i32>} : memref<64x128xf32, #tpu.memory_space<vmem>>, vector<1x16xf32>,
        %get3A_881 = vector.shape_cast %get3A_880 : vector<1x16xf32> to vector<16xf32>
        %add3A_882 = arith.addf %add3A_875, %get3A_881 : vector<16xf32>
        %max3A_883 = arith.constant 0.000000e+00 : f32
        %max3A_884 = vector.broadcast %max3A_883 : f32 to vector<16xf32>
        %max3A_885 = arith.maximumf %add3A_882, %max3A_884 : vector<16xf32>
        %add3A_886 = arith.constant 2 : i32
        %add3A_887 = arith.addi %mul3A_235, %add3A_886 : i32
        %swap3A_888 = arith.index_cast %add3A_887 : i32 to index
        %swap3A_889 = arith.constant 80 : index
        %swap3A_890 = tpu.vector_load %arg16[%swap3A_888, %swap3A_889] {strides = array<i32>} : memref<64x128xf32, #tpu.memory_space<vmem>>, vector<1x16xf32>,
        %swap3A_891 = vector.shape_cast %swap3A_890 : vector<1x16xf32> to vector<16xf32>
        %swap3A_892 = vector.shape_cast %max3A_885 : vector<16xf32> to vector<1x16xf32>
        tpu.vector_store %arg16[%swap3A_888, %swap3A_889], %swap3A_892 {strides = array<i32>} : memref<64x128xf32, #tpu.memory_space<vmem>>, vector<1x16xf32>,
        %add3A_893 = arith.constant 2 : i32
        %add3A_894 = arith.addi %mul3A_235, %add3A_893 : i32
        %get3A_895 = arith.index_cast %add3A_894 : i32 to index
        %get3A_896 = arith.constant 96 : index
        %get3A_897 = tpu.vector_load %arg16[%get3A_895, %get3A_896] {strides = array<i32>} : memref<64x128xf32, #tpu.memory_space<vmem>>, vector<1x16xf32>,
        %get3A_898 = vector.shape_cast %get3A_897 : vector<1x16xf32> to vector<16xf32>
        %add3A_899 = arith.constant 2 : i32
        %add3A_900 = arith.addi %mul3A_235, %add3A_899 : i32
        %get3A_901 = arith.index_cast %add3A_900 : i32 to index
        %get3A_902 = arith.constant 96 : index
        %get3A_903 = tpu.vector_load %arg17[%get3A_901, %get3A_902] {strides = array<i32>} : memref<64x128xf32, #tpu.memory_space<vmem>>, vector<1x16xf32>,
        %get3A_904 = vector.shape_cast %get3A_903 : vector<1x16xf32> to vector<16xf32>
        %add3A_905 = arith.addf %get3A_898, %get3A_904 : vector<16xf32>
        %add3A_906 = arith.constant 2 : i32
        %add3A_907 = arith.addi %mul3A_235, %add3A_906 : i32
        %get3A_908 = arith.index_cast %add3A_907 : i32 to index
        %get3A_909 = arith.constant 96 : index
        %get3A_910 = tpu.vector_load %arg18[%get3A_908, %get3A_909] {strides = array<i32>} : memref<64x128xf32, #tpu.memory_space<vmem>>, vector<1x16xf32>,
        %get3A_911 = vector.shape_cast %get3A_910 : vector<1x16xf32> to vector<16xf32>
        %add3A_912 = arith.addf %add3A_905, %get3A_911 : vector<16xf32>
        %max3A_913 = arith.constant 0.000000e+00 : f32
        %max3A_914 = vector.broadcast %max3A_913 : f32 to vector<16xf32>
        %max3A_915 = arith.maximumf %add3A_912, %max3A_914 : vector<16xf32>
        %add3A_916 = arith.constant 2 : i32
        %add3A_917 = arith.addi %mul3A_235, %add3A_916 : i32
        %swap3A_918 = arith.index_cast %add3A_917 : i32 to index
        %swap3A_919 = arith.constant 96 : index
        %swap3A_920 = tpu.vector_load %arg16[%swap3A_918, %swap3A_919] {strides = array<i32>} : memref<64x128xf32, #tpu.memory_space<vmem>>, vector<1x16xf32>,
        %swap3A_921 = vector.shape_cast %swap3A_920 : vector<1x16xf32> to vector<16xf32>
        %swap3A_922 = vector.shape_cast %max3A_915 : vector<16xf32> to vector<1x16xf32>
        tpu.vector_store %arg16[%swap3A_918, %swap3A_919], %swap3A_922 {strides = array<i32>} : memref<64x128xf32, #tpu.memory_space<vmem>>, vector<1x16xf32>,
        %add3A_923 = arith.constant 2 : i32
        %add3A_924 = arith.addi %mul3A_235, %add3A_923 : i32
        %get3A_925 = arith.index_cast %add3A_924 : i32 to index
        %get3A_926 = arith.constant 112 : index
        %get3A_927 = tpu.vector_load %arg16[%get3A_925, %get3A_926] {strides = array<i32>} : memref<64x128xf32, #tpu.memory_space<vmem>>, vector<1x16xf32>,
        %get3A_928 = vector.shape_cast %get3A_927 : vector<1x16xf32> to vector<16xf32>
        %add3A_929 = arith.constant 2 : i32
        %add3A_930 = arith.addi %mul3A_235, %add3A_929 : i32
        %get3A_931 = arith.index_cast %add3A_930 : i32 to index
        %get3A_932 = arith.constant 112 : index
        %get3A_933 = tpu.vector_load %arg17[%get3A_931, %get3A_932] {strides = array<i32>} : memref<64x128xf32, #tpu.memory_space<vmem>>, vector<1x16xf32>,
        %get3A_934 = vector.shape_cast %get3A_933 : vector<1x16xf32> to vector<16xf32>
        %add3A_935 = arith.addf %get3A_928, %get3A_934 : vector<16xf32>
        %add3A_936 = arith.constant 2 : i32
        %add3A_937 = arith.addi %mul3A_235, %add3A_936 : i32
        %get3A_938 = arith.index_cast %add3A_937 : i32 to index
        %get3A_939 = arith.constant 112 : index
        %get3A_940 = tpu.vector_load %arg18[%get3A_938, %get3A_939] {strides = array<i32>} : memref<64x128xf32, #tpu.memory_space<vmem>>, vector<1x16xf32>,
        %get3A_941 = vector.shape_cast %get3A_940 : vector<1x16xf32> to vector<16xf32>
        %add3A_942 = arith.addf %add3A_935, %get3A_941 : vector<16xf32>
        %max3A_943 = arith.constant 0.000000e+00 : f32
        %max3A_944 = vector.broadcast %max3A_943 : f32 to vector<16xf32>
        %max3A_945 = arith.maximumf %add3A_942, %max3A_944 : vector<16xf32>
        %add3A_946 = arith.constant 2 : i32
        %add3A_947 = arith.addi %mul3A_235, %add3A_946 : i32
        %swap3A_948 = arith.index_cast %add3A_947 : i32 to index
        %swap3A_949 = arith.constant 112 : index
        %swap3A_950 = tpu.vector_load %arg16[%swap3A_948, %swap3A_949] {strides = array<i32>} : memref<64x128xf32, #tpu.memory_space<vmem>>, vector<1x16xf32>,
        %swap3A_951 = vector.shape_cast %swap3A_950 : vector<1x16xf32> to vector<16xf32>
        %swap3A_952 = vector.shape_cast %max3A_945 : vector<16xf32> to vector<1x16xf32>
        tpu.vector_store %arg16[%swap3A_948, %swap3A_949], %swap3A_952 {strides = array<i32>} : memref<64x128xf32, #tpu.memory_space<vmem>>, vector<1x16xf32>,
        %add3A_953 = arith.constant 3 : i32
        %add3A_954 = arith.addi %mul3A_235, %add3A_953 : i32
        %get3A_955 = arith.index_cast %add3A_954 : i32 to index
        %get3A_956 = arith.constant 0 : index
        %get3A_957 = tpu.vector_load %arg16[%get3A_955, %get3A_956] {strides = array<i32>} : memref<64x128xf32, #tpu.memory_space<vmem>>, vector<1x16xf32>,
        %get3A_958 = vector.shape_cast %get3A_957 : vector<1x16xf32> to vector<16xf32>
        %add3A_959 = arith.constant 3 : i32
        %add3A_960 = arith.addi %mul3A_235, %add3A_959 : i32
        %get3A_961 = arith.index_cast %add3A_960 : i32 to index
        %get3A_962 = arith.constant 0 : index
        %get3A_963 = tpu.vector_load %arg17[%get3A_961, %get3A_962] {strides = array<i32>} : memref<64x128xf32, #tpu.memory_space<vmem>>, vector<1x16xf32>,
        %get3A_964 = vector.shape_cast %get3A_963 : vector<1x16xf32> to vector<16xf32>
        %add3A_965 = arith.addf %get3A_958, %get3A_964 : vector<16xf32>
        %add3A_966 = arith.constant 3 : i32
        %add3A_967 = arith.addi %mul3A_235, %add3A_966 : i32
        %get3A_968 = arith.index_cast %add3A_967 : i32 to index
        %get3A_969 = arith.constant 0 : index
        %get3A_970 = tpu.vector_load %arg18[%get3A_968, %get3A_969] {strides = array<i32>} : memref<64x128xf32, #tpu.memory_space<vmem>>, vector<1x16xf32>,
        %get3A_971 = vector.shape_cast %get3A_970 : vector<1x16xf32> to vector<16xf32>
        %add3A_972 = arith.addf %add3A_965, %get3A_971 : vector<16xf32>
        %max3A_973 = arith.constant 0.000000e+00 : f32
        %max3A_974 = vector.broadcast %max3A_973 : f32 to vector<16xf32>
        %max3A_975 = arith.maximumf %add3A_972, %max3A_974 : vector<16xf32>
        %add3A_976 = arith.constant 3 : i32
        %add3A_977 = arith.addi %mul3A_235, %add3A_976 : i32
        %swap3A_978 = arith.index_cast %add3A_977 : i32 to index
        %swap3A_979 = arith.constant 0 : index
        %swap3A_980 = tpu.vector_load %arg16[%swap3A_978, %swap3A_979] {strides = array<i32>} : memref<64x128xf32, #tpu.memory_space<vmem>>, vector<1x16xf32>,
        %swap3A_981 = vector.shape_cast %swap3A_980 : vector<1x16xf32> to vector<16xf32>
        %swap3A_982 = vector.shape_cast %max3A_975 : vector<16xf32> to vector<1x16xf32>
        tpu.vector_store %arg16[%swap3A_978, %swap3A_979], %swap3A_982 {strides = array<i32>} : memref<64x128xf32, #tpu.memory_space<vmem>>, vector<1x16xf32>,
        %add3A_983 = arith.constant 3 : i32
        %add3A_984 = arith.addi %mul3A_235, %add3A_983 : i32
        %get3A_985 = arith.index_cast %add3A_984 : i32 to index
        %get3A_986 = arith.constant 16 : index
        %get3A_987 = tpu.vector_load %arg16[%get3A_985, %get3A_986] {strides = array<i32>} : memref<64x128xf32, #tpu.memory_space<vmem>>, vector<1x16xf32>,
        %get3A_988 = vector.shape_cast %get3A_987 : vector<1x16xf32> to vector<16xf32>
        %add3A_989 = arith.constant 3 : i32
        %add3A_990 = arith.addi %mul3A_235, %add3A_989 : i32
        %get3A_991 = arith.index_cast %add3A_990 : i32 to index
        %get3A_992 = arith.constant 16 : index
        %get3A_993 = tpu.vector_load %arg17[%get3A_991, %get3A_992] {strides = array<i32>} : memref<64x128xf32, #tpu.memory_space<vmem>>, vector<1x16xf32>,
        %get3A_994 = vector.shape_cast %get3A_993 : vector<1x16xf32> to vector<16xf32>
        %add3A_995 = arith.addf %get3A_988, %get3A_994 : vector<16xf32>
        %add3A_996 = arith.constant 3 : i32
        %add3A_997 = arith.addi %mul3A_235, %add3A_996 : i32
        %get3A_998 = arith.index_cast %add3A_997 : i32 to index
        %get3A_999 = arith.constant 16 : index
        %get3A_1000 = tpu.vector_load %arg18[%get3A_998, %get3A_999] {strides = array<i32>} : memref<64x128xf32, #tpu.memory_space<vmem>>, vector<1x16xf32>,
        %get3A_1001 = vector.shape_cast %get3A_1000 : vector<1x16xf32> to vector<16xf32>
        %add3A_1002 = arith.addf %add3A_995, %get3A_1001 : vector<16xf32>
        %max3A_1003 = arith.constant 0.000000e+00 : f32
        %max3A_1004 = vector.broadcast %max3A_1003 : f32 to vector<16xf32>
        %max3A_1005 = arith.maximumf %add3A_1002, %max3A_1004 : vector<16xf32>
        %add3A_1006 = arith.constant 3 : i32
        %add3A_1007 = arith.addi %mul3A_235, %add3A_1006 : i32
        %swap3A_1008 = arith.index_cast %add3A_1007 : i32 to index
        %swap3A_1009 = arith.constant 16 : index
        %swap3A_1010 = tpu.vector_load %arg16[%swap3A_1008, %swap3A_1009] {strides = array<i32>} : memref<64x128xf32, #tpu.memory_space<vmem>>, vector<1x16xf32>,
        %swap3A_1011 = vector.shape_cast %swap3A_1010 : vector<1x16xf32> to vector<16xf32>
        %swap3A_1012 = vector.shape_cast %max3A_1005 : vector<16xf32> to vector<1x16xf32>
        tpu.vector_store %arg16[%swap3A_1008, %swap3A_1009], %swap3A_1012 {strides = array<i32>} : memref<64x128xf32, #tpu.memory_space<vmem>>, vector<1x16xf32>,
        %add3A_1013 = arith.constant 3 : i32
        %add3A_1014 = arith.addi %mul3A_235, %add3A_1013 : i32
        %get3A_1015 = arith.index_cast %add3A_1014 : i32 to index
        %get3A_1016 = arith.constant 32 : index
        %get3A_1017 = tpu.vector_load %arg16[%get3A_1015, %get3A_1016] {strides = array<i32>} : memref<64x128xf32, #tpu.memory_space<vmem>>, vector<1x16xf32>,
        %get3A_1018 = vector.shape_cast %get3A_1017 : vector<1x16xf32> to vector<16xf32>
        %add3A_1019 = arith.constant 3 : i32
        %add3A_1020 = arith.addi %mul3A_235, %add3A_1019 : i32
        %get3A_1021 = arith.index_cast %add3A_1020 : i32 to index
        %get3A_1022 = arith.constant 32 : index
        %get3A_1023 = tpu.vector_load %arg17[%get3A_1021, %get3A_1022] {strides = array<i32>} : memref<64x128xf32, #tpu.memory_space<vmem>>, vector<1x16xf32>,
        %get3A_1024 = vector.shape_cast %get3A_1023 : vector<1x16xf32> to vector<16xf32>
        %add3A_1025 = arith.addf %get3A_1018, %get3A_1024 : vector<16xf32>
        %add3A_1026 = arith.constant 3 : i32
        %add3A_1027 = arith.addi %mul3A_235, %add3A_1026 : i32
        %get3A_1028 = arith.index_cast %add3A_1027 : i32 to index
        %get3A_1029 = arith.constant 32 : index
        %get3A_1030 = tpu.vector_load %arg18[%get3A_1028, %get3A_1029] {strides = array<i32>} : memref<64x128xf32, #tpu.memory_space<vmem>>, vector<1x16xf32>,
        %get3A_1031 = vector.shape_cast %get3A_1030 : vector<1x16xf32> to vector<16xf32>
        %add3A_1032 = arith.addf %add3A_1025, %get3A_1031 : vector<16xf32>
        %max3A_1033 = arith.constant 0.000000e+00 : f32
        %max3A_1034 = vector.broadcast %max3A_1033 : f32 to vector<16xf32>
        %max3A_1035 = arith.maximumf %add3A_1032, %max3A_1034 : vector<16xf32>
        %add3A_1036 = arith.constant 3 : i32
        %add3A_1037 = arith.addi %mul3A_235, %add3A_1036 : i32
        %swap3A_1038 = arith.index_cast %add3A_1037 : i32 to index
        %swap3A_1039 = arith.constant 32 : index
        %swap3A_1040 = tpu.vector_load %arg16[%swap3A_1038, %swap3A_1039] {strides = array<i32>} : memref<64x128xf32, #tpu.memory_space<vmem>>, vector<1x16xf32>,
        %swap3A_1041 = vector.shape_cast %swap3A_1040 : vector<1x16xf32> to vector<16xf32>
        %swap3A_1042 = vector.shape_cast %max3A_1035 : vector<16xf32> to vector<1x16xf32>
        tpu.vector_store %arg16[%swap3A_1038, %swap3A_1039], %swap3A_1042 {strides = array<i32>} : memref<64x128xf32, #tpu.memory_space<vmem>>, vector<1x16xf32>,
        %add3A_1043 = arith.constant 3 : i32
        %add3A_1044 = arith.addi %mul3A_235, %add3A_1043 : i32
        %get3A_1045 = arith.index_cast %add3A_1044 : i32 to index
        %get3A_1046 = arith.constant 48 : index
        %get3A_1047 = tpu.vector_load %arg16[%get3A_1045, %get3A_1046] {strides = array<i32>} : memref<64x128xf32, #tpu.memory_space<vmem>>, vector<1x16xf32>,
        %get3A_1048 = vector.shape_cast %get3A_1047 : vector<1x16xf32> to vector<16xf32>
        %add3A_1049 = arith.constant 3 : i32
        %add3A_1050 = arith.addi %mul3A_235, %add3A_1049 : i32
        %get3A_1051 = arith.index_cast %add3A_1050 : i32 to index
        %get3A_1052 = arith.constant 48 : index
        %get3A_1053 = tpu.vector_load %arg17[%get3A_1051, %get3A_1052] {strides = array<i32>} : memref<64x128xf32, #tpu.memory_space<vmem>>, vector<1x16xf32>,
        %get3A_1054 = vector.shape_cast %get3A_1053 : vector<1x16xf32> to vector<16xf32>
        %add3A_1055 = arith.addf %get3A_1048, %get3A_1054 : vector<16xf32>
        %add3A_1056 = arith.constant 3 : i32
        %add3A_1057 = arith.addi %mul3A_235, %add3A_1056 : i32
        %get3A_1058 = arith.index_cast %add3A_1057 : i32 to index
        %get3A_1059 = arith.constant 48 : index
        %get3A_1060 = tpu.vector_load %arg18[%get3A_1058, %get3A_1059] {strides = array<i32>} : memref<64x128xf32, #tpu.memory_space<vmem>>, vector<1x16xf32>,
        %get3A_1061 = vector.shape_cast %get3A_1060 : vector<1x16xf32> to vector<16xf32>
        %add3A_1062 = arith.addf %add3A_1055, %get3A_1061 : vector<16xf32>
        %max3A_1063 = arith.constant 0.000000e+00 : f32
        %max3A_1064 = vector.broadcast %max3A_1063 : f32 to vector<16xf32>
        %max3A_1065 = arith.maximumf %add3A_1062, %max3A_1064 : vector<16xf32>
        %add3A_1066 = arith.constant 3 : i32
        %add3A_1067 = arith.addi %mul3A_235, %add3A_1066 : i32
        %swap3A_1068 = arith.index_cast %add3A_1067 : i32 to index
        %swap3A_1069 = arith.constant 48 : index
        %swap3A_1070 = tpu.vector_load %arg16[%swap3A_1068, %swap3A_1069] {strides = array<i32>} : memref<64x128xf32, #tpu.memory_space<vmem>>, vector<1x16xf32>,
        %swap3A_1071 = vector.shape_cast %swap3A_1070 : vector<1x16xf32> to vector<16xf32>
        %swap3A_1072 = vector.shape_cast %max3A_1065 : vector<16xf32> to vector<1x16xf32>
        tpu.vector_store %arg16[%swap3A_1068, %swap3A_1069], %swap3A_1072 {strides = array<i32>} : memref<64x128xf32, #tpu.memory_space<vmem>>, vector<1x16xf32>,
        %add3A_1073 = arith.constant 3 : i32
        %add3A_1074 = arith.addi %mul3A_235, %add3A_1073 : i32
        %get3A_1075 = arith.index_cast %add3A_1074 : i32 to index
        %get3A_1076 = arith.constant 64 : index
        %get3A_1077 = tpu.vector_load %arg16[%get3A_1075, %get3A_1076] {strides = array<i32>} : memref<64x128xf32, #tpu.memory_space<vmem>>, vector<1x16xf32>,
        %get3A_1078 = vector.shape_cast %get3A_1077 : vector<1x16xf32> to vector<16xf32>
        %add3A_1079 = arith.constant 3 : i32
        %add3A_1080 = arith.addi %mul3A_235, %add3A_1079 : i32
        %get3A_1081 = arith.index_cast %add3A_1080 : i32 to index
        %get3A_1082 = arith.constant 64 : index
        %get3A_1083 = tpu.vector_load %arg17[%get3A_1081, %get3A_1082] {strides = array<i32>} : memref<64x128xf32, #tpu.memory_space<vmem>>, vector<1x16xf32>,
        %get3A_1084 = vector.shape_cast %get3A_1083 : vector<1x16xf32> to vector<16xf32>
        %add3A_1085 = arith.addf %get3A_1078, %get3A_1084 : vector<16xf32>
        %add3A_1086 = arith.constant 3 : i32
        %add3A_1087 = arith.addi %mul3A_235, %add3A_1086 : i32
        %get3A_1088 = arith.index_cast %add3A_1087 : i32 to index
        %get3A_1089 = arith.constant 64 : index
        %get3A_1090 = tpu.vector_load %arg18[%get3A_1088, %get3A_1089] {strides = array<i32>} : memref<64x128xf32, #tpu.memory_space<vmem>>, vector<1x16xf32>,
        %get3A_1091 = vector.shape_cast %get3A_1090 : vector<1x16xf32> to vector<16xf32>
        %add3A_1092 = arith.addf %add3A_1085, %get3A_1091 : vector<16xf32>
        %max3A_1093 = arith.constant 0.000000e+00 : f32
        %max3A_1094 = vector.broadcast %max3A_1093 : f32 to vector<16xf32>
        %max3A_1095 = arith.maximumf %add3A_1092, %max3A_1094 : vector<16xf32>
        %add3A_1096 = arith.constant 3 : i32
        %add3A_1097 = arith.addi %mul3A_235, %add3A_1096 : i32
        %swap3A_1098 = arith.index_cast %add3A_1097 : i32 to index
        %swap3A_1099 = arith.constant 64 : index
        %swap3A_1100 = tpu.vector_load %arg16[%swap3A_1098, %swap3A_1099] {strides = array<i32>} : memref<64x128xf32, #tpu.memory_space<vmem>>, vector<1x16xf32>,
        %swap3A_1101 = vector.shape_cast %swap3A_1100 : vector<1x16xf32> to vector<16xf32>
        %swap3A_1102 = vector.shape_cast %max3A_1095 : vector<16xf32> to vector<1x16xf32>
        tpu.vector_store %arg16[%swap3A_1098, %swap3A_1099], %swap3A_1102 {strides = array<i32>} : memref<64x128xf32, #tpu.memory_space<vmem>>, vector<1x16xf32>,
        %add3A_1103 = arith.constant 3 : i32
        %add3A_1104 = arith.addi %mul3A_235, %add3A_1103 : i32
        %get3A_1105 = arith.index_cast %add3A_1104 : i32 to index
        %get3A_1106 = arith.constant 80 : index
        %get3A_1107 = tpu.vector_load %arg16[%get3A_1105, %get3A_1106] {strides = array<i32>} : memref<64x128xf32, #tpu.memory_space<vmem>>, vector<1x16xf32>,
        %get3A_1108 = vector.shape_cast %get3A_1107 : vector<1x16xf32> to vector<16xf32>
        %add3A_1109 = arith.constant 3 : i32
        %add3A_1110 = arith.addi %mul3A_235, %add3A_1109 : i32
        %get3A_1111 = arith.index_cast %add3A_1110 : i32 to index
        %get3A_1112 = arith.constant 80 : index
        %get3A_1113 = tpu.vector_load %arg17[%get3A_1111, %get3A_1112] {strides = array<i32>} : memref<64x128xf32, #tpu.memory_space<vmem>>, vector<1x16xf32>,
        %get3A_1114 = vector.shape_cast %get3A_1113 : vector<1x16xf32> to vector<16xf32>
        %add3A_1115 = arith.addf %get3A_1108, %get3A_1114 : vector<16xf32>
        %add3A_1116 = arith.constant 3 : i32
        %add3A_1117 = arith.addi %mul3A_235, %add3A_1116 : i32
        %get3A_1118 = arith.index_cast %add3A_1117 : i32 to index
        %get3A_1119 = arith.constant 80 : index
        %get3A_1120 = tpu.vector_load %arg18[%get3A_1118, %get3A_1119] {strides = array<i32>} : memref<64x128xf32, #tpu.memory_space<vmem>>, vector<1x16xf32>,
        %get3A_1121 = vector.shape_cast %get3A_1120 : vector<1x16xf32> to vector<16xf32>
        %add3A_1122 = arith.addf %add3A_1115, %get3A_1121 : vector<16xf32>
        %max3A_1123 = arith.constant 0.000000e+00 : f32
        %max3A_1124 = vector.broadcast %max3A_1123 : f32 to vector<16xf32>
        %max3A_1125 = arith.maximumf %add3A_1122, %max3A_1124 : vector<16xf32>
        %add3A_1126 = arith.constant 3 : i32
        %add3A_1127 = arith.addi %mul3A_235, %add3A_1126 : i32
        %swap3A_1128 = arith.index_cast %add3A_1127 : i32 to index
        %swap3A_1129 = arith.constant 80 : index
        %swap3A_1130 = tpu.vector_load %arg16[%swap3A_1128, %swap3A_1129] {strides = array<i32>} : memref<64x128xf32, #tpu.memory_space<vmem>>, vector<1x16xf32>,
        %swap3A_1131 = vector.shape_cast %swap3A_1130 : vector<1x16xf32> to vector<16xf32>
        %swap3A_1132 = vector.shape_cast %max3A_1125 : vector<16xf32> to vector<1x16xf32>
        tpu.vector_store %arg16[%swap3A_1128, %swap3A_1129], %swap3A_1132 {strides = array<i32>} : memref<64x128xf32, #tpu.memory_space<vmem>>, vector<1x16xf32>,
        %add3A_1133 = arith.constant 3 : i32
        %add3A_1134 = arith.addi %mul3A_235, %add3A_1133 : i32
        %get3A_1135 = arith.index_cast %add3A_1134 : i32 to index
        %get3A_1136 = arith.constant 96 : index
        %get3A_1137 = tpu.vector_load %arg16[%get3A_1135, %get3A_1136] {strides = array<i32>} : memref<64x128xf32, #tpu.memory_space<vmem>>, vector<1x16xf32>,
        %get3A_1138 = vector.shape_cast %get3A_1137 : vector<1x16xf32> to vector<16xf32>
        %add3A_1139 = arith.constant 3 : i32
        %add3A_1140 = arith.addi %mul3A_235, %add3A_1139 : i32
        %get3A_1141 = arith.index_cast %add3A_1140 : i32 to index
        %get3A_1142 = arith.constant 96 : index
        %get3A_1143 = tpu.vector_load %arg17[%get3A_1141, %get3A_1142] {strides = array<i32>} : memref<64x128xf32, #tpu.memory_space<vmem>>, vector<1x16xf32>,
        %get3A_1144 = vector.shape_cast %get3A_1143 : vector<1x16xf32> to vector<16xf32>
        %add3A_1145 = arith.addf %get3A_1138, %get3A_1144 : vector<16xf32>
        %add3A_1146 = arith.constant 3 : i32
        %add3A_1147 = arith.addi %mul3A_235, %add3A_1146 : i32
        %get3A_1148 = arith.index_cast %add3A_1147 : i32 to index
        %get3A_1149 = arith.constant 96 : index
        %get3A_1150 = tpu.vector_load %arg18[%get3A_1148, %get3A_1149] {strides = array<i32>} : memref<64x128xf32, #tpu.memory_space<vmem>>, vector<1x16xf32>,
        %get3A_1151 = vector.shape_cast %get3A_1150 : vector<1x16xf32> to vector<16xf32>
        %add3A_1152 = arith.addf %add3A_1145, %get3A_1151 : vector<16xf32>
        %max3A_1153 = arith.constant 0.000000e+00 : f32
        %max3A_1154 = vector.broadcast %max3A_1153 : f32 to vector<16xf32>
        %max3A_1155 = arith.maximumf %add3A_1152, %max3A_1154 : vector<16xf32>
        %add3A_1156 = arith.constant 3 : i32
        %add3A_1157 = arith.addi %mul3A_235, %add3A_1156 : i32
        %swap3A_1158 = arith.index_cast %add3A_1157 : i32 to index
        %swap3A_1159 = arith.constant 96 : index
        %swap3A_1160 = tpu.vector_load %arg16[%swap3A_1158, %swap3A_1159] {strides = array<i32>} : memref<64x128xf32, #tpu.memory_space<vmem>>, vector<1x16xf32>,
        %swap3A_1161 = vector.shape_cast %swap3A_1160 : vector<1x16xf32> to vector<16xf32>
        %swap3A_1162 = vector.shape_cast %max3A_1155 : vector<16xf32> to vector<1x16xf32>
        tpu.vector_store %arg16[%swap3A_1158, %swap3A_1159], %swap3A_1162 {strides = array<i32>} : memref<64x128xf32, #tpu.memory_space<vmem>>, vector<1x16xf32>,
        %add3A_1163 = arith.constant 3 : i32
        %add3A_1164 = arith.addi %mul3A_235, %add3A_1163 : i32
        %get3A_1165 = arith.index_cast %add3A_1164 : i32 to index
        %get3A_1166 = arith.constant 112 : index
        %get3A_1167 = tpu.vector_load %arg16[%get3A_1165, %get3A_1166] {strides = array<i32>} : memref<64x128xf32, #tpu.memory_space<vmem>>, vector<1x16xf32>,
        %get3A_1168 = vector.shape_cast %get3A_1167 : vector<1x16xf32> to vector<16xf32>
        %add3A_1169 = arith.constant 3 : i32
        %add3A_1170 = arith.addi %mul3A_235, %add3A_1169 : i32
        %get3A_1171 = arith.index_cast %add3A_1170 : i32 to index
        %get3A_1172 = arith.constant 112 : index
        %get3A_1173 = tpu.vector_load %arg17[%get3A_1171, %get3A_1172] {strides = array<i32>} : memref<64x128xf32, #tpu.memory_space<vmem>>, vector<1x16xf32>,
        %get3A_1174 = vector.shape_cast %get3A_1173 : vector<1x16xf32> to vector<16xf32>
        %add3A_1175 = arith.addf %get3A_1168, %get3A_1174 : vector<16xf32>
        %add3A_1176 = arith.constant 3 : i32
        %add3A_1177 = arith.addi %mul3A_235, %add3A_1176 : i32
        %get3A_1178 = arith.index_cast %add3A_1177 : i32 to index
        %get3A_1179 = arith.constant 112 : index
        %get3A_1180 = tpu.vector_load %arg18[%get3A_1178, %get3A_1179] {strides = array<i32>} : memref<64x128xf32, #tpu.memory_space<vmem>>, vector<1x16xf32>,
        %get3A_1181 = vector.shape_cast %get3A_1180 : vector<1x16xf32> to vector<16xf32>
        %add3A_1182 = arith.addf %add3A_1175, %get3A_1181 : vector<16xf32>
        %max3A_1183 = arith.constant 0.000000e+00 : f32
        %max3A_1184 = vector.broadcast %max3A_1183 : f32 to vector<16xf32>
        %max3A_1185 = arith.maximumf %add3A_1182, %max3A_1184 : vector<16xf32>
        %add3A_1186 = arith.constant 3 : i32
        %add3A_1187 = arith.addi %mul3A_235, %add3A_1186 : i32
        %swap3A_1188 = arith.index_cast %add3A_1187 : i32 to index
        %swap3A_1189 = arith.constant 112 : index
        %swap3A_1190 = tpu.vector_load %arg16[%swap3A_1188, %swap3A_1189] {strides = array<i32>} : memref<64x128xf32, #tpu.memory_space<vmem>>, vector<1x16xf32>,
        %swap3A_1191 = vector.shape_cast %swap3A_1190 : vector<1x16xf32> to vector<16xf32>
        %swap3A_1192 = vector.shape_cast %max3A_1185 : vector<16xf32> to vector<1x16xf32>
        tpu.vector_store %arg16[%swap3A_1188, %swap3A_1189], %swap3A_1192 {strides = array<i32>} : memref<64x128xf32, #tpu.memory_space<vmem>>, vector<1x16xf32>,
      }
      %scan3A_222 = arith.constant 16 : i32
      %mul3A_223 = arith.constant 64 : i32
      %mul3A_224 = arith.muli %add3A_185, %mul3A_223 : i32
      %add3A_225 = arith.addi %mul3A_2, %mul3A_224 : i32
      %dma_start3A_226 = arith.constant 0 : i32
      %dma_start3A_227 = tpu.memref_slice %arg7[%add3A_225, %dma_start3A_226] : memref<320000x128xf32, #tpu.memory_space<hbm>> -> memref<64x128xf32, #tpu.memory_space<hbm>>
      %dma_start3A_228 = arith.constant 0 : i32
      %dma_start3A_229 = tpu.memref_slice %arg7[%add3A_225, %dma_start3A_228] : memref<320000x128xf32, #tpu.memory_space<hbm>> -> memref<64x128xf32, #tpu.memory_space<hbm>>
      tpu.enqueue_dma source(%arg16 : memref<64x128xf32, #tpu.memory_space<vmem>>) target(%dma_start3A_229 : memref<64x128xf32, #tpu.memory_space<hbm>>) target_semaphore(%arg30 : memref<!tpu.dma_semaphore, #tpu.memory_space<semaphore_mem>>)
      %dma_start3A_230 = arith.constant 0 : i32
      %dma_start3A_231 = arith.constant 0 : i32
      %dma_start3A_232 = tpu.memref_slice %arg21[%dma_start3A_230, %dma_start3A_231] : memref<10000x128xf32, #tpu.memory_space<vmem_shared>> -> memref<10000x128xf32, #tpu.memory_space<vmem_shared>>
      tpu.enqueue_indirect_dma source(%arg16 : memref<64x128xf32, #tpu.memory_space<vmem>>) target(%dma_start3A_232 : memref<10000x128xf32, #tpu.memory_space<vmem_shared>>) offsets(%arg15 : memref<64xi32, #tpu.memory_space<vmem>>) semaphore(%arg31 : memref<!tpu.dma_semaphore, #tpu.memory_space<semaphore_mem>>) {add = true}
    }
    %scan3A_80 = arith.constant 78 : i32
    %dma_wait3A_81 = arith.constant 0 : i32
    %dma_wait3A_82 = arith.constant 0 : i32
    %dma_wait3A_83 = tpu.memref_slice %arg7[%dma_wait3A_81, %dma_wait3A_82] : memref<320000x128xf32, #tpu.memory_space<hbm>> -> memref<64x128xf32, #tpu.memory_space<hbm>>
    %dma_wait3A_84 = arith.constant 0 : i32
    %dma_wait3A_85 = arith.constant 0 : i32
    %dma_wait3A_86 = tpu.memref_slice %arg7[%dma_wait3A_84, %dma_wait3A_85] : memref<320000x128xf32, #tpu.memory_space<hbm>> -> memref<64x128xf32, #tpu.memory_space<hbm>>
    tpu.wait_dma2 semaphore(%arg30 : memref<!tpu.dma_semaphore, #tpu.memory_space<semaphore_mem>>) src(%arg16 : memref<64x128xf32, #tpu.memory_space<vmem>>) dst(%dma_wait3A_86 : memref<64x128xf32, #tpu.memory_space<hbm>>)
    %dma_wait3A_87 = arith.constant 0 : i32
    %dma_wait3A_88 = arith.constant 0 : i32
    %dma_wait3A_89 = tpu.memref_slice %arg21[%dma_wait3A_87, %dma_wait3A_88] : memref<10000x128xf32, #tpu.memory_space<vmem_shared>> -> memref<10000x128xf32, #tpu.memory_space<vmem_shared>>
    tpu.wait_indirect_dma semaphore(%arg31 : memref<!tpu.dma_semaphore, #tpu.memory_space<semaphore_mem>>) src(%arg16 : memref<64x128xf32, #tpu.memory_space<vmem>>) dst(%dma_wait3A_89 : memref<10000x128xf32, #tpu.memory_space<vmem_shared>>)
    %add3A_90 = arith.constant 9984 : i32
    %add3A_91 = arith.addi %mul3A_2, %add3A_90 : i32
    "tpu.region"() ({
      %run_scoped3A = tpu.sem_alloc : memref<!tpu.dma_semaphore, #tpu.memory_space<semaphore_mem>>
      %dma_start3A_132 = tpu.memref_slice %arg5[%add3A_91] : memref<320000xi32, #tpu.memory_space<hbm>> -> memref<16xi32, #tpu.memory_space<hbm>>
      %dma_start3A_133 = tpu.memref_slice %arg5[%add3A_91] : memref<320000xi32, #tpu.memory_space<hbm>> -> memref<16xi32, #tpu.memory_space<hbm>>
      tpu.enqueue_dma source(%dma_start3A_133 : memref<16xi32, #tpu.memory_space<hbm>>) target(%arg19 : memref<16xi32, #tpu.memory_space<vmem>>) target_semaphore(%run_scoped3A : memref<!tpu.dma_semaphore, #tpu.memory_space<semaphore_mem>>)
      %dma_wait3A_134 = tpu.memref_slice %arg5[%add3A_91] : memref<320000xi32, #tpu.memory_space<hbm>> -> memref<16xi32, #tpu.memory_space<hbm>>
      %dma_wait3A_135 = tpu.memref_slice %arg5[%add3A_91] : memref<320000xi32, #tpu.memory_space<hbm>> -> memref<16xi32, #tpu.memory_space<hbm>>
      tpu.wait_dma2 semaphore(%run_scoped3A : memref<!tpu.dma_semaphore, #tpu.memory_space<semaphore_mem>>) src(%dma_wait3A_135 : memref<16xi32, #tpu.memory_space<hbm>>) dst(%arg19 : memref<16xi32, #tpu.memory_space<vmem>>)
      tpu.yield
    }) : () -> ()
    "tpu.region"() ({
      %run_scoped3A = tpu.sem_alloc : memref<!tpu.dma_semaphore, #tpu.memory_space<semaphore_mem>>
      %dma_start3A_132 = tpu.memref_slice %arg6[%add3A_91] : memref<320000xi32, #tpu.memory_space<hbm>> -> memref<16xi32, #tpu.memory_space<hbm>>
      %dma_start3A_133 = tpu.memref_slice %arg6[%add3A_91] : memref<320000xi32, #tpu.memory_space<hbm>> -> memref<16xi32, #tpu.memory_space<hbm>>
      tpu.enqueue_dma source(%dma_start3A_133 : memref<16xi32, #tpu.memory_space<hbm>>) target(%arg20 : memref<16xi32, #tpu.memory_space<vmem>>) target_semaphore(%run_scoped3A : memref<!tpu.dma_semaphore, #tpu.memory_space<semaphore_mem>>)
      %dma_wait3A_134 = tpu.memref_slice %arg6[%add3A_91] : memref<320000xi32, #tpu.memory_space<hbm>> -> memref<16xi32, #tpu.memory_space<hbm>>
      %dma_wait3A_135 = tpu.memref_slice %arg6[%add3A_91] : memref<320000xi32, #tpu.memory_space<hbm>> -> memref<16xi32, #tpu.memory_space<hbm>>
      tpu.wait_dma2 semaphore(%run_scoped3A : memref<!tpu.dma_semaphore, #tpu.memory_space<semaphore_mem>>) src(%dma_wait3A_135 : memref<16xi32, #tpu.memory_space<hbm>>) dst(%arg20 : memref<16xi32, #tpu.memory_space<vmem>>)
      tpu.yield
    }) : () -> ()
    "tpu.region"() ({
      %run_scoped3A = tpu.sem_alloc : memref<!tpu.dma_semaphore, #tpu.memory_space<semaphore_mem>>
      %dma_start3A_132 = arith.constant 0 : i32
      %dma_start3A_133 = arith.constant 0 : i32
      %dma_start3A_134 = tpu.memref_slice %arg11[%dma_start3A_132, %dma_start3A_133] : memref<64x128xf32, #tpu.memory_space<vmem>> -> memref<16x128xf32, #tpu.memory_space<vmem>>
      %dma_start3A_135 = arith.constant 0 : i32
      %dma_start3A_136 = tpu.memref_slice %arg2[%add3A_91, %dma_start3A_135] : memref<320000x128xf32, #tpu.memory_space<hbm>> -> memref<16x128xf32, #tpu.memory_space<hbm>>
      %dma_start3A_137 = arith.constant 0 : i32
      %dma_start3A_138 = arith.constant 0 : i32
      %dma_start3A_139 = tpu.memref_slice %arg11[%dma_start3A_137, %dma_start3A_138] : memref<64x128xf32, #tpu.memory_space<vmem>> -> memref<16x128xf32, #tpu.memory_space<vmem>>
      %dma_start3A_140 = arith.constant 0 : i32
      %dma_start3A_141 = tpu.memref_slice %arg2[%add3A_91, %dma_start3A_140] : memref<320000x128xf32, #tpu.memory_space<hbm>> -> memref<16x128xf32, #tpu.memory_space<hbm>>
      tpu.enqueue_dma source(%dma_start3A_141 : memref<16x128xf32, #tpu.memory_space<hbm>>) target(%dma_start3A_139 : memref<16x128xf32, #tpu.memory_space<vmem>>) target_semaphore(%run_scoped3A : memref<!tpu.dma_semaphore, #tpu.memory_space<semaphore_mem>>)
      %dma_wait3A_142 = arith.constant 0 : i32
      %dma_wait3A_143 = arith.constant 0 : i32
      %dma_wait3A_144 = tpu.memref_slice %arg11[%dma_wait3A_142, %dma_wait3A_143] : memref<64x128xf32, #tpu.memory_space<vmem>> -> memref<16x128xf32, #tpu.memory_space<vmem>>
      %dma_wait3A_145 = arith.constant 0 : i32
      %dma_wait3A_146 = tpu.memref_slice %arg2[%add3A_91, %dma_wait3A_145] : memref<320000x128xf32, #tpu.memory_space<hbm>> -> memref<16x128xf32, #tpu.memory_space<hbm>>
      %dma_wait3A_147 = arith.constant 0 : i32
      %dma_wait3A_148 = arith.constant 0 : i32
      %dma_wait3A_149 = tpu.memref_slice %arg11[%dma_wait3A_147, %dma_wait3A_148] : memref<64x128xf32, #tpu.memory_space<vmem>> -> memref<16x128xf32, #tpu.memory_space<vmem>>
      %dma_wait3A_150 = arith.constant 0 : i32
      %dma_wait3A_151 = tpu.memref_slice %arg2[%add3A_91, %dma_wait3A_150] : memref<320000x128xf32, #tpu.memory_space<hbm>> -> memref<16x128xf32, #tpu.memory_space<hbm>>
      tpu.wait_dma2 semaphore(%run_scoped3A : memref<!tpu.dma_semaphore, #tpu.memory_space<semaphore_mem>>) src(%dma_wait3A_151 : memref<16x128xf32, #tpu.memory_space<hbm>>) dst(%dma_wait3A_149 : memref<16x128xf32, #tpu.memory_space<vmem>>)
      tpu.yield
    }) : () -> ()
    %dma_start3A_92 = arith.constant 0 : i32
    %dma_start3A_93 = arith.constant 0 : i32
    %dma_start3A_94 = tpu.memref_slice %arg12[%dma_start3A_92, %dma_start3A_93] : memref<64x128xf32, #tpu.memory_space<vmem>> -> memref<16x128xf32, #tpu.memory_space<vmem>>
    %dma_start3A_95 = arith.constant 0 : i32
    %dma_start3A_96 = arith.constant 0 : i32
    %dma_start3A_97 = tpu.memref_slice %arg3[%dma_start3A_95, %dma_start3A_96] : memref<10000x128xf32, #tpu.memory_space<hbm>> -> memref<10000x128xf32, #tpu.memory_space<hbm>>
    tpu.enqueue_indirect_dma source(%dma_start3A_97 : memref<10000x128xf32, #tpu.memory_space<hbm>>) target(%dma_start3A_94 : memref<16x128xf32, #tpu.memory_space<vmem>>) offsets(%arg19 : memref<16xi32, #tpu.memory_space<vmem>>) semaphore(%arg23 : memref<!tpu.dma_semaphore, #tpu.memory_space<semaphore_mem>>)
    %dma_wait3A_98 = arith.constant 0 : i32
    %dma_wait3A_99 = arith.constant 0 : i32
    %dma_wait3A_100 = tpu.memref_slice %arg12[%dma_wait3A_98, %dma_wait3A_99] : memref<64x128xf32, #tpu.memory_space<vmem>> -> memref<16x128xf32, #tpu.memory_space<vmem>>
    %dma_wait3A_101 = arith.constant 0 : i32
    %dma_wait3A_102 = arith.constant 0 : i32
    %dma_wait3A_103 = tpu.memref_slice %arg3[%dma_wait3A_101, %dma_wait3A_102] : memref<10000x128xf32, #tpu.memory_space<hbm>> -> memref<10000x128xf32, #tpu.memory_space<hbm>>
    tpu.wait_indirect_dma semaphore(%arg23 : memref<!tpu.dma_semaphore, #tpu.memory_space<semaphore_mem>>) src(%dma_wait3A_103 : memref<10000x128xf32, #tpu.memory_space<hbm>>) dst(%dma_wait3A_100 : memref<16x128xf32, #tpu.memory_space<vmem>>)
    %dma_start3A_104 = arith.constant 0 : i32
    %dma_start3A_105 = arith.constant 0 : i32
    %dma_start3A_106 = tpu.memref_slice %arg13[%dma_start3A_104, %dma_start3A_105] : memref<64x128xf32, #tpu.memory_space<vmem>> -> memref<16x128xf32, #tpu.memory_space<vmem>>
    %dma_start3A_107 = arith.constant 0 : i32
    %dma_start3A_108 = arith.constant 0 : i32
    %dma_start3A_109 = tpu.memref_slice %arg4[%dma_start3A_107, %dma_start3A_108] : memref<10000x128xf32, #tpu.memory_space<hbm>> -> memref<10000x128xf32, #tpu.memory_space<hbm>>
    tpu.enqueue_indirect_dma source(%dma_start3A_109 : memref<10000x128xf32, #tpu.memory_space<hbm>>) target(%dma_start3A_106 : memref<16x128xf32, #tpu.memory_space<vmem>>) offsets(%arg20 : memref<16xi32, #tpu.memory_space<vmem>>) semaphore(%arg24 : memref<!tpu.dma_semaphore, #tpu.memory_space<semaphore_mem>>)
    %dma_wait3A_110 = arith.constant 0 : i32
    %dma_wait3A_111 = arith.constant 0 : i32
    %dma_wait3A_112 = tpu.memref_slice %arg13[%dma_wait3A_110, %dma_wait3A_111] : memref<64x128xf32, #tpu.memory_space<vmem>> -> memref<16x128xf32, #tpu.memory_space<vmem>>
    %dma_wait3A_113 = arith.constant 0 : i32
    %dma_wait3A_114 = arith.constant 0 : i32
    %dma_wait3A_115 = tpu.memref_slice %arg4[%dma_wait3A_113, %dma_wait3A_114] : memref<10000x128xf32, #tpu.memory_space<hbm>> -> memref<10000x128xf32, #tpu.memory_space<hbm>>
    tpu.wait_indirect_dma semaphore(%arg24 : memref<!tpu.dma_semaphore, #tpu.memory_space<semaphore_mem>>) src(%dma_wait3A_115 : memref<10000x128xf32, #tpu.memory_space<hbm>>) dst(%dma_wait3A_112 : memref<16x128xf32, #tpu.memory_space<vmem>>)
    %scan3A_116 = arith.constant 0 : i32
    %scan3A_117 = arith.constant 0 : i32
    %scan3A_118 = arith.constant 4 : i32
    %scan3A_119 = arith.addi %scan3A_117, %scan3A_118 : i32
    %scan3A_120 = arith.constant 1 : i32
    scf.for %scan3A_132 = %scan3A_117 to %scan3A_119 step %scan3A_120  : i32 {
      %mul3A_133 = arith.constant 4 : i32
      %mul3A_134 = arith.muli %scan3A_132, %mul3A_133 : i32
      %add3A_135 = arith.constant 0 : i32
      %add3A_136 = arith.addi %mul3A_134, %add3A_135 : i32
      %get3A = arith.index_cast %add3A_136 : i32 to index
      %get3A_137 = arith.constant 0 : index
      %get3A_138 = tpu.vector_load %arg11[%get3A, %get3A_137] {strides = array<i32>} : memref<64x128xf32, #tpu.memory_space<vmem>>, vector<1x16xf32>,
      %get3A_139 = vector.shape_cast %get3A_138 : vector<1x16xf32> to vector<16xf32>
      %add3A_140 = arith.constant 0 : i32
      %add3A_141 = arith.addi %mul3A_134, %add3A_140 : i32
      %get3A_142 = arith.index_cast %add3A_141 : i32 to index
      %get3A_143 = arith.constant 0 : index
      %get3A_144 = tpu.vector_load %arg12[%get3A_142, %get3A_143] {strides = array<i32>} : memref<64x128xf32, #tpu.memory_space<vmem>>, vector<1x16xf32>,
      %get3A_145 = vector.shape_cast %get3A_144 : vector<1x16xf32> to vector<16xf32>
      %add3A_146 = arith.addf %get3A_139, %get3A_145 : vector<16xf32>
      %add3A_147 = arith.constant 0 : i32
      %add3A_148 = arith.addi %mul3A_134, %add3A_147 : i32
      %get3A_149 = arith.index_cast %add3A_148 : i32 to index
      %get3A_150 = arith.constant 0 : index
      %get3A_151 = tpu.vector_load %arg13[%get3A_149, %get3A_150] {strides = array<i32>} : memref<64x128xf32, #tpu.memory_space<vmem>>, vector<1x16xf32>,
      %get3A_152 = vector.shape_cast %get3A_151 : vector<1x16xf32> to vector<16xf32>
      %add3A_153 = arith.addf %add3A_146, %get3A_152 : vector<16xf32>
      %max3A = arith.constant 0.000000e+00 : f32
      %max3A_154 = vector.broadcast %max3A : f32 to vector<16xf32>
      %max3A_155 = arith.maximumf %add3A_153, %max3A_154 : vector<16xf32>
      %add3A_156 = arith.constant 0 : i32
      %add3A_157 = arith.addi %mul3A_134, %add3A_156 : i32
      %swap3A = arith.index_cast %add3A_157 : i32 to index
      %swap3A_158 = arith.constant 0 : index
      %swap3A_159 = tpu.vector_load %arg11[%swap3A, %swap3A_158] {strides = array<i32>} : memref<64x128xf32, #tpu.memory_space<vmem>>, vector<1x16xf32>,
      %swap3A_160 = vector.shape_cast %swap3A_159 : vector<1x16xf32> to vector<16xf32>
      %swap3A_161 = vector.shape_cast %max3A_155 : vector<16xf32> to vector<1x16xf32>
      tpu.vector_store %arg11[%swap3A, %swap3A_158], %swap3A_161 {strides = array<i32>} : memref<64x128xf32, #tpu.memory_space<vmem>>, vector<1x16xf32>,
      %add3A_162 = arith.constant 0 : i32
      %add3A_163 = arith.addi %mul3A_134, %add3A_162 : i32
      %get3A_164 = arith.index_cast %add3A_163 : i32 to index
      %get3A_165 = arith.constant 16 : index
      %get3A_166 = tpu.vector_load %arg11[%get3A_164, %get3A_165] {strides = array<i32>} : memref<64x128xf32, #tpu.memory_space<vmem>>, vector<1x16xf32>,
      %get3A_167 = vector.shape_cast %get3A_166 : vector<1x16xf32> to vector<16xf32>
      %add3A_168 = arith.constant 0 : i32
      %add3A_169 = arith.addi %mul3A_134, %add3A_168 : i32
      %get3A_170 = arith.index_cast %add3A_169 : i32 to index
      %get3A_171 = arith.constant 16 : index
      %get3A_172 = tpu.vector_load %arg12[%get3A_170, %get3A_171] {strides = array<i32>} : memref<64x128xf32, #tpu.memory_space<vmem>>, vector<1x16xf32>,
      %get3A_173 = vector.shape_cast %get3A_172 : vector<1x16xf32> to vector<16xf32>
      %add3A_174 = arith.addf %get3A_167, %get3A_173 : vector<16xf32>
      %add3A_175 = arith.constant 0 : i32
      %add3A_176 = arith.addi %mul3A_134, %add3A_175 : i32
      %get3A_177 = arith.index_cast %add3A_176 : i32 to index
      %get3A_178 = arith.constant 16 : index
      %get3A_179 = tpu.vector_load %arg13[%get3A_177, %get3A_178] {strides = array<i32>} : memref<64x128xf32, #tpu.memory_space<vmem>>, vector<1x16xf32>,
      %get3A_180 = vector.shape_cast %get3A_179 : vector<1x16xf32> to vector<16xf32>
      %add3A_181 = arith.addf %add3A_174, %get3A_180 : vector<16xf32>
      %max3A_182 = arith.constant 0.000000e+00 : f32
      %max3A_183 = vector.broadcast %max3A_182 : f32 to vector<16xf32>
      %max3A_184 = arith.maximumf %add3A_181, %max3A_183 : vector<16xf32>
      %add3A_185 = arith.constant 0 : i32
      %add3A_186 = arith.addi %mul3A_134, %add3A_185 : i32
      %swap3A_187 = arith.index_cast %add3A_186 : i32 to index
      %swap3A_188 = arith.constant 16 : index
      %swap3A_189 = tpu.vector_load %arg11[%swap3A_187, %swap3A_188] {strides = array<i32>} : memref<64x128xf32, #tpu.memory_space<vmem>>, vector<1x16xf32>,
      %swap3A_190 = vector.shape_cast %swap3A_189 : vector<1x16xf32> to vector<16xf32>
      %swap3A_191 = vector.shape_cast %max3A_184 : vector<16xf32> to vector<1x16xf32>
      tpu.vector_store %arg11[%swap3A_187, %swap3A_188], %swap3A_191 {strides = array<i32>} : memref<64x128xf32, #tpu.memory_space<vmem>>, vector<1x16xf32>,
      %add3A_192 = arith.constant 0 : i32
      %add3A_193 = arith.addi %mul3A_134, %add3A_192 : i32
      %get3A_194 = arith.index_cast %add3A_193 : i32 to index
      %get3A_195 = arith.constant 32 : index
      %get3A_196 = tpu.vector_load %arg11[%get3A_194, %get3A_195] {strides = array<i32>} : memref<64x128xf32, #tpu.memory_space<vmem>>, vector<1x16xf32>,
      %get3A_197 = vector.shape_cast %get3A_196 : vector<1x16xf32> to vector<16xf32>
      %add3A_198 = arith.constant 0 : i32
      %add3A_199 = arith.addi %mul3A_134, %add3A_198 : i32
      %get3A_200 = arith.index_cast %add3A_199 : i32 to index
      %get3A_201 = arith.constant 32 : index
      %get3A_202 = tpu.vector_load %arg12[%get3A_200, %get3A_201] {strides = array<i32>} : memref<64x128xf32, #tpu.memory_space<vmem>>, vector<1x16xf32>,
      %get3A_203 = vector.shape_cast %get3A_202 : vector<1x16xf32> to vector<16xf32>
      %add3A_204 = arith.addf %get3A_197, %get3A_203 : vector<16xf32>
      %add3A_205 = arith.constant 0 : i32
      %add3A_206 = arith.addi %mul3A_134, %add3A_205 : i32
      %get3A_207 = arith.index_cast %add3A_206 : i32 to index
      %get3A_208 = arith.constant 32 : index
      %get3A_209 = tpu.vector_load %arg13[%get3A_207, %get3A_208] {strides = array<i32>} : memref<64x128xf32, #tpu.memory_space<vmem>>, vector<1x16xf32>,
      %get3A_210 = vector.shape_cast %get3A_209 : vector<1x16xf32> to vector<16xf32>
      %add3A_211 = arith.addf %add3A_204, %get3A_210 : vector<16xf32>
      %max3A_212 = arith.constant 0.000000e+00 : f32
      %max3A_213 = vector.broadcast %max3A_212 : f32 to vector<16xf32>
      %max3A_214 = arith.maximumf %add3A_211, %max3A_213 : vector<16xf32>
      %add3A_215 = arith.constant 0 : i32
      %add3A_216 = arith.addi %mul3A_134, %add3A_215 : i32
      %swap3A_217 = arith.index_cast %add3A_216 : i32 to index
      %swap3A_218 = arith.constant 32 : index
      %swap3A_219 = tpu.vector_load %arg11[%swap3A_217, %swap3A_218] {strides = array<i32>} : memref<64x128xf32, #tpu.memory_space<vmem>>, vector<1x16xf32>,
      %swap3A_220 = vector.shape_cast %swap3A_219 : vector<1x16xf32> to vector<16xf32>
      %swap3A_221 = vector.shape_cast %max3A_214 : vector<16xf32> to vector<1x16xf32>
      tpu.vector_store %arg11[%swap3A_217, %swap3A_218], %swap3A_221 {strides = array<i32>} : memref<64x128xf32, #tpu.memory_space<vmem>>, vector<1x16xf32>,
      %add3A_222 = arith.constant 0 : i32
      %add3A_223 = arith.addi %mul3A_134, %add3A_222 : i32
      %get3A_224 = arith.index_cast %add3A_223 : i32 to index
      %get3A_225 = arith.constant 48 : index
      %get3A_226 = tpu.vector_load %arg11[%get3A_224, %get3A_225] {strides = array<i32>} : memref<64x128xf32, #tpu.memory_space<vmem>>, vector<1x16xf32>,
      %get3A_227 = vector.shape_cast %get3A_226 : vector<1x16xf32> to vector<16xf32>
      %add3A_228 = arith.constant 0 : i32
      %add3A_229 = arith.addi %mul3A_134, %add3A_228 : i32
      %get3A_230 = arith.index_cast %add3A_229 : i32 to index
      %get3A_231 = arith.constant 48 : index
      %get3A_232 = tpu.vector_load %arg12[%get3A_230, %get3A_231] {strides = array<i32>} : memref<64x128xf32, #tpu.memory_space<vmem>>, vector<1x16xf32>,
      %get3A_233 = vector.shape_cast %get3A_232 : vector<1x16xf32> to vector<16xf32>
      %add3A_234 = arith.addf %get3A_227, %get3A_233 : vector<16xf32>
      %add3A_235 = arith.constant 0 : i32
      %add3A_236 = arith.addi %mul3A_134, %add3A_235 : i32
      %get3A_237 = arith.index_cast %add3A_236 : i32 to index
      %get3A_238 = arith.constant 48 : index
      %get3A_239 = tpu.vector_load %arg13[%get3A_237, %get3A_238] {strides = array<i32>} : memref<64x128xf32, #tpu.memory_space<vmem>>, vector<1x16xf32>,
      %get3A_240 = vector.shape_cast %get3A_239 : vector<1x16xf32> to vector<16xf32>
      %add3A_241 = arith.addf %add3A_234, %get3A_240 : vector<16xf32>
      %max3A_242 = arith.constant 0.000000e+00 : f32
      %max3A_243 = vector.broadcast %max3A_242 : f32 to vector<16xf32>
      %max3A_244 = arith.maximumf %add3A_241, %max3A_243 : vector<16xf32>
      %add3A_245 = arith.constant 0 : i32
      %add3A_246 = arith.addi %mul3A_134, %add3A_245 : i32
      %swap3A_247 = arith.index_cast %add3A_246 : i32 to index
      %swap3A_248 = arith.constant 48 : index
      %swap3A_249 = tpu.vector_load %arg11[%swap3A_247, %swap3A_248] {strides = array<i32>} : memref<64x128xf32, #tpu.memory_space<vmem>>, vector<1x16xf32>,
      %swap3A_250 = vector.shape_cast %swap3A_249 : vector<1x16xf32> to vector<16xf32>
      %swap3A_251 = vector.shape_cast %max3A_244 : vector<16xf32> to vector<1x16xf32>
      tpu.vector_store %arg11[%swap3A_247, %swap3A_248], %swap3A_251 {strides = array<i32>} : memref<64x128xf32, #tpu.memory_space<vmem>>, vector<1x16xf32>,
      %add3A_252 = arith.constant 0 : i32
      %add3A_253 = arith.addi %mul3A_134, %add3A_252 : i32
      %get3A_254 = arith.index_cast %add3A_253 : i32 to index
      %get3A_255 = arith.constant 64 : index
      %get3A_256 = tpu.vector_load %arg11[%get3A_254, %get3A_255] {strides = array<i32>} : memref<64x128xf32, #tpu.memory_space<vmem>>, vector<1x16xf32>,
      %get3A_257 = vector.shape_cast %get3A_256 : vector<1x16xf32> to vector<16xf32>
      %add3A_258 = arith.constant 0 : i32
      %add3A_259 = arith.addi %mul3A_134, %add3A_258 : i32
      %get3A_260 = arith.index_cast %add3A_259 : i32 to index
      %get3A_261 = arith.constant 64 : index
      %get3A_262 = tpu.vector_load %arg12[%get3A_260, %get3A_261] {strides = array<i32>} : memref<64x128xf32, #tpu.memory_space<vmem>>, vector<1x16xf32>,
      %get3A_263 = vector.shape_cast %get3A_262 : vector<1x16xf32> to vector<16xf32>
      %add3A_264 = arith.addf %get3A_257, %get3A_263 : vector<16xf32>
      %add3A_265 = arith.constant 0 : i32
      %add3A_266 = arith.addi %mul3A_134, %add3A_265 : i32
      %get3A_267 = arith.index_cast %add3A_266 : i32 to index
      %get3A_268 = arith.constant 64 : index
      %get3A_269 = tpu.vector_load %arg13[%get3A_267, %get3A_268] {strides = array<i32>} : memref<64x128xf32, #tpu.memory_space<vmem>>, vector<1x16xf32>,
      %get3A_270 = vector.shape_cast %get3A_269 : vector<1x16xf32> to vector<16xf32>
      %add3A_271 = arith.addf %add3A_264, %get3A_270 : vector<16xf32>
      %max3A_272 = arith.constant 0.000000e+00 : f32
      %max3A_273 = vector.broadcast %max3A_272 : f32 to vector<16xf32>
      %max3A_274 = arith.maximumf %add3A_271, %max3A_273 : vector<16xf32>
      %add3A_275 = arith.constant 0 : i32
      %add3A_276 = arith.addi %mul3A_134, %add3A_275 : i32
      %swap3A_277 = arith.index_cast %add3A_276 : i32 to index
      %swap3A_278 = arith.constant 64 : index
      %swap3A_279 = tpu.vector_load %arg11[%swap3A_277, %swap3A_278] {strides = array<i32>} : memref<64x128xf32, #tpu.memory_space<vmem>>, vector<1x16xf32>,
      %swap3A_280 = vector.shape_cast %swap3A_279 : vector<1x16xf32> to vector<16xf32>
      %swap3A_281 = vector.shape_cast %max3A_274 : vector<16xf32> to vector<1x16xf32>
      tpu.vector_store %arg11[%swap3A_277, %swap3A_278], %swap3A_281 {strides = array<i32>} : memref<64x128xf32, #tpu.memory_space<vmem>>, vector<1x16xf32>,
      %add3A_282 = arith.constant 0 : i32
      %add3A_283 = arith.addi %mul3A_134, %add3A_282 : i32
      %get3A_284 = arith.index_cast %add3A_283 : i32 to index
      %get3A_285 = arith.constant 80 : index
      %get3A_286 = tpu.vector_load %arg11[%get3A_284, %get3A_285] {strides = array<i32>} : memref<64x128xf32, #tpu.memory_space<vmem>>, vector<1x16xf32>,
      %get3A_287 = vector.shape_cast %get3A_286 : vector<1x16xf32> to vector<16xf32>
      %add3A_288 = arith.constant 0 : i32
      %add3A_289 = arith.addi %mul3A_134, %add3A_288 : i32
      %get3A_290 = arith.index_cast %add3A_289 : i32 to index
      %get3A_291 = arith.constant 80 : index
      %get3A_292 = tpu.vector_load %arg12[%get3A_290, %get3A_291] {strides = array<i32>} : memref<64x128xf32, #tpu.memory_space<vmem>>, vector<1x16xf32>,
      %get3A_293 = vector.shape_cast %get3A_292 : vector<1x16xf32> to vector<16xf32>
      %add3A_294 = arith.addf %get3A_287, %get3A_293 : vector<16xf32>
      %add3A_295 = arith.constant 0 : i32
      %add3A_296 = arith.addi %mul3A_134, %add3A_295 : i32
      %get3A_297 = arith.index_cast %add3A_296 : i32 to index
      %get3A_298 = arith.constant 80 : index
      %get3A_299 = tpu.vector_load %arg13[%get3A_297, %get3A_298] {strides = array<i32>} : memref<64x128xf32, #tpu.memory_space<vmem>>, vector<1x16xf32>,
      %get3A_300 = vector.shape_cast %get3A_299 : vector<1x16xf32> to vector<16xf32>
      %add3A_301 = arith.addf %add3A_294, %get3A_300 : vector<16xf32>
      %max3A_302 = arith.constant 0.000000e+00 : f32
      %max3A_303 = vector.broadcast %max3A_302 : f32 to vector<16xf32>
      %max3A_304 = arith.maximumf %add3A_301, %max3A_303 : vector<16xf32>
      %add3A_305 = arith.constant 0 : i32
      %add3A_306 = arith.addi %mul3A_134, %add3A_305 : i32
      %swap3A_307 = arith.index_cast %add3A_306 : i32 to index
      %swap3A_308 = arith.constant 80 : index
      %swap3A_309 = tpu.vector_load %arg11[%swap3A_307, %swap3A_308] {strides = array<i32>} : memref<64x128xf32, #tpu.memory_space<vmem>>, vector<1x16xf32>,
      %swap3A_310 = vector.shape_cast %swap3A_309 : vector<1x16xf32> to vector<16xf32>
      %swap3A_311 = vector.shape_cast %max3A_304 : vector<16xf32> to vector<1x16xf32>
      tpu.vector_store %arg11[%swap3A_307, %swap3A_308], %swap3A_311 {strides = array<i32>} : memref<64x128xf32, #tpu.memory_space<vmem>>, vector<1x16xf32>,
      %add3A_312 = arith.constant 0 : i32
      %add3A_313 = arith.addi %mul3A_134, %add3A_312 : i32
      %get3A_314 = arith.index_cast %add3A_313 : i32 to index
      %get3A_315 = arith.constant 96 : index
      %get3A_316 = tpu.vector_load %arg11[%get3A_314, %get3A_315] {strides = array<i32>} : memref<64x128xf32, #tpu.memory_space<vmem>>, vector<1x16xf32>,
      %get3A_317 = vector.shape_cast %get3A_316 : vector<1x16xf32> to vector<16xf32>
      %add3A_318 = arith.constant 0 : i32
      %add3A_319 = arith.addi %mul3A_134, %add3A_318 : i32
      %get3A_320 = arith.index_cast %add3A_319 : i32 to index
      %get3A_321 = arith.constant 96 : index
      %get3A_322 = tpu.vector_load %arg12[%get3A_320, %get3A_321] {strides = array<i32>} : memref<64x128xf32, #tpu.memory_space<vmem>>, vector<1x16xf32>,
      %get3A_323 = vector.shape_cast %get3A_322 : vector<1x16xf32> to vector<16xf32>
      %add3A_324 = arith.addf %get3A_317, %get3A_323 : vector<16xf32>
      %add3A_325 = arith.constant 0 : i32
      %add3A_326 = arith.addi %mul3A_134, %add3A_325 : i32
      %get3A_327 = arith.index_cast %add3A_326 : i32 to index
      %get3A_328 = arith.constant 96 : index
      %get3A_329 = tpu.vector_load %arg13[%get3A_327, %get3A_328] {strides = array<i32>} : memref<64x128xf32, #tpu.memory_space<vmem>>, vector<1x16xf32>,
      %get3A_330 = vector.shape_cast %get3A_329 : vector<1x16xf32> to vector<16xf32>
      %add3A_331 = arith.addf %add3A_324, %get3A_330 : vector<16xf32>
      %max3A_332 = arith.constant 0.000000e+00 : f32
      %max3A_333 = vector.broadcast %max3A_332 : f32 to vector<16xf32>
      %max3A_334 = arith.maximumf %add3A_331, %max3A_333 : vector<16xf32>
      %add3A_335 = arith.constant 0 : i32
      %add3A_336 = arith.addi %mul3A_134, %add3A_335 : i32
      %swap3A_337 = arith.index_cast %add3A_336 : i32 to index
      %swap3A_338 = arith.constant 96 : index
      %swap3A_339 = tpu.vector_load %arg11[%swap3A_337, %swap3A_338] {strides = array<i32>} : memref<64x128xf32, #tpu.memory_space<vmem>>, vector<1x16xf32>,
      %swap3A_340 = vector.shape_cast %swap3A_339 : vector<1x16xf32> to vector<16xf32>
      %swap3A_341 = vector.shape_cast %max3A_334 : vector<16xf32> to vector<1x16xf32>
      tpu.vector_store %arg11[%swap3A_337, %swap3A_338], %swap3A_341 {strides = array<i32>} : memref<64x128xf32, #tpu.memory_space<vmem>>, vector<1x16xf32>,
      %add3A_342 = arith.constant 0 : i32
      %add3A_343 = arith.addi %mul3A_134, %add3A_342 : i32
      %get3A_344 = arith.index_cast %add3A_343 : i32 to index
      %get3A_345 = arith.constant 112 : index
      %get3A_346 = tpu.vector_load %arg11[%get3A_344, %get3A_345] {strides = array<i32>} : memref<64x128xf32, #tpu.memory_space<vmem>>, vector<1x16xf32>,
      %get3A_347 = vector.shape_cast %get3A_346 : vector<1x16xf32> to vector<16xf32>
      %add3A_348 = arith.constant 0 : i32
      %add3A_349 = arith.addi %mul3A_134, %add3A_348 : i32
      %get3A_350 = arith.index_cast %add3A_349 : i32 to index
      %get3A_351 = arith.constant 112 : index
      %get3A_352 = tpu.vector_load %arg12[%get3A_350, %get3A_351] {strides = array<i32>} : memref<64x128xf32, #tpu.memory_space<vmem>>, vector<1x16xf32>,
      %get3A_353 = vector.shape_cast %get3A_352 : vector<1x16xf32> to vector<16xf32>
      %add3A_354 = arith.addf %get3A_347, %get3A_353 : vector<16xf32>
      %add3A_355 = arith.constant 0 : i32
      %add3A_356 = arith.addi %mul3A_134, %add3A_355 : i32
      %get3A_357 = arith.index_cast %add3A_356 : i32 to index
      %get3A_358 = arith.constant 112 : index
      %get3A_359 = tpu.vector_load %arg13[%get3A_357, %get3A_358] {strides = array<i32>} : memref<64x128xf32, #tpu.memory_space<vmem>>, vector<1x16xf32>,
      %get3A_360 = vector.shape_cast %get3A_359 : vector<1x16xf32> to vector<16xf32>
      %add3A_361 = arith.addf %add3A_354, %get3A_360 : vector<16xf32>
      %max3A_362 = arith.constant 0.000000e+00 : f32
      %max3A_363 = vector.broadcast %max3A_362 : f32 to vector<16xf32>
      %max3A_364 = arith.maximumf %add3A_361, %max3A_363 : vector<16xf32>
      %add3A_365 = arith.constant 0 : i32
      %add3A_366 = arith.addi %mul3A_134, %add3A_365 : i32
      %swap3A_367 = arith.index_cast %add3A_366 : i32 to index
      %swap3A_368 = arith.constant 112 : index
      %swap3A_369 = tpu.vector_load %arg11[%swap3A_367, %swap3A_368] {strides = array<i32>} : memref<64x128xf32, #tpu.memory_space<vmem>>, vector<1x16xf32>,
      %swap3A_370 = vector.shape_cast %swap3A_369 : vector<1x16xf32> to vector<16xf32>
      %swap3A_371 = vector.shape_cast %max3A_364 : vector<16xf32> to vector<1x16xf32>
      tpu.vector_store %arg11[%swap3A_367, %swap3A_368], %swap3A_371 {strides = array<i32>} : memref<64x128xf32, #tpu.memory_space<vmem>>, vector<1x16xf32>,
      %add3A_372 = arith.constant 1 : i32
      %add3A_373 = arith.addi %mul3A_134, %add3A_372 : i32
      %get3A_374 = arith.index_cast %add3A_373 : i32 to index
      %get3A_375 = arith.constant 0 : index
      %get3A_376 = tpu.vector_load %arg11[%get3A_374, %get3A_375] {strides = array<i32>} : memref<64x128xf32, #tpu.memory_space<vmem>>, vector<1x16xf32>,
      %get3A_377 = vector.shape_cast %get3A_376 : vector<1x16xf32> to vector<16xf32>
      %add3A_378 = arith.constant 1 : i32
      %add3A_379 = arith.addi %mul3A_134, %add3A_378 : i32
      %get3A_380 = arith.index_cast %add3A_379 : i32 to index
      %get3A_381 = arith.constant 0 : index
      %get3A_382 = tpu.vector_load %arg12[%get3A_380, %get3A_381] {strides = array<i32>} : memref<64x128xf32, #tpu.memory_space<vmem>>, vector<1x16xf32>,
      %get3A_383 = vector.shape_cast %get3A_382 : vector<1x16xf32> to vector<16xf32>
      %add3A_384 = arith.addf %get3A_377, %get3A_383 : vector<16xf32>
      %add3A_385 = arith.constant 1 : i32
      %add3A_386 = arith.addi %mul3A_134, %add3A_385 : i32
      %get3A_387 = arith.index_cast %add3A_386 : i32 to index
      %get3A_388 = arith.constant 0 : index
      %get3A_389 = tpu.vector_load %arg13[%get3A_387, %get3A_388] {strides = array<i32>} : memref<64x128xf32, #tpu.memory_space<vmem>>, vector<1x16xf32>,
      %get3A_390 = vector.shape_cast %get3A_389 : vector<1x16xf32> to vector<16xf32>
      %add3A_391 = arith.addf %add3A_384, %get3A_390 : vector<16xf32>
      %max3A_392 = arith.constant 0.000000e+00 : f32
      %max3A_393 = vector.broadcast %max3A_392 : f32 to vector<16xf32>
      %max3A_394 = arith.maximumf %add3A_391, %max3A_393 : vector<16xf32>
      %add3A_395 = arith.constant 1 : i32
      %add3A_396 = arith.addi %mul3A_134, %add3A_395 : i32
      %swap3A_397 = arith.index_cast %add3A_396 : i32 to index
      %swap3A_398 = arith.constant 0 : index
      %swap3A_399 = tpu.vector_load %arg11[%swap3A_397, %swap3A_398] {strides = array<i32>} : memref<64x128xf32, #tpu.memory_space<vmem>>, vector<1x16xf32>,
      %swap3A_400 = vector.shape_cast %swap3A_399 : vector<1x16xf32> to vector<16xf32>
      %swap3A_401 = vector.shape_cast %max3A_394 : vector<16xf32> to vector<1x16xf32>
      tpu.vector_store %arg11[%swap3A_397, %swap3A_398], %swap3A_401 {strides = array<i32>} : memref<64x128xf32, #tpu.memory_space<vmem>>, vector<1x16xf32>,
      %add3A_402 = arith.constant 1 : i32
      %add3A_403 = arith.addi %mul3A_134, %add3A_402 : i32
      %get3A_404 = arith.index_cast %add3A_403 : i32 to index
      %get3A_405 = arith.constant 16 : index
      %get3A_406 = tpu.vector_load %arg11[%get3A_404, %get3A_405] {strides = array<i32>} : memref<64x128xf32, #tpu.memory_space<vmem>>, vector<1x16xf32>,
      %get3A_407 = vector.shape_cast %get3A_406 : vector<1x16xf32> to vector<16xf32>
      %add3A_408 = arith.constant 1 : i32
      %add3A_409 = arith.addi %mul3A_134, %add3A_408 : i32
      %get3A_410 = arith.index_cast %add3A_409 : i32 to index
      %get3A_411 = arith.constant 16 : index
      %get3A_412 = tpu.vector_load %arg12[%get3A_410, %get3A_411] {strides = array<i32>} : memref<64x128xf32, #tpu.memory_space<vmem>>, vector<1x16xf32>,
      %get3A_413 = vector.shape_cast %get3A_412 : vector<1x16xf32> to vector<16xf32>
      %add3A_414 = arith.addf %get3A_407, %get3A_413 : vector<16xf32>
      %add3A_415 = arith.constant 1 : i32
      %add3A_416 = arith.addi %mul3A_134, %add3A_415 : i32
      %get3A_417 = arith.index_cast %add3A_416 : i32 to index
      %get3A_418 = arith.constant 16 : index
      %get3A_419 = tpu.vector_load %arg13[%get3A_417, %get3A_418] {strides = array<i32>} : memref<64x128xf32, #tpu.memory_space<vmem>>, vector<1x16xf32>,
      %get3A_420 = vector.shape_cast %get3A_419 : vector<1x16xf32> to vector<16xf32>
      %add3A_421 = arith.addf %add3A_414, %get3A_420 : vector<16xf32>
      %max3A_422 = arith.constant 0.000000e+00 : f32
      %max3A_423 = vector.broadcast %max3A_422 : f32 to vector<16xf32>
      %max3A_424 = arith.maximumf %add3A_421, %max3A_423 : vector<16xf32>
      %add3A_425 = arith.constant 1 : i32
      %add3A_426 = arith.addi %mul3A_134, %add3A_425 : i32
      %swap3A_427 = arith.index_cast %add3A_426 : i32 to index
      %swap3A_428 = arith.constant 16 : index
      %swap3A_429 = tpu.vector_load %arg11[%swap3A_427, %swap3A_428] {strides = array<i32>} : memref<64x128xf32, #tpu.memory_space<vmem>>, vector<1x16xf32>,
      %swap3A_430 = vector.shape_cast %swap3A_429 : vector<1x16xf32> to vector<16xf32>
      %swap3A_431 = vector.shape_cast %max3A_424 : vector<16xf32> to vector<1x16xf32>
      tpu.vector_store %arg11[%swap3A_427, %swap3A_428], %swap3A_431 {strides = array<i32>} : memref<64x128xf32, #tpu.memory_space<vmem>>, vector<1x16xf32>,
      %add3A_432 = arith.constant 1 : i32
      %add3A_433 = arith.addi %mul3A_134, %add3A_432 : i32
      %get3A_434 = arith.index_cast %add3A_433 : i32 to index
      %get3A_435 = arith.constant 32 : index
      %get3A_436 = tpu.vector_load %arg11[%get3A_434, %get3A_435] {strides = array<i32>} : memref<64x128xf32, #tpu.memory_space<vmem>>, vector<1x16xf32>,
      %get3A_437 = vector.shape_cast %get3A_436 : vector<1x16xf32> to vector<16xf32>
      %add3A_438 = arith.constant 1 : i32
      %add3A_439 = arith.addi %mul3A_134, %add3A_438 : i32
      %get3A_440 = arith.index_cast %add3A_439 : i32 to index
      %get3A_441 = arith.constant 32 : index
      %get3A_442 = tpu.vector_load %arg12[%get3A_440, %get3A_441] {strides = array<i32>} : memref<64x128xf32, #tpu.memory_space<vmem>>, vector<1x16xf32>,
      %get3A_443 = vector.shape_cast %get3A_442 : vector<1x16xf32> to vector<16xf32>
      %add3A_444 = arith.addf %get3A_437, %get3A_443 : vector<16xf32>
      %add3A_445 = arith.constant 1 : i32
      %add3A_446 = arith.addi %mul3A_134, %add3A_445 : i32
      %get3A_447 = arith.index_cast %add3A_446 : i32 to index
      %get3A_448 = arith.constant 32 : index
      %get3A_449 = tpu.vector_load %arg13[%get3A_447, %get3A_448] {strides = array<i32>} : memref<64x128xf32, #tpu.memory_space<vmem>>, vector<1x16xf32>,
      %get3A_450 = vector.shape_cast %get3A_449 : vector<1x16xf32> to vector<16xf32>
      %add3A_451 = arith.addf %add3A_444, %get3A_450 : vector<16xf32>
      %max3A_452 = arith.constant 0.000000e+00 : f32
      %max3A_453 = vector.broadcast %max3A_452 : f32 to vector<16xf32>
      %max3A_454 = arith.maximumf %add3A_451, %max3A_453 : vector<16xf32>
      %add3A_455 = arith.constant 1 : i32
      %add3A_456 = arith.addi %mul3A_134, %add3A_455 : i32
      %swap3A_457 = arith.index_cast %add3A_456 : i32 to index
      %swap3A_458 = arith.constant 32 : index
      %swap3A_459 = tpu.vector_load %arg11[%swap3A_457, %swap3A_458] {strides = array<i32>} : memref<64x128xf32, #tpu.memory_space<vmem>>, vector<1x16xf32>,
      %swap3A_460 = vector.shape_cast %swap3A_459 : vector<1x16xf32> to vector<16xf32>
      %swap3A_461 = vector.shape_cast %max3A_454 : vector<16xf32> to vector<1x16xf32>
      tpu.vector_store %arg11[%swap3A_457, %swap3A_458], %swap3A_461 {strides = array<i32>} : memref<64x128xf32, #tpu.memory_space<vmem>>, vector<1x16xf32>,
      %add3A_462 = arith.constant 1 : i32
      %add3A_463 = arith.addi %mul3A_134, %add3A_462 : i32
      %get3A_464 = arith.index_cast %add3A_463 : i32 to index
      %get3A_465 = arith.constant 48 : index
      %get3A_466 = tpu.vector_load %arg11[%get3A_464, %get3A_465] {strides = array<i32>} : memref<64x128xf32, #tpu.memory_space<vmem>>, vector<1x16xf32>,
      %get3A_467 = vector.shape_cast %get3A_466 : vector<1x16xf32> to vector<16xf32>
      %add3A_468 = arith.constant 1 : i32
      %add3A_469 = arith.addi %mul3A_134, %add3A_468 : i32
      %get3A_470 = arith.index_cast %add3A_469 : i32 to index
      %get3A_471 = arith.constant 48 : index
      %get3A_472 = tpu.vector_load %arg12[%get3A_470, %get3A_471] {strides = array<i32>} : memref<64x128xf32, #tpu.memory_space<vmem>>, vector<1x16xf32>,
      %get3A_473 = vector.shape_cast %get3A_472 : vector<1x16xf32> to vector<16xf32>
      %add3A_474 = arith.addf %get3A_467, %get3A_473 : vector<16xf32>
      %add3A_475 = arith.constant 1 : i32
      %add3A_476 = arith.addi %mul3A_134, %add3A_475 : i32
      %get3A_477 = arith.index_cast %add3A_476 : i32 to index
      %get3A_478 = arith.constant 48 : index
      %get3A_479 = tpu.vector_load %arg13[%get3A_477, %get3A_478] {strides = array<i32>} : memref<64x128xf32, #tpu.memory_space<vmem>>, vector<1x16xf32>,
      %get3A_480 = vector.shape_cast %get3A_479 : vector<1x16xf32> to vector<16xf32>
      %add3A_481 = arith.addf %add3A_474, %get3A_480 : vector<16xf32>
      %max3A_482 = arith.constant 0.000000e+00 : f32
      %max3A_483 = vector.broadcast %max3A_482 : f32 to vector<16xf32>
      %max3A_484 = arith.maximumf %add3A_481, %max3A_483 : vector<16xf32>
      %add3A_485 = arith.constant 1 : i32
      %add3A_486 = arith.addi %mul3A_134, %add3A_485 : i32
      %swap3A_487 = arith.index_cast %add3A_486 : i32 to index
      %swap3A_488 = arith.constant 48 : index
      %swap3A_489 = tpu.vector_load %arg11[%swap3A_487, %swap3A_488] {strides = array<i32>} : memref<64x128xf32, #tpu.memory_space<vmem>>, vector<1x16xf32>,
      %swap3A_490 = vector.shape_cast %swap3A_489 : vector<1x16xf32> to vector<16xf32>
      %swap3A_491 = vector.shape_cast %max3A_484 : vector<16xf32> to vector<1x16xf32>
      tpu.vector_store %arg11[%swap3A_487, %swap3A_488], %swap3A_491 {strides = array<i32>} : memref<64x128xf32, #tpu.memory_space<vmem>>, vector<1x16xf32>,
      %add3A_492 = arith.constant 1 : i32
      %add3A_493 = arith.addi %mul3A_134, %add3A_492 : i32
      %get3A_494 = arith.index_cast %add3A_493 : i32 to index
      %get3A_495 = arith.constant 64 : index
      %get3A_496 = tpu.vector_load %arg11[%get3A_494, %get3A_495] {strides = array<i32>} : memref<64x128xf32, #tpu.memory_space<vmem>>, vector<1x16xf32>,
      %get3A_497 = vector.shape_cast %get3A_496 : vector<1x16xf32> to vector<16xf32>
      %add3A_498 = arith.constant 1 : i32
      %add3A_499 = arith.addi %mul3A_134, %add3A_498 : i32
      %get3A_500 = arith.index_cast %add3A_499 : i32 to index
      %get3A_501 = arith.constant 64 : index
      %get3A_502 = tpu.vector_load %arg12[%get3A_500, %get3A_501] {strides = array<i32>} : memref<64x128xf32, #tpu.memory_space<vmem>>, vector<1x16xf32>,
      %get3A_503 = vector.shape_cast %get3A_502 : vector<1x16xf32> to vector<16xf32>
      %add3A_504 = arith.addf %get3A_497, %get3A_503 : vector<16xf32>
      %add3A_505 = arith.constant 1 : i32
      %add3A_506 = arith.addi %mul3A_134, %add3A_505 : i32
      %get3A_507 = arith.index_cast %add3A_506 : i32 to index
      %get3A_508 = arith.constant 64 : index
      %get3A_509 = tpu.vector_load %arg13[%get3A_507, %get3A_508] {strides = array<i32>} : memref<64x128xf32, #tpu.memory_space<vmem>>, vector<1x16xf32>,
      %get3A_510 = vector.shape_cast %get3A_509 : vector<1x16xf32> to vector<16xf32>
      %add3A_511 = arith.addf %add3A_504, %get3A_510 : vector<16xf32>
      %max3A_512 = arith.constant 0.000000e+00 : f32
      %max3A_513 = vector.broadcast %max3A_512 : f32 to vector<16xf32>
      %max3A_514 = arith.maximumf %add3A_511, %max3A_513 : vector<16xf32>
      %add3A_515 = arith.constant 1 : i32
      %add3A_516 = arith.addi %mul3A_134, %add3A_515 : i32
      %swap3A_517 = arith.index_cast %add3A_516 : i32 to index
      %swap3A_518 = arith.constant 64 : index
      %swap3A_519 = tpu.vector_load %arg11[%swap3A_517, %swap3A_518] {strides = array<i32>} : memref<64x128xf32, #tpu.memory_space<vmem>>, vector<1x16xf32>,
      %swap3A_520 = vector.shape_cast %swap3A_519 : vector<1x16xf32> to vector<16xf32>
      %swap3A_521 = vector.shape_cast %max3A_514 : vector<16xf32> to vector<1x16xf32>
      tpu.vector_store %arg11[%swap3A_517, %swap3A_518], %swap3A_521 {strides = array<i32>} : memref<64x128xf32, #tpu.memory_space<vmem>>, vector<1x16xf32>,
      %add3A_522 = arith.constant 1 : i32
      %add3A_523 = arith.addi %mul3A_134, %add3A_522 : i32
      %get3A_524 = arith.index_cast %add3A_523 : i32 to index
      %get3A_525 = arith.constant 80 : index
      %get3A_526 = tpu.vector_load %arg11[%get3A_524, %get3A_525] {strides = array<i32>} : memref<64x128xf32, #tpu.memory_space<vmem>>, vector<1x16xf32>,
      %get3A_527 = vector.shape_cast %get3A_526 : vector<1x16xf32> to vector<16xf32>
      %add3A_528 = arith.constant 1 : i32
      %add3A_529 = arith.addi %mul3A_134, %add3A_528 : i32
      %get3A_530 = arith.index_cast %add3A_529 : i32 to index
      %get3A_531 = arith.constant 80 : index
      %get3A_532 = tpu.vector_load %arg12[%get3A_530, %get3A_531] {strides = array<i32>} : memref<64x128xf32, #tpu.memory_space<vmem>>, vector<1x16xf32>,
      %get3A_533 = vector.shape_cast %get3A_532 : vector<1x16xf32> to vector<16xf32>
      %add3A_534 = arith.addf %get3A_527, %get3A_533 : vector<16xf32>
      %add3A_535 = arith.constant 1 : i32
      %add3A_536 = arith.addi %mul3A_134, %add3A_535 : i32
      %get3A_537 = arith.index_cast %add3A_536 : i32 to index
      %get3A_538 = arith.constant 80 : index
      %get3A_539 = tpu.vector_load %arg13[%get3A_537, %get3A_538] {strides = array<i32>} : memref<64x128xf32, #tpu.memory_space<vmem>>, vector<1x16xf32>,
      %get3A_540 = vector.shape_cast %get3A_539 : vector<1x16xf32> to vector<16xf32>
      %add3A_541 = arith.addf %add3A_534, %get3A_540 : vector<16xf32>
      %max3A_542 = arith.constant 0.000000e+00 : f32
      %max3A_543 = vector.broadcast %max3A_542 : f32 to vector<16xf32>
      %max3A_544 = arith.maximumf %add3A_541, %max3A_543 : vector<16xf32>
      %add3A_545 = arith.constant 1 : i32
      %add3A_546 = arith.addi %mul3A_134, %add3A_545 : i32
      %swap3A_547 = arith.index_cast %add3A_546 : i32 to index
      %swap3A_548 = arith.constant 80 : index
      %swap3A_549 = tpu.vector_load %arg11[%swap3A_547, %swap3A_548] {strides = array<i32>} : memref<64x128xf32, #tpu.memory_space<vmem>>, vector<1x16xf32>,
      %swap3A_550 = vector.shape_cast %swap3A_549 : vector<1x16xf32> to vector<16xf32>
      %swap3A_551 = vector.shape_cast %max3A_544 : vector<16xf32> to vector<1x16xf32>
      tpu.vector_store %arg11[%swap3A_547, %swap3A_548], %swap3A_551 {strides = array<i32>} : memref<64x128xf32, #tpu.memory_space<vmem>>, vector<1x16xf32>,
      %add3A_552 = arith.constant 1 : i32
      %add3A_553 = arith.addi %mul3A_134, %add3A_552 : i32
      %get3A_554 = arith.index_cast %add3A_553 : i32 to index
      %get3A_555 = arith.constant 96 : index
      %get3A_556 = tpu.vector_load %arg11[%get3A_554, %get3A_555] {strides = array<i32>} : memref<64x128xf32, #tpu.memory_space<vmem>>, vector<1x16xf32>,
      %get3A_557 = vector.shape_cast %get3A_556 : vector<1x16xf32> to vector<16xf32>
      %add3A_558 = arith.constant 1 : i32
      %add3A_559 = arith.addi %mul3A_134, %add3A_558 : i32
      %get3A_560 = arith.index_cast %add3A_559 : i32 to index
      %get3A_561 = arith.constant 96 : index
      %get3A_562 = tpu.vector_load %arg12[%get3A_560, %get3A_561] {strides = array<i32>} : memref<64x128xf32, #tpu.memory_space<vmem>>, vector<1x16xf32>,
      %get3A_563 = vector.shape_cast %get3A_562 : vector<1x16xf32> to vector<16xf32>
      %add3A_564 = arith.addf %get3A_557, %get3A_563 : vector<16xf32>
      %add3A_565 = arith.constant 1 : i32
      %add3A_566 = arith.addi %mul3A_134, %add3A_565 : i32
      %get3A_567 = arith.index_cast %add3A_566 : i32 to index
      %get3A_568 = arith.constant 96 : index
      %get3A_569 = tpu.vector_load %arg13[%get3A_567, %get3A_568] {strides = array<i32>} : memref<64x128xf32, #tpu.memory_space<vmem>>, vector<1x16xf32>,
      %get3A_570 = vector.shape_cast %get3A_569 : vector<1x16xf32> to vector<16xf32>
      %add3A_571 = arith.addf %add3A_564, %get3A_570 : vector<16xf32>
      %max3A_572 = arith.constant 0.000000e+00 : f32
      %max3A_573 = vector.broadcast %max3A_572 : f32 to vector<16xf32>
      %max3A_574 = arith.maximumf %add3A_571, %max3A_573 : vector<16xf32>
      %add3A_575 = arith.constant 1 : i32
      %add3A_576 = arith.addi %mul3A_134, %add3A_575 : i32
      %swap3A_577 = arith.index_cast %add3A_576 : i32 to index
      %swap3A_578 = arith.constant 96 : index
      %swap3A_579 = tpu.vector_load %arg11[%swap3A_577, %swap3A_578] {strides = array<i32>} : memref<64x128xf32, #tpu.memory_space<vmem>>, vector<1x16xf32>,
      %swap3A_580 = vector.shape_cast %swap3A_579 : vector<1x16xf32> to vector<16xf32>
      %swap3A_581 = vector.shape_cast %max3A_574 : vector<16xf32> to vector<1x16xf32>
      tpu.vector_store %arg11[%swap3A_577, %swap3A_578], %swap3A_581 {strides = array<i32>} : memref<64x128xf32, #tpu.memory_space<vmem>>, vector<1x16xf32>,
      %add3A_582 = arith.constant 1 : i32
      %add3A_583 = arith.addi %mul3A_134, %add3A_582 : i32
      %get3A_584 = arith.index_cast %add3A_583 : i32 to index
      %get3A_585 = arith.constant 112 : index
      %get3A_586 = tpu.vector_load %arg11[%get3A_584, %get3A_585] {strides = array<i32>} : memref<64x128xf32, #tpu.memory_space<vmem>>, vector<1x16xf32>,
      %get3A_587 = vector.shape_cast %get3A_586 : vector<1x16xf32> to vector<16xf32>
      %add3A_588 = arith.constant 1 : i32
      %add3A_589 = arith.addi %mul3A_134, %add3A_588 : i32
      %get3A_590 = arith.index_cast %add3A_589 : i32 to index
      %get3A_591 = arith.constant 112 : index
      %get3A_592 = tpu.vector_load %arg12[%get3A_590, %get3A_591] {strides = array<i32>} : memref<64x128xf32, #tpu.memory_space<vmem>>, vector<1x16xf32>,
      %get3A_593 = vector.shape_cast %get3A_592 : vector<1x16xf32> to vector<16xf32>
      %add3A_594 = arith.addf %get3A_587, %get3A_593 : vector<16xf32>
      %add3A_595 = arith.constant 1 : i32
      %add3A_596 = arith.addi %mul3A_134, %add3A_595 : i32
      %get3A_597 = arith.index_cast %add3A_596 : i32 to index
      %get3A_598 = arith.constant 112 : index
      %get3A_599 = tpu.vector_load %arg13[%get3A_597, %get3A_598] {strides = array<i32>} : memref<64x128xf32, #tpu.memory_space<vmem>>, vector<1x16xf32>,
      %get3A_600 = vector.shape_cast %get3A_599 : vector<1x16xf32> to vector<16xf32>
      %add3A_601 = arith.addf %add3A_594, %get3A_600 : vector<16xf32>
      %max3A_602 = arith.constant 0.000000e+00 : f32
      %max3A_603 = vector.broadcast %max3A_602 : f32 to vector<16xf32>
      %max3A_604 = arith.maximumf %add3A_601, %max3A_603 : vector<16xf32>
      %add3A_605 = arith.constant 1 : i32
      %add3A_606 = arith.addi %mul3A_134, %add3A_605 : i32
      %swap3A_607 = arith.index_cast %add3A_606 : i32 to index
      %swap3A_608 = arith.constant 112 : index
      %swap3A_609 = tpu.vector_load %arg11[%swap3A_607, %swap3A_608] {strides = array<i32>} : memref<64x128xf32, #tpu.memory_space<vmem>>, vector<1x16xf32>,
      %swap3A_610 = vector.shape_cast %swap3A_609 : vector<1x16xf32> to vector<16xf32>
      %swap3A_611 = vector.shape_cast %max3A_604 : vector<16xf32> to vector<1x16xf32>
      tpu.vector_store %arg11[%swap3A_607, %swap3A_608], %swap3A_611 {strides = array<i32>} : memref<64x128xf32, #tpu.memory_space<vmem>>, vector<1x16xf32>,
      %add3A_612 = arith.constant 2 : i32
      %add3A_613 = arith.addi %mul3A_134, %add3A_612 : i32
      %get3A_614 = arith.index_cast %add3A_613 : i32 to index
      %get3A_615 = arith.constant 0 : index
      %get3A_616 = tpu.vector_load %arg11[%get3A_614, %get3A_615] {strides = array<i32>} : memref<64x128xf32, #tpu.memory_space<vmem>>, vector<1x16xf32>,
      %get3A_617 = vector.shape_cast %get3A_616 : vector<1x16xf32> to vector<16xf32>
      %add3A_618 = arith.constant 2 : i32
      %add3A_619 = arith.addi %mul3A_134, %add3A_618 : i32
      %get3A_620 = arith.index_cast %add3A_619 : i32 to index
      %get3A_621 = arith.constant 0 : index
      %get3A_622 = tpu.vector_load %arg12[%get3A_620, %get3A_621] {strides = array<i32>} : memref<64x128xf32, #tpu.memory_space<vmem>>, vector<1x16xf32>,
      %get3A_623 = vector.shape_cast %get3A_622 : vector<1x16xf32> to vector<16xf32>
      %add3A_624 = arith.addf %get3A_617, %get3A_623 : vector<16xf32>
      %add3A_625 = arith.constant 2 : i32
      %add3A_626 = arith.addi %mul3A_134, %add3A_625 : i32
      %get3A_627 = arith.index_cast %add3A_626 : i32 to index
      %get3A_628 = arith.constant 0 : index
      %get3A_629 = tpu.vector_load %arg13[%get3A_627, %get3A_628] {strides = array<i32>} : memref<64x128xf32, #tpu.memory_space<vmem>>, vector<1x16xf32>,
      %get3A_630 = vector.shape_cast %get3A_629 : vector<1x16xf32> to vector<16xf32>
      %add3A_631 = arith.addf %add3A_624, %get3A_630 : vector<16xf32>
      %max3A_632 = arith.constant 0.000000e+00 : f32
      %max3A_633 = vector.broadcast %max3A_632 : f32 to vector<16xf32>
      %max3A_634 = arith.maximumf %add3A_631, %max3A_633 : vector<16xf32>
      %add3A_635 = arith.constant 2 : i32
      %add3A_636 = arith.addi %mul3A_134, %add3A_635 : i32
      %swap3A_637 = arith.index_cast %add3A_636 : i32 to index
      %swap3A_638 = arith.constant 0 : index
      %swap3A_639 = tpu.vector_load %arg11[%swap3A_637, %swap3A_638] {strides = array<i32>} : memref<64x128xf32, #tpu.memory_space<vmem>>, vector<1x16xf32>,
      %swap3A_640 = vector.shape_cast %swap3A_639 : vector<1x16xf32> to vector<16xf32>
      %swap3A_641 = vector.shape_cast %max3A_634 : vector<16xf32> to vector<1x16xf32>
      tpu.vector_store %arg11[%swap3A_637, %swap3A_638], %swap3A_641 {strides = array<i32>} : memref<64x128xf32, #tpu.memory_space<vmem>>, vector<1x16xf32>,
      %add3A_642 = arith.constant 2 : i32
      %add3A_643 = arith.addi %mul3A_134, %add3A_642 : i32
      %get3A_644 = arith.index_cast %add3A_643 : i32 to index
      %get3A_645 = arith.constant 16 : index
      %get3A_646 = tpu.vector_load %arg11[%get3A_644, %get3A_645] {strides = array<i32>} : memref<64x128xf32, #tpu.memory_space<vmem>>, vector<1x16xf32>,
      %get3A_647 = vector.shape_cast %get3A_646 : vector<1x16xf32> to vector<16xf32>
      %add3A_648 = arith.constant 2 : i32
      %add3A_649 = arith.addi %mul3A_134, %add3A_648 : i32
      %get3A_650 = arith.index_cast %add3A_649 : i32 to index
      %get3A_651 = arith.constant 16 : index
      %get3A_652 = tpu.vector_load %arg12[%get3A_650, %get3A_651] {strides = array<i32>} : memref<64x128xf32, #tpu.memory_space<vmem>>, vector<1x16xf32>,
      %get3A_653 = vector.shape_cast %get3A_652 : vector<1x16xf32> to vector<16xf32>
      %add3A_654 = arith.addf %get3A_647, %get3A_653 : vector<16xf32>
      %add3A_655 = arith.constant 2 : i32
      %add3A_656 = arith.addi %mul3A_134, %add3A_655 : i32
      %get3A_657 = arith.index_cast %add3A_656 : i32 to index
      %get3A_658 = arith.constant 16 : index
      %get3A_659 = tpu.vector_load %arg13[%get3A_657, %get3A_658] {strides = array<i32>} : memref<64x128xf32, #tpu.memory_space<vmem>>, vector<1x16xf32>,
      %get3A_660 = vector.shape_cast %get3A_659 : vector<1x16xf32> to vector<16xf32>
      %add3A_661 = arith.addf %add3A_654, %get3A_660 : vector<16xf32>
      %max3A_662 = arith.constant 0.000000e+00 : f32
      %max3A_663 = vector.broadcast %max3A_662 : f32 to vector<16xf32>
      %max3A_664 = arith.maximumf %add3A_661, %max3A_663 : vector<16xf32>
      %add3A_665 = arith.constant 2 : i32
      %add3A_666 = arith.addi %mul3A_134, %add3A_665 : i32
      %swap3A_667 = arith.index_cast %add3A_666 : i32 to index
      %swap3A_668 = arith.constant 16 : index
      %swap3A_669 = tpu.vector_load %arg11[%swap3A_667, %swap3A_668] {strides = array<i32>} : memref<64x128xf32, #tpu.memory_space<vmem>>, vector<1x16xf32>,
      %swap3A_670 = vector.shape_cast %swap3A_669 : vector<1x16xf32> to vector<16xf32>
      %swap3A_671 = vector.shape_cast %max3A_664 : vector<16xf32> to vector<1x16xf32>
      tpu.vector_store %arg11[%swap3A_667, %swap3A_668], %swap3A_671 {strides = array<i32>} : memref<64x128xf32, #tpu.memory_space<vmem>>, vector<1x16xf32>,
      %add3A_672 = arith.constant 2 : i32
      %add3A_673 = arith.addi %mul3A_134, %add3A_672 : i32
      %get3A_674 = arith.index_cast %add3A_673 : i32 to index
      %get3A_675 = arith.constant 32 : index
      %get3A_676 = tpu.vector_load %arg11[%get3A_674, %get3A_675] {strides = array<i32>} : memref<64x128xf32, #tpu.memory_space<vmem>>, vector<1x16xf32>,
      %get3A_677 = vector.shape_cast %get3A_676 : vector<1x16xf32> to vector<16xf32>
      %add3A_678 = arith.constant 2 : i32
      %add3A_679 = arith.addi %mul3A_134, %add3A_678 : i32
      %get3A_680 = arith.index_cast %add3A_679 : i32 to index
      %get3A_681 = arith.constant 32 : index
      %get3A_682 = tpu.vector_load %arg12[%get3A_680, %get3A_681] {strides = array<i32>} : memref<64x128xf32, #tpu.memory_space<vmem>>, vector<1x16xf32>,
      %get3A_683 = vector.shape_cast %get3A_682 : vector<1x16xf32> to vector<16xf32>
      %add3A_684 = arith.addf %get3A_677, %get3A_683 : vector<16xf32>
      %add3A_685 = arith.constant 2 : i32
      %add3A_686 = arith.addi %mul3A_134, %add3A_685 : i32
      %get3A_687 = arith.index_cast %add3A_686 : i32 to index
      %get3A_688 = arith.constant 32 : index
      %get3A_689 = tpu.vector_load %arg13[%get3A_687, %get3A_688] {strides = array<i32>} : memref<64x128xf32, #tpu.memory_space<vmem>>, vector<1x16xf32>,
      %get3A_690 = vector.shape_cast %get3A_689 : vector<1x16xf32> to vector<16xf32>
      %add3A_691 = arith.addf %add3A_684, %get3A_690 : vector<16xf32>
      %max3A_692 = arith.constant 0.000000e+00 : f32
      %max3A_693 = vector.broadcast %max3A_692 : f32 to vector<16xf32>
      %max3A_694 = arith.maximumf %add3A_691, %max3A_693 : vector<16xf32>
      %add3A_695 = arith.constant 2 : i32
      %add3A_696 = arith.addi %mul3A_134, %add3A_695 : i32
      %swap3A_697 = arith.index_cast %add3A_696 : i32 to index
      %swap3A_698 = arith.constant 32 : index
      %swap3A_699 = tpu.vector_load %arg11[%swap3A_697, %swap3A_698] {strides = array<i32>} : memref<64x128xf32, #tpu.memory_space<vmem>>, vector<1x16xf32>,
      %swap3A_700 = vector.shape_cast %swap3A_699 : vector<1x16xf32> to vector<16xf32>
      %swap3A_701 = vector.shape_cast %max3A_694 : vector<16xf32> to vector<1x16xf32>
      tpu.vector_store %arg11[%swap3A_697, %swap3A_698], %swap3A_701 {strides = array<i32>} : memref<64x128xf32, #tpu.memory_space<vmem>>, vector<1x16xf32>,
      %add3A_702 = arith.constant 2 : i32
      %add3A_703 = arith.addi %mul3A_134, %add3A_702 : i32
      %get3A_704 = arith.index_cast %add3A_703 : i32 to index
      %get3A_705 = arith.constant 48 : index
      %get3A_706 = tpu.vector_load %arg11[%get3A_704, %get3A_705] {strides = array<i32>} : memref<64x128xf32, #tpu.memory_space<vmem>>, vector<1x16xf32>,
      %get3A_707 = vector.shape_cast %get3A_706 : vector<1x16xf32> to vector<16xf32>
      %add3A_708 = arith.constant 2 : i32
      %add3A_709 = arith.addi %mul3A_134, %add3A_708 : i32
      %get3A_710 = arith.index_cast %add3A_709 : i32 to index
      %get3A_711 = arith.constant 48 : index
      %get3A_712 = tpu.vector_load %arg12[%get3A_710, %get3A_711] {strides = array<i32>} : memref<64x128xf32, #tpu.memory_space<vmem>>, vector<1x16xf32>,
      %get3A_713 = vector.shape_cast %get3A_712 : vector<1x16xf32> to vector<16xf32>
      %add3A_714 = arith.addf %get3A_707, %get3A_713 : vector<16xf32>
      %add3A_715 = arith.constant 2 : i32
      %add3A_716 = arith.addi %mul3A_134, %add3A_715 : i32
      %get3A_717 = arith.index_cast %add3A_716 : i32 to index
      %get3A_718 = arith.constant 48 : index
      %get3A_719 = tpu.vector_load %arg13[%get3A_717, %get3A_718] {strides = array<i32>} : memref<64x128xf32, #tpu.memory_space<vmem>>, vector<1x16xf32>,
      %get3A_720 = vector.shape_cast %get3A_719 : vector<1x16xf32> to vector<16xf32>
      %add3A_721 = arith.addf %add3A_714, %get3A_720 : vector<16xf32>
      %max3A_722 = arith.constant 0.000000e+00 : f32
      %max3A_723 = vector.broadcast %max3A_722 : f32 to vector<16xf32>
      %max3A_724 = arith.maximumf %add3A_721, %max3A_723 : vector<16xf32>
      %add3A_725 = arith.constant 2 : i32
      %add3A_726 = arith.addi %mul3A_134, %add3A_725 : i32
      %swap3A_727 = arith.index_cast %add3A_726 : i32 to index
      %swap3A_728 = arith.constant 48 : index
      %swap3A_729 = tpu.vector_load %arg11[%swap3A_727, %swap3A_728] {strides = array<i32>} : memref<64x128xf32, #tpu.memory_space<vmem>>, vector<1x16xf32>,
      %swap3A_730 = vector.shape_cast %swap3A_729 : vector<1x16xf32> to vector<16xf32>
      %swap3A_731 = vector.shape_cast %max3A_724 : vector<16xf32> to vector<1x16xf32>
      tpu.vector_store %arg11[%swap3A_727, %swap3A_728], %swap3A_731 {strides = array<i32>} : memref<64x128xf32, #tpu.memory_space<vmem>>, vector<1x16xf32>,
      %add3A_732 = arith.constant 2 : i32
      %add3A_733 = arith.addi %mul3A_134, %add3A_732 : i32
      %get3A_734 = arith.index_cast %add3A_733 : i32 to index
      %get3A_735 = arith.constant 64 : index
      %get3A_736 = tpu.vector_load %arg11[%get3A_734, %get3A_735] {strides = array<i32>} : memref<64x128xf32, #tpu.memory_space<vmem>>, vector<1x16xf32>,
      %get3A_737 = vector.shape_cast %get3A_736 : vector<1x16xf32> to vector<16xf32>
      %add3A_738 = arith.constant 2 : i32
      %add3A_739 = arith.addi %mul3A_134, %add3A_738 : i32
      %get3A_740 = arith.index_cast %add3A_739 : i32 to index
      %get3A_741 = arith.constant 64 : index
      %get3A_742 = tpu.vector_load %arg12[%get3A_740, %get3A_741] {strides = array<i32>} : memref<64x128xf32, #tpu.memory_space<vmem>>, vector<1x16xf32>,
      %get3A_743 = vector.shape_cast %get3A_742 : vector<1x16xf32> to vector<16xf32>
      %add3A_744 = arith.addf %get3A_737, %get3A_743 : vector<16xf32>
      %add3A_745 = arith.constant 2 : i32
      %add3A_746 = arith.addi %mul3A_134, %add3A_745 : i32
      %get3A_747 = arith.index_cast %add3A_746 : i32 to index
      %get3A_748 = arith.constant 64 : index
      %get3A_749 = tpu.vector_load %arg13[%get3A_747, %get3A_748] {strides = array<i32>} : memref<64x128xf32, #tpu.memory_space<vmem>>, vector<1x16xf32>,
      %get3A_750 = vector.shape_cast %get3A_749 : vector<1x16xf32> to vector<16xf32>
      %add3A_751 = arith.addf %add3A_744, %get3A_750 : vector<16xf32>
      %max3A_752 = arith.constant 0.000000e+00 : f32
      %max3A_753 = vector.broadcast %max3A_752 : f32 to vector<16xf32>
      %max3A_754 = arith.maximumf %add3A_751, %max3A_753 : vector<16xf32>
      %add3A_755 = arith.constant 2 : i32
      %add3A_756 = arith.addi %mul3A_134, %add3A_755 : i32
      %swap3A_757 = arith.index_cast %add3A_756 : i32 to index
      %swap3A_758 = arith.constant 64 : index
      %swap3A_759 = tpu.vector_load %arg11[%swap3A_757, %swap3A_758] {strides = array<i32>} : memref<64x128xf32, #tpu.memory_space<vmem>>, vector<1x16xf32>,
      %swap3A_760 = vector.shape_cast %swap3A_759 : vector<1x16xf32> to vector<16xf32>
      %swap3A_761 = vector.shape_cast %max3A_754 : vector<16xf32> to vector<1x16xf32>
      tpu.vector_store %arg11[%swap3A_757, %swap3A_758], %swap3A_761 {strides = array<i32>} : memref<64x128xf32, #tpu.memory_space<vmem>>, vector<1x16xf32>,
      %add3A_762 = arith.constant 2 : i32
      %add3A_763 = arith.addi %mul3A_134, %add3A_762 : i32
      %get3A_764 = arith.index_cast %add3A_763 : i32 to index
      %get3A_765 = arith.constant 80 : index
      %get3A_766 = tpu.vector_load %arg11[%get3A_764, %get3A_765] {strides = array<i32>} : memref<64x128xf32, #tpu.memory_space<vmem>>, vector<1x16xf32>,
      %get3A_767 = vector.shape_cast %get3A_766 : vector<1x16xf32> to vector<16xf32>
      %add3A_768 = arith.constant 2 : i32
      %add3A_769 = arith.addi %mul3A_134, %add3A_768 : i32
      %get3A_770 = arith.index_cast %add3A_769 : i32 to index
      %get3A_771 = arith.constant 80 : index
      %get3A_772 = tpu.vector_load %arg12[%get3A_770, %get3A_771] {strides = array<i32>} : memref<64x128xf32, #tpu.memory_space<vmem>>, vector<1x16xf32>,
      %get3A_773 = vector.shape_cast %get3A_772 : vector<1x16xf32> to vector<16xf32>
      %add3A_774 = arith.addf %get3A_767, %get3A_773 : vector<16xf32>
      %add3A_775 = arith.constant 2 : i32
      %add3A_776 = arith.addi %mul3A_134, %add3A_775 : i32
      %get3A_777 = arith.index_cast %add3A_776 : i32 to index
      %get3A_778 = arith.constant 80 : index
      %get3A_779 = tpu.vector_load %arg13[%get3A_777, %get3A_778] {strides = array<i32>} : memref<64x128xf32, #tpu.memory_space<vmem>>, vector<1x16xf32>,
      %get3A_780 = vector.shape_cast %get3A_779 : vector<1x16xf32> to vector<16xf32>
      %add3A_781 = arith.addf %add3A_774, %get3A_780 : vector<16xf32>
      %max3A_782 = arith.constant 0.000000e+00 : f32
      %max3A_783 = vector.broadcast %max3A_782 : f32 to vector<16xf32>
      %max3A_784 = arith.maximumf %add3A_781, %max3A_783 : vector<16xf32>
      %add3A_785 = arith.constant 2 : i32
      %add3A_786 = arith.addi %mul3A_134, %add3A_785 : i32
      %swap3A_787 = arith.index_cast %add3A_786 : i32 to index
      %swap3A_788 = arith.constant 80 : index
      %swap3A_789 = tpu.vector_load %arg11[%swap3A_787, %swap3A_788] {strides = array<i32>} : memref<64x128xf32, #tpu.memory_space<vmem>>, vector<1x16xf32>,
      %swap3A_790 = vector.shape_cast %swap3A_789 : vector<1x16xf32> to vector<16xf32>
      %swap3A_791 = vector.shape_cast %max3A_784 : vector<16xf32> to vector<1x16xf32>
      tpu.vector_store %arg11[%swap3A_787, %swap3A_788], %swap3A_791 {strides = array<i32>} : memref<64x128xf32, #tpu.memory_space<vmem>>, vector<1x16xf32>,
      %add3A_792 = arith.constant 2 : i32
      %add3A_793 = arith.addi %mul3A_134, %add3A_792 : i32
      %get3A_794 = arith.index_cast %add3A_793 : i32 to index
      %get3A_795 = arith.constant 96 : index
      %get3A_796 = tpu.vector_load %arg11[%get3A_794, %get3A_795] {strides = array<i32>} : memref<64x128xf32, #tpu.memory_space<vmem>>, vector<1x16xf32>,
      %get3A_797 = vector.shape_cast %get3A_796 : vector<1x16xf32> to vector<16xf32>
      %add3A_798 = arith.constant 2 : i32
      %add3A_799 = arith.addi %mul3A_134, %add3A_798 : i32
      %get3A_800 = arith.index_cast %add3A_799 : i32 to index
      %get3A_801 = arith.constant 96 : index
      %get3A_802 = tpu.vector_load %arg12[%get3A_800, %get3A_801] {strides = array<i32>} : memref<64x128xf32, #tpu.memory_space<vmem>>, vector<1x16xf32>,
      %get3A_803 = vector.shape_cast %get3A_802 : vector<1x16xf32> to vector<16xf32>
      %add3A_804 = arith.addf %get3A_797, %get3A_803 : vector<16xf32>
      %add3A_805 = arith.constant 2 : i32
      %add3A_806 = arith.addi %mul3A_134, %add3A_805 : i32
      %get3A_807 = arith.index_cast %add3A_806 : i32 to index
      %get3A_808 = arith.constant 96 : index
      %get3A_809 = tpu.vector_load %arg13[%get3A_807, %get3A_808] {strides = array<i32>} : memref<64x128xf32, #tpu.memory_space<vmem>>, vector<1x16xf32>,
      %get3A_810 = vector.shape_cast %get3A_809 : vector<1x16xf32> to vector<16xf32>
      %add3A_811 = arith.addf %add3A_804, %get3A_810 : vector<16xf32>
      %max3A_812 = arith.constant 0.000000e+00 : f32
      %max3A_813 = vector.broadcast %max3A_812 : f32 to vector<16xf32>
      %max3A_814 = arith.maximumf %add3A_811, %max3A_813 : vector<16xf32>
      %add3A_815 = arith.constant 2 : i32
      %add3A_816 = arith.addi %mul3A_134, %add3A_815 : i32
      %swap3A_817 = arith.index_cast %add3A_816 : i32 to index
      %swap3A_818 = arith.constant 96 : index
      %swap3A_819 = tpu.vector_load %arg11[%swap3A_817, %swap3A_818] {strides = array<i32>} : memref<64x128xf32, #tpu.memory_space<vmem>>, vector<1x16xf32>,
      %swap3A_820 = vector.shape_cast %swap3A_819 : vector<1x16xf32> to vector<16xf32>
      %swap3A_821 = vector.shape_cast %max3A_814 : vector<16xf32> to vector<1x16xf32>
      tpu.vector_store %arg11[%swap3A_817, %swap3A_818], %swap3A_821 {strides = array<i32>} : memref<64x128xf32, #tpu.memory_space<vmem>>, vector<1x16xf32>,
      %add3A_822 = arith.constant 2 : i32
      %add3A_823 = arith.addi %mul3A_134, %add3A_822 : i32
      %get3A_824 = arith.index_cast %add3A_823 : i32 to index
      %get3A_825 = arith.constant 112 : index
      %get3A_826 = tpu.vector_load %arg11[%get3A_824, %get3A_825] {strides = array<i32>} : memref<64x128xf32, #tpu.memory_space<vmem>>, vector<1x16xf32>,
      %get3A_827 = vector.shape_cast %get3A_826 : vector<1x16xf32> to vector<16xf32>
      %add3A_828 = arith.constant 2 : i32
      %add3A_829 = arith.addi %mul3A_134, %add3A_828 : i32
      %get3A_830 = arith.index_cast %add3A_829 : i32 to index
      %get3A_831 = arith.constant 112 : index
      %get3A_832 = tpu.vector_load %arg12[%get3A_830, %get3A_831] {strides = array<i32>} : memref<64x128xf32, #tpu.memory_space<vmem>>, vector<1x16xf32>,
      %get3A_833 = vector.shape_cast %get3A_832 : vector<1x16xf32> to vector<16xf32>
      %add3A_834 = arith.addf %get3A_827, %get3A_833 : vector<16xf32>
      %add3A_835 = arith.constant 2 : i32
      %add3A_836 = arith.addi %mul3A_134, %add3A_835 : i32
      %get3A_837 = arith.index_cast %add3A_836 : i32 to index
      %get3A_838 = arith.constant 112 : index
      %get3A_839 = tpu.vector_load %arg13[%get3A_837, %get3A_838] {strides = array<i32>} : memref<64x128xf32, #tpu.memory_space<vmem>>, vector<1x16xf32>,
      %get3A_840 = vector.shape_cast %get3A_839 : vector<1x16xf32> to vector<16xf32>
      %add3A_841 = arith.addf %add3A_834, %get3A_840 : vector<16xf32>
      %max3A_842 = arith.constant 0.000000e+00 : f32
      %max3A_843 = vector.broadcast %max3A_842 : f32 to vector<16xf32>
      %max3A_844 = arith.maximumf %add3A_841, %max3A_843 : vector<16xf32>
      %add3A_845 = arith.constant 2 : i32
      %add3A_846 = arith.addi %mul3A_134, %add3A_845 : i32
      %swap3A_847 = arith.index_cast %add3A_846 : i32 to index
      %swap3A_848 = arith.constant 112 : index
      %swap3A_849 = tpu.vector_load %arg11[%swap3A_847, %swap3A_848] {strides = array<i32>} : memref<64x128xf32, #tpu.memory_space<vmem>>, vector<1x16xf32>,
      %swap3A_850 = vector.shape_cast %swap3A_849 : vector<1x16xf32> to vector<16xf32>
      %swap3A_851 = vector.shape_cast %max3A_844 : vector<16xf32> to vector<1x16xf32>
      tpu.vector_store %arg11[%swap3A_847, %swap3A_848], %swap3A_851 {strides = array<i32>} : memref<64x128xf32, #tpu.memory_space<vmem>>, vector<1x16xf32>,
      %add3A_852 = arith.constant 3 : i32
      %add3A_853 = arith.addi %mul3A_134, %add3A_852 : i32
      %get3A_854 = arith.index_cast %add3A_853 : i32 to index
      %get3A_855 = arith.constant 0 : index
      %get3A_856 = tpu.vector_load %arg11[%get3A_854, %get3A_855] {strides = array<i32>} : memref<64x128xf32, #tpu.memory_space<vmem>>, vector<1x16xf32>,
      %get3A_857 = vector.shape_cast %get3A_856 : vector<1x16xf32> to vector<16xf32>
      %add3A_858 = arith.constant 3 : i32
      %add3A_859 = arith.addi %mul3A_134, %add3A_858 : i32
      %get3A_860 = arith.index_cast %add3A_859 : i32 to index
      %get3A_861 = arith.constant 0 : index
      %get3A_862 = tpu.vector_load %arg12[%get3A_860, %get3A_861] {strides = array<i32>} : memref<64x128xf32, #tpu.memory_space<vmem>>, vector<1x16xf32>,
      %get3A_863 = vector.shape_cast %get3A_862 : vector<1x16xf32> to vector<16xf32>
      %add3A_864 = arith.addf %get3A_857, %get3A_863 : vector<16xf32>
      %add3A_865 = arith.constant 3 : i32
      %add3A_866 = arith.addi %mul3A_134, %add3A_865 : i32
      %get3A_867 = arith.index_cast %add3A_866 : i32 to index
      %get3A_868 = arith.constant 0 : index
      %get3A_869 = tpu.vector_load %arg13[%get3A_867, %get3A_868] {strides = array<i32>} : memref<64x128xf32, #tpu.memory_space<vmem>>, vector<1x16xf32>,
      %get3A_870 = vector.shape_cast %get3A_869 : vector<1x16xf32> to vector<16xf32>
      %add3A_871 = arith.addf %add3A_864, %get3A_870 : vector<16xf32>
      %max3A_872 = arith.constant 0.000000e+00 : f32
      %max3A_873 = vector.broadcast %max3A_872 : f32 to vector<16xf32>
      %max3A_874 = arith.maximumf %add3A_871, %max3A_873 : vector<16xf32>
      %add3A_875 = arith.constant 3 : i32
      %add3A_876 = arith.addi %mul3A_134, %add3A_875 : i32
      %swap3A_877 = arith.index_cast %add3A_876 : i32 to index
      %swap3A_878 = arith.constant 0 : index
      %swap3A_879 = tpu.vector_load %arg11[%swap3A_877, %swap3A_878] {strides = array<i32>} : memref<64x128xf32, #tpu.memory_space<vmem>>, vector<1x16xf32>,
      %swap3A_880 = vector.shape_cast %swap3A_879 : vector<1x16xf32> to vector<16xf32>
      %swap3A_881 = vector.shape_cast %max3A_874 : vector<16xf32> to vector<1x16xf32>
      tpu.vector_store %arg11[%swap3A_877, %swap3A_878], %swap3A_881 {strides = array<i32>} : memref<64x128xf32, #tpu.memory_space<vmem>>, vector<1x16xf32>,
      %add3A_882 = arith.constant 3 : i32
      %add3A_883 = arith.addi %mul3A_134, %add3A_882 : i32
      %get3A_884 = arith.index_cast %add3A_883 : i32 to index
      %get3A_885 = arith.constant 16 : index
      %get3A_886 = tpu.vector_load %arg11[%get3A_884, %get3A_885] {strides = array<i32>} : memref<64x128xf32, #tpu.memory_space<vmem>>, vector<1x16xf32>,
      %get3A_887 = vector.shape_cast %get3A_886 : vector<1x16xf32> to vector<16xf32>
      %add3A_888 = arith.constant 3 : i32
      %add3A_889 = arith.addi %mul3A_134, %add3A_888 : i32
      %get3A_890 = arith.index_cast %add3A_889 : i32 to index
      %get3A_891 = arith.constant 16 : index
      %get3A_892 = tpu.vector_load %arg12[%get3A_890, %get3A_891] {strides = array<i32>} : memref<64x128xf32, #tpu.memory_space<vmem>>, vector<1x16xf32>,
      %get3A_893 = vector.shape_cast %get3A_892 : vector<1x16xf32> to vector<16xf32>
      %add3A_894 = arith.addf %get3A_887, %get3A_893 : vector<16xf32>
      %add3A_895 = arith.constant 3 : i32
      %add3A_896 = arith.addi %mul3A_134, %add3A_895 : i32
      %get3A_897 = arith.index_cast %add3A_896 : i32 to index
      %get3A_898 = arith.constant 16 : index
      %get3A_899 = tpu.vector_load %arg13[%get3A_897, %get3A_898] {strides = array<i32>} : memref<64x128xf32, #tpu.memory_space<vmem>>, vector<1x16xf32>,
      %get3A_900 = vector.shape_cast %get3A_899 : vector<1x16xf32> to vector<16xf32>
      %add3A_901 = arith.addf %add3A_894, %get3A_900 : vector<16xf32>
      %max3A_902 = arith.constant 0.000000e+00 : f32
      %max3A_903 = vector.broadcast %max3A_902 : f32 to vector<16xf32>
      %max3A_904 = arith.maximumf %add3A_901, %max3A_903 : vector<16xf32>
      %add3A_905 = arith.constant 3 : i32
      %add3A_906 = arith.addi %mul3A_134, %add3A_905 : i32
      %swap3A_907 = arith.index_cast %add3A_906 : i32 to index
      %swap3A_908 = arith.constant 16 : index
      %swap3A_909 = tpu.vector_load %arg11[%swap3A_907, %swap3A_908] {strides = array<i32>} : memref<64x128xf32, #tpu.memory_space<vmem>>, vector<1x16xf32>,
      %swap3A_910 = vector.shape_cast %swap3A_909 : vector<1x16xf32> to vector<16xf32>
      %swap3A_911 = vector.shape_cast %max3A_904 : vector<16xf32> to vector<1x16xf32>
      tpu.vector_store %arg11[%swap3A_907, %swap3A_908], %swap3A_911 {strides = array<i32>} : memref<64x128xf32, #tpu.memory_space<vmem>>, vector<1x16xf32>,
      %add3A_912 = arith.constant 3 : i32
      %add3A_913 = arith.addi %mul3A_134, %add3A_912 : i32
      %get3A_914 = arith.index_cast %add3A_913 : i32 to index
      %get3A_915 = arith.constant 32 : index
      %get3A_916 = tpu.vector_load %arg11[%get3A_914, %get3A_915] {strides = array<i32>} : memref<64x128xf32, #tpu.memory_space<vmem>>, vector<1x16xf32>,
      %get3A_917 = vector.shape_cast %get3A_916 : vector<1x16xf32> to vector<16xf32>
      %add3A_918 = arith.constant 3 : i32
      %add3A_919 = arith.addi %mul3A_134, %add3A_918 : i32
      %get3A_920 = arith.index_cast %add3A_919 : i32 to index
      %get3A_921 = arith.constant 32 : index
      %get3A_922 = tpu.vector_load %arg12[%get3A_920, %get3A_921] {strides = array<i32>} : memref<64x128xf32, #tpu.memory_space<vmem>>, vector<1x16xf32>,
      %get3A_923 = vector.shape_cast %get3A_922 : vector<1x16xf32> to vector<16xf32>
      %add3A_924 = arith.addf %get3A_917, %get3A_923 : vector<16xf32>
      %add3A_925 = arith.constant 3 : i32
      %add3A_926 = arith.addi %mul3A_134, %add3A_925 : i32
      %get3A_927 = arith.index_cast %add3A_926 : i32 to index
      %get3A_928 = arith.constant 32 : index
      %get3A_929 = tpu.vector_load %arg13[%get3A_927, %get3A_928] {strides = array<i32>} : memref<64x128xf32, #tpu.memory_space<vmem>>, vector<1x16xf32>,
      %get3A_930 = vector.shape_cast %get3A_929 : vector<1x16xf32> to vector<16xf32>
      %add3A_931 = arith.addf %add3A_924, %get3A_930 : vector<16xf32>
      %max3A_932 = arith.constant 0.000000e+00 : f32
      %max3A_933 = vector.broadcast %max3A_932 : f32 to vector<16xf32>
      %max3A_934 = arith.maximumf %add3A_931, %max3A_933 : vector<16xf32>
      %add3A_935 = arith.constant 3 : i32
      %add3A_936 = arith.addi %mul3A_134, %add3A_935 : i32
      %swap3A_937 = arith.index_cast %add3A_936 : i32 to index
      %swap3A_938 = arith.constant 32 : index
      %swap3A_939 = tpu.vector_load %arg11[%swap3A_937, %swap3A_938] {strides = array<i32>} : memref<64x128xf32, #tpu.memory_space<vmem>>, vector<1x16xf32>,
      %swap3A_940 = vector.shape_cast %swap3A_939 : vector<1x16xf32> to vector<16xf32>
      %swap3A_941 = vector.shape_cast %max3A_934 : vector<16xf32> to vector<1x16xf32>
      tpu.vector_store %arg11[%swap3A_937, %swap3A_938], %swap3A_941 {strides = array<i32>} : memref<64x128xf32, #tpu.memory_space<vmem>>, vector<1x16xf32>,
      %add3A_942 = arith.constant 3 : i32
      %add3A_943 = arith.addi %mul3A_134, %add3A_942 : i32
      %get3A_944 = arith.index_cast %add3A_943 : i32 to index
      %get3A_945 = arith.constant 48 : index
      %get3A_946 = tpu.vector_load %arg11[%get3A_944, %get3A_945] {strides = array<i32>} : memref<64x128xf32, #tpu.memory_space<vmem>>, vector<1x16xf32>,
      %get3A_947 = vector.shape_cast %get3A_946 : vector<1x16xf32> to vector<16xf32>
      %add3A_948 = arith.constant 3 : i32
      %add3A_949 = arith.addi %mul3A_134, %add3A_948 : i32
      %get3A_950 = arith.index_cast %add3A_949 : i32 to index
      %get3A_951 = arith.constant 48 : index
      %get3A_952 = tpu.vector_load %arg12[%get3A_950, %get3A_951] {strides = array<i32>} : memref<64x128xf32, #tpu.memory_space<vmem>>, vector<1x16xf32>,
      %get3A_953 = vector.shape_cast %get3A_952 : vector<1x16xf32> to vector<16xf32>
      %add3A_954 = arith.addf %get3A_947, %get3A_953 : vector<16xf32>
      %add3A_955 = arith.constant 3 : i32
      %add3A_956 = arith.addi %mul3A_134, %add3A_955 : i32
      %get3A_957 = arith.index_cast %add3A_956 : i32 to index
      %get3A_958 = arith.constant 48 : index
      %get3A_959 = tpu.vector_load %arg13[%get3A_957, %get3A_958] {strides = array<i32>} : memref<64x128xf32, #tpu.memory_space<vmem>>, vector<1x16xf32>,
      %get3A_960 = vector.shape_cast %get3A_959 : vector<1x16xf32> to vector<16xf32>
      %add3A_961 = arith.addf %add3A_954, %get3A_960 : vector<16xf32>
      %max3A_962 = arith.constant 0.000000e+00 : f32
      %max3A_963 = vector.broadcast %max3A_962 : f32 to vector<16xf32>
      %max3A_964 = arith.maximumf %add3A_961, %max3A_963 : vector<16xf32>
      %add3A_965 = arith.constant 3 : i32
      %add3A_966 = arith.addi %mul3A_134, %add3A_965 : i32
      %swap3A_967 = arith.index_cast %add3A_966 : i32 to index
      %swap3A_968 = arith.constant 48 : index
      %swap3A_969 = tpu.vector_load %arg11[%swap3A_967, %swap3A_968] {strides = array<i32>} : memref<64x128xf32, #tpu.memory_space<vmem>>, vector<1x16xf32>,
      %swap3A_970 = vector.shape_cast %swap3A_969 : vector<1x16xf32> to vector<16xf32>
      %swap3A_971 = vector.shape_cast %max3A_964 : vector<16xf32> to vector<1x16xf32>
      tpu.vector_store %arg11[%swap3A_967, %swap3A_968], %swap3A_971 {strides = array<i32>} : memref<64x128xf32, #tpu.memory_space<vmem>>, vector<1x16xf32>,
      %add3A_972 = arith.constant 3 : i32
      %add3A_973 = arith.addi %mul3A_134, %add3A_972 : i32
      %get3A_974 = arith.index_cast %add3A_973 : i32 to index
      %get3A_975 = arith.constant 64 : index
      %get3A_976 = tpu.vector_load %arg11[%get3A_974, %get3A_975] {strides = array<i32>} : memref<64x128xf32, #tpu.memory_space<vmem>>, vector<1x16xf32>,
      %get3A_977 = vector.shape_cast %get3A_976 : vector<1x16xf32> to vector<16xf32>
      %add3A_978 = arith.constant 3 : i32
      %add3A_979 = arith.addi %mul3A_134, %add3A_978 : i32
      %get3A_980 = arith.index_cast %add3A_979 : i32 to index
      %get3A_981 = arith.constant 64 : index
      %get3A_982 = tpu.vector_load %arg12[%get3A_980, %get3A_981] {strides = array<i32>} : memref<64x128xf32, #tpu.memory_space<vmem>>, vector<1x16xf32>,
      %get3A_983 = vector.shape_cast %get3A_982 : vector<1x16xf32> to vector<16xf32>
      %add3A_984 = arith.addf %get3A_977, %get3A_983 : vector<16xf32>
      %add3A_985 = arith.constant 3 : i32
      %add3A_986 = arith.addi %mul3A_134, %add3A_985 : i32
      %get3A_987 = arith.index_cast %add3A_986 : i32 to index
      %get3A_988 = arith.constant 64 : index
      %get3A_989 = tpu.vector_load %arg13[%get3A_987, %get3A_988] {strides = array<i32>} : memref<64x128xf32, #tpu.memory_space<vmem>>, vector<1x16xf32>,
      %get3A_990 = vector.shape_cast %get3A_989 : vector<1x16xf32> to vector<16xf32>
      %add3A_991 = arith.addf %add3A_984, %get3A_990 : vector<16xf32>
      %max3A_992 = arith.constant 0.000000e+00 : f32
      %max3A_993 = vector.broadcast %max3A_992 : f32 to vector<16xf32>
      %max3A_994 = arith.maximumf %add3A_991, %max3A_993 : vector<16xf32>
      %add3A_995 = arith.constant 3 : i32
      %add3A_996 = arith.addi %mul3A_134, %add3A_995 : i32
      %swap3A_997 = arith.index_cast %add3A_996 : i32 to index
      %swap3A_998 = arith.constant 64 : index
      %swap3A_999 = tpu.vector_load %arg11[%swap3A_997, %swap3A_998] {strides = array<i32>} : memref<64x128xf32, #tpu.memory_space<vmem>>, vector<1x16xf32>,
      %swap3A_1000 = vector.shape_cast %swap3A_999 : vector<1x16xf32> to vector<16xf32>
      %swap3A_1001 = vector.shape_cast %max3A_994 : vector<16xf32> to vector<1x16xf32>
      tpu.vector_store %arg11[%swap3A_997, %swap3A_998], %swap3A_1001 {strides = array<i32>} : memref<64x128xf32, #tpu.memory_space<vmem>>, vector<1x16xf32>,
      %add3A_1002 = arith.constant 3 : i32
      %add3A_1003 = arith.addi %mul3A_134, %add3A_1002 : i32
      %get3A_1004 = arith.index_cast %add3A_1003 : i32 to index
      %get3A_1005 = arith.constant 80 : index
      %get3A_1006 = tpu.vector_load %arg11[%get3A_1004, %get3A_1005] {strides = array<i32>} : memref<64x128xf32, #tpu.memory_space<vmem>>, vector<1x16xf32>,
      %get3A_1007 = vector.shape_cast %get3A_1006 : vector<1x16xf32> to vector<16xf32>
      %add3A_1008 = arith.constant 3 : i32
      %add3A_1009 = arith.addi %mul3A_134, %add3A_1008 : i32
      %get3A_1010 = arith.index_cast %add3A_1009 : i32 to index
      %get3A_1011 = arith.constant 80 : index
      %get3A_1012 = tpu.vector_load %arg12[%get3A_1010, %get3A_1011] {strides = array<i32>} : memref<64x128xf32, #tpu.memory_space<vmem>>, vector<1x16xf32>,
      %get3A_1013 = vector.shape_cast %get3A_1012 : vector<1x16xf32> to vector<16xf32>
      %add3A_1014 = arith.addf %get3A_1007, %get3A_1013 : vector<16xf32>
      %add3A_1015 = arith.constant 3 : i32
      %add3A_1016 = arith.addi %mul3A_134, %add3A_1015 : i32
      %get3A_1017 = arith.index_cast %add3A_1016 : i32 to index
      %get3A_1018 = arith.constant 80 : index
      %get3A_1019 = tpu.vector_load %arg13[%get3A_1017, %get3A_1018] {strides = array<i32>} : memref<64x128xf32, #tpu.memory_space<vmem>>, vector<1x16xf32>,
      %get3A_1020 = vector.shape_cast %get3A_1019 : vector<1x16xf32> to vector<16xf32>
      %add3A_1021 = arith.addf %add3A_1014, %get3A_1020 : vector<16xf32>
      %max3A_1022 = arith.constant 0.000000e+00 : f32
      %max3A_1023 = vector.broadcast %max3A_1022 : f32 to vector<16xf32>
      %max3A_1024 = arith.maximumf %add3A_1021, %max3A_1023 : vector<16xf32>
      %add3A_1025 = arith.constant 3 : i32
      %add3A_1026 = arith.addi %mul3A_134, %add3A_1025 : i32
      %swap3A_1027 = arith.index_cast %add3A_1026 : i32 to index
      %swap3A_1028 = arith.constant 80 : index
      %swap3A_1029 = tpu.vector_load %arg11[%swap3A_1027, %swap3A_1028] {strides = array<i32>} : memref<64x128xf32, #tpu.memory_space<vmem>>, vector<1x16xf32>,
      %swap3A_1030 = vector.shape_cast %swap3A_1029 : vector<1x16xf32> to vector<16xf32>
      %swap3A_1031 = vector.shape_cast %max3A_1024 : vector<16xf32> to vector<1x16xf32>
      tpu.vector_store %arg11[%swap3A_1027, %swap3A_1028], %swap3A_1031 {strides = array<i32>} : memref<64x128xf32, #tpu.memory_space<vmem>>, vector<1x16xf32>,
      %add3A_1032 = arith.constant 3 : i32
      %add3A_1033 = arith.addi %mul3A_134, %add3A_1032 : i32
      %get3A_1034 = arith.index_cast %add3A_1033 : i32 to index
      %get3A_1035 = arith.constant 96 : index
      %get3A_1036 = tpu.vector_load %arg11[%get3A_1034, %get3A_1035] {strides = array<i32>} : memref<64x128xf32, #tpu.memory_space<vmem>>, vector<1x16xf32>,
      %get3A_1037 = vector.shape_cast %get3A_1036 : vector<1x16xf32> to vector<16xf32>
      %add3A_1038 = arith.constant 3 : i32
      %add3A_1039 = arith.addi %mul3A_134, %add3A_1038 : i32
      %get3A_1040 = arith.index_cast %add3A_1039 : i32 to index
      %get3A_1041 = arith.constant 96 : index
      %get3A_1042 = tpu.vector_load %arg12[%get3A_1040, %get3A_1041] {strides = array<i32>} : memref<64x128xf32, #tpu.memory_space<vmem>>, vector<1x16xf32>,
      %get3A_1043 = vector.shape_cast %get3A_1042 : vector<1x16xf32> to vector<16xf32>
      %add3A_1044 = arith.addf %get3A_1037, %get3A_1043 : vector<16xf32>
      %add3A_1045 = arith.constant 3 : i32
      %add3A_1046 = arith.addi %mul3A_134, %add3A_1045 : i32
      %get3A_1047 = arith.index_cast %add3A_1046 : i32 to index
      %get3A_1048 = arith.constant 96 : index
      %get3A_1049 = tpu.vector_load %arg13[%get3A_1047, %get3A_1048] {strides = array<i32>} : memref<64x128xf32, #tpu.memory_space<vmem>>, vector<1x16xf32>,
      %get3A_1050 = vector.shape_cast %get3A_1049 : vector<1x16xf32> to vector<16xf32>
      %add3A_1051 = arith.addf %add3A_1044, %get3A_1050 : vector<16xf32>
      %max3A_1052 = arith.constant 0.000000e+00 : f32
      %max3A_1053 = vector.broadcast %max3A_1052 : f32 to vector<16xf32>
      %max3A_1054 = arith.maximumf %add3A_1051, %max3A_1053 : vector<16xf32>
      %add3A_1055 = arith.constant 3 : i32
      %add3A_1056 = arith.addi %mul3A_134, %add3A_1055 : i32
      %swap3A_1057 = arith.index_cast %add3A_1056 : i32 to index
      %swap3A_1058 = arith.constant 96 : index
      %swap3A_1059 = tpu.vector_load %arg11[%swap3A_1057, %swap3A_1058] {strides = array<i32>} : memref<64x128xf32, #tpu.memory_space<vmem>>, vector<1x16xf32>,
      %swap3A_1060 = vector.shape_cast %swap3A_1059 : vector<1x16xf32> to vector<16xf32>
      %swap3A_1061 = vector.shape_cast %max3A_1054 : vector<16xf32> to vector<1x16xf32>
      tpu.vector_store %arg11[%swap3A_1057, %swap3A_1058], %swap3A_1061 {strides = array<i32>} : memref<64x128xf32, #tpu.memory_space<vmem>>, vector<1x16xf32>,
      %add3A_1062 = arith.constant 3 : i32
      %add3A_1063 = arith.addi %mul3A_134, %add3A_1062 : i32
      %get3A_1064 = arith.index_cast %add3A_1063 : i32 to index
      %get3A_1065 = arith.constant 112 : index
      %get3A_1066 = tpu.vector_load %arg11[%get3A_1064, %get3A_1065] {strides = array<i32>} : memref<64x128xf32, #tpu.memory_space<vmem>>, vector<1x16xf32>,
      %get3A_1067 = vector.shape_cast %get3A_1066 : vector<1x16xf32> to vector<16xf32>
      %add3A_1068 = arith.constant 3 : i32
      %add3A_1069 = arith.addi %mul3A_134, %add3A_1068 : i32
      %get3A_1070 = arith.index_cast %add3A_1069 : i32 to index
      %get3A_1071 = arith.constant 112 : index
      %get3A_1072 = tpu.vector_load %arg12[%get3A_1070, %get3A_1071] {strides = array<i32>} : memref<64x128xf32, #tpu.memory_space<vmem>>, vector<1x16xf32>,
      %get3A_1073 = vector.shape_cast %get3A_1072 : vector<1x16xf32> to vector<16xf32>
      %add3A_1074 = arith.addf %get3A_1067, %get3A_1073 : vector<16xf32>
      %add3A_1075 = arith.constant 3 : i32
      %add3A_1076 = arith.addi %mul3A_134, %add3A_1075 : i32
      %get3A_1077 = arith.index_cast %add3A_1076 : i32 to index
      %get3A_1078 = arith.constant 112 : index
      %get3A_1079 = tpu.vector_load %arg13[%get3A_1077, %get3A_1078] {strides = array<i32>} : memref<64x128xf32, #tpu.memory_space<vmem>>, vector<1x16xf32>,
      %get3A_1080 = vector.shape_cast %get3A_1079 : vector<1x16xf32> to vector<16xf32>
      %add3A_1081 = arith.addf %add3A_1074, %get3A_1080 : vector<16xf32>
      %max3A_1082 = arith.constant 0.000000e+00 : f32
      %max3A_1083 = vector.broadcast %max3A_1082 : f32 to vector<16xf32>
      %max3A_1084 = arith.maximumf %add3A_1081, %max3A_1083 : vector<16xf32>
      %add3A_1085 = arith.constant 3 : i32
      %add3A_1086 = arith.addi %mul3A_134, %add3A_1085 : i32
      %swap3A_1087 = arith.index_cast %add3A_1086 : i32 to index
      %swap3A_1088 = arith.constant 112 : index
      %swap3A_1089 = tpu.vector_load %arg11[%swap3A_1087, %swap3A_1088] {strides = array<i32>} : memref<64x128xf32, #tpu.memory_space<vmem>>, vector<1x16xf32>,
      %swap3A_1090 = vector.shape_cast %swap3A_1089 : vector<1x16xf32> to vector<16xf32>
      %swap3A_1091 = vector.shape_cast %max3A_1084 : vector<16xf32> to vector<1x16xf32>
      tpu.vector_store %arg11[%swap3A_1087, %swap3A_1088], %swap3A_1091 {strides = array<i32>} : memref<64x128xf32, #tpu.memory_space<vmem>>, vector<1x16xf32>,
    }
    %scan3A_121 = arith.constant 4 : i32
    "tpu.region"() ({
      %run_scoped3A = tpu.sem_alloc : memref<!tpu.dma_semaphore, #tpu.memory_space<semaphore_mem>>
      %dma_start3A_132 = arith.constant 0 : i32
      %dma_start3A_133 = arith.constant 0 : i32
      %dma_start3A_134 = tpu.memref_slice %arg11[%dma_start3A_132, %dma_start3A_133] : memref<64x128xf32, #tpu.memory_space<vmem>> -> memref<16x128xf32, #tpu.memory_space<vmem>>
      %dma_start3A_135 = arith.constant 0 : i32
      %dma_start3A_136 = tpu.memref_slice %arg7[%add3A_91, %dma_start3A_135] : memref<320000x128xf32, #tpu.memory_space<hbm>> -> memref<16x128xf32, #tpu.memory_space<hbm>>
      %dma_start3A_137 = arith.constant 0 : i32
      %dma_start3A_138 = tpu.memref_slice %arg7[%add3A_91, %dma_start3A_137] : memref<320000x128xf32, #tpu.memory_space<hbm>> -> memref<16x128xf32, #tpu.memory_space<hbm>>
      %dma_start3A_139 = arith.constant 0 : i32
      %dma_start3A_140 = arith.constant 0 : i32
      %dma_start3A_141 = tpu.memref_slice %arg11[%dma_start3A_139, %dma_start3A_140] : memref<64x128xf32, #tpu.memory_space<vmem>> -> memref<16x128xf32, #tpu.memory_space<vmem>>
      tpu.enqueue_dma source(%dma_start3A_141 : memref<16x128xf32, #tpu.memory_space<vmem>>) target(%dma_start3A_138 : memref<16x128xf32, #tpu.memory_space<hbm>>) target_semaphore(%run_scoped3A : memref<!tpu.dma_semaphore, #tpu.memory_space<semaphore_mem>>)
      %dma_wait3A_142 = arith.constant 0 : i32
      %dma_wait3A_143 = arith.constant 0 : i32
      %dma_wait3A_144 = tpu.memref_slice %arg11[%dma_wait3A_142, %dma_wait3A_143] : memref<64x128xf32, #tpu.memory_space<vmem>> -> memref<16x128xf32, #tpu.memory_space<vmem>>
      %dma_wait3A_145 = arith.constant 0 : i32
      %dma_wait3A_146 = tpu.memref_slice %arg7[%add3A_91, %dma_wait3A_145] : memref<320000x128xf32, #tpu.memory_space<hbm>> -> memref<16x128xf32, #tpu.memory_space<hbm>>
      %dma_wait3A_147 = arith.constant 0 : i32
      %dma_wait3A_148 = tpu.memref_slice %arg7[%add3A_91, %dma_wait3A_147] : memref<320000x128xf32, #tpu.memory_space<hbm>> -> memref<16x128xf32, #tpu.memory_space<hbm>>
      %dma_wait3A_149 = arith.constant 0 : i32
      %dma_wait3A_150 = arith.constant 0 : i32
      %dma_wait3A_151 = tpu.memref_slice %arg11[%dma_wait3A_149, %dma_wait3A_150] : memref<64x128xf32, #tpu.memory_space<vmem>> -> memref<16x128xf32, #tpu.memory_space<vmem>>
      tpu.wait_dma2 semaphore(%run_scoped3A : memref<!tpu.dma_semaphore, #tpu.memory_space<semaphore_mem>>) src(%dma_wait3A_151 : memref<16x128xf32, #tpu.memory_space<vmem>>) dst(%dma_wait3A_148 : memref<16x128xf32, #tpu.memory_space<hbm>>)
      tpu.yield
    }) : () -> ()
    "tpu.region"() ({
      %run_scoped3A = tpu.sem_alloc : memref<!tpu.dma_semaphore, #tpu.memory_space<semaphore_mem>>
      %dma_start3A_132 = arith.constant 0 : i32
      %dma_start3A_133 = arith.constant 0 : i32
      %dma_start3A_134 = tpu.memref_slice %arg11[%dma_start3A_132, %dma_start3A_133] : memref<64x128xf32, #tpu.memory_space<vmem>> -> memref<16x128xf32, #tpu.memory_space<vmem>>
      %dma_start3A_135 = arith.constant 0 : i32
      %dma_start3A_136 = arith.constant 0 : i32
      %dma_start3A_137 = tpu.memref_slice %arg21[%dma_start3A_135, %dma_start3A_136] : memref<10000x128xf32, #tpu.memory_space<vmem_shared>> -> memref<10000x128xf32, #tpu.memory_space<vmem_shared>>
      tpu.enqueue_indirect_dma source(%dma_start3A_134 : memref<16x128xf32, #tpu.memory_space<vmem>>) target(%dma_start3A_137 : memref<10000x128xf32, #tpu.memory_space<vmem_shared>>) offsets(%arg20 : memref<16xi32, #tpu.memory_space<vmem>>) semaphore(%run_scoped3A : memref<!tpu.dma_semaphore, #tpu.memory_space<semaphore_mem>>) {add = true}
      %dma_wait3A_138 = arith.constant 0 : i32
      %dma_wait3A_139 = arith.constant 0 : i32
      %dma_wait3A_140 = tpu.memref_slice %arg11[%dma_wait3A_138, %dma_wait3A_139] : memref<64x128xf32, #tpu.memory_space<vmem>> -> memref<16x128xf32, #tpu.memory_space<vmem>>
      %dma_wait3A_141 = arith.constant 0 : i32
      %dma_wait3A_142 = arith.constant 0 : i32
      %dma_wait3A_143 = tpu.memref_slice %arg21[%dma_wait3A_141, %dma_wait3A_142] : memref<10000x128xf32, #tpu.memory_space<vmem_shared>> -> memref<10000x128xf32, #tpu.memory_space<vmem_shared>>
      tpu.wait_indirect_dma semaphore(%run_scoped3A : memref<!tpu.dma_semaphore, #tpu.memory_space<semaphore_mem>>) src(%dma_wait3A_140 : memref<16x128xf32, #tpu.memory_space<vmem>>) dst(%dma_wait3A_143 : memref<10000x128xf32, #tpu.memory_space<vmem_shared>>)
      tpu.yield
    }) : () -> ()
    %barrier3A_122 = arith.constant 0 : index
    tpu.barrier barrier_id(%barrier3A_122)
    %mul3A_123 = arith.constant 624 : i32
    %mul3A_124 = arith.muli %arg1, %mul3A_123 : i32
    %mul3A_125 = arith.constant 624 : i32
    %mul3A_126 = arith.muli %arg1, %mul3A_125 : i32
    "tpu.region"() ({
      %run_scoped3A = tpu.sem_alloc : memref<!tpu.dma_semaphore, #tpu.memory_space<semaphore_mem>>
      %dma_start3A_132 = arith.constant 0 : i32
      %dma_start3A_133 = tpu.memref_slice %arg8[%arg0, %mul3A_126, %dma_start3A_132] : memref<2x10000x128xf32, #tpu.memory_space<hbm>> -> memref<1x624x128xf32, #tpu.memory_space<hbm>>
      %dma_start3A_134 = tpu.memref_squeeze %dma_start3A_133 : memref<1x624x128xf32, #tpu.memory_space<hbm>> -> memref<624x128xf32, #tpu.memory_space<hbm>>
      %dma_start3A_135 = arith.constant 0 : i32
      %dma_start3A_136 = tpu.memref_slice %arg21[%mul3A_124, %dma_start3A_135] : memref<10000x128xf32, #tpu.memory_space<vmem_shared>> -> memref<624x128xf32, #tpu.memory_space<vmem_shared>>
      tpu.enqueue_dma source(%dma_start3A_136 : memref<624x128xf32, #tpu.memory_space<vmem_shared>>) target(%dma_start3A_134 : memref<624x128xf32, #tpu.memory_space<hbm>>) target_semaphore(%run_scoped3A : memref<!tpu.dma_semaphore, #tpu.memory_space<semaphore_mem>>)
      %dma_wait3A_137 = arith.constant 0 : i32
      %dma_wait3A_138 = tpu.memref_slice %arg8[%arg0, %mul3A_126, %dma_wait3A_137] : memref<2x10000x128xf32, #tpu.memory_space<hbm>> -> memref<1x624x128xf32, #tpu.memory_space<hbm>>
      %dma_wait3A_139 = tpu.memref_squeeze %dma_wait3A_138 : memref<1x624x128xf32, #tpu.memory_space<hbm>> -> memref<624x128xf32, #tpu.memory_space<hbm>>
      %dma_wait3A_140 = arith.constant 0 : i32
      %dma_wait3A_141 = tpu.memref_slice %arg21[%mul3A_124, %dma_wait3A_140] : memref<10000x128xf32, #tpu.memory_space<vmem_shared>> -> memref<624x128xf32, #tpu.memory_space<vmem_shared>>
      tpu.wait_dma2 semaphore(%run_scoped3A : memref<!tpu.dma_semaphore, #tpu.memory_space<semaphore_mem>>) src(%dma_wait3A_141 : memref<624x128xf32, #tpu.memory_space<vmem_shared>>) dst(%dma_wait3A_139 : memref<624x128xf32, #tpu.memory_space<hbm>>)
      tpu.yield
    }) : () -> ()
    %eq3A_127 = arith.constant 15 : i32
    %eq3A_128 = arith.cmpi eq, %arg1, %eq3A_127 : i32
    %convert_element_type3A_129 = arith.extui %eq3A_128 : i1 to i32
    %cond3A_130 = arith.constant 0 : i32
    %cond3A_131 = arith.cmpi ne, %convert_element_type3A_129, %cond3A_130 : i32
    scf.if %cond3A_131 {
      "tpu.region"() ({
        %run_scoped3A = tpu.sem_alloc : memref<!tpu.dma_semaphore, #tpu.memory_space<semaphore_mem>>
        %dma_start3A_132 = arith.constant 9984 : i32
        %dma_start3A_133 = arith.constant 0 : i32
        %dma_start3A_134 = tpu.memref_slice %arg8[%arg0, %dma_start3A_132, %dma_start3A_133] : memref<2x10000x128xf32, #tpu.memory_space<hbm>> -> memref<1x16x128xf32, #tpu.memory_space<hbm>>
        %dma_start3A_135 = tpu.memref_squeeze %dma_start3A_134 : memref<1x16x128xf32, #tpu.memory_space<hbm>> -> memref<16x128xf32, #tpu.memory_space<hbm>>
        %dma_start3A_136 = arith.constant 9984 : i32
        %dma_start3A_137 = arith.constant 0 : i32
        %dma_start3A_138 = tpu.memref_slice %arg21[%dma_start3A_136, %dma_start3A_137] : memref<10000x128xf32, #tpu.memory_space<vmem_shared>> -> memref<16x128xf32, #tpu.memory_space<vmem_shared>>
        tpu.enqueue_dma source(%dma_start3A_138 : memref<16x128xf32, #tpu.memory_space<vmem_shared>>) target(%dma_start3A_135 : memref<16x128xf32, #tpu.memory_space<hbm>>) target_semaphore(%run_scoped3A : memref<!tpu.dma_semaphore, #tpu.memory_space<semaphore_mem>>)
        %dma_wait3A_139 = arith.constant 9984 : i32
        %dma_wait3A_140 = arith.constant 0 : i32
        %dma_wait3A_141 = tpu.memref_slice %arg8[%arg0, %dma_wait3A_139, %dma_wait3A_140] : memref<2x10000x128xf32, #tpu.memory_space<hbm>> -> memref<1x16x128xf32, #tpu.memory_space<hbm>>
        %dma_wait3A_142 = tpu.memref_squeeze %dma_wait3A_141 : memref<1x16x128xf32, #tpu.memory_space<hbm>> -> memref<16x128xf32, #tpu.memory_space<hbm>>
        %dma_wait3A_143 = arith.constant 9984 : i32
        %dma_wait3A_144 = arith.constant 0 : i32
        %dma_wait3A_145 = tpu.memref_slice %arg21[%dma_wait3A_143, %dma_wait3A_144] : memref<10000x128xf32, #tpu.memory_space<vmem_shared>> -> memref<16x128xf32, #tpu.memory_space<vmem_shared>>
        tpu.wait_dma2 semaphore(%run_scoped3A : memref<!tpu.dma_semaphore, #tpu.memory_space<semaphore_mem>>) src(%dma_wait3A_145 : memref<16x128xf32, #tpu.memory_space<vmem_shared>>) dst(%dma_wait3A_142 : memref<16x128xf32, #tpu.memory_space<hbm>>)
        tpu.yield
      }) : () -> ()
    } else {
    }
    return
  }
}

module attributes {stable_mosaic.version = 14 : i64} {
  func.func @_prep_body(%arg0: memref<10000x128xf32, #tpu.memory_space<vmem>>, %arg1: memref<16x128xf32, #tpu.memory_space<vmem>>, %arg2: memref<384x128xf32, #tpu.memory_space<vmem>>, %arg3: memref<384x128xf32, #tpu.memory_space<vmem>>, %arg4: memref<1x128xf32, #tpu.memory_space<vmem>>, %arg5: memref<1x128xf32, #tpu.memory_space<vmem>>, %arg6: memref<10000x128xf32, #tpu.memory_space<vmem>>, %arg7: memref<10000x128xf32, #tpu.memory_space<vmem>>, %arg8: memref<10000x128xf32, #tpu.memory_space<vmem>>, %arg9: memref<16x128xf32, #tpu.memory_space<vmem>>) attributes {dimension_semantics = [], scalar_prefetch = 0 : i64, scratch_operands = 0 : i64, tpu.core_type = #tpu.core_type<tc>} {
    %get3A = arith.constant 0 : index
    %get3A_0 = arith.constant 0 : index
    %get3A_1 = vector.load %arg0[%get3A, %get3A_0] : memref<10000x128xf32, #tpu.memory_space<vmem>>, vector<10000x128xf32>
    %get3A_2 = arith.constant 0 : index
    %get3A_3 = arith.constant 0 : index
    %get3A_4 = vector.load %arg2[%get3A_2, %get3A_3] : memref<384x128xf32, #tpu.memory_space<vmem>>, vector<128x128xf32>
    %dot_general3A = arith.constant dense<0.000000e+00> : vector<10000x128xf32>
    %dot_general3A_5 = tpu.matmul %get3A_1, %get3A_4, %dot_general3A {dimension_numbers = #tpu.dot_dimension_numbers<[1], [0], [0], [1], [0, 0, 1, 1], [], []>, transpose_lhs_hint = false} : vector<10000x128xf32>, vector<128x128xf32>, vector<10000x128xf32> -> vector<10000x128xf32>
    %swap3A = arith.constant 0 : index
    %swap3A_6 = arith.constant 0 : index
    %swap3A_7 = vector.load %arg6[%swap3A, %swap3A_6] : memref<10000x128xf32, #tpu.memory_space<vmem>>, vector<10000x128xf32>
    tpu.vector_store %arg6[%swap3A, %swap3A_6], %dot_general3A_5 {strides = array<i32>} : memref<10000x128xf32, #tpu.memory_space<vmem>>, vector<10000x128xf32>,
    %get3A_8 = arith.constant 128 : index
    %get3A_9 = arith.constant 0 : index
    %get3A_10 = vector.load %arg2[%get3A_8, %get3A_9] : memref<384x128xf32, #tpu.memory_space<vmem>>, vector<128x128xf32>
    %dot_general3A_11 = arith.constant dense<0.000000e+00> : vector<10000x128xf32>
    %dot_general3A_12 = tpu.matmul %get3A_1, %get3A_10, %dot_general3A_11 {dimension_numbers = #tpu.dot_dimension_numbers<[1], [0], [0], [1], [0, 0, 1, 1], [], []>, transpose_lhs_hint = false} : vector<10000x128xf32>, vector<128x128xf32>, vector<10000x128xf32> -> vector<10000x128xf32>
    %get3A_13 = arith.constant 0 : index
    %get3A_14 = arith.constant 0 : index
    %get3A_15 = vector.load %arg4[%get3A_13, %get3A_14] : memref<1x128xf32, #tpu.memory_space<vmem>>, vector<1x128xf32>
    %add3A = vector.broadcast %get3A_15 : vector<1x128xf32> to vector<10000x128xf32>
    %add3A_16 = arith.addf %dot_general3A_12, %add3A : vector<10000x128xf32>
    %swap3A_17 = arith.constant 0 : index
    %swap3A_18 = arith.constant 0 : index
    %swap3A_19 = vector.load %arg7[%swap3A_17, %swap3A_18] : memref<10000x128xf32, #tpu.memory_space<vmem>>, vector<10000x128xf32>
    tpu.vector_store %arg7[%swap3A_17, %swap3A_18], %add3A_16 {strides = array<i32>} : memref<10000x128xf32, #tpu.memory_space<vmem>>, vector<10000x128xf32>,
    %get3A_20 = arith.constant 0 : index
    %get3A_21 = arith.constant 0 : index
    %get3A_22 = vector.load %arg3[%get3A_20, %get3A_21] : memref<384x128xf32, #tpu.memory_space<vmem>>, vector<128x128xf32>
    %dot_general3A_23 = arith.constant dense<0.000000e+00> : vector<10000x128xf32>
    %dot_general3A_24 = tpu.matmul %get3A_1, %get3A_22, %dot_general3A_23 {dimension_numbers = #tpu.dot_dimension_numbers<[1], [0], [0], [1], [0, 0, 1, 1], [], []>, transpose_lhs_hint = false} : vector<10000x128xf32>, vector<128x128xf32>, vector<10000x128xf32> -> vector<10000x128xf32>
    %get3A_25 = arith.constant 0 : index
    %get3A_26 = arith.constant 0 : index
    %get3A_27 = vector.load %arg5[%get3A_25, %get3A_26] : memref<1x128xf32, #tpu.memory_space<vmem>>, vector<1x128xf32>
    %add3A_28 = vector.broadcast %get3A_27 : vector<1x128xf32> to vector<10000x128xf32>
    %add3A_29 = arith.addf %dot_general3A_24, %add3A_28 : vector<10000x128xf32>
    %swap3A_30 = arith.constant 0 : index
    %swap3A_31 = arith.constant 0 : index
    %swap3A_32 = vector.load %arg8[%swap3A_30, %swap3A_31] : memref<10000x128xf32, #tpu.memory_space<vmem>>, vector<10000x128xf32>
    tpu.vector_store %arg8[%swap3A_30, %swap3A_31], %add3A_29 {strides = array<i32>} : memref<10000x128xf32, #tpu.memory_space<vmem>>, vector<10000x128xf32>,
    %get3A_33 = arith.constant 0 : index
    %get3A_34 = arith.constant 0 : index
    %get3A_35 = vector.load %arg1[%get3A_33, %get3A_34] : memref<16x128xf32, #tpu.memory_space<vmem>>, vector<16x128xf32>
    %get3A_36 = arith.constant 256 : index
    %get3A_37 = arith.constant 0 : index
    %get3A_38 = vector.load %arg3[%get3A_36, %get3A_37] : memref<384x128xf32, #tpu.memory_space<vmem>>, vector<128x128xf32>
    %dot_general3A_39 = arith.constant dense<0.000000e+00> : vector<16x128xf32>
    %dot_general3A_40 = tpu.matmul %get3A_35, %get3A_38, %dot_general3A_39 {dimension_numbers = #tpu.dot_dimension_numbers<[1], [0], [0], [1], [0, 0, 1, 1], [], []>, transpose_lhs_hint = false} : vector<16x128xf32>, vector<128x128xf32>, vector<16x128xf32> -> vector<16x128xf32>
    %swap3A_41 = arith.constant 0 : index
    %swap3A_42 = arith.constant 0 : index
    %swap3A_43 = vector.load %arg9[%swap3A_41, %swap3A_42] : memref<16x128xf32, #tpu.memory_space<vmem>>, vector<16x128xf32>
    tpu.vector_store %arg9[%swap3A_41, %swap3A_42], %dot_general3A_40 {strides = array<i32>} : memref<16x128xf32, #tpu.memory_space<vmem>>, vector<16x128xf32>,
    return
  }
}

module attributes {stable_mosaic.version = 14 : i64} {
  func.func @_edge_mm_body(%arg0: i32, %arg1: memref<8000x128xf32, #tpu.memory_space<vmem>>, %arg2: memref<128x128xf32, #tpu.memory_space<vmem>>, %arg3: memref<8000x128xf32, #tpu.memory_space<vmem>>) attributes {dimension_semantics = [#tpu.dimension_semantics<arbitrary>], iteration_bounds = array<i64: 40>, scalar_prefetch = 0 : i64, scratch_operands = 0 : i64, tpu.core_type = #tpu.core_type<tc>, window_params = [{transform_indices = @transform_0, window_bounds = array<i64: 8000, 128>}, {pipeline_mode = #tpu.pipeline_mode<synchronous>, transform_indices = @transform_1, window_bounds = array<i64: 128, 128>}, {transform_indices = @transform_2, window_bounds = array<i64: 8000, 128>}]} {
    %get3A = arith.constant 0 : index
    %get3A_0 = arith.constant 0 : index
    %get3A_1 = vector.load %arg1[%get3A, %get3A_0] : memref<8000x128xf32, #tpu.memory_space<vmem>>, vector<8000x128xf32>
    %get3A_2 = arith.constant 0 : index
    %get3A_3 = arith.constant 0 : index
    %get3A_4 = vector.load %arg2[%get3A_2, %get3A_3] : memref<128x128xf32, #tpu.memory_space<vmem>>, vector<128x128xf32>
    %dot_general3A = arith.constant dense<0.000000e+00> : vector<8000x128xf32>
    %dot_general3A_5 = tpu.matmul %get3A_1, %get3A_4, %dot_general3A {dimension_numbers = #tpu.dot_dimension_numbers<[1], [0], [0], [1], [0, 0, 1, 1], [], []>, transpose_lhs_hint = false} : vector<8000x128xf32>, vector<128x128xf32>, vector<8000x128xf32> -> vector<8000x128xf32>
    %swap3A = arith.constant 0 : index
    %swap3A_6 = arith.constant 0 : index
    %swap3A_7 = vector.load %arg3[%swap3A, %swap3A_6] : memref<8000x128xf32, #tpu.memory_space<vmem>>, vector<8000x128xf32>
    tpu.vector_store %arg3[%swap3A, %swap3A_6], %dot_general3A_5 {strides = array<i32>} : memref<8000x128xf32, #tpu.memory_space<vmem>>, vector<8000x128xf32>,
    return
  }
  func.func @transform_0(%arg0: i32) -> (i32, i32) {
    %c0_i32 = arith.constant 0 : i32
    %c0_i32_0 = arith.constant 0 : i32
    return %arg0, %c0_i32 : i32, i32
  }
  func.func @transform_1(%arg0: i32) -> (i32, i32) {
    %c0_i32 = arith.constant 0 : i32
    %c0_i32_0 = arith.constant 0 : i32
    %c0_i32_1 = arith.constant 0 : i32
    return %c0_i32, %c0_i32_0 : i32, i32
  }
  func.func @transform_2(%arg0: i32) -> (i32, i32) {
    %c0_i32 = arith.constant 0 : i32
    %c0_i32_0 = arith.constant 0 : i32
    return %arg0, %c0_i32 : i32, i32
  }
}

module attributes {stable_mosaic.version = 14 : i64} {
  func.func @_node_body(%arg0: i32, %arg1: memref<1000x128xf32, #tpu.memory_space<vmem>>, %arg2: memref<1000x128xf32, #tpu.memory_space<vmem>>, %arg3: memref<1000x128xf32, #tpu.memory_space<vmem>>, %arg4: memref<128x128xf32, #tpu.memory_space<vmem>>, %arg5: memref<16x128xf32, #tpu.memory_space<vmem>>, %arg6: memref<1x1x1000xi32, #tpu.memory_space<vmem>>, %arg7: memref<1000x128xf32, #tpu.memory_space<vmem>>, %arg8: memref<16x128xf32, #tpu.memory_space<vmem>>) attributes {dimension_semantics = [#tpu.dimension_semantics<arbitrary>], iteration_bounds = array<i64: 10>, scalar_prefetch = 0 : i64, scratch_operands = 0 : i64, tpu.core_type = #tpu.core_type<tc>, window_params = [{transform_indices = @transform_0, window_bounds = array<i64: 1000, 128>}, {transform_indices = @transform_1, window_bounds = array<i64: 1000, 128>}, {transform_indices = @transform_2, window_bounds = array<i64: 1000, 128>}, {pipeline_mode = #tpu.pipeline_mode<synchronous>, transform_indices = @transform_3, window_bounds = array<i64: 128, 128>}, {pipeline_mode = #tpu.pipeline_mode<synchronous>, transform_indices = @transform_4, window_bounds = array<i64: 16, 128>}, {transform_indices = @transform_5, window_bounds = array<i64: 1, 1, 1000>}, {transform_indices = @transform_6, window_bounds = array<i64: 1000, 128>}, {pipeline_mode = #tpu.pipeline_mode<synchronous>, transform_indices = @transform_7, window_bounds = array<i64: 16, 128>}]} {
    %get3A = arith.constant 0 : index
    %get3A_0 = arith.constant 0 : index
    %get3A_1 = vector.load %arg2[%get3A, %get3A_0] : memref<1000x128xf32, #tpu.memory_space<vmem>>, vector<1000x128xf32>
    %get3A_2 = arith.constant 0 : index
    %get3A_3 = arith.constant 0 : index
    %get3A_4 = vector.load %arg3[%get3A_2, %get3A_3] : memref<1000x128xf32, #tpu.memory_space<vmem>>, vector<1000x128xf32>
    %add3A = arith.addf %get3A_1, %get3A_4 : vector<1000x128xf32>
    %get3A_5 = arith.constant 0 : index
    %get3A_6 = arith.constant 0 : index
    %get3A_7 = arith.constant 0 : index
    %get3A_8 = vector.load %arg6[%get3A_5, %get3A_6, %get3A_7] : memref<1x1x1000xi32, #tpu.memory_space<vmem>>, vector<1x1x1000xi32>
    %get3A_9 = vector.shape_cast %get3A_8 : vector<1x1x1000xi32> to vector<1000xi32>
    %iota3A = tpu.iota {dimensions = array<i32: 1>} : vector<1000x16xi32>
    %broadcast_in_dim3A = vector.shape_cast %get3A_9 : vector<1000xi32> to vector<1000x1xi32>
    %eq3A = vector.broadcast %broadcast_in_dim3A : vector<1000x1xi32> to vector<1000x16xi32>
    %eq3A_10 = arith.cmpi eq, %iota3A, %eq3A : vector<1000x16xi32>
    %convert_element_type3A = arith.extui %eq3A_10 : vector<1000x16xi1> to vector<1000x16xi32>
    %convert_element_type3A_11 = arith.sitofp %convert_element_type3A : vector<1000x16xi32> to vector<1000x16xf32>
    %get3A_12 = arith.constant 0 : index
    %get3A_13 = arith.constant 0 : index
    %get3A_14 = vector.load %arg5[%get3A_12, %get3A_13] : memref<16x128xf32, #tpu.memory_space<vmem>>, vector<16x128xf32>
    %dot_general3A = arith.constant dense<0.000000e+00> : vector<1000x128xf32>
    %dot_general3A_15 = tpu.matmul %convert_element_type3A_11, %get3A_14, %dot_general3A {dimension_numbers = #tpu.dot_dimension_numbers<[1], [0], [0], [1], [0, 0, 1, 1], [], []>, transpose_lhs_hint = false} : vector<1000x16xf32>, vector<16x128xf32>, vector<1000x128xf32> -> vector<1000x128xf32>
    %get3A_16 = arith.constant 0 : index
    %get3A_17 = arith.constant 0 : index
    %get3A_18 = vector.load %arg1[%get3A_16, %get3A_17] : memref<1000x128xf32, #tpu.memory_space<vmem>>, vector<1000x128xf32>
    %get3A_19 = arith.constant 0 : index
    %get3A_20 = arith.constant 0 : index
    %get3A_21 = vector.load %arg4[%get3A_19, %get3A_20] : memref<128x128xf32, #tpu.memory_space<vmem>>, vector<128x128xf32>
    %dot_general3A_22 = arith.constant dense<0.000000e+00> : vector<1000x128xf32>
    %dot_general3A_23 = tpu.matmul %add3A, %get3A_21, %dot_general3A_22 {dimension_numbers = #tpu.dot_dimension_numbers<[1], [0], [0], [1], [0, 0, 1, 1], [], []>, transpose_lhs_hint = false} : vector<1000x128xf32>, vector<128x128xf32>, vector<1000x128xf32> -> vector<1000x128xf32>
    %add3A_24 = arith.addf %get3A_18, %dot_general3A_23 : vector<1000x128xf32>
    %add3A_25 = arith.addf %add3A_24, %dot_general3A_15 : vector<1000x128xf32>
    %max3A = arith.constant 0.000000e+00 : f32
    %max3A_26 = vector.broadcast %max3A : f32 to vector<1000x128xf32>
    %max3A_27 = arith.maximumf %add3A_25, %max3A_26 : vector<1000x128xf32>
    %swap3A = arith.constant 0 : index
    %swap3A_28 = arith.constant 0 : index
    %swap3A_29 = vector.load %arg7[%swap3A, %swap3A_28] : memref<1000x128xf32, #tpu.memory_space<vmem>>, vector<1000x128xf32>
    tpu.vector_store %arg7[%swap3A, %swap3A_28], %max3A_27 {strides = array<i32>} : memref<1000x128xf32, #tpu.memory_space<vmem>>, vector<1000x128xf32>,
    %eq3A_30 = arith.constant 0 : i32
    %eq3A_31 = arith.cmpi eq, %arg0, %eq3A_30 : i32
    %convert_element_type3A_32 = arith.extui %eq3A_31 : i1 to i32
    %cond3A = arith.constant 0 : i32
    %cond3A_33 = arith.cmpi ne, %convert_element_type3A_32, %cond3A : i32
    scf.if %cond3A_33 {
      %broadcast_in_dim3A_181 = arith.constant 0xFF800000 : f32
      %broadcast_in_dim3A_182 = vector.broadcast %broadcast_in_dim3A_181 : f32 to vector<16x128xf32>
      %swap3A_183 = arith.constant 0 : index
      %swap3A_184 = arith.constant 0 : index
      %swap3A_185 = vector.load %arg8[%swap3A_183, %swap3A_184] : memref<16x128xf32, #tpu.memory_space<vmem>>, vector<16x128xf32>
      tpu.vector_store %arg8[%swap3A_183, %swap3A_184], %broadcast_in_dim3A_182 {strides = array<i32>} : memref<16x128xf32, #tpu.memory_space<vmem>>, vector<16x128xf32>,
    } else {
    }
    %slice3A = vector.extract_strided_slice %eq3A_10 {offsets = [0, 0], sizes = [1000, 1], strides = [1, 1]} : vector<1000x16xi1> to vector<1000x1xi1>
    %jit3A = arith.constant 0xFF800000 : f32
    %broadcast_in_dim3A_34 = vector.shape_cast %slice3A : vector<1000x1xi1> to vector<1000x1xi1>
    %broadcast_in_dim3A_35 = vector.broadcast %broadcast_in_dim3A_34 : vector<1000x1xi1> to vector<1000x128xi1>
    %broadcast_in_dim3A_36 = vector.broadcast %jit3A : f32 to vector<1000x128xf32>
    %select_n3A = arith.select %broadcast_in_dim3A_35, %max3A_27, %broadcast_in_dim3A_36 : vector<1000x128xi1>, vector<1000x128xf32>
    %reduce_max3A = arith.constant dense<0xFF800000> : vector<128xf32>
    %reduce_max3A_37 = vector.multi_reduction <maximumf>, %select_n3A, %reduce_max3A [0] : vector<1000x128xf32> to vector<128xf32>
    %broadcast_in_dim3A_38 = vector.shape_cast %reduce_max3A_37 : vector<128xf32> to vector<1x128xf32>
    %slice3A_39 = vector.extract_strided_slice %eq3A_10 {offsets = [0, 1], sizes = [1000, 1], strides = [1, 1]} : vector<1000x16xi1> to vector<1000x1xi1>
    %jit3A_40 = arith.constant 0xFF800000 : f32
    %broadcast_in_dim3A_41 = vector.shape_cast %slice3A_39 : vector<1000x1xi1> to vector<1000x1xi1>
    %broadcast_in_dim3A_42 = vector.broadcast %broadcast_in_dim3A_41 : vector<1000x1xi1> to vector<1000x128xi1>
    %broadcast_in_dim3A_43 = vector.broadcast %jit3A_40 : f32 to vector<1000x128xf32>
    %select_n3A_44 = arith.select %broadcast_in_dim3A_42, %max3A_27, %broadcast_in_dim3A_43 : vector<1000x128xi1>, vector<1000x128xf32>
    %reduce_max3A_45 = arith.constant dense<0xFF800000> : vector<128xf32>
    %reduce_max3A_46 = vector.multi_reduction <maximumf>, %select_n3A_44, %reduce_max3A_45 [0] : vector<1000x128xf32> to vector<128xf32>
    %broadcast_in_dim3A_47 = vector.shape_cast %reduce_max3A_46 : vector<128xf32> to vector<1x128xf32>
    %slice3A_48 = vector.extract_strided_slice %eq3A_10 {offsets = [0, 2], sizes = [1000, 1], strides = [1, 1]} : vector<1000x16xi1> to vector<1000x1xi1>
    %jit3A_49 = arith.constant 0xFF800000 : f32
    %broadcast_in_dim3A_50 = vector.shape_cast %slice3A_48 : vector<1000x1xi1> to vector<1000x1xi1>
    %broadcast_in_dim3A_51 = vector.broadcast %broadcast_in_dim3A_50 : vector<1000x1xi1> to vector<1000x128xi1>
    %broadcast_in_dim3A_52 = vector.broadcast %jit3A_49 : f32 to vector<1000x128xf32>
    %select_n3A_53 = arith.select %broadcast_in_dim3A_51, %max3A_27, %broadcast_in_dim3A_52 : vector<1000x128xi1>, vector<1000x128xf32>
    %reduce_max3A_54 = arith.constant dense<0xFF800000> : vector<128xf32>
    %reduce_max3A_55 = vector.multi_reduction <maximumf>, %select_n3A_53, %reduce_max3A_54 [0] : vector<1000x128xf32> to vector<128xf32>
    %broadcast_in_dim3A_56 = vector.shape_cast %reduce_max3A_55 : vector<128xf32> to vector<1x128xf32>
    %slice3A_57 = vector.extract_strided_slice %eq3A_10 {offsets = [0, 3], sizes = [1000, 1], strides = [1, 1]} : vector<1000x16xi1> to vector<1000x1xi1>
    %jit3A_58 = arith.constant 0xFF800000 : f32
    %broadcast_in_dim3A_59 = vector.shape_cast %slice3A_57 : vector<1000x1xi1> to vector<1000x1xi1>
    %broadcast_in_dim3A_60 = vector.broadcast %broadcast_in_dim3A_59 : vector<1000x1xi1> to vector<1000x128xi1>
    %broadcast_in_dim3A_61 = vector.broadcast %jit3A_58 : f32 to vector<1000x128xf32>
    %select_n3A_62 = arith.select %broadcast_in_dim3A_60, %max3A_27, %broadcast_in_dim3A_61 : vector<1000x128xi1>, vector<1000x128xf32>
    %reduce_max3A_63 = arith.constant dense<0xFF800000> : vector<128xf32>
    %reduce_max3A_64 = vector.multi_reduction <maximumf>, %select_n3A_62, %reduce_max3A_63 [0] : vector<1000x128xf32> to vector<128xf32>
    %broadcast_in_dim3A_65 = vector.shape_cast %reduce_max3A_64 : vector<128xf32> to vector<1x128xf32>
    %slice3A_66 = vector.extract_strided_slice %eq3A_10 {offsets = [0, 4], sizes = [1000, 1], strides = [1, 1]} : vector<1000x16xi1> to vector<1000x1xi1>
    %jit3A_67 = arith.constant 0xFF800000 : f32
    %broadcast_in_dim3A_68 = vector.shape_cast %slice3A_66 : vector<1000x1xi1> to vector<1000x1xi1>
    %broadcast_in_dim3A_69 = vector.broadcast %broadcast_in_dim3A_68 : vector<1000x1xi1> to vector<1000x128xi1>
    %broadcast_in_dim3A_70 = vector.broadcast %jit3A_67 : f32 to vector<1000x128xf32>
    %select_n3A_71 = arith.select %broadcast_in_dim3A_69, %max3A_27, %broadcast_in_dim3A_70 : vector<1000x128xi1>, vector<1000x128xf32>
    %reduce_max3A_72 = arith.constant dense<0xFF800000> : vector<128xf32>
    %reduce_max3A_73 = vector.multi_reduction <maximumf>, %select_n3A_71, %reduce_max3A_72 [0] : vector<1000x128xf32> to vector<128xf32>
    %broadcast_in_dim3A_74 = vector.shape_cast %reduce_max3A_73 : vector<128xf32> to vector<1x128xf32>
    %slice3A_75 = vector.extract_strided_slice %eq3A_10 {offsets = [0, 5], sizes = [1000, 1], strides = [1, 1]} : vector<1000x16xi1> to vector<1000x1xi1>
    %jit3A_76 = arith.constant 0xFF800000 : f32
    %broadcast_in_dim3A_77 = vector.shape_cast %slice3A_75 : vector<1000x1xi1> to vector<1000x1xi1>
    %broadcast_in_dim3A_78 = vector.broadcast %broadcast_in_dim3A_77 : vector<1000x1xi1> to vector<1000x128xi1>
    %broadcast_in_dim3A_79 = vector.broadcast %jit3A_76 : f32 to vector<1000x128xf32>
    %select_n3A_80 = arith.select %broadcast_in_dim3A_78, %max3A_27, %broadcast_in_dim3A_79 : vector<1000x128xi1>, vector<1000x128xf32>
    %reduce_max3A_81 = arith.constant dense<0xFF800000> : vector<128xf32>
    %reduce_max3A_82 = vector.multi_reduction <maximumf>, %select_n3A_80, %reduce_max3A_81 [0] : vector<1000x128xf32> to vector<128xf32>
    %broadcast_in_dim3A_83 = vector.shape_cast %reduce_max3A_82 : vector<128xf32> to vector<1x128xf32>
    %slice3A_84 = vector.extract_strided_slice %eq3A_10 {offsets = [0, 6], sizes = [1000, 1], strides = [1, 1]} : vector<1000x16xi1> to vector<1000x1xi1>
    %jit3A_85 = arith.constant 0xFF800000 : f32
    %broadcast_in_dim3A_86 = vector.shape_cast %slice3A_84 : vector<1000x1xi1> to vector<1000x1xi1>
    %broadcast_in_dim3A_87 = vector.broadcast %broadcast_in_dim3A_86 : vector<1000x1xi1> to vector<1000x128xi1>
    %broadcast_in_dim3A_88 = vector.broadcast %jit3A_85 : f32 to vector<1000x128xf32>
    %select_n3A_89 = arith.select %broadcast_in_dim3A_87, %max3A_27, %broadcast_in_dim3A_88 : vector<1000x128xi1>, vector<1000x128xf32>
    %reduce_max3A_90 = arith.constant dense<0xFF800000> : vector<128xf32>
    %reduce_max3A_91 = vector.multi_reduction <maximumf>, %select_n3A_89, %reduce_max3A_90 [0] : vector<1000x128xf32> to vector<128xf32>
    %broadcast_in_dim3A_92 = vector.shape_cast %reduce_max3A_91 : vector<128xf32> to vector<1x128xf32>
    %slice3A_93 = vector.extract_strided_slice %eq3A_10 {offsets = [0, 7], sizes = [1000, 1], strides = [1, 1]} : vector<1000x16xi1> to vector<1000x1xi1>
    %jit3A_94 = arith.constant 0xFF800000 : f32
    %broadcast_in_dim3A_95 = vector.shape_cast %slice3A_93 : vector<1000x1xi1> to vector<1000x1xi1>
    %broadcast_in_dim3A_96 = vector.broadcast %broadcast_in_dim3A_95 : vector<1000x1xi1> to vector<1000x128xi1>
    %broadcast_in_dim3A_97 = vector.broadcast %jit3A_94 : f32 to vector<1000x128xf32>
    %select_n3A_98 = arith.select %broadcast_in_dim3A_96, %max3A_27, %broadcast_in_dim3A_97 : vector<1000x128xi1>, vector<1000x128xf32>
    %reduce_max3A_99 = arith.constant dense<0xFF800000> : vector<128xf32>
    %reduce_max3A_100 = vector.multi_reduction <maximumf>, %select_n3A_98, %reduce_max3A_99 [0] : vector<1000x128xf32> to vector<128xf32>
    %broadcast_in_dim3A_101 = vector.shape_cast %reduce_max3A_100 : vector<128xf32> to vector<1x128xf32>
    %slice3A_102 = vector.extract_strided_slice %eq3A_10 {offsets = [0, 8], sizes = [1000, 1], strides = [1, 1]} : vector<1000x16xi1> to vector<1000x1xi1>
    %jit3A_103 = arith.constant 0xFF800000 : f32
    %broadcast_in_dim3A_104 = vector.shape_cast %slice3A_102 : vector<1000x1xi1> to vector<1000x1xi1>
    %broadcast_in_dim3A_105 = vector.broadcast %broadcast_in_dim3A_104 : vector<1000x1xi1> to vector<1000x128xi1>
    %broadcast_in_dim3A_106 = vector.broadcast %jit3A_103 : f32 to vector<1000x128xf32>
    %select_n3A_107 = arith.select %broadcast_in_dim3A_105, %max3A_27, %broadcast_in_dim3A_106 : vector<1000x128xi1>, vector<1000x128xf32>
    %reduce_max3A_108 = arith.constant dense<0xFF800000> : vector<128xf32>
    %reduce_max3A_109 = vector.multi_reduction <maximumf>, %select_n3A_107, %reduce_max3A_108 [0] : vector<1000x128xf32> to vector<128xf32>
    %broadcast_in_dim3A_110 = vector.shape_cast %reduce_max3A_109 : vector<128xf32> to vector<1x128xf32>
    %slice3A_111 = vector.extract_strided_slice %eq3A_10 {offsets = [0, 9], sizes = [1000, 1], strides = [1, 1]} : vector<1000x16xi1> to vector<1000x1xi1>
    %jit3A_112 = arith.constant 0xFF800000 : f32
    %broadcast_in_dim3A_113 = vector.shape_cast %slice3A_111 : vector<1000x1xi1> to vector<1000x1xi1>
    %broadcast_in_dim3A_114 = vector.broadcast %broadcast_in_dim3A_113 : vector<1000x1xi1> to vector<1000x128xi1>
    %broadcast_in_dim3A_115 = vector.broadcast %jit3A_112 : f32 to vector<1000x128xf32>
    %select_n3A_116 = arith.select %broadcast_in_dim3A_114, %max3A_27, %broadcast_in_dim3A_115 : vector<1000x128xi1>, vector<1000x128xf32>
    %reduce_max3A_117 = arith.constant dense<0xFF800000> : vector<128xf32>
    %reduce_max3A_118 = vector.multi_reduction <maximumf>, %select_n3A_116, %reduce_max3A_117 [0] : vector<1000x128xf32> to vector<128xf32>
    %broadcast_in_dim3A_119 = vector.shape_cast %reduce_max3A_118 : vector<128xf32> to vector<1x128xf32>
    %slice3A_120 = vector.extract_strided_slice %eq3A_10 {offsets = [0, 10], sizes = [1000, 1], strides = [1, 1]} : vector<1000x16xi1> to vector<1000x1xi1>
    %jit3A_121 = arith.constant 0xFF800000 : f32
    %broadcast_in_dim3A_122 = vector.shape_cast %slice3A_120 : vector<1000x1xi1> to vector<1000x1xi1>
    %broadcast_in_dim3A_123 = vector.broadcast %broadcast_in_dim3A_122 : vector<1000x1xi1> to vector<1000x128xi1>
    %broadcast_in_dim3A_124 = vector.broadcast %jit3A_121 : f32 to vector<1000x128xf32>
    %select_n3A_125 = arith.select %broadcast_in_dim3A_123, %max3A_27, %broadcast_in_dim3A_124 : vector<1000x128xi1>, vector<1000x128xf32>
    %reduce_max3A_126 = arith.constant dense<0xFF800000> : vector<128xf32>
    %reduce_max3A_127 = vector.multi_reduction <maximumf>, %select_n3A_125, %reduce_max3A_126 [0] : vector<1000x128xf32> to vector<128xf32>
    %broadcast_in_dim3A_128 = vector.shape_cast %reduce_max3A_127 : vector<128xf32> to vector<1x128xf32>
    %slice3A_129 = vector.extract_strided_slice %eq3A_10 {offsets = [0, 11], sizes = [1000, 1], strides = [1, 1]} : vector<1000x16xi1> to vector<1000x1xi1>
    %jit3A_130 = arith.constant 0xFF800000 : f32
    %broadcast_in_dim3A_131 = vector.shape_cast %slice3A_129 : vector<1000x1xi1> to vector<1000x1xi1>
    %broadcast_in_dim3A_132 = vector.broadcast %broadcast_in_dim3A_131 : vector<1000x1xi1> to vector<1000x128xi1>
    %broadcast_in_dim3A_133 = vector.broadcast %jit3A_130 : f32 to vector<1000x128xf32>
    %select_n3A_134 = arith.select %broadcast_in_dim3A_132, %max3A_27, %broadcast_in_dim3A_133 : vector<1000x128xi1>, vector<1000x128xf32>
    %reduce_max3A_135 = arith.constant dense<0xFF800000> : vector<128xf32>
    %reduce_max3A_136 = vector.multi_reduction <maximumf>, %select_n3A_134, %reduce_max3A_135 [0] : vector<1000x128xf32> to vector<128xf32>
    %broadcast_in_dim3A_137 = vector.shape_cast %reduce_max3A_136 : vector<128xf32> to vector<1x128xf32>
    %slice3A_138 = vector.extract_strided_slice %eq3A_10 {offsets = [0, 12], sizes = [1000, 1], strides = [1, 1]} : vector<1000x16xi1> to vector<1000x1xi1>
    %jit3A_139 = arith.constant 0xFF800000 : f32
    %broadcast_in_dim3A_140 = vector.shape_cast %slice3A_138 : vector<1000x1xi1> to vector<1000x1xi1>
    %broadcast_in_dim3A_141 = vector.broadcast %broadcast_in_dim3A_140 : vector<1000x1xi1> to vector<1000x128xi1>
    %broadcast_in_dim3A_142 = vector.broadcast %jit3A_139 : f32 to vector<1000x128xf32>
    %select_n3A_143 = arith.select %broadcast_in_dim3A_141, %max3A_27, %broadcast_in_dim3A_142 : vector<1000x128xi1>, vector<1000x128xf32>
    %reduce_max3A_144 = arith.constant dense<0xFF800000> : vector<128xf32>
    %reduce_max3A_145 = vector.multi_reduction <maximumf>, %select_n3A_143, %reduce_max3A_144 [0] : vector<1000x128xf32> to vector<128xf32>
    %broadcast_in_dim3A_146 = vector.shape_cast %reduce_max3A_145 : vector<128xf32> to vector<1x128xf32>
    %slice3A_147 = vector.extract_strided_slice %eq3A_10 {offsets = [0, 13], sizes = [1000, 1], strides = [1, 1]} : vector<1000x16xi1> to vector<1000x1xi1>
    %jit3A_148 = arith.constant 0xFF800000 : f32
    %broadcast_in_dim3A_149 = vector.shape_cast %slice3A_147 : vector<1000x1xi1> to vector<1000x1xi1>
    %broadcast_in_dim3A_150 = vector.broadcast %broadcast_in_dim3A_149 : vector<1000x1xi1> to vector<1000x128xi1>
    %broadcast_in_dim3A_151 = vector.broadcast %jit3A_148 : f32 to vector<1000x128xf32>
    %select_n3A_152 = arith.select %broadcast_in_dim3A_150, %max3A_27, %broadcast_in_dim3A_151 : vector<1000x128xi1>, vector<1000x128xf32>
    %reduce_max3A_153 = arith.constant dense<0xFF800000> : vector<128xf32>
    %reduce_max3A_154 = vector.multi_reduction <maximumf>, %select_n3A_152, %reduce_max3A_153 [0] : vector<1000x128xf32> to vector<128xf32>
    %broadcast_in_dim3A_155 = vector.shape_cast %reduce_max3A_154 : vector<128xf32> to vector<1x128xf32>
    %slice3A_156 = vector.extract_strided_slice %eq3A_10 {offsets = [0, 14], sizes = [1000, 1], strides = [1, 1]} : vector<1000x16xi1> to vector<1000x1xi1>
    %jit3A_157 = arith.constant 0xFF800000 : f32
    %broadcast_in_dim3A_158 = vector.shape_cast %slice3A_156 : vector<1000x1xi1> to vector<1000x1xi1>
    %broadcast_in_dim3A_159 = vector.broadcast %broadcast_in_dim3A_158 : vector<1000x1xi1> to vector<1000x128xi1>
    %broadcast_in_dim3A_160 = vector.broadcast %jit3A_157 : f32 to vector<1000x128xf32>
    %select_n3A_161 = arith.select %broadcast_in_dim3A_159, %max3A_27, %broadcast_in_dim3A_160 : vector<1000x128xi1>, vector<1000x128xf32>
    %reduce_max3A_162 = arith.constant dense<0xFF800000> : vector<128xf32>
    %reduce_max3A_163 = vector.multi_reduction <maximumf>, %select_n3A_161, %reduce_max3A_162 [0] : vector<1000x128xf32> to vector<128xf32>
    %broadcast_in_dim3A_164 = vector.shape_cast %reduce_max3A_163 : vector<128xf32> to vector<1x128xf32>
    %slice3A_165 = vector.extract_strided_slice %eq3A_10 {offsets = [0, 15], sizes = [1000, 1], strides = [1, 1]} : vector<1000x16xi1> to vector<1000x1xi1>
    %jit3A_166 = arith.constant 0xFF800000 : f32
    %broadcast_in_dim3A_167 = vector.shape_cast %slice3A_165 : vector<1000x1xi1> to vector<1000x1xi1>
    %broadcast_in_dim3A_168 = vector.broadcast %broadcast_in_dim3A_167 : vector<1000x1xi1> to vector<1000x128xi1>
    %broadcast_in_dim3A_169 = vector.broadcast %jit3A_166 : f32 to vector<1000x128xf32>
    %select_n3A_170 = arith.select %broadcast_in_dim3A_168, %max3A_27, %broadcast_in_dim3A_169 : vector<1000x128xi1>, vector<1000x128xf32>
    %reduce_max3A_171 = arith.constant dense<0xFF800000> : vector<128xf32>
    %reduce_max3A_172 = vector.multi_reduction <maximumf>, %select_n3A_170, %reduce_max3A_171 [0] : vector<1000x128xf32> to vector<128xf32>
    %broadcast_in_dim3A_173 = vector.shape_cast %reduce_max3A_172 : vector<128xf32> to vector<1x128xf32>
    %get3A_174 = arith.constant 0 : index
    %get3A_175 = arith.constant 0 : index
    %get3A_176 = vector.load %arg8[%get3A_174, %get3A_175] : memref<16x128xf32, #tpu.memory_space<vmem>>, vector<16x128xf32>
    %concatenate3A = tpu.concatenate %broadcast_in_dim3A_38, %broadcast_in_dim3A_47, %broadcast_in_dim3A_56, %broadcast_in_dim3A_65, %broadcast_in_dim3A_74, %broadcast_in_dim3A_83, %broadcast_in_dim3A_92, %broadcast_in_dim3A_101, %broadcast_in_dim3A_110, %broadcast_in_dim3A_119, %broadcast_in_dim3A_128, %broadcast_in_dim3A_137, %broadcast_in_dim3A_146, %broadcast_in_dim3A_155, %broadcast_in_dim3A_164, %broadcast_in_dim3A_173 in 0 : vector<1x128xf32>, vector<1x128xf32>, vector<1x128xf32>, vector<1x128xf32>, vector<1x128xf32>, vector<1x128xf32>, vector<1x128xf32>, vector<1x128xf32>, vector<1x128xf32>, vector<1x128xf32>, vector<1x128xf32>, vector<1x128xf32>, vector<1x128xf32>, vector<1x128xf32>, vector<1x128xf32>, vector<1x128xf32> -> vector<16x128xf32>
    %max3A_177 = arith.maximumf %get3A_176, %concatenate3A : vector<16x128xf32>
    %swap3A_178 = arith.constant 0 : index
    %swap3A_179 = arith.constant 0 : index
    %swap3A_180 = vector.load %arg8[%swap3A_178, %swap3A_179] : memref<16x128xf32, #tpu.memory_space<vmem>>, vector<16x128xf32>
    tpu.vector_store %arg8[%swap3A_178, %swap3A_179], %max3A_177 {strides = array<i32>} : memref<16x128xf32, #tpu.memory_space<vmem>>, vector<16x128xf32>,
    return
  }
  func.func @transform_0(%arg0: i32) -> (i32, i32) {
    %c0_i32 = arith.constant 0 : i32
    %c0_i32_0 = arith.constant 0 : i32
    return %arg0, %c0_i32 : i32, i32
  }
  func.func @transform_1(%arg0: i32) -> (i32, i32) {
    %c0_i32 = arith.constant 0 : i32
    %c0_i32_0 = arith.constant 0 : i32
    return %arg0, %c0_i32 : i32, i32
  }
  func.func @transform_2(%arg0: i32) -> (i32, i32) {
    %c0_i32 = arith.constant 0 : i32
    %c0_i32_0 = arith.constant 0 : i32
    return %arg0, %c0_i32 : i32, i32
  }
  func.func @transform_3(%arg0: i32) -> (i32, i32) {
    %c0_i32 = arith.constant 0 : i32
    %c0_i32_0 = arith.constant 0 : i32
    %c0_i32_1 = arith.constant 0 : i32
    return %c0_i32, %c0_i32_0 : i32, i32
  }
  func.func @transform_4(%arg0: i32) -> (i32, i32) {
    %c0_i32 = arith.constant 0 : i32
    %c0_i32_0 = arith.constant 0 : i32
    %c0_i32_1 = arith.constant 0 : i32
    return %c0_i32, %c0_i32_0 : i32, i32
  }
  func.func @transform_5(%arg0: i32) -> (i32, i32, i32) {
    %c0_i32 = arith.constant 0 : i32
    %c0_i32_0 = arith.constant 0 : i32
    %c0_i32_1 = arith.constant 0 : i32
    return %arg0, %c0_i32, %c0_i32_0 : i32, i32, i32
  }
  func.func @transform_6(%arg0: i32) -> (i32, i32) {
    %c0_i32 = arith.constant 0 : i32
    %c0_i32_0 = arith.constant 0 : i32
    return %arg0, %c0_i32 : i32, i32
  }
  func.func @transform_7(%arg0: i32) -> (i32, i32) {
    %c0_i32 = arith.constant 0 : i32
    %c0_i32_0 = arith.constant 0 : i32
    %c0_i32_1 = arith.constant 0 : i32
    return %c0_i32, %c0_i32_0 : i32, i32
  }
}

</mosaic_0001>

<sc_bundles>
// kernel: kernel.6.cloned.1.call-start
scs
__scs_entry_jumppad:
0x0: {  	(pc) =	sbr.rel $0x88, $3  }
0x1: {  	(tag) =	ssettag $0x0;
	lr =	simm.s32 $0x1  }
0x2: {  	[smem:$0x3F98] =	sst lr;
	_ =	strace $0xD0000000  }
0x3: {  	_ = 	snop  }
0x4: {  	_ = 	snop  }
0x5: {  	_ = 	snop  }
0x6: {  	_ = 	snop  }
0x7: {  	_ = 	snop  }
__scs_overlays_trampoline_lowered:
0x8: {  	[smem:$0x3FA7] =	sst s0  }
0x9: {  	[smem:$0x3FA8] =	sst s1  }
0xa: {  	[smem:$0x3FA9] =	sst s2  }
0xb: {  	[smem:$0x3FAA] =	sst s3  }
0xc: {  	[smem:$0x3FAB] =	sst s4  }
0xd: {  	[smem:$0x3FAC] =	sst s5  }
0xe: {  	[smem:$0x3FAD] =	sst s6  }
0xf: {  	[smem:$0x3FAE] =	sst s7  }
0x10: {  	[smem:$0x3FAF] =	sst s8  }
0x11: {  	[smem:$0x3FB0] =	sst s9;
	s0 =	simm.s32 @!p0 $0x0  }
0x12: {  	s1 =	sld [smem:$0x3F96];
	s0 =	simm.s32 @p0 $0x1  }
0x13: {  	[smem:$0x3FB1] =	sst s0;
	s0 =	simm.s32 @!p1 $0x0  }
0x14: {  	s2 =	sld [smem:$0x3F95];
	s0 =	simm.s32 @p1 $0x1  }
0x15: {  	[smem:$0x3FB2] =	sst s0;
	s0 =	simm.s32 @!p2 $0x0  }
0x16: {  	s3 =	sld [smem:$0x3FDB];
	s0 =	simm.s32 @p2 $0x1  }
0x17: {  	s4 =	simm.s32 $0x1BF5;
	[smem:$0x3FB4] =	sst s0  }
0x18: {  	s0 =	sld [smem:$0x3F97];
	_ =	swait.ge [sflag:s4], $0x0  }
0x19: {  	s7 =	sld [smem:$0x3F98]  }
0x1a: {  	s8 =	sadd.s32 $0xFFFFE003, lr  }
0x1b: {  	s9 =	sadd.s32 $0xFFFFFEF7, lr;
	s5 =	simm.s32 $0xFFFFFFFF;
	p2 =	slt.u32 s8, $0xFFFFF086  }
0x1c: {  	p1 =	slt.u32 s9, $0xF7A;
	s5 =	simm.s32 @!p2 $0x0  }
0x1d: {  	s5 =	simm.s32 @p1 $0x1;
	p0 =	seq.s32 s7, s2  }
0x1e: {  	s7 =	smul.u32 @!p0 $0xF7A, s2;
	p2 =	seq.s32 @!p0 s5, $0x0  }
0x1f: {  	s9 =	smul.u32 $0xF7A, s1;
	s8 =	simm.s32 @!p0 $0x1BF5;
	p2 =	por !p2, p0  }
0x20: {  	[sflag:s8] =	ssyncset.s32 @!p0 $0xFFFFF086;
	s6 =	sadd.s32 @!p0 s3, s7;
	s7 =	simm.s32 @!p0 $0x108  }
0x21: {  	s3 =	sadd.s32 s3, s9;
	s6 =	sadd.s32 @!p0 $0x88, s6;
	s7 =	simm.s32 @p2 $0x1082  }
0x22: {  	[simem:s7], [sflag:s8] =	dma.local @!p0 [hbm:s6], $0xF7A  }
0x23: {  	s9 =	sor.u32 $0xD0000000, s2;
	s6 =	simm.s32 $0x108;
	_ =	swait.ge @!p0 [sflag:s8], $0x0  }
0x24: {  	s3 =	sadd.s32 $0x88, s3;
	s6 =	simm.s32 @!p1 $0x1082;
	[sflag:s4] =	ssyncset.s32 $0xFFFFF086  }
0x25: {  	[simem:s6], [sflag:s4] =	dma.local [hbm:s3], $0xF7A  }
0x26: {  	[smem:$0x3F98] =	sst s1;
	(tag) =	ssettag s2;
	_ =	strace s9  }
0x27: {  	s1 =	sld [smem:$0x3FA8]  }
0x28: {  	s2 =	sld [smem:$0x3FA9]  }
0x29: {  	s4 =	sld [smem:$0x3FAB]  }
0x2a: {  	p0 =	seq.s32 s5, $0x0;
	s5 =	sld [smem:$0x3FAC]  }
0x2b: {  	s6 =	sld [smem:$0x3FAD]  }
0x2c: {  	s7 =	sld [smem:$0x3FAE]  }
0x2d: {  	s3 =	simm.s32 $0x108;
	s8 =	sld [smem:$0x3FAF]  }
0x2e: {  	s3 =	simm.s32 @!p0 $0x1082;
	s9 =	sld [smem:$0x3FB0]  }
0x2f: {  	lr =	sadd.s32 s0, s3;
	s0 =	sld [smem:$0x3FA7]  }
0x30: {  	s3 =	sld [smem:$0x3FAA]  }
0x31: {  	[smem:$0x3FB3] =	sst s10  }
0x32: {  	s10 =	sld [smem:$0x3FB1];
	_ =	sdelay $0x3  }
0x33: {  	p0 =	seq.s32 s10, $0x1;
	s10 =	sld [smem:$0x3FB3];
	_ =	sdelay $0x3  }
0x34: {  	[smem:$0x3FB3] =	sst s10  }
0x35: {  	s10 =	sld [smem:$0x3FB2];
	_ =	sdelay $0x3  }
0x36: {  	p1 =	seq.s32 s10, $0x1;
	s10 =	sld [smem:$0x3FB3];
	_ =	sdelay $0x3  }
0x37: {  	[smem:$0x3FB3] =	sst s10  }
0x38: {  	s10 =	sld [smem:$0x3FB4]  }
0x39: {  	_ = 	snop;
	(pc) =	sbr.ind lr, $3  }
0x3a: {  	_ = 	snop  }
0x3b: {  	_ = 	snop  }
0x3c: {  	p2 =	seq.s32 s10, $0x1;
	s10 =	sld [smem:$0x3FB3]  }
0x3d: {  	_ =	shalt  }
0x3e: {  	_ =	shalt  }
0x3f: {  	_ =	shalt  }
0x40: {  	_ =	shalt  }
0x41: {  	_ =	shalt  }
0x42: {  	_ =	shalt  }
0x43: {  	_ =	shalt  }
0x44: {  	_ =	shalt  }
0x45: {  	_ =	shalt  }
0x46: {  	_ =	shalt  }
0x47: {  	_ =	shalt  }
0x48: {  	_ =	shalt  }
0x49: {  	_ =	shalt  }
0x4a: {  	_ =	shalt  }
0x4b: {  	_ =	shalt  }
0x4c: {  	_ =	shalt  }
0x4d: {  	_ =	shalt  }
0x4e: {  	_ =	shalt  }
0x4f: {  	_ =	shalt  }
0x50: {  	_ =	shalt  }
0x51: {  	_ =	shalt  }
0x52: {  	_ =	shalt  }
0x53: {  	_ =	shalt  }
0x54: {  	_ =	shalt  }
0x55: {  	_ =	shalt  }
0x56: {  	_ =	shalt  }
0x57: {  	_ =	shalt  }
0x58: {  	_ =	shalt  }
0x59: {  	_ =	shalt  }
0x5a: {  	_ =	shalt  }
0x5b: {  	_ =	shalt  }
0x5c: {  	_ =	shalt  }
0x5d: {  	_ =	shalt  }
0x5e: {  	_ =	shalt  }
0x5f: {  	_ =	shalt  }
0x60: {  	_ =	shalt  }
0x61: {  	_ =	shalt  }
0x62: {  	_ =	shalt  }
0x63: {  	_ =	shalt  }
0x64: {  	_ =	shalt  }
0x65: {  	_ =	shalt  }
0x66: {  	_ =	shalt  }
0x67: {  	_ =	shalt  }
0x68: {  	_ =	shalt  }
0x69: {  	_ =	shalt  }
0x6a: {  	_ =	shalt  }
0x6b: {  	_ =	shalt  }
0x6c: {  	_ =	shalt  }
0x6d: {  	_ =	shalt  }
0x6e: {  	_ =	shalt  }
0x6f: {  	_ =	shalt  }
0x70: {  	_ =	shalt  }
0x71: {  	_ =	shalt  }
0x72: {  	_ =	shalt  }
0x73: {  	_ =	shalt  }
0x74: {  	_ =	shalt  }
0x75: {  	_ =	shalt  }
0x76: {  	_ =	shalt  }
0x77: {  	_ =	shalt  }
0x78: {  	_ =	shalt  }
0x79: {  	_ =	shalt  }
0x7a: {  	_ =	shalt  }
0x7b: {  	_ =	shalt  }
0x7c: {  	_ =	shalt  }
0x7d: {  	_ =	shalt  }
0x7e: {  	_ =	shalt  }
0x7f: {  	_ =	shalt  }
0x80: {  	_ =	shalt  }
0x81: {  	_ =	shalt  }
0x82: {  	_ =	shalt  }
0x83: {  	_ =	shalt  }
0x84: {  	_ =	shalt  }
0x85: {  	_ =	shalt  }
0x86: {  	_ =	shalt  }
0x87: {  	_ =	shalt  }
.Lfunc_end0:
.L_simem_size_0:
called_computation_lowered:
.L_overlay_start_0:
0x88: {  	s2 =	sld [smem:$0x3FD9]  }
0x89: {  	s3 =	sld [smem:$0x3FFE];
	_ =	sdelay $0x1  }
0x8a: {  	s1 =	srdreg.scid  }
0x8b: {  	s0 =	sand.u32 $0x1, s1  }
0x8c: {  	s14 =	sshll.u32 s0, $0xA;
	s2 =	sadd.s32 s3, s2  }
0x8d: {  	s2 =	sadd.s32 s2, s14  }
0x8e: {  	[smem:$0x3FBF] =	sst s2  }
0x8f: {  	_ = 	snop  }
0x90: {  	s2 =	sld [smem:$0x3FD0];
	_ =	sdelay $0x2  }
0x91: {  	s15 =	simm.s32 $0xA;
	s4 =	simm.s32 $0x10  }
0x92: {  	[smem:s4], [sflag:s15] =	dma.local [hbm:s2], $0x1  }
0x93: {  	_ =	swait.eq [sflag:s15], $0x1  }
0x94: {  	[sflag:s15] =	ssyncset.done $0x0  }
0x95: {  	[sflag:s15] =	ssyncadd.s32 $0xFFFFFFFF  }
0x96: {  	s16 =	sld [smem:$0x11];
	(tm) =	ssettm $0x1  }
0x97: {  	s17 =	sld [smem:$0x3FFB];
	_ =	sdelay $0x3  }
0x98: {  	_ =	strace s17  }
0x99: {  	s3 =	sld [smem:$0x3FFC];
	_ =	sdelay $0x3  }
0x9a: {  	_ =	strace s3  }
0x9b: {  	s3 =	sld [smem:$0x3FFD];
	_ =	sdelay $0x3  }
0x9c: {  	_ =	strace s3  }
0x9d: {  	_ =	strace $0x8FFFFFFF  }
0x9e: {  	s18 =	sld [smem:$0x3FDB];
	_ =	sdelay $0x1  }
0x9f: {  	s19 =	simm.s32 $_scs_section_size  }
0xa0: {  	s5 =	simm.s32 $_size__tile_overlayer_lowered;
	s6 =	simm.s32 $_tile_overlayer_lowered  }
0xa1: {  	s22 =	simm.s32 $0x1BFF;
	s21 =	sshll.u32 s6, $0x1;
	s3 =	sadd.s32 s19, s18  }
0xa2: {  	s7 =	simm.s32 $0x0;
	s20 =	sshll.u32 s5, $0x1;
	s5 =	sadd.s32 s21, s3  }
0xa3: {  	[timem:s7], [sflag:s22] =	dma.local [hbm:s5], s20  }
0xa4: {  	_ =	swait.ge [sflag:s22], s20  }
0xa5: {  	s4 =	ssub.s32 $0x0, s20;
	[sflag:s22] =	ssyncset.done $0x0  }
0xa6: {  	[sflag:s22] =	ssyncadd.s32 s4;
	_ =	sdelay $0x1  }
0xa7: {  	s23 =	simm.s32 $0x1B8B  }
0xa8: {  	_ =	swait.ge [sflag:s23], $0x1  }
0xa9: {  	[sflag:s23] =	ssyncset.done $0x0  }
0xaa: {  	s25 =	simm.s32 $0x1B8E;
	s24 =	sld [smem:$0x3FFE];
	[sflag:s23] =	ssyncadd.s32 $0xFFFFFFFF  }
0xab: {  	s26 =	simm.s32 $execute0_lowered;
	[smem:$0x3FD2] =	sst s25  }
0xac: {  	s5 =	sshll.u32 s26, $0x1;
	_ =	strace $0x80000046;
	[dreg:$0x1] =	wrdreg $0xFFFFFFFF  }
0xad: {  	s28 =	simm.s32 $_size_execute0_lowered;
	s3 =	sadd.s32 s3, s5;
	[dreg:$0x0] =	wrdreg $0x0  }
0xae: {  	s5 =	sshll.u32 s28, $0x1;
	[dreg:$0x2] =	wrdreg s3  }
0xaf: {  	[dreg:$0x3] =	wrdreg s5  }
0xb0: {  	[dreg:$0x4] =	wrdreg $0xC0  }
0xb1: {  	_ =	task [dreg:s7], $0x5FFFF  }
0xb2: {  	[dreg:$0x1] =	wrdreg $0xFFFFFFFF  }
0xb3: {  	[dreg:$0x0] =	wrdreg $0x60  }
0xb4: {  	[dreg:$0x2] =	wrdreg s24  }
0xb5: {  	[dreg:$0x3] =	wrdreg s16  }
0xb6: {  	[dreg:$0x4] =	wrdreg $0xC3000  }
0xb7: {  	[dreg:$0x5] =	wrdreg $0x9  }
0xb8: {  	_ =	task.clear_ibuf [dreg:s7], $0x6FFFF;
	_ =	strace $0x90000046  }
0xb9: {  	s29 =	simm.s32 $0x9;
	_ =	strace $0x80000048  }
0xba: {  	_ =	swait.ge [sflag:s29], $0x1  }
0xbb: {  	[sflag:s29] =	ssyncadd.s32 $0xFFFFFFFF  }
0xbc: {  	_ =	strace $0x90000048  }
0xbd: {  	_ =	sfence  }
0xbe: {  	s30 =	sld [smem:$0x0];
	_ =	sdelay $0x2  }
0xbf: {  	s31 =	sshll.u32 s1, $0xD;
	s1 =	sshrl.u32 s1, $0x2  }
0xc0: {  	s3 =	sand.u32 $0x4000, s31;
	s1 =	sadd.s32 s1, s30  }
0xc1: {  	s0 =	sor.u32 s3, s0;
	s1 =	sshll.u32 s1, $0x11  }
0xc2: {  	s0 =	sor.u32 s1, s0  }
0xc3: {  	s0 =	sadd.s32 $0x8F2B, s0  }
0xc4: {  	[sflag:s0] =	ssyncadd.remote.s32 $0x1  }
0xc5: {  	_ =	sfence.sel $0xFFFF  }
0xc6: {  	[dreg:$0x0] =	wrdreg $0xFFFFFFFF;
	(pc) =	sbr.abs _section_cstart, $3  }
0xc7: {  	[dreg:$0x1] =	wrdreg $0xFFFFFFFF  }
0xc8: {  	_ =	task.clear_ibuf [dreg:s7], $0x2FFFF;
	_ =	strace $0x9FFFFFFF  }
0xc9: {  	(tm) =	ssettm $0x7FFFFFFF  }
tec
execute0_lowered:
.L_overlay_start_1:
0x0: {  	(tag) =	ssettag $0x1  }
0x1: {  	s0 =	rddreg [dreg:$0x0]  }
0x2: {  	s1 =	rddreg [dreg:$0x1]  }
0x3: {  	s2 =	rddreg [dreg:$0x2];
	s3 =	simm.s32 $0x0;
	s5 =	srdreg.scid  }
0x4: {  	s17 =	stileid.u32;
	s31 =	simm.s32 $0x4100;
	s28 =	simm.s32 $0xA200  }
0x5: {  	s29 =	simm.s32 $0x7;
	[smem:$0x7FF] =	sst s3;
	s4 =	sadd.s32 $0x16800, s0  }
0x6: {  	s30 =	simm.s32 $0x8;
	s6 =	sadd.s32 $0x4F8800, s0;
	s7 =	sadd.s32 $0x51FA00, s0  }
0x7: {  	s8 =	sadd.s32 $0xCA00, s0;
	s9 =	sadd.s32 $0x2C00, s0;
	s10 =	smul.u32 $0x4E000, s17  }
0x8: {  	s5 =	sand.u32 $0x1, s5;
	s0 =	sadd.s32 $0x546C00, s0;
	s16 =	smul.u32 $0x13800, s17  }
0x9: {  	p0 =	sne.s32 s17, $0xF;
	_ =	strace $0x80000047;
	s11 =	ssub.s32 $0x2, s5  }
0xa: {  	s12 =	sshll.u32 s5, $0x4;
	s5 =	smul.u32 $0x138800, s5;
	s14 =	sshrl.u32 s10, $0x2  }
0xb: {  	s13 =	sshrl.u32 s11, $0x1;
	s12 =	sor.u32 s17, s12;
	s26 =	sadd.s32 s14, s2  }
0xc: {  	s11 =	ssub.s32 s11, s13;
	s18 =	sadd.s32 $0x2000, s26;
	[dreg:$0x4] =	wrdreg s26  }
0xd: {  	s20 =	smul.u32 $0x27100, s12;
	s19 =	sadd.s32 $0x4000, s26;
	[dreg:$0x5] =	wrdreg s18  }
0xe: {  	s10 =	smul.u32 $0x2710, s12;
	s14 =	sadd.s32 $0x6000, s26;
	[dreg:$0x6] =	wrdreg s19  }
0xf: {  	s25 =	sadd.s32 s16, s5;
	[dreg:$0x7] =	wrdreg s14;
	s13 =	sadd.s32 s4, s20  }
0x10: {  	s21 =	sshrl.u32 s10, $0x3;
	s19 =	smax.u32 s11, $0x1;
	[dreg:$0xa] =	wrdreg s13  }
0x11: {  	s18 =	smul.u32 $0x138800, s12;
	s20 =	sadd.s32 $0x8000, s26;
	[dreg:$0x11] =	wrdreg s19  }
0x12: {  	s12 =	sshrl.u32 s25, $0x3;
	s25 =	sadd.s32 $0x12000, s26;
	[dreg:$0x12] =	wrdreg s20  }
0x13: {  	s17 =	simm.s32 $0x40;
	s15 =	sadd.s32 s8, s21;
	[dreg:$0x17] =	wrdreg s25  }
0x14: {  	s5 =	sshrl.u32 s5, $0x3;
	s14 =	sadd.s32 s9, s21;
	[dreg:$0x8] =	wrdreg s15  }
0x15: {  	s22 =	sadd.s32 $0x2700, s10;
	s12 =	sadd.s32 s0, s12;
	[dreg:$0x9] =	wrdreg s14  }
0x16: {  	s23 =	sshrl.u32 s22, $0x3;
	s21 =	sadd.s32 $0xA000, s26;
	[dreg:$0xd] =	wrdreg s12  }
0x17: {  	s11 =	simm.s32 $0x0;
	s24 =	sadd.s32 s8, s23;
	[dreg:$0x13] =	wrdreg s21  }
0x18: {  	s0 =	sadd.s32 s0, s5;
	s13 =	sadd.s32 s9, s23;
	[dreg:$0xb] =	wrdreg s24  }
0x19: {  	s19 =	simm.s32 $0x6100;
	s0 =	sadd.s32 $0x27000, s0;
	[dreg:$0xc] =	wrdreg s13  }
0x1a: {  	s14 =	sshll.u32 s22, $0x4;
	s22 =	sadd.s32 $0xC000, s26;
	[dreg:$0x10] =	wrdreg s0  }
0x1b: {  	s20 =	simm.s32 $0x6180;
	s23 =	sadd.s32 $0xE000, s26;
	[dreg:$0x14] =	wrdreg s22  }
0x1c: {  	s25 =	simm.s32 $0x6200;
	s12 =	sadd.s32 $0x138000, s2;
	[dreg:$0x15] =	wrdreg s23  }
0x1d: {  	s21 =	simm.s32 $0x1;
	s15 =	sadd.s32 s4, s14;
	[dreg:$0x18] =	wrdreg s12  }
0x1e: {  	s16 =	sadd.s32 s1, s14;
	s24 =	sadd.s32 $0x10000, s26;
	[dreg:$0xe] =	wrdreg s15  }
0x1f: {  	s13 =	simm.s32 $0xD;
	s14 =	simm.s32 $0x80;
	[dreg:$0xf] =	wrdreg s16  }
0x20: {  	s22 =	simm.s32 $0x2;
	s23 =	simm.s32 $0x3;
	[dreg:$0x16] =	wrdreg s24  }
0x21: {  	v0 =	vimm.f32 $0.0e+00;
	s15 =	simm.s32 $0x2100;
	s16 =	simm.s32 $0x100;
	s24 =	simm.s32 $0xC  }
.LBB2_1:
0x22: {  	[dreg:$0x19] =	wrdreg s11;
	s0 =	simm.s32 $0x0;
	s5 =	simm.s32 $0x200  }
.LBB2_2:
0x23: {  	p1 =	sne.s32 s5, $0x7E00;
	[tilespmem:s0+$0x2170] =	vst v0  }
0x24: {  	[tilespmem:s0+$0x2100] =	vst v0  }
0x25: {  	[tilespmem:s0+$0x2110] =	vst v0  }
.Ltmp0:
0x26: {  	[tilespmem:s0+$0x2120] =	vst v0;
	(pc) =	sbr.rel @p1 .LBB2_2-.Ltmp0, $4  }
0x27: {  	[tilespmem:s0+$0x2130] =	vst v0  }
0x28: {  	[tilespmem:s0+$0x2140] =	vst v0  }
0x29: {  	[tilespmem:s0+$0x2150] =	vst v0  }
0x2a: {  	[tilespmem:s0+$0x2160] =	vst v0;
	s0 =	sshra.s32 s5, $0x2;
	s5 =	sadd.s32 $0x200, s5  }
0x2b: {  	[tilespmem:s0+$0x2170] =	vst v0  }
0x2c: {  	[tilespmem:s0+$0x2100] =	vst v0  }
0x2d: {  	[tilespmem:s0+$0x2110] =	vst v0  }
0x2e: {  	[tilespmem:s0+$0x2120] =	vst v0  }
0x2f: {  	[tilespmem:s0+$0x2130] =	vst v0  }
0x30: {  	[tilespmem:s0+$0x2140] =	vst v0  }
0x31: {  	[tilespmem:s0+$0x2150] =	vst v0  }
0x32: {  	[tilespmem:s0+$0x2160] =	vst v0  }
0x33: {  	[spmem:s26] =	stream.linear.scatter [tilespmem:s15], [sflag:$0xD], $0x2000, $0x38;
	[tilespmem:$0x1FB80] =	vst v63  }
0x34: {  	_ =	swait.ge [sflag:s13], $0x2000  }
0x35: {  	[sflag:s13] =	ssyncset.done $0x0  }
0x36: {  	s11 =	rddreg [dreg:$0x5];
	[sflag:s13] =	ssyncadd.s32 $0xFFFFE000  }
0x37: {  	[spmem:s11] =	stream.linear.scatter [tilespmem:s15], [sflag:$0xD], $0x2000, $0x38;
	[tilespmem:$0x1FB80] =	vst v63  }
0x38: {  	_ =	swait.ge [sflag:s13], $0x2000  }
0x39: {  	[sflag:s13] =	ssyncset.done $0x0  }
0x3a: {  	s26 =	rddreg [dreg:$0x6];
	[sflag:s13] =	ssyncadd.s32 $0xFFFFE000  }
0x3b: {  	[spmem:s26] =	stream.linear.scatter [tilespmem:s15], [sflag:$0xD], $0x2000, $0x38;
	[tilespmem:$0x1FB80] =	vst v63  }
0x3c: {  	_ =	swait.ge [sflag:s13], $0x2000  }
0x3d: {  	[sflag:s13] =	ssyncset.done $0x0  }
0x3e: {  	s5 =	rddreg [dreg:$0x7];
	[sflag:s13] =	ssyncadd.s32 $0xFFFFE000  }
0x3f: {  	[spmem:s5] =	stream.linear.scatter [tilespmem:s15], [sflag:$0xD], $0x2000, $0x38;
	[tilespmem:$0x1FB80] =	vst v63  }
0x40: {  	_ =	swait.ge [sflag:s13], $0x2000  }
0x41: {  	[sflag:s13] =	ssyncset.done $0x0  }
0x42: {  	s11 =	rddreg [dreg:$0x12];
	[sflag:s13] =	ssyncadd.s32 $0xFFFFE000  }
0x43: {  	[spmem:s11] =	stream.linear.scatter [tilespmem:s15], [sflag:$0xD], $0x2000, $0x38;
	[tilespmem:$0x1FB80] =	vst v63  }
0x44: {  	_ =	swait.ge [sflag:s13], $0x2000  }
0x45: {  	[sflag:s13] =	ssyncset.done $0x0  }
0x46: {  	s26 =	rddreg [dreg:$0x13];
	[sflag:s13] =	ssyncadd.s32 $0xFFFFE000  }
0x47: {  	[spmem:s26] =	stream.linear.scatter [tilespmem:s15], [sflag:$0xD], $0x2000, $0x38;
	[tilespmem:$0x1FB80] =	vst v63  }
0x48: {  	_ =	swait.ge [sflag:s13], $0x2000  }
0x49: {  	[sflag:s13] =	ssyncset.done $0x0  }
0x4a: {  	s5 =	rddreg [dreg:$0x14];
	[sflag:s13] =	ssyncadd.s32 $0xFFFFE000  }
0x4b: {  	[spmem:s5] =	stream.linear.scatter [tilespmem:s15], [sflag:$0xD], $0x2000, $0x38;
	[tilespmem:$0x1FB80] =	vst v63  }
0x4c: {  	_ =	swait.ge [sflag:s13], $0x2000  }
0x4d: {  	[sflag:s13] =	ssyncset.done $0x0  }
0x4e: {  	s11 =	rddreg [dreg:$0x15];
	[sflag:s13] =	ssyncadd.s32 $0xFFFFE000  }
0x4f: {  	[spmem:s11] =	stream.linear.scatter [tilespmem:s15], [sflag:$0xD], $0x2000, $0x38;
	[tilespmem:$0x1FB80] =	vst v63  }
0x50: {  	_ =	swait.ge [sflag:s13], $0x2000  }
0x51: {  	[sflag:s13] =	ssyncset.done $0x0  }
0x52: {  	s26 =	rddreg [dreg:$0x16];
	[sflag:s13] =	ssyncadd.s32 $0xFFFFE000  }
0x53: {  	[spmem:s26] =	stream.linear.scatter [tilespmem:s15], [sflag:$0xD], $0x2000, $0x38;
	[tilespmem:$0x1FB80] =	vst v63  }
0x54: {  	_ =	swait.ge [sflag:s13], $0x2000  }
0x55: {  	[sflag:s13] =	ssyncset.done $0x0  }
0x56: {  	s5 =	rddreg [dreg:$0x17];
	[sflag:s13] =	ssyncadd.s32 $0xFFFFE000  }
0x57: {  	[spmem:s5] =	stream.linear.scatter [tilespmem:s15], [sflag:$0xD], $0x1800, $0x38;
	[tilespmem:$0x1FB80] =	vst v63  }
0x58: {  	_ =	swait.ge [sflag:s13], $0x1800  }
0x59: {  	[sflag:s13] =	ssyncset.done $0x0  }
0x5a: {  	s0 =	simm.s32 @!p0 $0x2100;
	[sflag:s13] =	ssyncadd.s32 $0xFFFFE800  }
0x5b: {  	[spmem:s12] =	stream.linear.scatter @!p0 [tilespmem:s0], [sflag:$0xD], $0x800, $0x38;
	[tilespmem:$0x1FB80] =	vst v63  }
0x5c: {  	s0 =	simm.s32 @!p0 $0xD  }
0x5d: {  	_ =	swait.ge @!p0 [sflag:s0], $0x800  }
0x5e: {  	[sflag:s0] =	ssyncset.done @!p0 $0x0  }
0x5f: {  	[sflag:s0] =	ssyncadd.s32 @!p0 $0xFFFFF800  }
0x60: {  	[bflag:$0x0] =	sbarrier.arrive $0xFFFF  }
0x61: {  	s0 =	simm.s32 $0x0;
	s5 =	rddreg [dreg:$0x8]  }
0x62: {  	[tilespmem:s0], [sflag:$0xB] =	stream.linear.gather [hbm4b:s5+s0], $0x40, $0x38;
	[tilespmem:$0x1FB80] =	vst v63  }
0x63: {  	s12 =	simm.s32 $0xB;
	s11 =	rddreg [dreg:$0x9]  }
0x64: {  	[tilespmem:s14], [sflag:$0xB] =	stream.linear.gather [hbm4b:s11+s0], $0x40, $0x38;
	[tilespmem:$0x1FB80] =	vst v63  }
0x65: {  	_ =	swait.ge [sflag:s12], $0x40  }
0x66: {  	[sflag:s12] =	ssyncset.done $0x0  }
0x67: {  	[sflag:s12] =	ssyncadd.s32 $0xFFFFFFC0  }
0x68: {  	_ =	swait.ge [sflag:s12], $0x40  }
0x69: {  	[sflag:s12] =	ssyncset.done $0x0  }
0x6a: {  	s26 =	rddreg [dreg:$0xa];
	[sflag:s12] =	ssyncadd.s32 $0xFFFFFFC0  }
0x6b: {  	[tilespmem:s16], [sflag:$0x1] =	stream.linear.gather [hbm4b:s26+s0], $0x2000, $0x38;
	[tilespmem:$0x1FB80] =	vst v63  }
0x6c: {  	_ = 	snop  }
0x6d: {  	[tilespmem:s15], [sflag:$0x2] =	stream.indirect.gather [hbm4b:s6+s17], $0x80, s0, s17, $0xb8;
	[tilespmem:$0x1FB80] =	vst v63  }
0x6e: {  	s5 =	simm.s32 $0x0  }
0x6f: {  	[tilespmem:s31], [sflag:$0x3] =	stream.indirect.gather [hbm4b:s7+s17], $0x80, s14, s17, $0xb8;
	[tilespmem:$0x1FB80] =	vst v63  }
.LBB2_4:
0x70: {  	p1 =	seq.s32 s5, $0x0  }
0x71: {  	s11 =	simm.s32 @!p1 $0x9  }
0x72: {  	s15 =	sshll.u32 s5, $0x1;
	_ =	swait.ge @!p1 [sflag:s11], $0x2000  }
0x73: {  	s12 =	sor.u32 $0x1, s15;
	[sflag:s11] =	ssyncset.done @!p1 $0x0  }
0x74: {  	s31 =	sshll.u32 s12, $0x6;
	[sflag:s11] =	ssyncadd.s32 @!p1 $0xFFFFE000;
	s11 =	simm.s32 @!p1 $0xA  }
0x75: {  	s31 =	sadd.s32 s10, s31;
	_ =	swait.ge @!p1 [sflag:s11], $0x2000  }
0x76: {  	s31 =	sshrl.u32 s31, $0x3;
	[sflag:s11] =	ssyncset.done @!p1 $0x0  }
0x77: {  	s26 =	sadd.s32 s8, s31;
	[sflag:s11] =	ssyncadd.s32 @!p1 $0xFFFFE000  }
0x78: {  	[tilespmem:s19], [sflag:$0xC] =	stream.linear.gather [hbm4b:s26+s0], $0x40, $0x38;
	[tilespmem:$0x1FB80] =	vst v63  }
0x79: {  	s26 =	sadd.s32 s9, s31  }
0x7a: {  	[tilespmem:s20], [sflag:$0xC] =	stream.linear.gather [hbm4b:s26+s0], $0x40, $0x38;
	[tilespmem:$0x1FB80] =	vst v63  }
0x7b: {  	_ =	swait.ge [sflag:s21], $0x2000  }
0x7c: {  	[sflag:s21] =	ssyncset.done $0x0  }
0x7d: {  	[sflag:s21] =	ssyncadd.s32 $0xFFFFE000  }
0x7e: {  	_ =	swait.ge [sflag:s22], $0x2000  }
0x7f: {  	[sflag:s22] =	ssyncset.done $0x0  }
0x80: {  	[sflag:s22] =	ssyncadd.s32 $0xFFFFE000  }
0x81: {  	_ =	swait.ge [sflag:s23], $0x2000  }
0x82: {  	[sflag:s23] =	ssyncset.done $0x0  }
0x83: {  	[sflag:s23] =	ssyncadd.s32 $0xFFFFE000  }
0x84: {  	_ =	swait.ge [sflag:s24], $0x40  }
0x85: {  	[sflag:s24] =	ssyncset.done $0x0  }
0x86: {  	s12 =	sshll.u32 s12, $0xD;
	[sflag:s24] =	ssyncadd.s32 $0xFFFFFFC0  }
0x87: {  	s11 =	sadd.s32 s18, s12;
	_ =	swait.ge [sflag:s24], $0x40  }
0x88: {  	s11 =	sshrl.u32 s11, $0x3;
	[sflag:s24] =	ssyncset.done $0x0  }
0x89: {  	s26 =	sadd.s32 s4, s11;
	[sflag:s24] =	ssyncadd.s32 $0xFFFFFFC0  }
0x8a: {  	[tilespmem:s25], [sflag:$0x4] =	stream.linear.gather [hbm4b:s26+s0], $0x2000, $0x38;
	[tilespmem:$0x1FB80] =	vst v63  }
0x8b: {  	s26 =	simm.s32 $0x8200  }
0x8c: {  	[tilespmem:s26], [sflag:$0x5] =	stream.indirect.gather [hbm4b:s6+s17], $0x80, s19, s17, $0xb8;
	[tilespmem:$0x1FB80] =	vst v63  }
0x8d: {  	s12 =	simm.s32 $0x0  }
0x8e: {  	[tilespmem:s28], [sflag:$0x6] =	stream.indirect.gather [hbm4b:s7+s17], $0x80, s20, s17, $0xb8;
	[tilespmem:$0x1FB80] =	vst v63  }
0x8f: {  	v23 =	vld [tilespmem:s12+$0x4100]  }
0x90: {  	v24 =	vld [tilespmem:s12+$0x4110]  }
0x91: {  	v25 =	vld [tilespmem:s12+$0x4120]  }
0x92: {  	v26 =	vld [tilespmem:s12+$0x4130]  }
0x93: {  	v27 =	vld [tilespmem:s12+$0x4140]  }
0x94: {  	v28 =	vld [tilespmem:s12+$0x4150]  }
0x95: {  	v29 =	vld [tilespmem:s12+$0x4160]  }
0x96: {  	v30 =	vld [tilespmem:s12+$0x4170]  }
0x97: {  	v31 =	vld [tilespmem:s12+$0x4180]  }
0x98: {  	v32 =	vld [tilespmem:s12+$0x4190]  }
0x99: {  	v33 =	vld [tilespmem:s12+$0x41A0]  }
0x9a: {  	v34 =	vld [tilespmem:s12+$0x41B0]  }
0x9b: {  	v35 =	vld [tilespmem:s12+$0x41C0]  }
0x9c: {  	v36 =	vld [tilespmem:s12+$0x41D0]  }
0x9d: {  	v37 =	vld [tilespmem:s12+$0x41E0]  }
0x9e: {  	v21 =	vld [tilespmem:s12+$0x41F0]  }
0x9f: {  	v20 =	vld [tilespmem:s12+$0x4200]  }
0xa0: {  	v19 =	vld [tilespmem:s12+$0x4210]  }
0xa1: {  	v18 =	vld [tilespmem:s12+$0x4220]  }
0xa2: {  	v0 =	vld [tilespmem:s12+$0x4230]  }
0xa3: {  	v60 =	vld [tilespmem:s12+$0x4240]  }
0xa4: {  	v3 =	vld [tilespmem:s12+$0x4250]  }
0xa5: {  	v2 =	vld [tilespmem:s12+$0x4260]  }
0xa6: {  	v1 =	vld [tilespmem:s12+$0x4270]  }
0xa7: {  	v6 =	vld [tilespmem:s12+$0x4280]  }
0xa8: {  	v5 =	vld [tilespmem:s12+$0x4290]  }
0xa9: {  	v4 =	vld [tilespmem:s12+$0x42A0]  }
0xaa: {  	v61 =	vld [tilespmem:s12+$0x42B0]  }
0xab: {  	v62 =	vld [tilespmem:s12+$0x42C0]  }
0xac: {  	v63 =	vld [tilespmem:s12+$0x42D0]  }
0xad: {  	v38 =	vld [tilespmem:s12+$0x2100]  }
0xae: {  	v39 =	vld [tilespmem:s12+$0x2110]  }
0xaf: {  	v40 =	vld [tilespmem:s12+$0x2120]  }
0xb0: {  	v41 =	vld [tilespmem:s12+$0x2130]  }
0xb1: {  	v42 =	vld [tilespmem:s12+$0x2140]  }
0xb2: {  	v43 =	vld [tilespmem:s12+$0x2150]  }
0xb3: {  	v44 =	vld [tilespmem:s12+$0x2160]  }
0xb4: {  	v45 =	vld [tilespmem:s12+$0x2170]  }
0xb5: {  	v46 =	vld [tilespmem:s12+$0x2180]  }
0xb6: {  	v47 =	vld [tilespmem:s12+$0x2190]  }
0xb7: {  	v48 =	vld [tilespmem:s12+$0x21A0]  }
0xb8: {  	v49 =	vld [tilespmem:s12+$0x21B0]  }
0xb9: {  	v50 =	vld [tilespmem:s12+$0x21C0]  }
0xba: {  	v51 =	vld [tilespmem:s12+$0x21D0]  }
0xbb: {  	v52 =	vld [tilespmem:s12+$0x21E0]  }
0xbc: {  	v53 =	vld [tilespmem:s12+$0x21F0]  }
0xbd: {  	v54 =	vld [tilespmem:s12+$0x2200]  }
0xbe: {  	v55 =	vld [tilespmem:s12+$0x2210]  }
0xbf: {  	v14 =	vld [tilespmem:s12+$0x120]  }
0xc0: {  	[tilespmem:$0x1FFD0] =	vst v63;
	v63 =	vld [tilespmem:s12+$0x100]  }
0xc1: {  	v56 =	vld [tilespmem:s12+$0x2220]  }
0xc2: {  	v15 =	vld [tilespmem:s12+$0x130]  }
0xc3: {  	v13 =	vld [tilespmem:s12+$0x110]  }
0xc4: {  	v57 =	vld [tilespmem:s12+$0x2230]  }
0xc5: {  	v14 =	vadd.f32 v40, v14;
	v38 =	vadd.f32 v38, v63;
	v63 =	vld [tilespmem:s12+$0x150]  }
0xc6: {  	v58 =	vld [tilespmem:s12+$0x2240]  }
0xc7: {  	v17 =	vld [tilespmem:s12+$0x160];
	v15 =	vadd.f32 v41, v15;
	v14 =	vadd.f32 v25, v14  }
0xc8: {  	v16 =	vld [tilespmem:s12+$0x140];
	v13 =	vadd.f32 v39, v13  }
0xc9: {  	v59 =	vld [tilespmem:s12+$0x2250];
	[tilespmem:$0x1FFE0] =	vst v0;
	v15 =	vadd.f32 v26, v15;
	v14 =	vmax.f32 v14, $0.0e+00  }
0xca: {  	v0 =	vld [tilespmem:s12+$0x180];
	v13 =	vadd.f32 v24, v13;
	[tilespmem:s12+$0x120] =	vst v14;
	v14 =	vadd.f32 v43, v63  }
0xcb: {  	v22 =	vld [tilespmem:s12+$0x2290];
	v15 =	vmax.f32 v15, $0.0e+00  }
0xcc: {  	v40 =	vld [tilespmem:s12+$0x190];
	v13 =	vmax.f32 v13, $0.0e+00;
	[tilespmem:s12+$0x130] =	vst v15;
	v15 =	vadd.f32 v44, v17;
	v14 =	vadd.f32 v28, v14  }
0xcd: {  	[tilespmem:s12+$0x110] =	vst v13;
	v13 =	vadd.f32 v42, v16;
	v23 =	vadd.f32 v23, v38;
	v38 =	vld [tilespmem:s12+$0x170]  }
0xce: {  	v12 =	vld [tilespmem:s12+$0x22A0];
	v15 =	vadd.f32 v29, v15;
	v14 =	vmax.f32 v14, $0.0e+00  }
0xcf: {  	v16 =	vld [tilespmem:s12+$0x1B0];
	v13 =	vadd.f32 v27, v13;
	v23 =	vmax.f32 v23, $0.0e+00;
	[tilespmem:s12+$0x150] =	vst v14;
	v14 =	vadd.f32 v46, v0  }
0xd0: {  	v11 =	vld [tilespmem:s12+$0x22B0];
	v15 =	vmax.f32 v15, $0.0e+00;
	[tilespmem:s12+$0x100] =	vst v23  }
0xd1: {  	v13 =	vmax.f32 v13, $0.0e+00;
	v43 =	vld [tilespmem:s12+$0x1C0];
	[tilespmem:s12+$0x160] =	vst v15;
	v15 =	vadd.f32 v47, v40;
	v14 =	vadd.f32 v31, v14  }
0xd2: {  	v23 =	vld [tilespmem:s12+$0x1A0];
	[tilespmem:s12+$0x140] =	vst v13;
	v13 =	vadd.f32 v45, v38  }
0xd3: {  	v10 =	vld [tilespmem:s12+$0x22C0];
	v15 =	vadd.f32 v32, v15;
	v14 =	vmax.f32 v14, $0.0e+00  }
0xd4: {  	v45 =	vld [tilespmem:s12+$0x1E0];
	v13 =	vadd.f32 v30, v13;
	[tilespmem:s12+$0x180] =	vst v14;
	v14 =	vadd.f32 v49, v16  }
0xd5: {  	v9 =	vld [tilespmem:s12+$0x22D0];
	v15 =	vmax.f32 v15, $0.0e+00  }
0xd6: {  	v46 =	vld [tilespmem:s12+$0x1F0];
	[tilespmem:s12+$0x190] =	vst v15;
	v15 =	vadd.f32 v50, v43;
	v13 =	vmax.f32 v13, $0.0e+00;
	v14 =	vadd.f32 v34, v14  }
0xd7: {  	v17 =	vld [tilespmem:s12+$0x1D0];
	[tilespmem:s12+$0x170] =	vst v13;
	v13 =	vadd.f32 v48, v23  }
0xd8: {  	v8 =	vld [tilespmem:s12+$0x22E0];
	v15 =	vadd.f32 v35, v15;
	v14 =	vmax.f32 v14, $0.0e+00  }
0xd9: {  	v23 =	vld [tilespmem:s12+$0x210];
	v13 =	vadd.f32 v33, v13;
	[tilespmem:s12+$0x1B0] =	vst v14;
	v14 =	vadd.f32 v52, v45  }
0xda: {  	v7 =	vld [tilespmem:s12+$0x22F0];
	v15 =	vmax.f32 v15, $0.0e+00  }
0xdb: {  	v16 =	vld [tilespmem:s12+$0x220];
	[tilespmem:s12+$0x1C0] =	vst v15;
	v15 =	vadd.f32 v53, v46;
	v13 =	vmax.f32 v13, $0.0e+00;
	v14 =	vadd.f32 v37, v14  }
0xdc: {  	v47 =	vld [tilespmem:s12+$0x200];
	[tilespmem:s12+$0x1A0] =	vst v13;
	v13 =	vadd.f32 v51, v17  }
0xdd: {  	[tilespmem:$0x1FFF0] =	vst v60;
	v60 =	vld [tilespmem:s12+$0x2260];
	v15 =	vadd.f32 v21, v15;
	v14 =	vmax.f32 v14, $0.0e+00  }
0xde: {  	v17 =	vld [tilespmem:s12+$0x240];
	v13 =	vadd.f32 v36, v13;
	[tilespmem:s12+$0x1E0] =	vst v14;
	v14 =	vadd.f32 v55, v23  }
0xdf: {  	[tilespmem:$0x1FFB0] =	vst v61;
	v61 =	vld [tilespmem:s12+$0x2270];
	v15 =	vmax.f32 v15, $0.0e+00  }
0xe0: {  	v52 =	vld [tilespmem:s12+$0x250];
	[tilespmem:s12+$0x1F0] =	vst v15;
	v15 =	vadd.f32 v56, v16;
	v13 =	vmax.f32 v13, $0.0e+00;
	v14 =	vadd.f32 v19, v14  }
0xe1: {  	v50 =	vld [tilespmem:s12+$0x230];
	[tilespmem:s12+$0x1D0] =	vst v13;
	v13 =	vadd.f32 v54, v47  }
0xe2: {  	v53 =	vld [tilespmem:s12+$0x260];
	v15 =	vadd.f32 v18, v15;
	v14 =	vmax.f32 v14, $0.0e+00  }
0xe3: {  	v13 =	vadd.f32 v20, v13;
	[tilespmem:s12+$0x210] =	vst v14;
	v14 =	vadd.f32 v58, v17;
	v58 =	vld [tilespmem:$0x1FFE0]  }
0xe4: {  	[tilespmem:$0x1FFC0] =	vst v62;
	v21 =	vld [tilespmem:s12+$0x270];
	v15 =	vmax.f32 v15, $0.0e+00  }
0xe5: {  	[tilespmem:s12+$0x220] =	vst v15;
	v15 =	vadd.f32 v59, v52;
	v59 =	vld [tilespmem:$0x1FFF0];
	v13 =	vmax.f32 v13, $0.0e+00  }
0xe6: {  	v62 =	vld [tilespmem:s12+$0x2280];
	[tilespmem:s12+$0x200] =	vst v13;
	v13 =	vadd.f32 v57, v50  }
0xe7: {  	v56 =	vld [tilespmem:s12+$0x290]  }
0xe8: {  	v20 =	vld [tilespmem:s12+$0x280];
	v13 =	vadd.f32 v58, v13  }
0xe9: {  	v16 =	vld [tilespmem:s12+$0x2C0];
	v23 =	vadd.f32 v61, v21  }
0xea: {  	v18 =	vld [tilespmem:s12+$0x2A0];
	v19 =	vadd.f32 v60, v53;
	v14 =	vadd.f32 v59, v14;
	v13 =	vmax.f32 v13, $0.0e+00  }
0xeb: {  	v17 =	vld [tilespmem:s12+$0x2B0];
	[tilespmem:s12+$0x230] =	vst v13;
	v13 =	vadd.f32 v3, v15  }
0xec: {  	v21 =	vadd.f32 v2, v19;
	v19 =	vadd.f32 v1, v23;
	v63 =	vmax.f32 v14, $0.0e+00;
	v15 =	vld [tilespmem:s12+$0x2D0]  }
0xed: {  	s31 =	simm.s32 $0x800;
	v14 =	vadd.f32 v62, v20;
	v20 =	vadd.f32 v22, v56;
	[tilespmem:s12+$0x240] =	vst v63;
	v23 =	vmax.f32 v13, $0.0e+00;
	v13 =	vld [tilespmem:s12+$0x2E0]  }
.LBB2_5:
0xee: {  	v0 =	vld [tilespmem:$0x1FFB0]  }
0xef: {  	v43 =	vld [tilespmem:$0x1FFC0]  }
0xf0: {  	v44 =	vld [tilespmem:$0x1FFD0]  }
0xf1: {  	[tilespmem:s12+$0x250] =	vst v23;
	v21 =	vmax.f32 v21, $0.0e+00;
	v6 =	vadd.f32 v6, v14;
	v12 =	vadd.f32 v12, v18;
	v14 =	vld [tilespmem:s12+$0x2F0]  }
0xf2: {  	[tilespmem:s12+$0x260] =	vst v21;
	v18 =	vmax.f32 v19, $0.0e+00;
	v5 =	vadd.f32 v5, v20;
	v11 =	vadd.f32 v11, v17;
	v17 =	vld [tilespmem:s12+$0x42E0]  }
0xf3: {  	s26 =	sshra.s32 s31, $0x2;
	v10 =	vadd.f32 v10, v16;
	[tilespmem:s12+$0x270] =	vst v18;
	v6 =	vmax.f32 v6, $0.0e+00;
	v4 =	vadd.f32 v4, v12;
	v12 =	vld [tilespmem:s12+$0x42F0]  }
0xf4: {  	v32 =	vld [tilespmem:s26+$0x4100];
	v5 =	vmax.f32 v5, $0.0e+00;
	v3 =	vadd.f32 v0, v11;
	[tilespmem:s12+$0x280] =	vst v6;
	v6 =	vadd.f32 v9, v15  }
0xf5: {  	v2 =	vadd.f32 v43, v10;
	v34 =	vld [tilespmem:s26+$0x4110];
	[tilespmem:s12+$0x290] =	vst v5;
	v4 =	vmax.f32 v4, $0.0e+00;
	v5 =	vadd.f32 v8, v13  }
0xf6: {  	v3 =	vmax.f32 v3, $0.0e+00;
	v37 =	vld [tilespmem:s26+$0x4120];
	[tilespmem:s12+$0x2A0] =	vst v4;
	v1 =	vadd.f32 v44, v6;
	v4 =	vadd.f32 v7, v14  }
0xf7: {  	v2 =	vmax.f32 v2, $0.0e+00;
	v38 =	vld [tilespmem:s26+$0x4130];
	[tilespmem:s12+$0x2B0] =	vst v3;
	v3 =	vadd.f32 v17, v5  }
0xf8: {  	v35 =	vld [tilespmem:s26+$0x4140];
	[tilespmem:s12+$0x2C0] =	vst v2;
	v1 =	vmax.f32 v1, $0.0e+00;
	v45 =	vadd.f32 v12, v4  }
0xf9: {  	v33 =	vld [tilespmem:s26+$0x4150];
	[tilespmem:s12+$0x2D0] =	vst v1;
	v46 =	vmax.f32 v3, $0.0e+00  }
0xfa: {  	v31 =	vld [tilespmem:s26+$0x4160];
	[tilespmem:s12+$0x2E0] =	vst v46;
	v47 =	vmax.f32 v45, $0.0e+00  }
0xfb: {  	v29 =	vld [tilespmem:s26+$0x4170];
	[tilespmem:s12+$0x2F0] =	vst v47;
	s12 =	smov.u32 s26  }
0xfc: {  	v28 =	vld [tilespmem:s12+$0x4180]  }
0xfd: {  	v27 =	vld [tilespmem:s12+$0x4190]  }
0xfe: {  	v26 =	vld [tilespmem:s12+$0x41A0]  }
0xff: {  	v25 =	vld [tilespmem:s12+$0x41B0]  }
0x100: {  	v24 =	vld [tilespmem:s12+$0x41C0]  }
0x101: {  	v23 =	vld [tilespmem:s12+$0x41D0]  }
0x102: {  	v22 =	vld [tilespmem:s12+$0x41E0]  }
0x103: {  	v21 =	vld [tilespmem:s12+$0x41F0]  }
0x104: {  	v20 =	vld [tilespmem:s12+$0x4200]  }
0x105: {  	v19 =	vld [tilespmem:s12+$0x4210]  }
0x106: {  	v18 =	vld [tilespmem:s12+$0x4220]  }
0x107: {  	v17 =	vld [tilespmem:s12+$0x4230]  }
0x108: {  	v16 =	vld [tilespmem:s12+$0x4240]  }
0x109: {  	v15 =	vld [tilespmem:s12+$0x4250]  }
0x10a: {  	v14 =	vld [tilespmem:s12+$0x4260]  }
0x10b: {  	v13 =	vld [tilespmem:s12+$0x4270]  }
0x10c: {  	v6 =	vld [tilespmem:s12+$0x4280]  }
0x10d: {  	v5 =	vld [tilespmem:s12+$0x4290]  }
0x10e: {  	v4 =	vld [tilespmem:s12+$0x42A0]  }
0x10f: {  	v48 =	vld [tilespmem:s12+$0x42B0]  }
0x110: {  	v49 =	vld [tilespmem:s12+$0x42C0]  }
0x111: {  	v50 =	vld [tilespmem:s12+$0x42D0]  }
0x112: {  	v47 =	vld [tilespmem:s12+$0x2100]  }
0x113: {  	v51 =	vld [tilespmem:s12+$0x2140]  }
0x114: {  	v52 =	vld [tilespmem:s12+$0x2150]  }
0x115: {  	v53 =	vld [tilespmem:s12+$0x2160]  }
0x116: {  	v54 =	vld [tilespmem:s12+$0x2170]  }
0x117: {  	v55 =	vld [tilespmem:s12+$0x2180]  }
0x118: {  	v56 =	vld [tilespmem:s12+$0x2190]  }
0x119: {  	v57 =	vld [tilespmem:s12+$0x21A0]  }
0x11a: {  	v58 =	vld [tilespmem:s12+$0x21B0]  }
0x11b: {  	v59 =	vld [tilespmem:s12+$0x21C0]  }
0x11c: {  	v60 =	vld [tilespmem:s12+$0x21D0]  }
0x11d: {  	v61 =	vld [tilespmem:s12+$0x21E0]  }
0x11e: {  	v62 =	vld [tilespmem:s12+$0x21F0]  }
0x11f: {  	v46 =	vld [tilespmem:s12+$0x2200]  }
0x120: {  	v45 =	vld [tilespmem:s12+$0x2210]  }
0x121: {  	v44 =	vld [tilespmem:s12+$0x2220]  }
0x122: {  	v43 =	vld [tilespmem:s12+$0x2230]  }
0x123: {  	v42 =	vld [tilespmem:s12+$0x2240]  }
0x124: {  	v41 =	vld [tilespmem:s12+$0x2250]  }
0x125: {  	v40 =	vld [tilespmem:s12+$0x2260]  }
0x126: {  	v39 =	vld [tilespmem:s12+$0x2270]  }
0x127: {  	v36 =	vld [tilespmem:s12+$0x2280]  }
0x128: {  	v30 =	vld [tilespmem:s12+$0x2290]  }
0x129: {  	v12 =	vld [tilespmem:s12+$0x22A0]  }
0x12a: {  	v11 =	vld [tilespmem:s12+$0x22B0]  }
0x12b: {  	v10 =	vld [tilespmem:s12+$0x22C0]  }
0x12c: {  	v63 =	vld [tilespmem:s12+$0x100]  }
0x12d: {  	v0 =	vld [tilespmem:s12+$0x110]  }
0x12e: {  	v1 =	vld [tilespmem:s12+$0x120]  }
0x12f: {  	v2 =	vld [tilespmem:s12+$0x130]  }
0x130: {  	v3 =	vld [tilespmem:s12+$0x140]  }
0x131: {  	[tilespmem:$0x1FFB0] =	vst v48;
	v48 =	vld [tilespmem:s12+$0x2110]  }
0x132: {  	[tilespmem:$0x1FFC0] =	vst v49;
	v49 =	vld [tilespmem:s12+$0x2120]  }
0x133: {  	[tilespmem:$0x1FFD0] =	vst v50;
	v50 =	vld [tilespmem:s12+$0x2130]  }
0x134: {  	v47 =	vadd.f32 v47, v63;
	v63 =	vld [tilespmem:s12+$0x150]  }
0x135: {  	v9 =	vld [tilespmem:s12+$0x22D0]  }
0x136: {  	v8 =	vld [tilespmem:s12+$0x22E0];
	v3 =	vadd.f32 v51, v3  }
0x137: {  	v32 =	vadd.f32 v32, v47;
	v47 =	vld [tilespmem:s12+$0x170];
	v0 =	vadd.f32 v48, v0  }
0x138: {  	v48 =	vld [tilespmem:s12+$0x160];
	v1 =	vadd.f32 v49, v1;
	v2 =	vadd.f32 v50, v2  }
0x139: {  	v51 =	vadd.f32 v52, v63;
	v63 =	vadd.f32 v35, v3;
	v35 =	vld [tilespmem:s12+$0x1B0]  }
0x13a: {  	v0 =	vadd.f32 v34, v0;
	v34 =	vld [tilespmem:s12+$0x180];
	v1 =	vadd.f32 v37, v1  }
0x13b: {  	v32 =	vmax.f32 v32, $0.0e+00;
	v37 =	vld [tilespmem:s12+$0x190]  }
0x13c: {  	[tilespmem:s12+$0x100] =	vst v32;
	v2 =	vadd.f32 v38, v2;
	v38 =	vld [tilespmem:s12+$0x1A0];
	v52 =	vmax.f32 v1, $0.0e+00  }
0x13d: {  	v7 =	vld [tilespmem:s12+$0x22F0];
	v50 =	vadd.f32 v33, v51;
	v3 =	vadd.f32 v53, v48;
	[tilespmem:s12+$0x120] =	vst v52;
	v52 =	vmax.f32 v63, $0.0e+00  }
0x13e: {  	v51 =	vadd.f32 v54, v47;
	v33 =	vld [tilespmem:s12+$0x1C0];
	v0 =	vmax.f32 v0, $0.0e+00;
	[tilespmem:s12+$0x140] =	vst v52;
	v52 =	vadd.f32 v58, v35  }
0x13f: {  	v49 =	vmax.f32 v2, $0.0e+00;
	[tilespmem:s12+$0x110] =	vst v0;
	v53 =	vadd.f32 v31, v3;
	v3 =	vadd.f32 v55, v34;
	v31 =	vld [tilespmem:s12+$0x1D0]  }
0x140: {  	v54 =	vmax.f32 v50, $0.0e+00;
	[tilespmem:s12+$0x130] =	vst v49;
	v55 =	vadd.f32 v29, v51;
	v63 =	vadd.f32 v56, v37;
	v37 =	vld [tilespmem:s12+$0x1E0]  }
0x141: {  	[tilespmem:s12+$0x150] =	vst v54;
	v49 =	vld [tilespmem:s12+$0x1F0];
	v47 =	vmax.f32 v53, $0.0e+00;
	v48 =	vadd.f32 v28, v3;
	v3 =	vadd.f32 v57, v38  }
0x142: {  	v58 =	vadd.f32 v25, v52;
	v50 =	vmax.f32 v55, $0.0e+00;
	v51 =	vadd.f32 v27, v63;
	v53 =	vld [tilespmem:s12+$0x200];
	[tilespmem:s12+$0x160] =	vst v47  }
0x143: {  	v56 =	vld [tilespmem:s12+$0x210];
	[tilespmem:s12+$0x170] =	vst v50;
	v54 =	vmax.f32 v48, $0.0e+00;
	v55 =	vadd.f32 v26, v3;
	v3 =	vadd.f32 v59, v33  }
0x144: {  	v57 =	vmax.f32 v51, $0.0e+00;
	[tilespmem:s12+$0x180] =	vst v54;
	v59 =	vadd.f32 v60, v31;
	v60 =	vld [tilespmem:s12+$0x220]  }
0x145: {  	v32 =	vld [tilespmem:s12+$0x230];
	v33 =	vmax.f32 v58, $0.0e+00;
	[tilespmem:s12+$0x190] =	vst v57;
	v31 =	vadd.f32 v24, v3;
	v3 =	vadd.f32 v61, v37  }
0x146: {  	v35 =	vld [tilespmem:s12+$0x240];
	[tilespmem:s12+$0x1B0] =	vst v33;
	v63 =	vmax.f32 v55, $0.0e+00;
	v34 =	vadd.f32 v23, v59;
	v23 =	vadd.f32 v62, v49  }
0x147: {  	[tilespmem:s12+$0x1A0] =	vst v63;
	v37 =	vmax.f32 v31, $0.0e+00;
	v38 =	vadd.f32 v22, v3;
	v3 =	vadd.f32 v46, v53;
	v22 =	vld [tilespmem:s12+$0x250]  }
0x148: {  	[tilespmem:s12+$0x1C0] =	vst v37;
	v47 =	vmax.f32 v34, $0.0e+00;
	v48 =	vadd.f32 v21, v23;
	v21 =	vadd.f32 v45, v56;
	v23 =	vld [tilespmem:s12+$0x260]  }
0x149: {  	[tilespmem:s12+$0x1D0] =	vst v47;
	v49 =	vmax.f32 v38, $0.0e+00;
	v50 =	vadd.f32 v20, v3;
	v3 =	vadd.f32 v44, v60;
	v20 =	vld [tilespmem:s12+$0x270]  }
0x14a: {  	v56 =	vld [tilespmem:s12+$0x290];
	[tilespmem:s12+$0x1E0] =	vst v49;
	v51 =	vmax.f32 v48, $0.0e+00;
	v52 =	vadd.f32 v19, v21;
	v19 =	vadd.f32 v43, v32  }
0x14b: {  	p1 =	sne.s32 s31, $0x7800;
	v53 =	vld [tilespmem:s12+$0x280];
	[tilespmem:s12+$0x1F0] =	vst v51;
	v54 =	vmax.f32 v50, $0.0e+00;
	v55 =	vadd.f32 v18, v3;
	v3 =	vadd.f32 v42, v35  }
.Ltmp1:
0x14c: {  	v18 =	vld [tilespmem:s12+$0x2A0];
	[tilespmem:s12+$0x200] =	vst v54;
	v57 =	vmax.f32 v52, $0.0e+00;
	v58 =	vadd.f32 v17, v19;
	v19 =	vadd.f32 v41, v22;
	(pc) =	sbr.rel @p1 .LBB2_5-.Ltmp1, $4  }
0x14d: {  	v17 =	vld [tilespmem:s12+$0x2B0];
	[tilespmem:s12+$0x210] =	vst v57;
	v59 =	vmax.f32 v55, $0.0e+00;
	v60 =	vadd.f32 v16, v3;
	v3 =	vadd.f32 v40, v23  }
0x14e: {  	v16 =	vld [tilespmem:s12+$0x2C0];
	[tilespmem:s12+$0x220] =	vst v59;
	v61 =	vmax.f32 v58, $0.0e+00;
	v62 =	vadd.f32 v15, v19;
	v19 =	vadd.f32 v39, v20  }
0x14f: {  	v15 =	vld [tilespmem:s12+$0x2D0];
	v20 =	vadd.f32 v30, v56;
	[tilespmem:s12+$0x230] =	vst v61;
	v63 =	vmax.f32 v60, $0.0e+00;
	v21 =	vadd.f32 v14, v3  }
0x150: {  	s31 =	sadd.s32 $0x800, s31;
	v14 =	vadd.f32 v36, v53;
	[tilespmem:s12+$0x240] =	vst v63;
	v23 =	vmax.f32 v62, $0.0e+00;
	v19 =	vadd.f32 v13, v19;
	v13 =	vld [tilespmem:s12+$0x2E0]  }
0x151: {  	v5 =	vadd.f32 v5, v20;
	_ =	sdelay $0x1  }
0x152: {  	v28 =	vmax.f32 v5, $0.0e+00;
	v5 =	vld [tilespmem:$0x1FFB0];
	_ =	sdelay $0x2  }
0x153: {  	v30 =	vld [tilespmem:$0x1FFC0];
	v11 =	vadd.f32 v11, v17  }
0x154: {  	v1 =	vld [tilespmem:s12+$0x2F0];
	v2 =	vadd.f32 v12, v18  }
0x155: {  	[tilespmem:s12+$0x250] =	vst v23;
	v27 =	vadd.f32 v6, v14;
	v3 =	vmax.f32 v19, $0.0e+00;
	v6 =	vld [tilespmem:s12+$0x42E0];
	v5 =	vadd.f32 v5, v11  }
0x156: {  	v0 =	vmax.f32 v21, $0.0e+00;
	[tilespmem:s12+$0x270] =	vst v3;
	v2 =	vadd.f32 v4, v2;
	v3 =	vadd.f32 v10, v16;
	v4 =	vld [tilespmem:s12+$0x42F0]  }
0x157: {  	[tilespmem:s12+$0x260] =	vst v0;
	v0 =	vmax.f32 v27, $0.0e+00;
	v31 =	vmax.f32 v5, $0.0e+00;
	v5 =	vld [tilespmem:$0x1FFD0]  }
0x158: {  	[tilespmem:s12+$0x290] =	vst v28;
	v29 =	vmax.f32 v2, $0.0e+00;
	v2 =	vadd.f32 v30, v3;
	v3 =	vadd.f32 v8, v13  }
0x159: {  	[tilespmem:s12+$0x280] =	vst v0;
	v1 =	vadd.f32 v7, v1  }
0x15a: {  	v9 =	vadd.f32 v9, v15;
	[tilespmem:s12+$0x2A0] =	vst v29;
	v32 =	vmax.f32 v2, $0.0e+00;
	v33 =	vadd.f32 v6, v3  }
0x15b: {  	v1 =	vadd.f32 v4, v1;
	[tilespmem:s12+$0x2C0] =	vst v32  }
0x15c: {  	s26 =	sshll.u32 s5, $0xE;
	v35 =	vmax.f32 v33, $0.0e+00;
	[tilespmem:s12+$0x2B0] =	vst v31;
	v5 =	vadd.f32 v5, v9  }
0x15d: {  	s26 =	sadd.s32 s18, s26;
	v36 =	vmax.f32 v1, $0.0e+00;
	[tilespmem:s12+$0x2E0] =	vst v35  }
0x15e: {  	s26 =	sshrl.u32 s26, $0x3;
	[tilespmem:s12+$0x2F0] =	vst v36;
	v34 =	vmax.f32 v5, $0.0e+00  }
0x15f: {  	s31 =	sadd.s32 s1, s26;
	[tilespmem:s12+$0x2D0] =	vst v34  }
0x160: {  	[hbm4b:s31+s3] =	stream.linear.scatter [tilespmem:s16], [sflag:$0x7], $0x2000, $0x38;
	[tilespmem:$0x1FB80] =	vst v63  }
0x161: {  	_ = 	snop  }
0x162: {  	[spmem:s2] =	stream.indirect.scatter.add.f32 [tilespmem:s16], [sflag:$0x8], $0x80, s14, s17, $0xb8;
	[tilespmem:$0x1FB80] =	vst v63  }
0x163: {  	_ =	swait.ge [sflag:s29], $0x2000  }
0x164: {  	[sflag:s29] =	ssyncset.done $0x0  }
0x165: {  	[sflag:s29] =	ssyncadd.s32 $0xFFFFE000  }
0x166: {  	_ =	swait.ge [sflag:s30], $0x2000  }
0x167: {  	p1 =	seq.s32 s5, $0x4D;
	[sflag:s30] =	ssyncset.done $0x0  }
0x168: {  	s12 =	simm.s32 @p1 $0x4;
	[sflag:s30] =	ssyncadd.s32 $0xFFFFE000  }
0x169: {  	_ =	swait.ge @p1 [sflag:s12], $0x2000  }
0x16a: {  	[sflag:s12] =	ssyncset.done @p1 $0x0  }
0x16b: {  	[sflag:s12] =	ssyncadd.s32 @p1 $0xFFFFE000;
	s12 =	simm.s32 @p1 $0x5  }
0x16c: {  	_ =	swait.ge @p1 [sflag:s12], $0x2000  }
0x16d: {  	s15 =	sadd.s32 @!p1 $0x2, s15;
	[sflag:s12] =	ssyncset.done @p1 $0x0  }
0x16e: {  	s26 =	sshll.u32 @!p1 s15, $0x6;
	[sflag:s12] =	ssyncadd.s32 @p1 $0xFFFFE000;
	s12 =	simm.s32 @p1 $0x6  }
0x16f: {  	s26 =	sadd.s32 @!p1 s10, s26;
	_ =	swait.ge @p1 [sflag:s12], $0x2000  }
0x170: {  	s26 =	sshrl.u32 @!p1 s26, $0x3;
	[sflag:s12] =	ssyncset.done @p1 $0x0  }
0x171: {  	s31 =	simm.s32 @!p1 $0x0;
	[sflag:s12] =	ssyncadd.s32 @p1 $0xFFFFE000;
	s12 =	sadd.s32 @!p1 s8, s26  }
0x172: {  	[tilespmem:s31], [sflag:$0xB] =	stream.linear.gather @!p1 [hbm4b:s12+s31], $0x40, $0x38;
	[tilespmem:$0x1FB80] =	vst v63  }
0x173: {  	s12 =	sadd.s32 @!p1 s9, s26;
	s26 =	simm.s32 @!p1 $0x80  }
0x174: {  	[tilespmem:s26], [sflag:$0xB] =	stream.linear.gather @!p1 [hbm4b:s12+s31], $0x40, $0x38;
	[tilespmem:$0x1FB80] =	vst v63  }
0x175: {  	s12 =	simm.s32 @!p1 $0x4  }
0x176: {  	_ =	swait.ge @!p1 [sflag:s12], $0x2000  }
0x177: {  	[sflag:s12] =	ssyncset.done @!p1 $0x0  }
0x178: {  	[sflag:s12] =	ssyncadd.s32 @!p1 $0xFFFFE000;
	s12 =	simm.s32 @!p1 $0x5  }
0x179: {  	_ =	swait.ge @!p1 [sflag:s12], $0x2000  }
0x17a: {  	[sflag:s12] =	ssyncset.done @!p1 $0x0  }
0x17b: {  	[sflag:s12] =	ssyncadd.s32 @!p1 $0xFFFFE000;
	s12 =	simm.s32 @!p1 $0x6  }
0x17c: {  	_ =	swait.ge @!p1 [sflag:s12], $0x2000  }
0x17d: {  	[sflag:s12] =	ssyncset.done @!p1 $0x0  }
0x17e: {  	[sflag:s12] =	ssyncadd.s32 @!p1 $0xFFFFE000;
	s12 =	simm.s32 @!p1 $0xB  }
0x17f: {  	_ =	swait.ge @!p1 [sflag:s12], $0x40  }
0x180: {  	[sflag:s12] =	ssyncset.done @!p1 $0x0  }
0x181: {  	s15 =	sshll.u32 @!p1 s15, $0xD;
	[sflag:s12] =	ssyncadd.s32 @!p1 $0xFFFFFFC0  }
0x182: {  	s15 =	sadd.s32 @!p1 s18, s15;
	_ =	swait.ge @!p1 [sflag:s12], $0x40  }
0x183: {  	s15 =	sshrl.u32 @!p1 s15, $0x3;
	[sflag:s12] =	ssyncset.done @!p1 $0x0  }
0x184: {  	[sflag:s12] =	ssyncadd.s32 @!p1 $0xFFFFFFC0;
	s12 =	sadd.s32 @!p1 s4, s15;
	s15 =	simm.s32 @!p1 $0x100  }
0x185: {  	[tilespmem:s15], [sflag:$0x1] =	stream.linear.gather @!p1 [hbm4b:s12+s31], $0x2000, $0x38;
	[tilespmem:$0x1FB80] =	vst v63  }
0x186: {  	s12 =	simm.s32 @!p1 $0x40;
	s15 =	simm.s32 @!p1 $0x2100  }
0x187: {  	[tilespmem:s15], [sflag:$0x2] =	stream.indirect.gather @!p1 [hbm4b:s6+s12], $0x80, s31, s12, $0xb8;
	[tilespmem:$0x1FB80] =	vst v63  }
0x188: {  	s15 =	simm.s32 @!p1 $0x4100  }
0x189: {  	[tilespmem:s15], [sflag:$0x3] =	stream.indirect.gather @!p1 [hbm4b:s7+s12], $0x80, s26, s12, $0xb8;
	[tilespmem:$0x1FB80] =	vst v63  }
0x18a: {  	s12 =	simm.s32 $0x0  }
0x18b: {  	v16 =	vld [tilespmem:s12+$0xA200]  }
0x18c: {  	v23 =	vld [tilespmem:s12+$0xA210]  }
0x18d: {  	v24 =	vld [tilespmem:s12+$0xA220]  }
0x18e: {  	v25 =	vld [tilespmem:s12+$0xA230]  }
0x18f: {  	v26 =	vld [tilespmem:s12+$0xA240]  }
0x190: {  	v27 =	vld [tilespmem:s12+$0xA250]  }
0x191: {  	v28 =	vld [tilespmem:s12+$0xA260]  }
0x192: {  	v29 =	vld [tilespmem:s12+$0xA270]  }
0x193: {  	v30 =	vld [tilespmem:s12+$0xA280]  }
0x194: {  	v31 =	vld [tilespmem:s12+$0xA290]  }
0x195: {  	v32 =	vld [tilespmem:s12+$0xA2A0]  }
0x196: {  	v33 =	vld [tilespmem:s12+$0xA2B0]  }
0x197: {  	v34 =	vld [tilespmem:s12+$0xA2C0]  }
0x198: {  	v35 =	vld [tilespmem:s12+$0xA2D0]  }
0x199: {  	v36 =	vld [tilespmem:s12+$0xA2E0]  }
0x19a: {  	v21 =	vld [tilespmem:s12+$0xA2F0]  }
0x19b: {  	v20 =	vld [tilespmem:s12+$0xA300]  }
0x19c: {  	v19 =	vld [tilespmem:s12+$0xA310]  }
0x19d: {  	v18 =	vld [tilespmem:s12+$0xA320]  }
0x19e: {  	v17 =	vld [tilespmem:s12+$0xA330]  }
0x19f: {  	v37 =	vld [tilespmem:s12+$0xA340]  }
0x1a0: {  	v3 =	vld [tilespmem:s12+$0xA350]  }
0x1a1: {  	v2 =	vld [tilespmem:s12+$0xA360]  }
0x1a2: {  	v1 =	vld [tilespmem:s12+$0xA370]  }
0x1a3: {  	v6 =	vld [tilespmem:s12+$0xA380]  }
0x1a4: {  	v5 =	vld [tilespmem:s12+$0xA390]  }
0x1a5: {  	v4 =	vld [tilespmem:s12+$0xA3A0]  }
0x1a6: {  	v38 =	vld [tilespmem:s12+$0xA3B0]  }
0x1a7: {  	v39 =	vld [tilespmem:s12+$0xA3C0]  }
0x1a8: {  	v40 =	vld [tilespmem:s12+$0xA3D0]  }
0x1a9: {  	v41 =	vld [tilespmem:s12+$0x8240]  }
0x1aa: {  	v42 =	vld [tilespmem:s12+$0x8250]  }
0x1ab: {  	v43 =	vld [tilespmem:s12+$0x8260]  }
0x1ac: {  	v44 =	vld [tilespmem:s12+$0x8270]  }
0x1ad: {  	v45 =	vld [tilespmem:s12+$0x8280]  }
0x1ae: {  	v46 =	vld [tilespmem:s12+$0x8290]  }
0x1af: {  	v47 =	vld [tilespmem:s12+$0x82A0]  }
0x1b0: {  	v48 =	vld [tilespmem:s12+$0x82B0]  }
0x1b1: {  	v49 =	vld [tilespmem:s12+$0x82C0]  }
0x1b2: {  	v50 =	vld [tilespmem:s12+$0x82D0]  }
0x1b3: {  	v51 =	vld [tilespmem:s12+$0x82E0]  }
0x1b4: {  	v52 =	vld [tilespmem:s12+$0x82F0]  }
0x1b5: {  	v53 =	vld [tilespmem:s12+$0x8300]  }
0x1b6: {  	v54 =	vld [tilespmem:s12+$0x8310]  }
0x1b7: {  	v55 =	vld [tilespmem:s12+$0x8320]  }
0x1b8: {  	v56 =	vld [tilespmem:s12+$0x8330]  }
0x1b9: {  	v57 =	vld [tilespmem:s12+$0x8340]  }
0x1ba: {  	v58 =	vld [tilespmem:s12+$0x8350]  }
0x1bb: {  	v59 =	vld [tilespmem:s12+$0x8360]  }
0x1bc: {  	v60 =	vld [tilespmem:s12+$0x8370]  }
0x1bd: {  	v62 =	vld [tilespmem:s12+$0x6200]  }
0x1be: {  	v63 =	vld [tilespmem:s12+$0x6210]  }
0x1bf: {  	v0 =	vld [tilespmem:s12+$0x6220]  }
0x1c0: {  	v13 =	vld [tilespmem:s12+$0x6230]  }
0x1c1: {  	[tilespmem:$0x1FF90] =	vst v40;
	v40 =	vld [tilespmem:s12+$0x8230]  }
0x1c2: {  	[tilespmem:$0x1FFA0] =	vst v37;
	v37 =	vld [tilespmem:s12+$0x8200]  }
0x1c3: {  	v14 =	vld [tilespmem:s12+$0x6240]  }
0x1c4: {  	[tilespmem:$0x1FF70] =	vst v38;
	v38 =	vld [tilespmem:s12+$0x8210]  }
0x1c5: {  	[tilespmem:$0x1FF80] =	vst v39;
	v39 =	vld [tilespmem:s12+$0x8220]  }
0x1c6: {  	v15 =	vld [tilespmem:s12+$0x6260];
	v13 =	vadd.f32 v40, v13  }
0x1c7: {  	v61 =	vld [tilespmem:s12+$0x8380];
	v37 =	vadd.f32 v37, v62  }
0x1c8: {  	v22 =	vld [tilespmem:s12+$0x8390];
	v14 =	vadd.f32 v41, v14;
	v13 =	vadd.f32 v25, v13  }
0x1c9: {  	v38 =	vadd.f32 v38, v63;
	v16 =	vadd.f32 v16, v37;
	v37 =	vld [tilespmem:s12+$0x6270]  }
0x1ca: {  	v14 =	vadd.f32 v26, v14;
	v62 =	vld [tilespmem:s12+$0x6250];
	v0 =	vadd.f32 v39, v0;
	v13 =	vmax.f32 v13, $0.0e+00  }
0x1cb: {  	v23 =	vadd.f32 v23, v38;
	v38 =	vld [tilespmem:s12+$0x6290];
	[tilespmem:s12+$0x6230] =	vst v13;
	v13 =	vadd.f32 v43, v15  }
0x1cc: {  	v12 =	vld [tilespmem:s12+$0x83A0];
	v14 =	vmax.f32 v14, $0.0e+00;
	v0 =	vadd.f32 v24, v0  }
0x1cd: {  	v63 =	vld [tilespmem:s12+$0x6280];
	[tilespmem:s12+$0x6240] =	vst v14;
	v16 =	vmax.f32 v16, $0.0e+00;
	v13 =	vadd.f32 v28, v13  }
0x1ce: {  	v0 =	vmax.f32 v0, $0.0e+00;
	[tilespmem:s12+$0x6200] =	vst v16;
	v16 =	vmax.f32 v23, $0.0e+00;
	v23 =	vld [tilespmem:s12+$0x62A0];
	v14 =	vadd.f32 v44, v37  }
0x1cf: {  	v11 =	vld [tilespmem:s12+$0x83B0];
	[tilespmem:s12+$0x6220] =	vst v0;
	v41 =	vadd.f32 v42, v62;
	v13 =	vmax.f32 v13, $0.0e+00  }
0x1d0: {  	v42 =	vld [tilespmem:s12+$0x62C0];
	v14 =	vadd.f32 v29, v14;
	[tilespmem:s12+$0x6260] =	vst v13;
	v13 =	vadd.f32 v46, v38  }
0x1d1: {  	[tilespmem:s12+$0x6210] =	vst v16;
	v16 =	vld [tilespmem:s12+$0x62B0];
	v0 =	vadd.f32 v27, v41  }
0x1d2: {  	v10 =	vld [tilespmem:s12+$0x83C0];
	v44 =	vadd.f32 v45, v63;
	v14 =	vmax.f32 v14, $0.0e+00;
	v13 =	vadd.f32 v31, v13  }
0x1d3: {  	v15 =	vld [tilespmem:s12+$0x62D0];
	v0 =	vmax.f32 v0, $0.0e+00;
	[tilespmem:s12+$0x6270] =	vst v14;
	v14 =	vadd.f32 v47, v23  }
0x1d4: {  	v43 =	vld [tilespmem:s12+$0x62E0];
	[tilespmem:s12+$0x6250] =	vst v0;
	v0 =	vadd.f32 v30, v44;
	v13 =	vmax.f32 v13, $0.0e+00  }
0x1d5: {  	v45 =	vld [tilespmem:s12+$0x62F0];
	v14 =	vadd.f32 v32, v14;
	[tilespmem:s12+$0x6290] =	vst v13;
	v13 =	vadd.f32 v49, v42  }
0x1d6: {  	v9 =	vld [tilespmem:s12+$0x83D0];
	v48 =	vadd.f32 v48, v16;
	v0 =	vmax.f32 v0, $0.0e+00  }
0x1d7: {  	v23 =	vld [tilespmem:s12+$0x6310];
	[tilespmem:s12+$0x6280] =	vst v0;
	v14 =	vmax.f32 v14, $0.0e+00;
	v13 =	vadd.f32 v34, v13  }
0x1d8: {  	v46 =	vld [tilespmem:s12+$0x6300];
	v0 =	vadd.f32 v33, v48;
	[tilespmem:s12+$0x62A0] =	vst v14;
	v14 =	vadd.f32 v50, v15  }
0x1d9: {  	v16 =	vld [tilespmem:s12+$0x6320];
	v50 =	vadd.f32 v51, v43;
	v13 =	vmax.f32 v13, $0.0e+00  }
0x1da: {  	v0 =	vmax.f32 v0, $0.0e+00;
	v15 =	vld [tilespmem:s12+$0x6340];
	v14 =	vadd.f32 v35, v14;
	[tilespmem:s12+$0x62C0] =	vst v13;
	v13 =	vadd.f32 v52, v45  }
0x1db: {  	v8 =	vld [tilespmem:s12+$0x83E0];
	[tilespmem:s12+$0x62B0] =	vst v0;
	v0 =	vadd.f32 v36, v50  }
0x1dc: {  	v49 =	vld [tilespmem:s12+$0x6330];
	v54 =	vadd.f32 v54, v23;
	v14 =	vmax.f32 v14, $0.0e+00;
	v13 =	vadd.f32 v21, v13  }
0x1dd: {  	v51 =	vld [tilespmem:s12+$0x6350];
	v0 =	vmax.f32 v0, $0.0e+00;
	[tilespmem:s12+$0x62D0] =	vst v14  }
0x1de: {  	v52 =	vld [tilespmem:s12+$0x6360];
	v14 =	vadd.f32 v53, v46;
	[tilespmem:s12+$0x62E0] =	vst v0;
	v0 =	vadd.f32 v19, v54;
	v13 =	vmax.f32 v13, $0.0e+00  }
0x1df: {  	v63 =	vadd.f32 v57, v15;
	v15 =	vld [tilespmem:$0x1FFA0];
	[tilespmem:s12+$0x62F0] =	vst v13;
	v13 =	vadd.f32 v55, v16  }
0x1e0: {  	v21 =	vld [tilespmem:s12+$0x6370];
	v14 =	vadd.f32 v20, v14  }
0x1e1: {  	v7 =	vld [tilespmem:s12+$0x83F0];
	v0 =	vmax.f32 v0, $0.0e+00;
	v13 =	vadd.f32 v18, v13  }
0x1e2: {  	v62 =	vld [tilespmem:s12+$0x6390];
	[tilespmem:s12+$0x6310] =	vst v0;
	v14 =	vmax.f32 v14, $0.0e+00  }
0x1e3: {  	v20 =	vld [tilespmem:s12+$0x6380];
	v19 =	vadd.f32 v59, v52;
	[tilespmem:s12+$0x6300] =	vst v14;
	v14 =	vadd.f32 v56, v49;
	v13 =	vmax.f32 v13, $0.0e+00  }
0x1e4: {  	v16 =	vld [tilespmem:s12+$0x63C0];
	v0 =	vadd.f32 v15, v63;
	[tilespmem:s12+$0x6320] =	vst v13;
	v13 =	vadd.f32 v58, v51  }
0x1e5: {  	v18 =	vld [tilespmem:s12+$0x63A0];
	v23 =	vadd.f32 v60, v21;
	v14 =	vadd.f32 v17, v14  }
0x1e6: {  	v15 =	vld [tilespmem:s12+$0x63D0];
	v0 =	vmax.f32 v0, $0.0e+00;
	v13 =	vadd.f32 v3, v13  }
0x1e7: {  	v21 =	vadd.f32 v2, v19;
	v17 =	vld [tilespmem:s12+$0x63B0];
	v19 =	vadd.f32 v1, v23;
	[tilespmem:s12+$0x6340] =	vst v0;
	v14 =	vmax.f32 v14, $0.0e+00  }
0x1e8: {  	s15 =	simm.s32 $0x800;
	[tilespmem:s12+$0x6330] =	vst v14;
	v14 =	vadd.f32 v61, v20;
	v20 =	vadd.f32 v22, v62;
	v23 =	vmax.f32 v13, $0.0e+00;
	v13 =	vld [tilespmem:s12+$0x63E0]  }
.LBB2_7:
0x1e9: {  	v1 =	vld [tilespmem:$0x1FF70]  }
0x1ea: {  	v39 =	vld [tilespmem:$0x1FF80]  }
0x1eb: {  	v41 =	vld [tilespmem:$0x1FF90]  }
0x1ec: {  	[tilespmem:s12+$0x6350] =	vst v23;
	v0 =	vmax.f32 v21, $0.0e+00;
	v6 =	vadd.f32 v6, v14;
	v12 =	vadd.f32 v12, v18;
	v14 =	vld [tilespmem:s12+$0x63F0]  }
0x1ed: {  	v28 =	vmax.f32 v19, $0.0e+00;
	[tilespmem:s12+$0x6360] =	vst v0;
	v5 =	vadd.f32 v5, v20;
	v11 =	vadd.f32 v11, v17;
	v17 =	vld [tilespmem:s12+$0xA3E0]  }
0x1ee: {  	s26 =	sshra.s32 s15, $0x2;
	[tilespmem:s12+$0x6370] =	vst v28;
	v29 =	vmax.f32 v6, $0.0e+00;
	v4 =	vadd.f32 v4, v12;
	v6 =	vadd.f32 v10, v16;
	v10 =	vld [tilespmem:s12+$0xA3F0]  }
0x1ef: {  	v32 =	vld [tilespmem:s26+$0xA200];
	v31 =	vmax.f32 v5, $0.0e+00;
	v3 =	vadd.f32 v1, v11;
	v5 =	vadd.f32 v9, v15;
	[tilespmem:s12+$0x6380] =	vst v29  }
0x1f0: {  	v34 =	vld [tilespmem:s26+$0xA210];
	[tilespmem:s12+$0x6390] =	vst v31;
	v35 =	vmax.f32 v4, $0.0e+00;
	v2 =	vadd.f32 v39, v6;
	v4 =	vadd.f32 v8, v13  }
0x1f1: {  	v40 =	vmax.f32 v3, $0.0e+00;
	v1 =	vadd.f32 v41, v5;
	v37 =	vld [tilespmem:s26+$0xA220];
	[tilespmem:s12+$0x63A0] =	vst v35;
	v3 =	vadd.f32 v7, v14  }
0x1f2: {  	v38 =	vld [tilespmem:s26+$0xA230];
	[tilespmem:s12+$0x63B0] =	vst v40;
	v42 =	vmax.f32 v2, $0.0e+00;
	v43 =	vadd.f32 v17, v4  }
0x1f3: {  	v44 =	vmax.f32 v1, $0.0e+00;
	v35 =	vld [tilespmem:s26+$0xA240];
	[tilespmem:s12+$0x63C0] =	vst v42;
	v45 =	vadd.f32 v10, v3  }
0x1f4: {  	v33 =	vld [tilespmem:s26+$0xA250];
	[tilespmem:s12+$0x63D0] =	vst v44;
	v46 =	vmax.f32 v43, $0.0e+00  }
0x1f5: {  	v31 =	vld [tilespmem:s26+$0xA260];
	[tilespmem:s12+$0x63E0] =	vst v46;
	v47 =	vmax.f32 v45, $0.0e+00  }
0x1f6: {  	v29 =	vld [tilespmem:s26+$0xA270];
	[tilespmem:s12+$0x63F0] =	vst v47;
	s12 =	smov.u32 s26  }
0x1f7: {  	v28 =	vld [tilespmem:s12+$0xA280]  }
0x1f8: {  	v27 =	vld [tilespmem:s12+$0xA290]  }
0x1f9: {  	v26 =	vld [tilespmem:s12+$0xA2A0]  }
0x1fa: {  	v25 =	vld [tilespmem:s12+$0xA2B0]  }
0x1fb: {  	v24 =	vld [tilespmem:s12+$0xA2C0]  }
0x1fc: {  	v23 =	vld [tilespmem:s12+$0xA2D0]  }
0x1fd: {  	v22 =	vld [tilespmem:s12+$0xA2E0]  }
0x1fe: {  	v21 =	vld [tilespmem:s12+$0xA2F0]  }
0x1ff: {  	v20 =	vld [tilespmem:s12+$0xA300]  }
0x200: {  	v19 =	vld [tilespmem:s12+$0xA310]  }
0x201: {  	v18 =	vld [tilespmem:s12+$0xA320]  }
0x202: {  	v17 =	vld [tilespmem:s12+$0xA330]  }
0x203: {  	v16 =	vld [tilespmem:s12+$0xA340]  }
0x204: {  	v15 =	vld [tilespmem:s12+$0xA350]  }
0x205: {  	v14 =	vld [tilespmem:s12+$0xA360]  }
0x206: {  	v13 =	vld [tilespmem:s12+$0xA370]  }
0x207: {  	v6 =	vld [tilespmem:s12+$0xA380]  }
0x208: {  	v5 =	vld [tilespmem:s12+$0xA390]  }
0x209: {  	v4 =	vld [tilespmem:s12+$0xA3A0]  }
0x20a: {  	v0 =	vld [tilespmem:s12+$0xA3B0]  }
0x20b: {  	v48 =	vld [tilespmem:s12+$0xA3C0]  }
0x20c: {  	v49 =	vld [tilespmem:s12+$0xA3D0]  }
0x20d: {  	v47 =	vld [tilespmem:s12+$0x8210]  }
0x20e: {  	v50 =	vld [tilespmem:s12+$0x8240]  }
0x20f: {  	v51 =	vld [tilespmem:s12+$0x8250]  }
0x210: {  	v52 =	vld [tilespmem:s12+$0x8260]  }
0x211: {  	v53 =	vld [tilespmem:s12+$0x8270]  }
0x212: {  	v54 =	vld [tilespmem:s12+$0x8280]  }
0x213: {  	v55 =	vld [tilespmem:s12+$0x8290]  }
0x214: {  	v56 =	vld [tilespmem:s12+$0x82A0]  }
0x215: {  	v57 =	vld [tilespmem:s12+$0x82B0]  }
0x216: {  	v58 =	vld [tilespmem:s12+$0x82C0]  }
0x217: {  	v59 =	vld [tilespmem:s12+$0x82D0]  }
0x218: {  	v60 =	vld [tilespmem:s12+$0x82E0]  }
0x219: {  	v61 =	vld [tilespmem:s12+$0x82F0]  }
0x21a: {  	v46 =	vld [tilespmem:s12+$0x8300]  }
0x21b: {  	v45 =	vld [tilespmem:s12+$0x8310]  }
0x21c: {  	v44 =	vld [tilespmem:s12+$0x8320]  }
0x21d: {  	v43 =	vld [tilespmem:s12+$0x8330]  }
0x21e: {  	v42 =	vld [tilespmem:s12+$0x8340]  }
0x21f: {  	v41 =	vld [tilespmem:s12+$0x8350]  }
0x220: {  	v40 =	vld [tilespmem:s12+$0x8360]  }
0x221: {  	v39 =	vld [tilespmem:s12+$0x8370]  }
0x222: {  	v36 =	vld [tilespmem:s12+$0x8380]  }
0x223: {  	v30 =	vld [tilespmem:s12+$0x8390]  }
0x224: {  	v12 =	vld [tilespmem:s12+$0x83A0]  }
0x225: {  	v11 =	vld [tilespmem:s12+$0x83B0]  }
0x226: {  	v10 =	vld [tilespmem:s12+$0x83C0]  }
0x227: {  	v9 =	vld [tilespmem:s12+$0x83D0]  }
0x228: {  	v8 =	vld [tilespmem:s12+$0x83E0]  }
0x229: {  	v62 =	vld [tilespmem:s12+$0x6200]  }
0x22a: {  	v63 =	vld [tilespmem:s12+$0x6210]  }
0x22b: {  	v1 =	vld [tilespmem:s12+$0x6220]  }
0x22c: {  	v2 =	vld [tilespmem:s12+$0x6230]  }
0x22d: {  	[tilespmem:$0x1FF70] =	vst v0;
	v0 =	vld [tilespmem:s12+$0x8200]  }
0x22e: {  	v3 =	vld [tilespmem:s12+$0x6240]  }
0x22f: {  	[tilespmem:$0x1FF80] =	vst v48;
	v48 =	vld [tilespmem:s12+$0x8220]  }
0x230: {  	[tilespmem:$0x1FF90] =	vst v49;
	v49 =	vld [tilespmem:s12+$0x8230]  }
0x231: {  	v47 =	vadd.f32 v47, v63;
	v63 =	vld [tilespmem:s12+$0x6260]  }
0x232: {  	v0 =	vadd.f32 v0, v62;
	v62 =	vld [tilespmem:s12+$0x6250]  }
0x233: {  	v7 =	vld [tilespmem:s12+$0x83F0];
	v3 =	vadd.f32 v50, v3;
	v34 =	vadd.f32 v34, v47  }
0x234: {  	v1 =	vadd.f32 v48, v1;
	v0 =	vadd.f32 v32, v0;
	v32 =	vld [tilespmem:s12+$0x6270]  }
0x235: {  	v47 =	vld [tilespmem:s12+$0x6280];
	v2 =	vadd.f32 v49, v2;
	v49 =	vadd.f32 v35, v3  }
0x236: {  	v50 =	vmax.f32 v34, $0.0e+00;
	v3 =	vadd.f32 v52, v63;
	v1 =	vadd.f32 v37, v1;
	v37 =	vld [tilespmem:s12+$0x6290]  }
0x237: {  	[tilespmem:s12+$0x6210] =	vst v50;
	v2 =	vadd.f32 v38, v2;
	v38 =	vld [tilespmem:s12+$0x62A0];
	v52 =	vmax.f32 v49, $0.0e+00;
	v62 =	vadd.f32 v51, v62  }
0x238: {  	v35 =	vld [tilespmem:s12+$0x62B0];
	[tilespmem:s12+$0x6240] =	vst v52;
	v0 =	vmax.f32 v0, $0.0e+00  }
0x239: {  	v48 =	vmax.f32 v1, $0.0e+00;
	[tilespmem:s12+$0x6200] =	vst v0;
	v51 =	vadd.f32 v33, v62;
	v32 =	vadd.f32 v53, v32;
	v33 =	vld [tilespmem:s12+$0x62C0]  }
0x23a: {  	v50 =	vmax.f32 v2, $0.0e+00;
	[tilespmem:s12+$0x6220] =	vst v48;
	v53 =	vadd.f32 v31, v3;
	v3 =	vadd.f32 v54, v47;
	v31 =	vld [tilespmem:s12+$0x62D0]  }
0x23b: {  	[tilespmem:s12+$0x6230] =	vst v50;
	v63 =	vadd.f32 v55, v37;
	v37 =	vld [tilespmem:s12+$0x62E0];
	v54 =	vmax.f32 v51, $0.0e+00;
	v62 =	vadd.f32 v29, v32  }
0x23c: {  	v49 =	vld [tilespmem:s12+$0x62F0];
	v47 =	vmax.f32 v53, $0.0e+00;
	v48 =	vadd.f32 v28, v3;
	v3 =	vadd.f32 v56, v38;
	[tilespmem:s12+$0x6250] =	vst v54  }
0x23d: {  	v52 =	vadd.f32 v57, v35;
	v51 =	vadd.f32 v27, v63;
	v53 =	vld [tilespmem:s12+$0x6300];
	[tilespmem:s12+$0x6260] =	vst v47;
	v50 =	vmax.f32 v62, $0.0e+00  }
0x23e: {  	v56 =	vld [tilespmem:s12+$0x6310];
	v54 =	vmax.f32 v48, $0.0e+00;
	v55 =	vadd.f32 v26, v3;
	[tilespmem:s12+$0x6270] =	vst v50;
	v3 =	vadd.f32 v58, v33  }
0x23f: {  	v57 =	vmax.f32 v51, $0.0e+00;
	v62 =	vld [tilespmem:s12+$0x6320];
	[tilespmem:s12+$0x6280] =	vst v54;
	v58 =	vadd.f32 v25, v52;
	v59 =	vadd.f32 v59, v31  }
0x240: {  	v32 =	vld [tilespmem:s12+$0x6330];
	[tilespmem:s12+$0x6290] =	vst v57;
	v63 =	vmax.f32 v55, $0.0e+00;
	v31 =	vadd.f32 v24, v3;
	v3 =	vadd.f32 v60, v37  }
0x241: {  	v35 =	vld [tilespmem:s12+$0x6340];
	[tilespmem:s12+$0x62A0] =	vst v63;
	v33 =	vmax.f32 v58, $0.0e+00;
	v34 =	vadd.f32 v23, v59;
	v23 =	vadd.f32 v61, v49  }
0x242: {  	[tilespmem:s12+$0x62B0] =	vst v33;
	v37 =	vmax.f32 v31, $0.0e+00;
	v38 =	vadd.f32 v22, v3;
	v3 =	vadd.f32 v46, v53;
	v22 =	vld [tilespmem:s12+$0x6350]  }
0x243: {  	v47 =	vmax.f32 v34, $0.0e+00;
	v48 =	vadd.f32 v21, v23;
	v21 =	vadd.f32 v45, v56;
	v23 =	vld [tilespmem:s12+$0x6360];
	[tilespmem:s12+$0x62C0] =	vst v37  }
0x244: {  	[tilespmem:s12+$0x62D0] =	vst v47;
	v49 =	vmax.f32 v38, $0.0e+00;
	v50 =	vadd.f32 v20, v3;
	v3 =	vadd.f32 v44, v62;
	v20 =	vld [tilespmem:s12+$0x6370]  }
0x245: {  	v56 =	vld [tilespmem:s12+$0x6390];
	v51 =	vmax.f32 v48, $0.0e+00;
	v52 =	vadd.f32 v19, v21;
	v19 =	vadd.f32 v43, v32;
	[tilespmem:s12+$0x62E0] =	vst v49  }
0x246: {  	p1 =	sne.s32 s15, $0x7800;
	v53 =	vld [tilespmem:s12+$0x6380];
	[tilespmem:s12+$0x62F0] =	vst v51;
	v54 =	vmax.f32 v50, $0.0e+00;
	v55 =	vadd.f32 v18, v3;
	v3 =	vadd.f32 v42, v35  }
.Ltmp2:
0x247: {  	v57 =	vmax.f32 v52, $0.0e+00;
	v58 =	vadd.f32 v17, v19;
	v18 =	vld [tilespmem:s12+$0x63A0];
	[tilespmem:s12+$0x6300] =	vst v54;
	v19 =	vadd.f32 v41, v22;
	(pc) =	sbr.rel @p1 .LBB2_7-.Ltmp2, $4  }
0x248: {  	v17 =	vld [tilespmem:s12+$0x63B0];
	[tilespmem:s12+$0x6310] =	vst v57;
	v59 =	vmax.f32 v55, $0.0e+00;
	v60 =	vadd.f32 v16, v3;
	v3 =	vadd.f32 v40, v23  }
0x249: {  	v61 =	vmax.f32 v58, $0.0e+00;
	v16 =	vld [tilespmem:s12+$0x63C0];
	[tilespmem:s12+$0x6320] =	vst v59;
	v62 =	vadd.f32 v15, v19;
	v19 =	vadd.f32 v39, v20  }
0x24a: {  	[tilespmem:s12+$0x6330] =	vst v61;
	v15 =	vld [tilespmem:s12+$0x63D0];
	v20 =	vadd.f32 v30, v56;
	v63 =	vmax.f32 v60, $0.0e+00;
	v21 =	vadd.f32 v14, v3  }
0x24b: {  	s15 =	sadd.s32 $0x800, s15;
	v14 =	vadd.f32 v36, v53;
	[tilespmem:s12+$0x6340] =	vst v63;
	v23 =	vmax.f32 v62, $0.0e+00;
	v19 =	vadd.f32 v13, v19;
	v13 =	vld [tilespmem:s12+$0x63E0]  }
0x24c: {  	v1 =	vld [tilespmem:s12+$0x63F0]  }
0x24d: {  	v53 =	vld [tilespmem:$0x1FF70]  }
0x24e: {  	v55 =	vld [tilespmem:$0x1FF80]  }
0x24f: {  	[tilespmem:s12+$0x6350] =	vst v23;
	v0 =	vmax.f32 v21, $0.0e+00;
	v2 =	vadd.f32 v12, v18;
	v49 =	vld [tilespmem:s12+$0xA3E0];
	v5 =	vadd.f32 v5, v20  }
0x250: {  	v58 =	vld [tilespmem:$0x1FF90];
	[tilespmem:s12+$0x6360] =	vst v0;
	v48 =	vadd.f32 v6, v14;
	v3 =	vmax.f32 v19, $0.0e+00;
	v11 =	vadd.f32 v11, v17  }
0x251: {  	v51 =	vld [tilespmem:s12+$0xA3F0];
	[tilespmem:s12+$0x6370] =	vst v3;
	v2 =	vadd.f32 v4, v2;
	v50 =	vadd.f32 v10, v16;
	v52 =	vmax.f32 v5, $0.0e+00  }
0x252: {  	v0 =	vmax.f32 v48, $0.0e+00;
	[tilespmem:s12+$0x6390] =	vst v52;
	v56 =	vadd.f32 v8, v13;
	v5 =	vadd.f32 v53, v11  }
0x253: {  	v9 =	vadd.f32 v9, v15;
	[tilespmem:s12+$0x6380] =	vst v0;
	v54 =	vmax.f32 v2, $0.0e+00;
	v2 =	vadd.f32 v55, v50  }
0x254: {  	[tilespmem:s12+$0x63A0] =	vst v54;
	v1 =	vadd.f32 v7, v1;
	v60 =	vadd.f32 v49, v56;
	v57 =	vmax.f32 v5, $0.0e+00  }
0x255: {  	v5 =	vadd.f32 v58, v9;
	v59 =	vmax.f32 v2, $0.0e+00;
	[tilespmem:s12+$0x63B0] =	vst v57  }
0x256: {  	s5 =	sadd.s32 $0x1, s5;
	v1 =	vadd.f32 v51, v1;
	[tilespmem:s12+$0x63C0] =	vst v59;
	v62 =	vmax.f32 v60, $0.0e+00  }
0x257: {  	p1 =	sne.s32 s5, $0x4E;
	v61 =	vmax.f32 v5, $0.0e+00;
	[tilespmem:s12+$0x63E0] =	vst v62  }
.Ltmp3:
0x258: {  	v63 =	vmax.f32 v1, $0.0e+00;
	[tilespmem:s12+$0x63D0] =	vst v61;
	(pc) =	sbr.rel @p1 .LBB2_4-.Ltmp3, $4  }
0x259: {  	s11 =	sadd.s32 s1, s11;
	[tilespmem:s12+$0x63F0] =	vst v63  }
0x25a: {  	[hbm4b:s11+s3] =	stream.linear.scatter [tilespmem:s25], [sflag:$0x9], $0x2000, $0x38;
	[tilespmem:$0x1FB80] =	vst v63  }
0x25b: {  	_ = 	snop  }
0x25c: {  	[spmem:s2] =	stream.indirect.scatter.add.f32 [tilespmem:s25], [sflag:$0xA], $0x80, s20, s17, $0xb8;
	[tilespmem:$0x1FB80] =	vst v63  }
0x25d: {  	s0 =	simm.s32 $0x9  }
0x25e: {  	_ =	swait.ge [sflag:s0], $0x2000  }
0x25f: {  	[sflag:s0] =	ssyncset.done $0x0  }
0x260: {  	s11 =	simm.s32 $0xA;
	[sflag:s0] =	ssyncadd.s32 $0xFFFFE000  }
0x261: {  	_ =	swait.ge [sflag:s11], $0x2000  }
0x262: {  	s0 =	simm.s32 $0x0;
	[sflag:s11] =	ssyncset.done $0x0  }
0x263: {  	s5 =	rddreg [dreg:$0xb];
	[sflag:s11] =	ssyncadd.s32 $0xFFFFE000;
	s11 =	simm.s32 $0xC200  }
0x264: {  	[tilespmem:s11], [sflag:$0xD] =	stream.linear.gather [hbm4b:s5+s0], $0x10, $0x38;
	[tilespmem:$0x1FB80] =	vst v63  }
0x265: {  	_ =	swait.ge [sflag:s13], $0x10  }
0x266: {  	[sflag:s13] =	ssyncset.done $0x0  }
0x267: {  	s26 =	simm.s32 $0xC280;
	s12 =	rddreg [dreg:$0xc];
	[sflag:s13] =	ssyncadd.s32 $0xFFFFFFF0  }
0x268: {  	[tilespmem:s26], [sflag:$0xD] =	stream.linear.gather [hbm4b:s12+s0], $0x10, $0x38;
	[tilespmem:$0x1FB80] =	vst v63  }
0x269: {  	_ =	swait.ge [sflag:s13], $0x10  }
0x26a: {  	[sflag:s13] =	ssyncset.done $0x0  }
0x26b: {  	s15 =	rddreg [dreg:$0xe];
	[sflag:s13] =	ssyncadd.s32 $0xFFFFFFF0  }
0x26c: {  	[tilespmem:s16], [sflag:$0xD] =	stream.linear.gather [hbm4b:s15+s0], $0x800, $0x38;
	[tilespmem:$0x1FB80] =	vst v63  }
0x26d: {  	_ =	swait.ge [sflag:s13], $0x800  }
0x26e: {  	[sflag:s13] =	ssyncset.done $0x0  }
0x26f: {  	s5 =	simm.s32 $0x10;
	s15 =	simm.s32 $0x2100;
	[sflag:s13] =	ssyncadd.s32 $0xFFFFF800  }
0x270: {  	[tilespmem:s15], [sflag:$0x2] =	stream.indirect.gather [hbm4b:s6+s5], $0x80, s11, s5, $0xb8;
	[tilespmem:$0x1FB80] =	vst v63  }
0x271: {  	_ =	swait.ge [sflag:s22], $0x800  }
0x272: {  	[sflag:s22] =	ssyncset.done $0x0  }
0x273: {  	s31 =	simm.s32 $0x4100;
	[sflag:s22] =	ssyncadd.s32 $0xFFFFF800  }
0x274: {  	[tilespmem:s31], [sflag:$0x3] =	stream.indirect.gather [hbm4b:s7+s5], $0x80, s26, s5, $0xb8;
	[tilespmem:$0x1FB80] =	vst v63  }
0x275: {  	_ =	swait.ge [sflag:s23], $0x800  }
0x276: {  	[sflag:s23] =	ssyncset.done $0x0  }
0x277: {  	s0 =	simm.s32 $0x0;
	[sflag:s23] =	ssyncadd.s32 $0xFFFFF800  }
0x278: {  	v16 =	vld [tilespmem:s0+$0x4100]  }
0x279: {  	v23 =	vld [tilespmem:s0+$0x4110]  }
0x27a: {  	v24 =	vld [tilespmem:s0+$0x4120]  }
0x27b: {  	v25 =	vld [tilespmem:s0+$0x4130]  }
0x27c: {  	v26 =	vld [tilespmem:s0+$0x4140]  }
0x27d: {  	v27 =	vld [tilespmem:s0+$0x4150]  }
0x27e: {  	v28 =	vld [tilespmem:s0+$0x4160]  }
0x27f: {  	v29 =	vld [tilespmem:s0+$0x4170]  }
0x280: {  	v30 =	vld [tilespmem:s0+$0x4180]  }
0x281: {  	v31 =	vld [tilespmem:s0+$0x4190]  }
0x282: {  	v32 =	vld [tilespmem:s0+$0x41A0]  }
0x283: {  	v33 =	vld [tilespmem:s0+$0x41B0]  }
0x284: {  	v34 =	vld [tilespmem:s0+$0x41C0]  }
0x285: {  	v35 =	vld [tilespmem:s0+$0x41D0]  }
0x286: {  	v36 =	vld [tilespmem:s0+$0x41E0]  }
0x287: {  	v21 =	vld [tilespmem:s0+$0x41F0]  }
0x288: {  	v20 =	vld [tilespmem:s0+$0x4200]  }
0x289: {  	v19 =	vld [tilespmem:s0+$0x4210]  }
0x28a: {  	v18 =	vld [tilespmem:s0+$0x4220]  }
0x28b: {  	v17 =	vld [tilespmem:s0+$0x4230]  }
0x28c: {  	v0 =	vld [tilespmem:s0+$0x4240]  }
0x28d: {  	v3 =	vld [tilespmem:s0+$0x4250]  }
0x28e: {  	v2 =	vld [tilespmem:s0+$0x4260]  }
0x28f: {  	v1 =	vld [tilespmem:s0+$0x4270]  }
0x290: {  	v6 =	vld [tilespmem:s0+$0x4280]  }
0x291: {  	v5 =	vld [tilespmem:s0+$0x4290]  }
0x292: {  	v4 =	vld [tilespmem:s0+$0x42A0]  }
0x293: {  	v38 =	vld [tilespmem:s0+$0x42B0]  }
0x294: {  	v39 =	vld [tilespmem:s0+$0x42C0]  }
0x295: {  	v40 =	vld [tilespmem:s0+$0x42D0]  }
0x296: {  	v37 =	vld [tilespmem:s0+$0x2100]  }
0x297: {  	v41 =	vld [tilespmem:s0+$0x2140]  }
0x298: {  	v42 =	vld [tilespmem:s0+$0x2150]  }
0x299: {  	v43 =	vld [tilespmem:s0+$0x2160]  }
0x29a: {  	v44 =	vld [tilespmem:s0+$0x2170]  }
0x29b: {  	v45 =	vld [tilespmem:s0+$0x2180]  }
0x29c: {  	v46 =	vld [tilespmem:s0+$0x2190]  }
0x29d: {  	v47 =	vld [tilespmem:s0+$0x21A0]  }
0x29e: {  	v48 =	vld [tilespmem:s0+$0x21B0]  }
0x29f: {  	v49 =	vld [tilespmem:s0+$0x21C0]  }
0x2a0: {  	v50 =	vld [tilespmem:s0+$0x21D0]  }
0x2a1: {  	v51 =	vld [tilespmem:s0+$0x21E0]  }
0x2a2: {  	v52 =	vld [tilespmem:s0+$0x21F0]  }
0x2a3: {  	v53 =	vld [tilespmem:s0+$0x2200]  }
0x2a4: {  	v54 =	vld [tilespmem:s0+$0x2210]  }
0x2a5: {  	v55 =	vld [tilespmem:s0+$0x2220]  }
0x2a6: {  	v56 =	vld [tilespmem:s0+$0x2230]  }
0x2a7: {  	v57 =	vld [tilespmem:s0+$0x2240]  }
0x2a8: {  	v58 =	vld [tilespmem:s0+$0x2250]  }
0x2a9: {  	v59 =	vld [tilespmem:s0+$0x2260]  }
0x2aa: {  	v60 =	vld [tilespmem:s0+$0x2270]  }
0x2ab: {  	v61 =	vld [tilespmem:s0+$0x2280]  }
0x2ac: {  	v62 =	vld [tilespmem:s0+$0x100]  }
0x2ad: {  	v13 =	vld [tilespmem:s0+$0x130]  }
0x2ae: {  	[tilespmem:$0x1FF50] =	vst v40;
	v40 =	vld [tilespmem:s0+$0x2130]  }
0x2af: {  	v63 =	vld [tilespmem:s0+$0x110]  }
0x2b0: {  	v14 =	vld [tilespmem:s0+$0x140]  }
0x2b1: {  	[tilespmem:$0x1FF30] =	vst v38;
	v38 =	vld [tilespmem:s0+$0x2110]  }
0x2b2: {  	v22 =	vld [tilespmem:s0+$0x2290]  }
0x2b3: {  	v15 =	vld [tilespmem:s0+$0x160];
	v13 =	vadd.f32 v40, v13  }
0x2b4: {  	[tilespmem:$0x1FF40] =	vst v39;
	v39 =	vld [tilespmem:s0+$0x2120];
	v37 =	vadd.f32 v37, v62  }
0x2b5: {  	[tilespmem:$0x1FF60] =	vst v0;
	v0 =	vld [tilespmem:s0+$0x120];
	v14 =	vadd.f32 v41, v14;
	v13 =	vadd.f32 v25, v13  }
0x2b6: {  	v16 =	vadd.f32 v16, v37;
	v37 =	vld [tilespmem:s0+$0x170];
	v38 =	vadd.f32 v38, v63  }
0x2b7: {  	v62 =	vld [tilespmem:s0+$0x150];
	v14 =	vadd.f32 v26, v14;
	v13 =	vmax.f32 v13, $0.0e+00  }
0x2b8: {  	v23 =	vadd.f32 v23, v38;
	v38 =	vld [tilespmem:s0+$0x190];
	[tilespmem:s0+$0x130] =	vst v13;
	v13 =	vadd.f32 v43, v15  }
0x2b9: {  	v12 =	vld [tilespmem:s0+$0x22A0];
	v16 =	vmax.f32 v16, $0.0e+00  }
0x2ba: {  	v11 =	vld [tilespmem:s0+$0x22B0];
	v14 =	vmax.f32 v14, $0.0e+00;
	v0 =	vadd.f32 v39, v0;
	[tilespmem:s0+$0x100] =	vst v16;
	v13 =	vadd.f32 v28, v13  }
0x2bb: {  	[tilespmem:s0+$0x140] =	vst v14;
	v14 =	vadd.f32 v44, v37;
	v16 =	vmax.f32 v23, $0.0e+00;
	v23 =	vld [tilespmem:s0+$0x1A0]  }
0x2bc: {  	v63 =	vld [tilespmem:s0+$0x180];
	v41 =	vadd.f32 v42, v62;
	v0 =	vadd.f32 v24, v0;
	v13 =	vmax.f32 v13, $0.0e+00  }
0x2bd: {  	v42 =	vld [tilespmem:s0+$0x1C0];
	v14 =	vadd.f32 v29, v14;
	[tilespmem:s0+$0x160] =	vst v13;
	v13 =	vadd.f32 v46, v38  }
0x2be: {  	v10 =	vld [tilespmem:s0+$0x22C0];
	v0 =	vmax.f32 v0, $0.0e+00;
	[tilespmem:s0+$0x110] =	vst v16  }
0x2bf: {  	v16 =	vld [tilespmem:s0+$0x1B0];
	[tilespmem:s0+$0x120] =	vst v0;
	v14 =	vmax.f32 v14, $0.0e+00;
	v13 =	vadd.f32 v31, v13  }
0x2c0: {  	v0 =	vadd.f32 v27, v41;
	v15 =	vld [tilespmem:s0+$0x1D0];
	[tilespmem:s0+$0x170] =	vst v14;
	v14 =	vadd.f32 v47, v23  }
0x2c1: {  	v9 =	vld [tilespmem:s0+$0x22D0];
	v44 =	vadd.f32 v45, v63;
	v13 =	vmax.f32 v13, $0.0e+00  }
0x2c2: {  	v45 =	vld [tilespmem:s0+$0x1F0];
	v0 =	vmax.f32 v0, $0.0e+00;
	v14 =	vadd.f32 v32, v14;
	[tilespmem:s0+$0x190] =	vst v13;
	v13 =	vadd.f32 v49, v42  }
0x2c3: {  	v43 =	vld [tilespmem:s0+$0x1E0];
	[tilespmem:s0+$0x150] =	vst v0;
	v0 =	vadd.f32 v30, v44  }
0x2c4: {  	v23 =	vld [tilespmem:s0+$0x210];
	v48 =	vadd.f32 v48, v16;
	v14 =	vmax.f32 v14, $0.0e+00;
	v13 =	vadd.f32 v34, v13  }
0x2c5: {  	v46 =	vld [tilespmem:s0+$0x200];
	v0 =	vmax.f32 v0, $0.0e+00;
	[tilespmem:s0+$0x1A0] =	vst v14;
	v14 =	vadd.f32 v50, v15  }
0x2c6: {  	[tilespmem:s0+$0x180] =	vst v0;
	v0 =	vadd.f32 v33, v48;
	v15 =	vld [tilespmem:s0+$0x240];
	v13 =	vmax.f32 v13, $0.0e+00  }
0x2c7: {  	v16 =	vld [tilespmem:s0+$0x220];
	v14 =	vadd.f32 v35, v14;
	[tilespmem:s0+$0x1C0] =	vst v13;
	v13 =	vadd.f32 v52, v45  }
0x2c8: {  	v8 =	vld [tilespmem:s0+$0x22E0];
	v0 =	vmax.f32 v0, $0.0e+00;
	v50 =	vadd.f32 v51, v43  }
0x2c9: {  	v7 =	vld [tilespmem:s0+$0x22F0];
	[tilespmem:s0+$0x1B0] =	vst v0;
	v14 =	vmax.f32 v14, $0.0e+00;
	v13 =	vadd.f32 v21, v13  }
0x2ca: {  	v49 =	vld [tilespmem:s0+$0x230];
	v0 =	vadd.f32 v36, v50;
	[tilespmem:s0+$0x1D0] =	vst v14;
	v14 =	vadd.f32 v53, v46  }
0x2cb: {  	v54 =	vadd.f32 v54, v23;
	v63 =	vadd.f32 v57, v15;
	v15 =	vld [tilespmem:$0x1FF60];
	v13 =	vmax.f32 v13, $0.0e+00  }
0x2cc: {  	v51 =	vld [tilespmem:s0+$0x250];
	v0 =	vmax.f32 v0, $0.0e+00;
	v14 =	vadd.f32 v20, v14;
	[tilespmem:s0+$0x1F0] =	vst v13;
	v13 =	vadd.f32 v55, v16  }
0x2cd: {  	[tilespmem:s0+$0x1E0] =	vst v0;
	v0 =	vadd.f32 v19, v54;
	v52 =	vld [tilespmem:s0+$0x260]  }
0x2ce: {  	v21 =	vld [tilespmem:s0+$0x270];
	v14 =	vmax.f32 v14, $0.0e+00;
	v13 =	vadd.f32 v18, v13  }
0x2cf: {  	v20 =	vld [tilespmem:s0+$0x280];
	v0 =	vmax.f32 v0, $0.0e+00;
	[tilespmem:s0+$0x200] =	vst v14;
	v14 =	vadd.f32 v56, v49  }
0x2d0: {  	v62 =	vld [tilespmem:s0+$0x290];
	[tilespmem:s0+$0x210] =	vst v0;
	v0 =	vadd.f32 v15, v63;
	v13 =	vmax.f32 v13, $0.0e+00  }
0x2d1: {  	v15 =	vld [tilespmem:s0+$0x2D0];
	v14 =	vadd.f32 v17, v14;
	[tilespmem:s0+$0x220] =	vst v13;
	v13 =	vadd.f32 v58, v51  }
0x2d2: {  	v16 =	vld [tilespmem:s0+$0x2C0];
	v19 =	vadd.f32 v59, v52  }
0x2d3: {  	v17 =	vld [tilespmem:s0+$0x2B0];
	v23 =	vadd.f32 v60, v21;
	v14 =	vmax.f32 v14, $0.0e+00;
	v13 =	vadd.f32 v3, v13  }
0x2d4: {  	v0 =	vmax.f32 v0, $0.0e+00;
	v18 =	vld [tilespmem:s0+$0x2A0];
	v21 =	vadd.f32 v2, v19;
	[tilespmem:s0+$0x230] =	vst v14;
	v14 =	vadd.f32 v61, v20  }
0x2d5: {  	s12 =	simm.s32 $0x10;
	s5 =	simm.s32 $0x800;
	[tilespmem:s0+$0x240] =	vst v0;
	v19 =	vadd.f32 v1, v23;
	v20 =	vadd.f32 v22, v62;
	v23 =	vmax.f32 v13, $0.0e+00;
	v13 =	vld [tilespmem:s0+$0x2E0]  }
.LBB2_10:
0x2d6: {  	v1 =	vld [tilespmem:$0x1FF30]  }
0x2d7: {  	v39 =	vld [tilespmem:$0x1FF40]  }
0x2d8: {  	v41 =	vld [tilespmem:$0x1FF50]  }
0x2d9: {  	[tilespmem:s0+$0x250] =	vst v23;
	v0 =	vmax.f32 v21, $0.0e+00;
	v6 =	vadd.f32 v6, v14;
	v12 =	vadd.f32 v12, v18;
	v14 =	vld [tilespmem:s0+$0x2F0]  }
0x2da: {  	v28 =	vmax.f32 v19, $0.0e+00;
	[tilespmem:s0+$0x260] =	vst v0;
	v5 =	vadd.f32 v5, v20;
	v11 =	vadd.f32 v11, v17;
	v17 =	vld [tilespmem:s0+$0x42E0]  }
0x2db: {  	s11 =	sshra.s32 s5, $0x2;
	[tilespmem:s0+$0x270] =	vst v28;
	v29 =	vmax.f32 v6, $0.0e+00;
	v4 =	vadd.f32 v4, v12;
	v6 =	vadd.f32 v10, v16;
	v10 =	vld [tilespmem:s0+$0x42F0]  }
0x2dc: {  	v32 =	vld [tilespmem:s11+$0x4100];
	v31 =	vmax.f32 v5, $0.0e+00;
	v3 =	vadd.f32 v1, v11;
	v5 =	vadd.f32 v9, v15;
	[tilespmem:s0+$0x280] =	vst v29  }
0x2dd: {  	v34 =	vld [tilespmem:s11+$0x4110];
	[tilespmem:s0+$0x290] =	vst v31;
	v35 =	vmax.f32 v4, $0.0e+00;
	v2 =	vadd.f32 v39, v6;
	v4 =	vadd.f32 v8, v13  }
0x2de: {  	v40 =	vmax.f32 v3, $0.0e+00;
	v1 =	vadd.f32 v41, v5;
	v37 =	vld [tilespmem:s11+$0x4120];
	[tilespmem:s0+$0x2A0] =	vst v35;
	v3 =	vadd.f32 v7, v14  }
0x2df: {  	v38 =	vld [tilespmem:s11+$0x4130];
	[tilespmem:s0+$0x2B0] =	vst v40;
	v42 =	vmax.f32 v2, $0.0e+00;
	v43 =	vadd.f32 v17, v4  }
0x2e0: {  	v44 =	vmax.f32 v1, $0.0e+00;
	v35 =	vld [tilespmem:s11+$0x4140];
	[tilespmem:s0+$0x2C0] =	vst v42;
	v45 =	vadd.f32 v10, v3  }
0x2e1: {  	v33 =	vld [tilespmem:s11+$0x4150];
	[tilespmem:s0+$0x2D0] =	vst v44;
	v46 =	vmax.f32 v43, $0.0e+00  }
0x2e2: {  	v31 =	vld [tilespmem:s11+$0x4160];
	[tilespmem:s0+$0x2E0] =	vst v46;
	v47 =	vmax.f32 v45, $0.0e+00  }
0x2e3: {  	v29 =	vld [tilespmem:s11+$0x4170];
	[tilespmem:s0+$0x2F0] =	vst v47;
	s0 =	smov.u32 s11  }
0x2e4: {  	v28 =	vld [tilespmem:s0+$0x4180]  }
0x2e5: {  	v27 =	vld [tilespmem:s0+$0x4190]  }
0x2e6: {  	v26 =	vld [tilespmem:s0+$0x41A0]  }
0x2e7: {  	v25 =	vld [tilespmem:s0+$0x41B0]  }
0x2e8: {  	v24 =	vld [tilespmem:s0+$0x41C0]  }
0x2e9: {  	v23 =	vld [tilespmem:s0+$0x41D0]  }
0x2ea: {  	v22 =	vld [tilespmem:s0+$0x41E0]  }
0x2eb: {  	v21 =	vld [tilespmem:s0+$0x41F0]  }
0x2ec: {  	v20 =	vld [tilespmem:s0+$0x4200]  }
0x2ed: {  	v19 =	vld [tilespmem:s0+$0x4210]  }
0x2ee: {  	v18 =	vld [tilespmem:s0+$0x4220]  }
0x2ef: {  	v17 =	vld [tilespmem:s0+$0x4230]  }
0x2f0: {  	v16 =	vld [tilespmem:s0+$0x4240]  }
0x2f1: {  	v15 =	vld [tilespmem:s0+$0x4250]  }
0x2f2: {  	v14 =	vld [tilespmem:s0+$0x4260]  }
0x2f3: {  	v13 =	vld [tilespmem:s0+$0x4270]  }
0x2f4: {  	v6 =	vld [tilespmem:s0+$0x4280]  }
0x2f5: {  	v5 =	vld [tilespmem:s0+$0x4290]  }
0x2f6: {  	v4 =	vld [tilespmem:s0+$0x42A0]  }
0x2f7: {  	v0 =	vld [tilespmem:s0+$0x42B0]  }
0x2f8: {  	v48 =	vld [tilespmem:s0+$0x42C0]  }
0x2f9: {  	v49 =	vld [tilespmem:s0+$0x42D0]  }
0x2fa: {  	v47 =	vld [tilespmem:s0+$0x2110]  }
0x2fb: {  	v50 =	vld [tilespmem:s0+$0x2140]  }
0x2fc: {  	v51 =	vld [tilespmem:s0+$0x2150]  }
0x2fd: {  	v52 =	vld [tilespmem:s0+$0x2160]  }
0x2fe: {  	v53 =	vld [tilespmem:s0+$0x2170]  }
0x2ff: {  	v54 =	vld [tilespmem:s0+$0x2180]  }
0x300: {  	v55 =	vld [tilespmem:s0+$0x2190]  }
0x301: {  	v56 =	vld [tilespmem:s0+$0x21A0]  }
0x302: {  	v57 =	vld [tilespmem:s0+$0x21B0]  }
0x303: {  	v58 =	vld [tilespmem:s0+$0x21C0]  }
0x304: {  	v59 =	vld [tilespmem:s0+$0x21D0]  }
0x305: {  	v60 =	vld [tilespmem:s0+$0x21E0]  }
0x306: {  	v61 =	vld [tilespmem:s0+$0x21F0]  }
0x307: {  	v46 =	vld [tilespmem:s0+$0x2200]  }
0x308: {  	v45 =	vld [tilespmem:s0+$0x2210]  }
0x309: {  	v44 =	vld [tilespmem:s0+$0x2220]  }
0x30a: {  	v43 =	vld [tilespmem:s0+$0x2230]  }
0x30b: {  	v42 =	vld [tilespmem:s0+$0x2240]  }
0x30c: {  	v41 =	vld [tilespmem:s0+$0x2250]  }
0x30d: {  	v40 =	vld [tilespmem:s0+$0x2260]  }
0x30e: {  	v39 =	vld [tilespmem:s0+$0x2270]  }
0x30f: {  	v36 =	vld [tilespmem:s0+$0x2280]  }
0x310: {  	v30 =	vld [tilespmem:s0+$0x2290]  }
0x311: {  	v12 =	vld [tilespmem:s0+$0x22A0]  }
0x312: {  	v11 =	vld [tilespmem:s0+$0x22B0]  }
0x313: {  	v10 =	vld [tilespmem:s0+$0x22C0]  }
0x314: {  	v9 =	vld [tilespmem:s0+$0x22D0]  }
0x315: {  	v8 =	vld [tilespmem:s0+$0x22E0]  }
0x316: {  	v62 =	vld [tilespmem:s0+$0x100]  }
0x317: {  	v63 =	vld [tilespmem:s0+$0x110]  }
0x318: {  	v1 =	vld [tilespmem:s0+$0x120]  }
0x319: {  	v2 =	vld [tilespmem:s0+$0x130]  }
0x31a: {  	[tilespmem:$0x1FF30] =	vst v0;
	v0 =	vld [tilespmem:s0+$0x2100]  }
0x31b: {  	v3 =	vld [tilespmem:s0+$0x140]  }
0x31c: {  	[tilespmem:$0x1FF40] =	vst v48;
	v48 =	vld [tilespmem:s0+$0x2120]  }
0x31d: {  	[tilespmem:$0x1FF50] =	vst v49;
	v49 =	vld [tilespmem:s0+$0x2130]  }
0x31e: {  	v47 =	vadd.f32 v47, v63;
	v63 =	vld [tilespmem:s0+$0x160]  }
0x31f: {  	v0 =	vadd.f32 v0, v62;
	v62 =	vld [tilespmem:s0+$0x150]  }
0x320: {  	v7 =	vld [tilespmem:s0+$0x22F0];
	v3 =	vadd.f32 v50, v3;
	v34 =	vadd.f32 v34, v47  }
0x321: {  	v1 =	vadd.f32 v48, v1;
	v0 =	vadd.f32 v32, v0;
	v32 =	vld [tilespmem:s0+$0x170]  }
0x322: {  	v47 =	vld [tilespmem:s0+$0x180];
	v2 =	vadd.f32 v49, v2;
	v49 =	vadd.f32 v35, v3  }
0x323: {  	v50 =	vmax.f32 v34, $0.0e+00;
	v3 =	vadd.f32 v52, v63;
	v1 =	vadd.f32 v37, v1;
	v37 =	vld [tilespmem:s0+$0x190]  }
0x324: {  	[tilespmem:s0+$0x110] =	vst v50;
	v2 =	vadd.f32 v38, v2;
	v38 =	vld [tilespmem:s0+$0x1A0];
	v52 =	vmax.f32 v49, $0.0e+00;
	v62 =	vadd.f32 v51, v62  }
0x325: {  	v35 =	vld [tilespmem:s0+$0x1B0];
	[tilespmem:s0+$0x140] =	vst v52;
	v0 =	vmax.f32 v0, $0.0e+00  }
0x326: {  	v48 =	vmax.f32 v1, $0.0e+00;
	[tilespmem:s0+$0x100] =	vst v0;
	v51 =	vadd.f32 v33, v62;
	v32 =	vadd.f32 v53, v32;
	v33 =	vld [tilespmem:s0+$0x1C0]  }
0x327: {  	v50 =	vmax.f32 v2, $0.0e+00;
	[tilespmem:s0+$0x120] =	vst v48;
	v53 =	vadd.f32 v31, v3;
	v3 =	vadd.f32 v54, v47;
	v31 =	vld [tilespmem:s0+$0x1D0]  }
0x328: {  	[tilespmem:s0+$0x130] =	vst v50;
	v63 =	vadd.f32 v55, v37;
	v37 =	vld [tilespmem:s0+$0x1E0];
	v54 =	vmax.f32 v51, $0.0e+00;
	v62 =	vadd.f32 v29, v32  }
0x329: {  	v49 =	vld [tilespmem:s0+$0x1F0];
	v47 =	vmax.f32 v53, $0.0e+00;
	v48 =	vadd.f32 v28, v3;
	v3 =	vadd.f32 v56, v38;
	[tilespmem:s0+$0x150] =	vst v54  }
0x32a: {  	v52 =	vadd.f32 v57, v35;
	v51 =	vadd.f32 v27, v63;
	v53 =	vld [tilespmem:s0+$0x200];
	[tilespmem:s0+$0x160] =	vst v47;
	v50 =	vmax.f32 v62, $0.0e+00  }
0x32b: {  	v56 =	vld [tilespmem:s0+$0x210];
	v54 =	vmax.f32 v48, $0.0e+00;
	v55 =	vadd.f32 v26, v3;
	[tilespmem:s0+$0x170] =	vst v50;
	v3 =	vadd.f32 v58, v33  }
0x32c: {  	v57 =	vmax.f32 v51, $0.0e+00;
	v62 =	vld [tilespmem:s0+$0x220];
	[tilespmem:s0+$0x180] =	vst v54;
	v58 =	vadd.f32 v25, v52;
	v59 =	vadd.f32 v59, v31  }
0x32d: {  	v32 =	vld [tilespmem:s0+$0x230];
	[tilespmem:s0+$0x190] =	vst v57;
	v63 =	vmax.f32 v55, $0.0e+00;
	v31 =	vadd.f32 v24, v3;
	v3 =	vadd.f32 v60, v37  }
0x32e: {  	v35 =	vld [tilespmem:s0+$0x240];
	[tilespmem:s0+$0x1A0] =	vst v63;
	v33 =	vmax.f32 v58, $0.0e+00;
	v34 =	vadd.f32 v23, v59;
	v23 =	vadd.f32 v61, v49  }
0x32f: {  	[tilespmem:s0+$0x1B0] =	vst v33;
	v37 =	vmax.f32 v31, $0.0e+00;
	v38 =	vadd.f32 v22, v3;
	v3 =	vadd.f32 v46, v53;
	v22 =	vld [tilespmem:s0+$0x250]  }
0x330: {  	v47 =	vmax.f32 v34, $0.0e+00;
	v48 =	vadd.f32 v21, v23;
	v21 =	vadd.f32 v45, v56;
	v23 =	vld [tilespmem:s0+$0x260];
	[tilespmem:s0+$0x1C0] =	vst v37  }
0x331: {  	[tilespmem:s0+$0x1D0] =	vst v47;
	v49 =	vmax.f32 v38, $0.0e+00;
	v50 =	vadd.f32 v20, v3;
	v3 =	vadd.f32 v44, v62;
	v20 =	vld [tilespmem:s0+$0x270]  }
0x332: {  	v56 =	vld [tilespmem:s0+$0x290];
	v51 =	vmax.f32 v48, $0.0e+00;
	v52 =	vadd.f32 v19, v21;
	v19 =	vadd.f32 v43, v32;
	[tilespmem:s0+$0x1E0] =	vst v49  }
0x333: {  	p1 =	sne.s32 s5, $0x1800;
	v53 =	vld [tilespmem:s0+$0x280];
	[tilespmem:s0+$0x1F0] =	vst v51;
	v54 =	vmax.f32 v50, $0.0e+00;
	v55 =	vadd.f32 v18, v3;
	v3 =	vadd.f32 v42, v35  }
.Ltmp4:
0x334: {  	v57 =	vmax.f32 v52, $0.0e+00;
	v58 =	vadd.f32 v17, v19;
	v18 =	vld [tilespmem:s0+$0x2A0];
	[tilespmem:s0+$0x200] =	vst v54;
	v19 =	vadd.f32 v41, v22;
	(pc) =	sbr.rel @p1 .LBB2_10-.Ltmp4, $4  }
0x335: {  	v17 =	vld [tilespmem:s0+$0x2B0];
	[tilespmem:s0+$0x210] =	vst v57;
	v59 =	vmax.f32 v55, $0.0e+00;
	v60 =	vadd.f32 v16, v3;
	v3 =	vadd.f32 v40, v23  }
0x336: {  	v61 =	vmax.f32 v58, $0.0e+00;
	v16 =	vld [tilespmem:s0+$0x2C0];
	[tilespmem:s0+$0x220] =	vst v59;
	v62 =	vadd.f32 v15, v19;
	v19 =	vadd.f32 v39, v20  }
0x337: {  	[tilespmem:s0+$0x230] =	vst v61;
	v15 =	vld [tilespmem:s0+$0x2D0];
	v20 =	vadd.f32 v30, v56;
	v63 =	vmax.f32 v60, $0.0e+00;
	v21 =	vadd.f32 v14, v3  }
0x338: {  	s5 =	sadd.s32 $0x800, s5;
	v14 =	vadd.f32 v36, v53;
	[tilespmem:s0+$0x240] =	vst v63;
	v23 =	vmax.f32 v62, $0.0e+00;
	v19 =	vadd.f32 v13, v19;
	v13 =	vld [tilespmem:s0+$0x2E0]  }
0x339: {  	v0 =	vmax.f32 v21, $0.0e+00  }
0x33a: {  	v2 =	vadd.f32 v12, v18;
	[tilespmem:s0+$0x260] =	vst v0;
	v0 =	vadd.f32 v6, v14  }
0x33b: {  	v5 =	vadd.f32 v5, v20  }
0x33c: {  	v1 =	vld [tilespmem:s0+$0x2F0];
	v2 =	vadd.f32 v4, v2;
	v0 =	vmax.f32 v0, $0.0e+00  }
0x33d: {  	v62 =	vld [tilespmem:$0x1FF30];
	[tilespmem:s0+$0x280] =	vst v0;
	v0 =	vmax.f32 v5, $0.0e+00  }
0x33e: {  	[tilespmem:s0+$0x290] =	vst v0;
	v0 =	vmax.f32 v2, $0.0e+00;
	v2 =	vld [tilespmem:$0x1FF40]  }
0x33f: {  	v63 =	vld [tilespmem:$0x1FF50]  }
0x340: {  	v60 =	vld [tilespmem:s0+$0x42E0];
	v3 =	vmax.f32 v19, $0.0e+00;
	v11 =	vadd.f32 v11, v17  }
0x341: {  	v61 =	vld [tilespmem:s0+$0x42F0];
	[tilespmem:s0+$0x270] =	vst v3;
	v3 =	vadd.f32 v10, v16  }
0x342: {  	v9 =	vadd.f32 v9, v15;
	v5 =	vadd.f32 v62, v11  }
0x343: {  	[tilespmem:s0+$0x250] =	vst v23;
	v2 =	vadd.f32 v2, v3;
	v3 =	vadd.f32 v8, v13  }
0x344: {  	v1 =	vadd.f32 v7, v1;
	[tilespmem:s0+$0x2A0] =	vst v0;
	v0 =	vmax.f32 v5, $0.0e+00;
	v5 =	vadd.f32 v63, v9  }
0x345: {  	[tilespmem:s0+$0x2B0] =	vst v0;
	v0 =	vmax.f32 v2, $0.0e+00;
	v2 =	vadd.f32 v60, v3  }
0x346: {  	v1 =	vadd.f32 v61, v1;
	[tilespmem:s0+$0x2C0] =	vst v0;
	v0 =	vmax.f32 v5, $0.0e+00  }
0x347: {  	[tilespmem:s0+$0x2D0] =	vst v0;
	v0 =	vmax.f32 v2, $0.0e+00  }
0x348: {  	[tilespmem:s0+$0x2E0] =	vst v0;
	v0 =	vmax.f32 v1, $0.0e+00  }
0x349: {  	s5 =	rddreg [dreg:$0xf];
	[tilespmem:s0+$0x2F0] =	vst v0  }
0x34a: {  	[hbm4b:s5+s3] =	stream.linear.scatter [tilespmem:s16], [sflag:$0xD], $0x800, $0x38;
	[tilespmem:$0x1FB80] =	vst v63  }
0x34b: {  	_ =	swait.ge [sflag:s13], $0x800  }
0x34c: {  	[sflag:s13] =	ssyncset.done $0x0  }
0x34d: {  	s11 =	simm.s32 $0xC280;
	[sflag:s13] =	ssyncadd.s32 $0xFFFFF800  }
0x34e: {  	[spmem:s2] =	stream.indirect.scatter.add.f32 [tilespmem:s16], [sflag:$0xD], $0x80, s11, s12, $0xb8;
	[tilespmem:$0x1FB80] =	vst v63  }
0x34f: {  	_ =	swait.ge [sflag:s13], $0x800  }
0x350: {  	[sflag:s13] =	ssyncset.done $0x0  }
0x351: {  	[sflag:s13] =	ssyncadd.s32 $0xFFFFF800  }
0x352: {  	s26 =	stileid.u32;
	[bflag:$0x0] =	sbarrier.arrive $0xFFFF  }
0x353: {  	s0 =	sshll.u32 s26, $0x6;
	s26 =	rddreg [dreg:$0x4]  }
0x354: {  	s0 =	sor.u32 $0x1C0D, s0;
	s11 =	rddreg [dreg:$0xd];
	s5 =	sshrl.u32 s26, $0x3  }
0x355: {  	[hbm:s11], [sflag:s0] =	dma.local [spmem:s5], $0x2700  }
0x356: {  	_ =	swait.ge [sflag:s13], $0x2700  }
0x357: {  	[sflag:s13] =	ssyncset.done $0x0;
	s12 =	rddreg [dreg:$0x18]  }
0x358: {  	s11 =	rddreg [dreg:$0x10];
	[sflag:s13] =	ssyncadd.s32 $0xFFFFD900;
	s5 =	sshrl.u32 @!p0 s12, $0x3  }
0x359: {  	[hbm:s11], [sflag:s0] =	dma.local @!p0 [spmem:s5], $0x100  }
0x35a: {  	s0 =	simm.s32 @!p0 $0xD  }
0x35b: {  	_ =	swait.ge @!p0 [sflag:s0], $0x100  }
0x35c: {  	s5 =	rddreg [dreg:$0x19]  }
0x35d: {  	s11 =	sadd.s32 $0x1, s5;
	s5 =	rddreg [dreg:$0x11]  }
0x35e: {  	p1 =	sne.s32 s11, s5  }
.Ltmp5:
0x35f: {  	_ = 	snop;
	(pc) =	sbr.rel @p1 .LBB2_1-.Ltmp5, $3  }
0x360: {  	_ =	sdelay $0x1  }
0x361: {  	[sflag:s0] =	ssyncset.done @!p0 $0x0  }
0x362: {  	v0 =	vimm.f32 $0.0e+00;
	[sflag:s0] =	ssyncadd.s32 @!p0 $0xFFFFFF00  }
0x363: {  	_ =	sfence.sel $0x180000  }
0x364: {  	[bflag:$0x0] =	sbarrier.arrive $0xFFFF  }
0x365: {  	_ =	strace $0x90000047  }
0x366: {  	s0 =	stileid.u32;
	[bflag:$0x2] =	sbarrier.arrive $0xFFFF  }
0x367: {  	p0 =	sne.s32 s0, $0x0;
	s0 =	rddreg [dreg:$0x3]  }
0x368: {  	s0 =	sadd.s32 @!p0 $0x100000, s0  }
0x369: {  	[sflag:s0] =	ssyncadd.tile.s32 @!p0 $0x1;
	_ =	shalt  }
.Lfunc_end2:
_tile_overlayer_lowered:
.L_overlay_start_2:
0x36a: {  	(tag) =	ssettag $0x2  }
0x36b: {  	s0 =	rddreg [dreg:$0x0];
	s2 =	stileid.u32  }
0x36c: {  	s1 =	rddreg [dreg:$0x1];
	p0 =	sne.s32 s2, $0x0  }
0x36d: {  	s3 =	rddreg [dreg:$0x2];
	[bflag:$0x3] =	sbarrier.arrive $0xFFFF;
	s2 =	simm.s32 @!p0 $0x1C0D  }
0x36e: {  	[timem:s3], [sflag:s2] =	dma.local @!p0 [hbm:s0], s1  }
0x36f: {  	s0 =	simm.s32 @!p0 $0xD  }
0x370: {  	_ =	swait.ge @!p0 [sflag:s0], s1  }
0x371: {  	s1 =	ssub.s32 @!p0 $0x0, s1;
	[sflag:s0] =	ssyncset.done @!p0 $0x0  }
0x372: {  	[sflag:s0] =	ssyncadd.s32 @!p0 s1  }
0x373: {  	[bflag:$0x3] =	sbarrier.arrive $0xFFFF  }
0x374: {  	_ =	shalt  }

</sc_bundles>
